<compile_context>
chip_gen: v7x
topology: tpu7x:2x2x1
jax: 0.10.2.dev20260603
libtpu: 0.0.44.dev20260713+nightly
codegen_flags: <defaults>
</compile_context>

<pallas_src>
import functools

import jax
import jax.numpy as jnp
from jax import lax
from jax.experimental import pallas as pl
from jax.experimental.pallas import tpu as pltpu
from jax.experimental.pallas import tpu_sc as plsc

NUM_PATCHES = 8192
NUM_SELECTED = 1024
BATCH = 8

N_BLK = 256



def _matmul_body(x_ref, w_ref, b_ref, o_ref, s_ref):
    i = pl.program_id(0)
    s = lax.dot_general(
        x_ref[...], w_ref[...],
        dimension_numbers=(((1,), (1,)), ((), ())),
        preferred_element_type=jnp.float32,
    )
    s_ref[:, pl.ds(i * N_BLK, N_BLK)] = s + b_ref[...]

    @pl.when(i == NUM_PATCHES // N_BLK - 1)
    def _():
        scores = s_ref[...]
        m = jnp.max(scores, axis=1, keepdims=True)
        e = jnp.exp(scores - m)
        o_ref[...] = e / jnp.sum(e, axis=1, keepdims=True)


def _weights(x, W, b2d):
    grid = (NUM_PATCHES // N_BLK,)
    return pl.pallas_call(
        _matmul_body,
        grid=grid,
        in_specs=[
            pl.BlockSpec((BATCH, NUM_PATCHES), lambda i: (0, 0)),
            pl.BlockSpec((N_BLK, NUM_PATCHES), lambda i: (i, 0)),
            pl.BlockSpec((1, N_BLK), lambda i: (0, i)),
        ],
        out_specs=pl.BlockSpec((BATCH, NUM_PATCHES), lambda i: (0, 0)),
        out_shape=jax.ShapeDtypeStruct((BATCH, NUM_PATCHES), jnp.float32),
        scratch_shapes=[pltpu.VMEM((BATCH, NUM_PATCHES), jnp.float32)],
    )(x, W, b2d)



L = 16
NC = 2
PAD = 16
SPAN1, SPAN2, SPAN3 = 2048, 1024, 1024
NVREGS = NUM_PATCHES // L


def _select_body(w_hbm, x_hbm, selw_hbm, selx_hbm,
                 w_row, x_row, hist, cand_k, cand_x, cand2_k, cand2_x,
                 sel_w, sel_x):
    row = lax.axis_index("s") * NC + lax.axis_index("c")

    @pl.when(row < BATCH)
    def _():
        pltpu.sync_copy(w_hbm.at[row], w_row)
        pltpu.sync_copy(x_hbm.at[row], x_row)

        lanes = lax.iota(jnp.int32, L)
        zeros = jnp.zeros((L,), jnp.int32)

        def zero_hist(span):
            @plsc.parallel_loop(0, span // (8 * L), unroll=4)
            def _(i):
                base = i * 128
                for j in range(8):
                    hist[pl.ds(base + j * L, L)] = zeros

        def scalar(v):
            return v[0]

        def find_bucket(span, target):
            nv = span // L
            def sbody(j, carry):
                running, bkt, cnt = carry
                base = (nv - 1 - j) * L
                h = hist[pl.ds(base, L)]
                cs = plsc.cumsum(h)
                total = cs[L - 1]
                s_excl = (running + total) - cs
                mask = (s_excl < target) & ((s_excl + h) >= target)
                ids = base + lanes
                bkt = bkt + jnp.sum(jnp.where(mask, ids, 0))
                cnt = cnt + jnp.sum(jnp.where(mask, s_excl, 0))
                return (running + total, bkt, cnt)
            _, bkt, cnt = lax.fori_loop(0, nv, sbody, (0, 0, 0))
            return bkt, cnt

        def histo(buf, nvec, nelem, digit_fn):
            @plsc.parallel_loop(0, nvec, unroll=4)
            def _(i):
                kv = buf[pl.ds(i * L, L)]
                d = digit_fn(kv)
                tail = (i * L + lanes) < nelem
                cnts, last = plsc.scan_count(d, mask=tail)
                plsc.addupdate_scatter(hist, [d], cnts, mask=last)

        def d1_of(kv):
            return lax.shift_right_logical(kv, 20)

        def d2_of(kv):
            return lax.shift_right_logical(kv, 10) & 0x3FF

        def d3_of(kv):
            return kv & 0x3FF

        zero_hist(SPAN1)

        @plsc.parallel_loop(0, NVREGS, unroll=4)
        def _(i):
            kv = lax.bitcast_convert_type(w_row[pl.ds(i * L, L)], jnp.int32)
            d1 = d1_of(kv)
            cnts, last = plsc.scan_count(d1)
            plsc.addupdate_scatter(hist, [d1], cnts, mask=last)
        b1, c1 = find_bucket(SPAN1, NUM_SELECTED)
        m1 = NUM_SELECTED - c1

        @plsc.parallel_loop(0, NVREGS, unroll=4, carry=(jnp.int32(0), jnp.int32(0)))
        def cstate(i, carry):
            cur_s, cur_c = carry
            wv = w_row[pl.ds(i * L, L)]
            xv = x_row[pl.ds(i * L, L)]
            kv = lax.bitcast_convert_type(wv, jnp.int32)
            d1 = d1_of(kv)
            msel = d1 > b1
            mc = d1 == b1
            plsc.store_compressed(sel_w.at[pl.ds(cur_s, L)], wv, mask=msel)
            plsc.store_compressed(sel_x.at[pl.ds(cur_s, L)], xv, mask=msel)
            plsc.store_compressed(cand_k.at[pl.ds(cur_c, L)], kv, mask=mc)
            plsc.store_compressed(cand_x.at[pl.ds(cur_c, L)], xv, mask=mc)
            ns = scalar(plsc.all_reduce_population_count(msel))
            nc_ = scalar(plsc.all_reduce_population_count(mc))
            return (cur_s + ns, cur_c + nc_)
        cur_s, nc = cstate

        zero_hist(SPAN2)
        nvc = (nc + L - 1) // L
        histo(cand_k, nvc, nc, d2_of)
        b2, c2 = find_bucket(SPAN2, m1)
        m2 = m1 - c2

        def c2body(i, carry):
            cur_s, cur_c = carry
            kv = cand_k[pl.ds(i * L, L)]
            xv = cand_x[pl.ds(i * L, L)]
            d2 = d2_of(kv)
            tail = (i * L + lanes) < nc
            msel = (d2 > b2) & tail
            mc = (d2 == b2) & tail
            wv = lax.bitcast_convert_type(kv, jnp.float32)
            plsc.store_compressed(sel_w.at[pl.ds(cur_s, L)], wv, mask=msel)
            plsc.store_compressed(sel_x.at[pl.ds(cur_s, L)], xv, mask=msel)
            plsc.store_compressed(cand2_k.at[pl.ds(cur_c, L)], kv, mask=mc)
            plsc.store_compressed(cand2_x.at[pl.ds(cur_c, L)], xv, mask=mc)
            ns = scalar(plsc.all_reduce_population_count(msel))
            nc_ = scalar(plsc.all_reduce_population_count(mc))
            return (cur_s + ns, cur_c + nc_)
        cur_s, nc2 = lax.fori_loop(0, nvc, c2body, (cur_s, 0))

        zero_hist(SPAN3)
        nvc2 = (nc2 + L - 1) // L
        histo(cand2_k, nvc2, nc2, d3_of)
        b3, c3 = find_bucket(SPAN3, m2)
        m3 = m2 - c3

        def c3body(i, carry):
            cur_s, neq = carry
            kv = cand2_k[pl.ds(i * L, L)]
            xv = cand2_x[pl.ds(i * L, L)]
            d3 = d3_of(kv)
            tail = (i * L + lanes) < nc2
            meq = (d3 == b3) & tail
            cum_eq = plsc.cumsum(meq.astype(jnp.int32))
            take_eq = meq & ((neq + cum_eq) <= m3)
            msel = ((d3 > b3) & tail) | take_eq
            wv = lax.bitcast_convert_type(kv, jnp.float32)
            plsc.store_compressed(sel_w.at[pl.ds(cur_s, L)], wv, mask=msel)
            plsc.store_compressed(sel_x.at[pl.ds(cur_s, L)], xv, mask=msel)
            ns = scalar(plsc.all_reduce_population_count(msel))
            return (cur_s + ns, neq + cum_eq[L - 1])
        cur_s, _ = lax.fori_loop(0, nvc2, c3body, (cur_s, 0))

        pltpu.sync_copy(sel_w.at[pl.ds(0, NUM_SELECTED)], selw_hbm.at[row])
        pltpu.sync_copy(sel_x.at[pl.ds(0, NUM_SELECTED)], selx_hbm.at[row])


@functools.cache
def _make_select():
    return functools.partial(
        pl.kernel,
        out_type=[
            jax.ShapeDtypeStruct((BATCH, NUM_SELECTED), jnp.float32),
            jax.ShapeDtypeStruct((BATCH, NUM_SELECTED), jnp.float32),
        ],
        mesh=plsc.VectorSubcoreMesh(core_axis_name="c", subcore_axis_name="s",
                                    num_cores=NC, num_subcores=16),
        compiler_params=pltpu.CompilerParams(needs_layout_passes=False),
        scratch_types=[
            pltpu.VMEM((NUM_PATCHES,), jnp.float32),
            pltpu.VMEM((NUM_PATCHES,), jnp.float32),
            pltpu.VMEM((L * SPAN2,), jnp.int32),
            pltpu.VMEM((NUM_PATCHES + L,), jnp.int32),
            pltpu.VMEM((NUM_PATCHES + L,), jnp.float32),
            pltpu.VMEM((NUM_PATCHES + L,), jnp.int32),
            pltpu.VMEM((NUM_PATCHES + L,), jnp.float32),
            pltpu.VMEM((NUM_SELECTED + PAD,), jnp.float32),
            pltpu.VMEM((NUM_SELECTED + PAD,), jnp.float32),
        ],
    )(_select_body)




def _bitonic_body(w_ref, x_ref, o_ref):
    w = w_ref[...]
    x = x_ref[...]
    lane = lax.broadcasted_iota(jnp.int32, (BATCH, NUM_SELECTED), 1)
    pos = lane
    n = NUM_SELECTED
    k = 2
    while k <= n:
        j = k // 2
        while j >= 1:
            bit_set = (lane & j) != 0
            pw = jnp.where(bit_set, jnp.roll(w, j, axis=1),
                           jnp.roll(w, -j, axis=1))
            px = jnp.where(bit_set, jnp.roll(x, j, axis=1),
                           jnp.roll(x, -j, axis=1))
            pp = jnp.where(bit_set, jnp.roll(pos, j, axis=1),
                           jnp.roll(pos, -j, axis=1))
            great = (pw > w) | ((pw == w) & (pp < pos))
            desc = (lane & k) == 0
            keep_max = jnp.logical_not(bit_set) == desc
            take = keep_max == great
            w = jnp.where(take, pw, w)
            x = jnp.where(take, px, x)
            pos = jnp.where(take, pp, pos)
            j //= 2
        k *= 2
    o_ref[...] = x


def _order(sel_w, sel_x):
    return pl.pallas_call(
        _bitonic_body,
        out_shape=jax.ShapeDtypeStruct((BATCH, NUM_SELECTED), jnp.float32),
    )(sel_w, sel_x)




def kernel(x, W, b):
    weights = _weights(x, W, b.reshape(1, NUM_PATCHES))
    sel_w, sel_x = _make_select()(weights, x)
    return _order(sel_w, sel_x)

# --- scband reference (transcript-rebuilt; emitter-appended) ---
"""Pipeline reference for scband-part-selection-module-85177791414717 (READ-ONLY COPY).

The authoritative reference and input builder live on the scoring server;
editing this copy changes nothing except your own understanding.
"""

import jax, jax.numpy as jnp
import numpy as np

NUM_PATCHES = 8192
NUM_SELECTED = 1024
BATCH = 8

def setup_inputs(seed: int = 0) -> dict:
    key = jax.random.key(seed)
    k1, k2, k3 = jax.random.split(key, 3)
    x = jax.random.normal(k1, (BATCH, NUM_PATCHES), dtype=jnp.float32)
    # nn.Linear(num_patches, num_patches): weight [out, in], bias [out]
    bound = 1.0 / np.sqrt(NUM_PATCHES)
    W = jax.random.uniform(k2, (NUM_PATCHES, NUM_PATCHES), dtype=jnp.float32, minval=-bound, maxval=bound)
    b = jax.random.uniform(k3, (NUM_PATCHES,), dtype=jnp.float32, minval=-bound, maxval=bound)
    return {"x": x, "W": W, "b": b}

def reference(x, W, b):
    # attention_scores = Linear(x)
    attention_scores = x @ W.T + b
    # softmax over last dim
    attention_weights = jax.nn.softmax(attention_scores, axis=-1)
    # top-k indices per row
    _, top_k_indices = jax.lax.top_k(attention_weights, NUM_SELECTED)
    # gather selected patch values: x[i, top_k_indices[i]] for each row i
    selected_patches = jnp.take_along_axis(x, top_k_indices, axis=-1)
    return selected_patches

if __name__ == "__main__":
    import jax
    _d = setup_inputs()
    print(jax.jit(kernel)(*tuple(_d.values())))

</pallas_src>

<mosaic_0001>
#map = affine_map<(d0, d1) -> (0, 0)>
module attributes {stable_mosaic.version = 14 : i64} {
  func.func @_select_body(%arg0: i32, %arg1: i32, %arg2: memref<8x8192xf32, #tpu.memory_space<hbm>>, %arg3: memref<8x8192xf32, #tpu.memory_space<hbm>>, %arg4: memref<8x1024xf32, #tpu.memory_space<hbm>>, %arg5: memref<8x1024xf32, #tpu.memory_space<hbm>>, %arg6: memref<8192xf32, #tpu.memory_space<vmem>>, %arg7: memref<8192xf32, #tpu.memory_space<vmem>>, %arg8: memref<16384xi32, #tpu.memory_space<vmem>>, %arg9: memref<8208xi32, #tpu.memory_space<vmem>>, %arg10: memref<8208xf32, #tpu.memory_space<vmem>>, %arg11: memref<8208xi32, #tpu.memory_space<vmem>>, %arg12: memref<8208xf32, #tpu.memory_space<vmem>>, %arg13: memref<1040xf32, #tpu.memory_space<vmem>>, %arg14: memref<1040xf32, #tpu.memory_space<vmem>>) attributes {dimension_semantics = [#tpu.dimension_semantics<core_parallel>, #tpu.dimension_semantics<subcore_parallel>], iteration_bounds = array<i64: 2, 16>, scalar_prefetch = 0 : i64, scratch_operands = 9 : i64, tpu.core_type = #tpu.core_type<sc_vector_subcore>, window_params = [{transform_indices = #map}, {transform_indices = #map}, {transform_indices = #map}, {transform_indices = #map}]} {
    %mul3A = arith.constant 2 : i32
    %mul3A_0 = arith.muli %arg1, %mul3A : i32
    %add3A = arith.addi %mul3A_0, %arg0 : i32
    %lt3A = arith.constant 8 : i32
    %lt3A_1 = arith.cmpi slt, %add3A, %lt3A : i32
    %convert_element_type3A = arith.extui %lt3A_1 : i1 to i32
    %cond3A = arith.constant 0 : i32
    %cond3A_2 = arith.cmpi ne, %convert_element_type3A, %cond3A : i32
    scf.if %cond3A_2 {
      "tpu.region"() ({
        %run_scoped3A = tpu.sem_alloc : memref<!tpu.dma_semaphore, #tpu.memory_space<semaphore_mem>>
        %dma_start3A = arith.constant 0 : i32
        %dma_start3A_126 = tpu.memref_slice %arg2[%add3A, %dma_start3A] : memref<8x8192xf32, #tpu.memory_space<hbm>> -> memref<1x8192xf32, #tpu.memory_space<hbm>>
        %dma_start3A_127 = tpu.memref_squeeze %dma_start3A_126 : memref<1x8192xf32, #tpu.memory_space<hbm>> -> memref<8192xf32, #tpu.memory_space<hbm>>
        %dma_start3A_128 = arith.constant 0 : i32
        %dma_start3A_129 = tpu.memref_slice %arg2[%add3A, %dma_start3A_128] : memref<8x8192xf32, #tpu.memory_space<hbm>> -> memref<1x8192xf32, #tpu.memory_space<hbm>>
        %dma_start3A_130 = tpu.memref_squeeze %dma_start3A_129 : memref<1x8192xf32, #tpu.memory_space<hbm>> -> memref<8192xf32, #tpu.memory_space<hbm>>
        tpu.enqueue_dma source(%dma_start3A_130 : memref<8192xf32, #tpu.memory_space<hbm>>) target(%arg6 : memref<8192xf32, #tpu.memory_space<vmem>>) target_semaphore(%run_scoped3A : memref<!tpu.dma_semaphore, #tpu.memory_space<semaphore_mem>>)
        %dma_wait3A = arith.constant 0 : i32
        %dma_wait3A_131 = tpu.memref_slice %arg2[%add3A, %dma_wait3A] : memref<8x8192xf32, #tpu.memory_space<hbm>> -> memref<1x8192xf32, #tpu.memory_space<hbm>>
        %dma_wait3A_132 = tpu.memref_squeeze %dma_wait3A_131 : memref<1x8192xf32, #tpu.memory_space<hbm>> -> memref<8192xf32, #tpu.memory_space<hbm>>
        %dma_wait3A_133 = arith.constant 0 : i32
        %dma_wait3A_134 = tpu.memref_slice %arg2[%add3A, %dma_wait3A_133] : memref<8x8192xf32, #tpu.memory_space<hbm>> -> memref<1x8192xf32, #tpu.memory_space<hbm>>
        %dma_wait3A_135 = tpu.memref_squeeze %dma_wait3A_134 : memref<1x8192xf32, #tpu.memory_space<hbm>> -> memref<8192xf32, #tpu.memory_space<hbm>>
        tpu.wait_dma2 semaphore(%run_scoped3A : memref<!tpu.dma_semaphore, #tpu.memory_space<semaphore_mem>>) src(%dma_wait3A_135 : memref<8192xf32, #tpu.memory_space<hbm>>) dst(%arg6 : memref<8192xf32, #tpu.memory_space<vmem>>)
        tpu.yield
      }) : () -> ()
      "tpu.region"() ({
        %run_scoped3A = tpu.sem_alloc : memref<!tpu.dma_semaphore, #tpu.memory_space<semaphore_mem>>
        %dma_start3A = arith.constant 0 : i32
        %dma_start3A_126 = tpu.memref_slice %arg3[%add3A, %dma_start3A] : memref<8x8192xf32, #tpu.memory_space<hbm>> -> memref<1x8192xf32, #tpu.memory_space<hbm>>
        %dma_start3A_127 = tpu.memref_squeeze %dma_start3A_126 : memref<1x8192xf32, #tpu.memory_space<hbm>> -> memref<8192xf32, #tpu.memory_space<hbm>>
        %dma_start3A_128 = arith.constant 0 : i32
        %dma_start3A_129 = tpu.memref_slice %arg3[%add3A, %dma_start3A_128] : memref<8x8192xf32, #tpu.memory_space<hbm>> -> memref<1x8192xf32, #tpu.memory_space<hbm>>
        %dma_start3A_130 = tpu.memref_squeeze %dma_start3A_129 : memref<1x8192xf32, #tpu.memory_space<hbm>> -> memref<8192xf32, #tpu.memory_space<hbm>>
        tpu.enqueue_dma source(%dma_start3A_130 : memref<8192xf32, #tpu.memory_space<hbm>>) target(%arg7 : memref<8192xf32, #tpu.memory_space<vmem>>) target_semaphore(%run_scoped3A : memref<!tpu.dma_semaphore, #tpu.memory_space<semaphore_mem>>)
        %dma_wait3A = arith.constant 0 : i32
        %dma_wait3A_131 = tpu.memref_slice %arg3[%add3A, %dma_wait3A] : memref<8x8192xf32, #tpu.memory_space<hbm>> -> memref<1x8192xf32, #tpu.memory_space<hbm>>
        %dma_wait3A_132 = tpu.memref_squeeze %dma_wait3A_131 : memref<1x8192xf32, #tpu.memory_space<hbm>> -> memref<8192xf32, #tpu.memory_space<hbm>>
        %dma_wait3A_133 = arith.constant 0 : i32
        %dma_wait3A_134 = tpu.memref_slice %arg3[%add3A, %dma_wait3A_133] : memref<8x8192xf32, #tpu.memory_space<hbm>> -> memref<1x8192xf32, #tpu.memory_space<hbm>>
        %dma_wait3A_135 = tpu.memref_squeeze %dma_wait3A_134 : memref<1x8192xf32, #tpu.memory_space<hbm>> -> memref<8192xf32, #tpu.memory_space<hbm>>
        tpu.wait_dma2 semaphore(%run_scoped3A : memref<!tpu.dma_semaphore, #tpu.memory_space<semaphore_mem>>) src(%dma_wait3A_135 : memref<8192xf32, #tpu.memory_space<hbm>>) dst(%arg7 : memref<8192xf32, #tpu.memory_space<vmem>>)
        tpu.yield
      }) : () -> ()
      %iota3A = tpu.iota {dimensions = array<i32: 0>} : vector<16xi32>
      %broadcast_in_dim3A = arith.constant 0 : i32
      %broadcast_in_dim3A_3 = vector.broadcast %broadcast_in_dim3A : i32 to vector<16xi32>
      %parallel_loop3A = arith.constant 0 : i32
      %parallel_loop3A_4 = arith.constant 16 : i32
      %parallel_loop3A_5 = arith.constant 1 : i32
      scf.for %parallel_loop3A_126 = %parallel_loop3A to %parallel_loop3A_4 step %parallel_loop3A_5  : i32 {
        %parallel_loop3A_127 = arith.constant 128 : i32
        %parallel_loop3A_128 = arith.muli %parallel_loop3A_126, %parallel_loop3A_127 : i32
        %parallel_loop3A_129 = arith.constant 0 : i32
        %parallel_loop3A_130 = arith.addi %parallel_loop3A_128, %parallel_loop3A_129 : i32
        %parallel_loop3A_131 = arith.index_cast %parallel_loop3A_130 : i32 to index
        %parallel_loop3A_132 = tpu.vector_load %arg8[%parallel_loop3A_131] {strides = array<i32>} : memref<16384xi32, #tpu.memory_space<vmem>>, vector<16xi32>,
        tpu.vector_store %arg8[%parallel_loop3A_131], %broadcast_in_dim3A_3 {strides = array<i32>} : memref<16384xi32, #tpu.memory_space<vmem>>, vector<16xi32>,
        %parallel_loop3A_133 = arith.constant 16 : i32
        %parallel_loop3A_134 = arith.addi %parallel_loop3A_128, %parallel_loop3A_133 : i32
        %parallel_loop3A_135 = arith.index_cast %parallel_loop3A_134 : i32 to index
        %parallel_loop3A_136 = tpu.vector_load %arg8[%parallel_loop3A_135] {strides = array<i32>} : memref<16384xi32, #tpu.memory_space<vmem>>, vector<16xi32>,
        tpu.vector_store %arg8[%parallel_loop3A_135], %broadcast_in_dim3A_3 {strides = array<i32>} : memref<16384xi32, #tpu.memory_space<vmem>>, vector<16xi32>,
        %parallel_loop3A_137 = arith.constant 32 : i32
        %parallel_loop3A_138 = arith.addi %parallel_loop3A_128, %parallel_loop3A_137 : i32
        %parallel_loop3A_139 = arith.index_cast %parallel_loop3A_138 : i32 to index
        %parallel_loop3A_140 = tpu.vector_load %arg8[%parallel_loop3A_139] {strides = array<i32>} : memref<16384xi32, #tpu.memory_space<vmem>>, vector<16xi32>,
        tpu.vector_store %arg8[%parallel_loop3A_139], %broadcast_in_dim3A_3 {strides = array<i32>} : memref<16384xi32, #tpu.memory_space<vmem>>, vector<16xi32>,
        %parallel_loop3A_141 = arith.constant 48 : i32
        %parallel_loop3A_142 = arith.addi %parallel_loop3A_128, %parallel_loop3A_141 : i32
        %parallel_loop3A_143 = arith.index_cast %parallel_loop3A_142 : i32 to index
        %parallel_loop3A_144 = tpu.vector_load %arg8[%parallel_loop3A_143] {strides = array<i32>} : memref<16384xi32, #tpu.memory_space<vmem>>, vector<16xi32>,
        tpu.vector_store %arg8[%parallel_loop3A_143], %broadcast_in_dim3A_3 {strides = array<i32>} : memref<16384xi32, #tpu.memory_space<vmem>>, vector<16xi32>,
        %parallel_loop3A_145 = arith.constant 64 : i32
        %parallel_loop3A_146 = arith.addi %parallel_loop3A_128, %parallel_loop3A_145 : i32
        %parallel_loop3A_147 = arith.index_cast %parallel_loop3A_146 : i32 to index
        %parallel_loop3A_148 = tpu.vector_load %arg8[%parallel_loop3A_147] {strides = array<i32>} : memref<16384xi32, #tpu.memory_space<vmem>>, vector<16xi32>,
        tpu.vector_store %arg8[%parallel_loop3A_147], %broadcast_in_dim3A_3 {strides = array<i32>} : memref<16384xi32, #tpu.memory_space<vmem>>, vector<16xi32>,
        %parallel_loop3A_149 = arith.constant 80 : i32
        %parallel_loop3A_150 = arith.addi %parallel_loop3A_128, %parallel_loop3A_149 : i32
        %parallel_loop3A_151 = arith.index_cast %parallel_loop3A_150 : i32 to index
        %parallel_loop3A_152 = tpu.vector_load %arg8[%parallel_loop3A_151] {strides = array<i32>} : memref<16384xi32, #tpu.memory_space<vmem>>, vector<16xi32>,
        tpu.vector_store %arg8[%parallel_loop3A_151], %broadcast_in_dim3A_3 {strides = array<i32>} : memref<16384xi32, #tpu.memory_space<vmem>>, vector<16xi32>,
        %parallel_loop3A_153 = arith.constant 96 : i32
        %parallel_loop3A_154 = arith.addi %parallel_loop3A_128, %parallel_loop3A_153 : i32
        %parallel_loop3A_155 = arith.index_cast %parallel_loop3A_154 : i32 to index
        %parallel_loop3A_156 = tpu.vector_load %arg8[%parallel_loop3A_155] {strides = array<i32>} : memref<16384xi32, #tpu.memory_space<vmem>>, vector<16xi32>,
        tpu.vector_store %arg8[%parallel_loop3A_155], %broadcast_in_dim3A_3 {strides = array<i32>} : memref<16384xi32, #tpu.memory_space<vmem>>, vector<16xi32>,
        %parallel_loop3A_157 = arith.constant 112 : i32
        %parallel_loop3A_158 = arith.addi %parallel_loop3A_128, %parallel_loop3A_157 : i32
        %parallel_loop3A_159 = arith.index_cast %parallel_loop3A_158 : i32 to index
        %parallel_loop3A_160 = tpu.vector_load %arg8[%parallel_loop3A_159] {strides = array<i32>} : memref<16384xi32, #tpu.memory_space<vmem>>, vector<16xi32>,
        tpu.vector_store %arg8[%parallel_loop3A_159], %broadcast_in_dim3A_3 {strides = array<i32>} : memref<16384xi32, #tpu.memory_space<vmem>>, vector<16xi32>,
      } {sc.loop_unroll_factor = 4 : i64, sc.parallel_access}
      %parallel_loop3A_6 = arith.constant 0 : i32
      %parallel_loop3A_7 = arith.constant 512 : i32
      %parallel_loop3A_8 = arith.constant 1 : i32
      scf.for %parallel_loop3A_126 = %parallel_loop3A_6 to %parallel_loop3A_7 step %parallel_loop3A_8  : i32 {
        %parallel_loop3A_127 = arith.constant 16 : i32
        %parallel_loop3A_128 = arith.muli %parallel_loop3A_126, %parallel_loop3A_127 : i32
        %parallel_loop3A_129 = arith.index_cast %parallel_loop3A_128 : i32 to index
        %parallel_loop3A_130 = tpu.vector_load %arg6[%parallel_loop3A_129] {strides = array<i32>} : memref<8192xf32, #tpu.memory_space<vmem>>, vector<16xf32>,
        %parallel_loop3A_131 = tpu.bitcast %parallel_loop3A_130 : vector<16xf32> -> vector<16xi32>
        %parallel_loop3A_132 = arith.constant 20 : i32
        %parallel_loop3A_133 = vector.broadcast %parallel_loop3A_132 : i32 to vector<16xi32>
        %parallel_loop3A_134 = arith.shrui %parallel_loop3A_131, %parallel_loop3A_133 : vector<16xi32>
        %parallel_loop3A_135 = arith.constant true
        %parallel_loop3A_136 = vector.broadcast %parallel_loop3A_135 : i1 to vector<16xi1>
        %parallel_loop3A_137, %parallel_loop3A_138 = tpu.scan_count mask(%parallel_loop3A_136 : vector<16xi1>) value(%parallel_loop3A_134 : vector<16xi32>) : vector<16xi1>, vector<16xi32>
        tpu.vector_store_idx %arg8[%parallel_loop3A_134], %parallel_loop3A_138 masked %parallel_loop3A_137 {add = true} : memref<16384xi32, #tpu.memory_space<vmem>>[vector<16xi32>], vector<16xi32>, vector<16xi1>
      } {sc.loop_unroll_factor = 4 : i64, sc.parallel_access}
      %scan3A = arith.constant 0 : i32
      %scan3A_9 = arith.constant 0 : i32
      %scan3A_10 = arith.constant 0 : i32
      %scan3A_11 = arith.constant 0 : i32
      %scan3A_12 = arith.constant 128 : i32
      %scan3A_13 = arith.addi %scan3A_11, %scan3A_12 : i32
      %scan3A_14 = arith.constant 1 : i32
      %scan3A_15:3 = scf.for %scan3A_126 = %scan3A_11 to %scan3A_13 step %scan3A_14 iter_args(%scan3A_127 = %scan3A, %scan3A_128 = %scan3A_9, %scan3A_129 = %scan3A_10) -> (i32, i32, i32)  : i32 {
        %sub3A_130 = arith.constant 127 : i32
        %sub3A_131 = arith.subi %sub3A_130, %scan3A_126 : i32
        %mul3A_132 = arith.constant 16 : i32
        %mul3A_133 = arith.muli %sub3A_131, %mul3A_132 : i32
        %get3A = arith.index_cast %mul3A_133 : i32 to index
        %get3A_134 = tpu.vector_load %arg8[%get3A] {strides = array<i32>} : memref<16384xi32, #tpu.memory_space<vmem>>, vector<16xi32>,
        %broadcast_in_dim3A_135 = arith.constant true
        %broadcast_in_dim3A_136 = vector.broadcast %broadcast_in_dim3A_135 : i1 to vector<16xi1>
        %masked_cumsum3A = tpu.scan <sum>, %get3A_134 masked %broadcast_in_dim3A_136 : vector<16xi32>, vector<16xi1> -> vector<16xi32>
        %slice3A = vector.extract_strided_slice %masked_cumsum3A {offsets = [15], sizes = [1], strides = [1]} : vector<16xi32> to vector<1xi32>
        %squeeze3A = vector.extract %slice3A[0] : i32 from vector<1xi32>
        %add3A_137 = arith.addi %scan3A_127, %squeeze3A : i32
        %sub3A_138 = vector.broadcast %add3A_137 : i32 to vector<16xi32>
        %sub3A_139 = arith.subi %sub3A_138, %masked_cumsum3A : vector<16xi32>
        %lt3A_140 = arith.constant 1024 : i32
        %lt3A_141 = vector.broadcast %lt3A_140 : i32 to vector<16xi32>
        %lt3A_142 = arith.cmpi slt, %sub3A_139, %lt3A_141 : vector<16xi32>
        %add3A_143 = arith.addi %sub3A_139, %get3A_134 : vector<16xi32>
        %ge3A = arith.constant 1024 : i32
        %ge3A_144 = vector.broadcast %ge3A : i32 to vector<16xi32>
        %ge3A_145 = arith.cmpi sge, %add3A_143, %ge3A_144 : vector<16xi32>
        %and3A_146 = arith.andi %lt3A_142, %ge3A_145 : vector<16xi1>
        %add3A_147 = vector.broadcast %mul3A_133 : i32 to vector<16xi32>
        %add3A_148 = arith.addi %add3A_147, %iota3A : vector<16xi32>
        %jit3A_149 = arith.constant 0 : i32
        %broadcast_in_dim3A_150 = vector.broadcast %jit3A_149 : i32 to vector<16xi32>
        %select_n3A_151 = arith.select %and3A_146, %add3A_148, %broadcast_in_dim3A_150 : vector<16xi1>, vector<16xi32>
        %reduce_sum3A = arith.constant true
        %reduce_sum3A_152 = vector.broadcast %reduce_sum3A : i1 to vector<16xi1>
        %reduce_sum3A_153 = tpu.scan <sum>, %select_n3A_151 masked %reduce_sum3A_152 : vector<16xi32>, vector<16xi1> -> vector<16xi32>
        %reduce_sum3A_154 = vector.extract %reduce_sum3A_153[15] : i32 from vector<16xi32>
        %add3A_155 = arith.addi %scan3A_128, %reduce_sum3A_154 : i32
        %jit3A_156 = arith.constant 0 : i32
        %broadcast_in_dim3A_157 = vector.broadcast %jit3A_156 : i32 to vector<16xi32>
        %select_n3A_158 = arith.select %and3A_146, %sub3A_139, %broadcast_in_dim3A_157 : vector<16xi1>, vector<16xi32>
        %reduce_sum3A_159 = arith.constant true
        %reduce_sum3A_160 = vector.broadcast %reduce_sum3A_159 : i1 to vector<16xi1>
        %reduce_sum3A_161 = tpu.scan <sum>, %select_n3A_158 masked %reduce_sum3A_160 : vector<16xi32>, vector<16xi1> -> vector<16xi32>
        %reduce_sum3A_162 = vector.extract %reduce_sum3A_161[15] : i32 from vector<16xi32>
        %add3A_163 = arith.addi %scan3A_129, %reduce_sum3A_162 : i32
        %add3A_164 = arith.addi %scan3A_127, %squeeze3A : i32
        scf.yield %add3A_164, %add3A_155, %add3A_163 : i32, i32, i32
      }
      %scan3A_16 = arith.constant 128 : i32
      %sub3A = arith.constant 1024 : i32
      %sub3A_17 = arith.subi %sub3A, %scan3A_15#2 : i32
      %parallel_loop3A_18 = arith.constant 0 : i32
      %parallel_loop3A_19 = arith.constant 512 : i32
      %parallel_loop3A_20 = arith.constant 1 : i32
      %parallel_loop3A_21 = arith.constant 0 : i32
      %parallel_loop3A_22 = arith.constant 0 : i32
      %parallel_loop3A_23:2 = scf.for %parallel_loop3A_126 = %parallel_loop3A_18 to %parallel_loop3A_19 step %parallel_loop3A_20 iter_args(%parallel_loop3A_127 = %parallel_loop3A_21, %parallel_loop3A_128 = %parallel_loop3A_22) -> (i32, i32)  : i32 {
        %parallel_loop3A_129 = arith.constant 16 : i32
        %parallel_loop3A_130 = arith.muli %parallel_loop3A_126, %parallel_loop3A_129 : i32
        %parallel_loop3A_131 = arith.index_cast %parallel_loop3A_130 : i32 to index
        %parallel_loop3A_132 = tpu.vector_load %arg6[%parallel_loop3A_131] {strides = array<i32>} : memref<8192xf32, #tpu.memory_space<vmem>>, vector<16xf32>,
        %parallel_loop3A_133 = arith.constant 16 : i32
        %parallel_loop3A_134 = arith.muli %parallel_loop3A_126, %parallel_loop3A_133 : i32
        %parallel_loop3A_135 = arith.index_cast %parallel_loop3A_134 : i32 to index
        %parallel_loop3A_136 = tpu.vector_load %arg7[%parallel_loop3A_135] {strides = array<i32>} : memref<8192xf32, #tpu.memory_space<vmem>>, vector<16xf32>,
        %parallel_loop3A_137 = tpu.bitcast %parallel_loop3A_132 : vector<16xf32> -> vector<16xi32>
        %parallel_loop3A_138 = arith.constant 20 : i32
        %parallel_loop3A_139 = vector.broadcast %parallel_loop3A_138 : i32 to vector<16xi32>
        %parallel_loop3A_140 = arith.shrui %parallel_loop3A_137, %parallel_loop3A_139 : vector<16xi32>
        %parallel_loop3A_141 = vector.broadcast %scan3A_15#1 : i32 to vector<16xi32>
        %parallel_loop3A_142 = arith.cmpi sgt, %parallel_loop3A_140, %parallel_loop3A_141 : vector<16xi32>
        %parallel_loop3A_143 = vector.broadcast %scan3A_15#1 : i32 to vector<16xi32>
        %parallel_loop3A_144 = arith.cmpi eq, %parallel_loop3A_140, %parallel_loop3A_143 : vector<16xi32>
        %parallel_loop3A_145 = arith.index_cast %parallel_loop3A_127 : i32 to index
        %parallel_loop3A_146 = tpu.vector_load %arg13[%parallel_loop3A_145] masked %parallel_loop3A_142 {strides = array<i32>} : memref<1040xf32, #tpu.memory_space<vmem>>, vector<16xf32>, vector<16xi1>
        tpu.vector_store %arg13[%parallel_loop3A_145], %parallel_loop3A_132 masked %parallel_loop3A_142 {strides = array<i32>} : memref<1040xf32, #tpu.memory_space<vmem>>, vector<16xf32>, vector<16xi1>
        %parallel_loop3A_147 = arith.index_cast %parallel_loop3A_127 : i32 to index
        %parallel_loop3A_148 = tpu.vector_load %arg14[%parallel_loop3A_147] masked %parallel_loop3A_142 {strides = array<i32>} : memref<1040xf32, #tpu.memory_space<vmem>>, vector<16xf32>, vector<16xi1>
        tpu.vector_store %arg14[%parallel_loop3A_147], %parallel_loop3A_136 masked %parallel_loop3A_142 {strides = array<i32>} : memref<1040xf32, #tpu.memory_space<vmem>>, vector<16xf32>, vector<16xi1>
        %parallel_loop3A_149 = arith.index_cast %parallel_loop3A_128 : i32 to index
        %parallel_loop3A_150 = tpu.vector_load %arg9[%parallel_loop3A_149] masked %parallel_loop3A_144 {strides = array<i32>} : memref<8208xi32, #tpu.memory_space<vmem>>, vector<16xi32>, vector<16xi1>
        tpu.vector_store %arg9[%parallel_loop3A_149], %parallel_loop3A_137 masked %parallel_loop3A_144 {strides = array<i32>} : memref<8208xi32, #tpu.memory_space<vmem>>, vector<16xi32>, vector<16xi1>
        %parallel_loop3A_151 = arith.index_cast %parallel_loop3A_128 : i32 to index
        %parallel_loop3A_152 = tpu.vector_load %arg10[%parallel_loop3A_151] masked %parallel_loop3A_144 {strides = array<i32>} : memref<8208xf32, #tpu.memory_space<vmem>>, vector<16xf32>, vector<16xi1>
        tpu.vector_store %arg10[%parallel_loop3A_151], %parallel_loop3A_136 masked %parallel_loop3A_144 {strides = array<i32>} : memref<8208xf32, #tpu.memory_space<vmem>>, vector<16xf32>, vector<16xi1>
        %parallel_loop3A_153 = tpu.all_reduce %parallel_loop3A_142 {dim = 0 : i64, kind = #tpu.reduction_kind<sum>} : vector<16xi1> -> vector<16xi32>
        %parallel_loop3A_154 = vector.extract_strided_slice %parallel_loop3A_153 {offsets = [0], sizes = [1], strides = [1]} : vector<16xi32> to vector<1xi32>
        %parallel_loop3A_155 = vector.extract %parallel_loop3A_154[0] : i32 from vector<1xi32>
        %parallel_loop3A_156 = tpu.all_reduce %parallel_loop3A_144 {dim = 0 : i64, kind = #tpu.reduction_kind<sum>} : vector<16xi1> -> vector<16xi32>
        %parallel_loop3A_157 = vector.extract_strided_slice %parallel_loop3A_156 {offsets = [0], sizes = [1], strides = [1]} : vector<16xi32> to vector<1xi32>
        %parallel_loop3A_158 = vector.extract %parallel_loop3A_157[0] : i32 from vector<1xi32>
        %parallel_loop3A_159 = arith.addi %parallel_loop3A_127, %parallel_loop3A_155 : i32
        %parallel_loop3A_160 = arith.addi %parallel_loop3A_128, %parallel_loop3A_158 : i32
        scf.yield %parallel_loop3A_159, %parallel_loop3A_160 : i32, i32
      } {sc.loop_unroll_factor = 4 : i64, sc.parallel_access}
      %parallel_loop3A_24 = arith.constant 0 : i32
      %parallel_loop3A_25 = arith.constant 8 : i32
      %parallel_loop3A_26 = arith.constant 1 : i32
      scf.for %parallel_loop3A_126 = %parallel_loop3A_24 to %parallel_loop3A_25 step %parallel_loop3A_26  : i32 {
        %parallel_loop3A_127 = arith.constant 128 : i32
        %parallel_loop3A_128 = arith.muli %parallel_loop3A_126, %parallel_loop3A_127 : i32
        %parallel_loop3A_129 = arith.constant 0 : i32
        %parallel_loop3A_130 = arith.addi %parallel_loop3A_128, %parallel_loop3A_129 : i32
        %parallel_loop3A_131 = arith.index_cast %parallel_loop3A_130 : i32 to index
        %parallel_loop3A_132 = tpu.vector_load %arg8[%parallel_loop3A_131] {strides = array<i32>} : memref<16384xi32, #tpu.memory_space<vmem>>, vector<16xi32>,
        tpu.vector_store %arg8[%parallel_loop3A_131], %broadcast_in_dim3A_3 {strides = array<i32>} : memref<16384xi32, #tpu.memory_space<vmem>>, vector<16xi32>,
        %parallel_loop3A_133 = arith.constant 16 : i32
        %parallel_loop3A_134 = arith.addi %parallel_loop3A_128, %parallel_loop3A_133 : i32
        %parallel_loop3A_135 = arith.index_cast %parallel_loop3A_134 : i32 to index
        %parallel_loop3A_136 = tpu.vector_load %arg8[%parallel_loop3A_135] {strides = array<i32>} : memref<16384xi32, #tpu.memory_space<vmem>>, vector<16xi32>,
        tpu.vector_store %arg8[%parallel_loop3A_135], %broadcast_in_dim3A_3 {strides = array<i32>} : memref<16384xi32, #tpu.memory_space<vmem>>, vector<16xi32>,
        %parallel_loop3A_137 = arith.constant 32 : i32
        %parallel_loop3A_138 = arith.addi %parallel_loop3A_128, %parallel_loop3A_137 : i32
        %parallel_loop3A_139 = arith.index_cast %parallel_loop3A_138 : i32 to index
        %parallel_loop3A_140 = tpu.vector_load %arg8[%parallel_loop3A_139] {strides = array<i32>} : memref<16384xi32, #tpu.memory_space<vmem>>, vector<16xi32>,
        tpu.vector_store %arg8[%parallel_loop3A_139], %broadcast_in_dim3A_3 {strides = array<i32>} : memref<16384xi32, #tpu.memory_space<vmem>>, vector<16xi32>,
        %parallel_loop3A_141 = arith.constant 48 : i32
        %parallel_loop3A_142 = arith.addi %parallel_loop3A_128, %parallel_loop3A_141 : i32
        %parallel_loop3A_143 = arith.index_cast %parallel_loop3A_142 : i32 to index
        %parallel_loop3A_144 = tpu.vector_load %arg8[%parallel_loop3A_143] {strides = array<i32>} : memref<16384xi32, #tpu.memory_space<vmem>>, vector<16xi32>,
        tpu.vector_store %arg8[%parallel_loop3A_143], %broadcast_in_dim3A_3 {strides = array<i32>} : memref<16384xi32, #tpu.memory_space<vmem>>, vector<16xi32>,
        %parallel_loop3A_145 = arith.constant 64 : i32
        %parallel_loop3A_146 = arith.addi %parallel_loop3A_128, %parallel_loop3A_145 : i32
        %parallel_loop3A_147 = arith.index_cast %parallel_loop3A_146 : i32 to index
        %parallel_loop3A_148 = tpu.vector_load %arg8[%parallel_loop3A_147] {strides = array<i32>} : memref<16384xi32, #tpu.memory_space<vmem>>, vector<16xi32>,
        tpu.vector_store %arg8[%parallel_loop3A_147], %broadcast_in_dim3A_3 {strides = array<i32>} : memref<16384xi32, #tpu.memory_space<vmem>>, vector<16xi32>,
        %parallel_loop3A_149 = arith.constant 80 : i32
        %parallel_loop3A_150 = arith.addi %parallel_loop3A_128, %parallel_loop3A_149 : i32
        %parallel_loop3A_151 = arith.index_cast %parallel_loop3A_150 : i32 to index
        %parallel_loop3A_152 = tpu.vector_load %arg8[%parallel_loop3A_151] {strides = array<i32>} : memref<16384xi32, #tpu.memory_space<vmem>>, vector<16xi32>,
        tpu.vector_store %arg8[%parallel_loop3A_151], %broadcast_in_dim3A_3 {strides = array<i32>} : memref<16384xi32, #tpu.memory_space<vmem>>, vector<16xi32>,
        %parallel_loop3A_153 = arith.constant 96 : i32
        %parallel_loop3A_154 = arith.addi %parallel_loop3A_128, %parallel_loop3A_153 : i32
        %parallel_loop3A_155 = arith.index_cast %parallel_loop3A_154 : i32 to index
        %parallel_loop3A_156 = tpu.vector_load %arg8[%parallel_loop3A_155] {strides = array<i32>} : memref<16384xi32, #tpu.memory_space<vmem>>, vector<16xi32>,
        tpu.vector_store %arg8[%parallel_loop3A_155], %broadcast_in_dim3A_3 {strides = array<i32>} : memref<16384xi32, #tpu.memory_space<vmem>>, vector<16xi32>,
        %parallel_loop3A_157 = arith.constant 112 : i32
        %parallel_loop3A_158 = arith.addi %parallel_loop3A_128, %parallel_loop3A_157 : i32
        %parallel_loop3A_159 = arith.index_cast %parallel_loop3A_158 : i32 to index
        %parallel_loop3A_160 = tpu.vector_load %arg8[%parallel_loop3A_159] {strides = array<i32>} : memref<16384xi32, #tpu.memory_space<vmem>>, vector<16xi32>,
        tpu.vector_store %arg8[%parallel_loop3A_159], %broadcast_in_dim3A_3 {strides = array<i32>} : memref<16384xi32, #tpu.memory_space<vmem>>, vector<16xi32>,
      } {sc.loop_unroll_factor = 4 : i64, sc.parallel_access}
      %add3A_27 = arith.constant 16 : i32
      %add3A_28 = arith.addi %parallel_loop3A_23#1, %add3A_27 : i32
      %sub3A_29 = arith.constant 1 : i32
      %sub3A_30 = arith.subi %add3A_28, %sub3A_29 : i32
      %jit3A = arith.constant 16 : i32
      %div3A = arith.divsi %sub3A_30, %jit3A : i32
      %sign3A = arith.constant 0 : i32
      %sign3A_31 = arith.cmpi sgt, %sub3A_30, %sign3A : i32
      %sign3A_32 = arith.extui %sign3A_31 : i1 to i32
      %sign3A_33 = arith.constant 0 : i32
      %sign3A_34 = arith.cmpi slt, %sub3A_30, %sign3A_33 : i32
      %sign3A_35 = arith.extui %sign3A_34 : i1 to i32
      %sign3A_36 = arith.subi %sign3A_32, %sign3A_35 : i32
      %sign3A_37 = arith.constant 0 : i32
      %sign3A_38 = arith.cmpi sgt, %jit3A, %sign3A_37 : i32
      %sign3A_39 = arith.extui %sign3A_38 : i1 to i32
      %sign3A_40 = arith.constant 0 : i32
      %sign3A_41 = arith.cmpi slt, %jit3A, %sign3A_40 : i32
      %sign3A_42 = arith.extui %sign3A_41 : i1 to i32
      %sign3A_43 = arith.subi %sign3A_39, %sign3A_42 : i32
      %ne3A = arith.cmpi ne, %sign3A_36, %sign3A_43 : i32
      %rem3A = arith.remsi %sub3A_30, %jit3A : i32
      %ne3A_44 = arith.constant 0 : i32
      %ne3A_45 = arith.cmpi ne, %rem3A, %ne3A_44 : i32
      %and3A = arith.andi %ne3A, %ne3A_45 : i1
      %sub3A_46 = arith.constant 1 : i32
      %sub3A_47 = arith.subi %div3A, %sub3A_46 : i32
      %select_n3A = arith.select %and3A, %sub3A_47, %div3A : i32
      %parallel_loop3A_48 = arith.constant 0 : i32
      %parallel_loop3A_49 = arith.constant 1 : i32
      scf.for %parallel_loop3A_126 = %parallel_loop3A_48 to %select_n3A step %parallel_loop3A_49  : i32 {
        %parallel_loop3A_127 = arith.constant 16 : i32
        %parallel_loop3A_128 = arith.muli %parallel_loop3A_126, %parallel_loop3A_127 : i32
        %parallel_loop3A_129 = arith.index_cast %parallel_loop3A_128 : i32 to index
        %parallel_loop3A_130 = tpu.vector_load %arg9[%parallel_loop3A_129] {strides = array<i32>} : memref<8208xi32, #tpu.memory_space<vmem>>, vector<16xi32>,
        %parallel_loop3A_131 = arith.constant 10 : i32
        %parallel_loop3A_132 = vector.broadcast %parallel_loop3A_131 : i32 to vector<16xi32>
        %parallel_loop3A_133 = arith.shrui %parallel_loop3A_130, %parallel_loop3A_132 : vector<16xi32>
        %parallel_loop3A_134 = arith.constant 1023 : i32
        %parallel_loop3A_135 = vector.broadcast %parallel_loop3A_134 : i32 to vector<16xi32>
        %parallel_loop3A_136 = arith.andi %parallel_loop3A_133, %parallel_loop3A_135 : vector<16xi32>
        %parallel_loop3A_137 = arith.constant 16 : i32
        %parallel_loop3A_138 = arith.muli %parallel_loop3A_126, %parallel_loop3A_137 : i32
        %parallel_loop3A_139 = vector.broadcast %parallel_loop3A_138 : i32 to vector<16xi32>
        %parallel_loop3A_140 = arith.addi %parallel_loop3A_139, %iota3A : vector<16xi32>
        %parallel_loop3A_141 = vector.broadcast %parallel_loop3A_23#1 : i32 to vector<16xi32>
        %parallel_loop3A_142 = arith.cmpi slt, %parallel_loop3A_140, %parallel_loop3A_141 : vector<16xi32>
        %parallel_loop3A_143, %parallel_loop3A_144 = tpu.scan_count mask(%parallel_loop3A_142 : vector<16xi1>) value(%parallel_loop3A_136 : vector<16xi32>) : vector<16xi1>, vector<16xi32>
        tpu.vector_store_idx %arg8[%parallel_loop3A_136], %parallel_loop3A_144 masked %parallel_loop3A_143 {add = true} : memref<16384xi32, #tpu.memory_space<vmem>>[vector<16xi32>], vector<16xi32>, vector<16xi1>
      } {sc.loop_unroll_factor = 4 : i64, sc.parallel_access}
      %scan3A_50 = arith.constant 0 : i32
      %scan3A_51 = arith.constant 0 : i32
      %scan3A_52 = arith.constant 0 : i32
      %scan3A_53 = arith.constant 0 : i32
      %scan3A_54 = arith.constant 64 : i32
      %scan3A_55 = arith.addi %scan3A_53, %scan3A_54 : i32
      %scan3A_56 = arith.constant 1 : i32
      %scan3A_57:3 = scf.for %scan3A_126 = %scan3A_53 to %scan3A_55 step %scan3A_56 iter_args(%scan3A_127 = %scan3A_50, %scan3A_128 = %scan3A_51, %scan3A_129 = %scan3A_52) -> (i32, i32, i32)  : i32 {
        %sub3A_130 = arith.constant 63 : i32
        %sub3A_131 = arith.subi %sub3A_130, %scan3A_126 : i32
        %mul3A_132 = arith.constant 16 : i32
        %mul3A_133 = arith.muli %sub3A_131, %mul3A_132 : i32
        %get3A = arith.index_cast %mul3A_133 : i32 to index
        %get3A_134 = tpu.vector_load %arg8[%get3A] {strides = array<i32>} : memref<16384xi32, #tpu.memory_space<vmem>>, vector<16xi32>,
        %broadcast_in_dim3A_135 = arith.constant true
        %broadcast_in_dim3A_136 = vector.broadcast %broadcast_in_dim3A_135 : i1 to vector<16xi1>
        %masked_cumsum3A = tpu.scan <sum>, %get3A_134 masked %broadcast_in_dim3A_136 : vector<16xi32>, vector<16xi1> -> vector<16xi32>
        %slice3A = vector.extract_strided_slice %masked_cumsum3A {offsets = [15], sizes = [1], strides = [1]} : vector<16xi32> to vector<1xi32>
        %squeeze3A = vector.extract %slice3A[0] : i32 from vector<1xi32>
        %add3A_137 = arith.addi %scan3A_127, %squeeze3A : i32
        %sub3A_138 = vector.broadcast %add3A_137 : i32 to vector<16xi32>
        %sub3A_139 = arith.subi %sub3A_138, %masked_cumsum3A : vector<16xi32>
        %lt3A_140 = vector.broadcast %sub3A_17 : i32 to vector<16xi32>
        %lt3A_141 = arith.cmpi slt, %sub3A_139, %lt3A_140 : vector<16xi32>
        %add3A_142 = arith.addi %sub3A_139, %get3A_134 : vector<16xi32>
        %ge3A = vector.broadcast %sub3A_17 : i32 to vector<16xi32>
        %ge3A_143 = arith.cmpi sge, %add3A_142, %ge3A : vector<16xi32>
        %and3A_144 = arith.andi %lt3A_141, %ge3A_143 : vector<16xi1>
        %add3A_145 = vector.broadcast %mul3A_133 : i32 to vector<16xi32>
        %add3A_146 = arith.addi %add3A_145, %iota3A : vector<16xi32>
        %jit3A_147 = arith.constant 0 : i32
        %broadcast_in_dim3A_148 = vector.broadcast %jit3A_147 : i32 to vector<16xi32>
        %select_n3A_149 = arith.select %and3A_144, %add3A_146, %broadcast_in_dim3A_148 : vector<16xi1>, vector<16xi32>
        %reduce_sum3A = arith.constant true
        %reduce_sum3A_150 = vector.broadcast %reduce_sum3A : i1 to vector<16xi1>
        %reduce_sum3A_151 = tpu.scan <sum>, %select_n3A_149 masked %reduce_sum3A_150 : vector<16xi32>, vector<16xi1> -> vector<16xi32>
        %reduce_sum3A_152 = vector.extract %reduce_sum3A_151[15] : i32 from vector<16xi32>
        %add3A_153 = arith.addi %scan3A_128, %reduce_sum3A_152 : i32
        %jit3A_154 = arith.constant 0 : i32
        %broadcast_in_dim3A_155 = vector.broadcast %jit3A_154 : i32 to vector<16xi32>
        %select_n3A_156 = arith.select %and3A_144, %sub3A_139, %broadcast_in_dim3A_155 : vector<16xi1>, vector<16xi32>
        %reduce_sum3A_157 = arith.constant true
        %reduce_sum3A_158 = vector.broadcast %reduce_sum3A_157 : i1 to vector<16xi1>
        %reduce_sum3A_159 = tpu.scan <sum>, %select_n3A_156 masked %reduce_sum3A_158 : vector<16xi32>, vector<16xi1> -> vector<16xi32>
        %reduce_sum3A_160 = vector.extract %reduce_sum3A_159[15] : i32 from vector<16xi32>
        %add3A_161 = arith.addi %scan3A_129, %reduce_sum3A_160 : i32
        %add3A_162 = arith.addi %scan3A_127, %squeeze3A : i32
        scf.yield %add3A_162, %add3A_153, %add3A_161 : i32, i32, i32
      }
      %scan3A_58 = arith.constant 64 : i32
      %sub3A_59 = arith.subi %sub3A_17, %scan3A_57#2 : i32
      %while3A = arith.constant 0 : i32
      %while3A_60 = arith.constant 0 : i32
      %while3A_61 = arith.subi %select_n3A, %while3A : i32
      %while3A_62 = arith.addi %while3A, %while3A_61 : i32
      %while3A_63 = arith.constant 1 : i32
      %while3A_64 = arith.divsi %while3A_61, %while3A_63 : i32
      %while3A_65 = arith.muli %while3A_64, %while3A_63 : i32
      %while3A_66 = arith.addi %while3A, %while3A_65 : i32
      %while3A_67 = arith.constant 1 : i32
      %while3A_68:2 = scf.for %while3A_126 = %while3A to %while3A_66 step %while3A_67 iter_args(%while3A_127 = %parallel_loop3A_23#0, %while3A_128 = %while3A_60) -> (i32, i32)  : i32 {
        %mul3A_129 = arith.constant 16 : i32
        %mul3A_130 = arith.muli %while3A_126, %mul3A_129 : i32
        %get3A = arith.index_cast %mul3A_130 : i32 to index
        %get3A_131 = tpu.vector_load %arg9[%get3A] {strides = array<i32>} : memref<8208xi32, #tpu.memory_space<vmem>>, vector<16xi32>,
        %mul3A_132 = arith.constant 16 : i32
        %mul3A_133 = arith.muli %while3A_126, %mul3A_132 : i32
        %get3A_134 = arith.index_cast %mul3A_133 : i32 to index
        %get3A_135 = tpu.vector_load %arg10[%get3A_134] {strides = array<i32>} : memref<8208xf32, #tpu.memory_space<vmem>>, vector<16xf32>,
        %shift_right_logical3A = arith.constant 10 : i32
        %shift_right_logical3A_136 = vector.broadcast %shift_right_logical3A : i32 to vector<16xi32>
        %shift_right_logical3A_137 = arith.shrui %get3A_131, %shift_right_logical3A_136 : vector<16xi32>
        %and3A_138 = arith.constant 1023 : i32
        %and3A_139 = vector.broadcast %and3A_138 : i32 to vector<16xi32>
        %and3A_140 = arith.andi %shift_right_logical3A_137, %and3A_139 : vector<16xi32>
        %mul3A_141 = arith.constant 16 : i32
        %mul3A_142 = arith.muli %while3A_126, %mul3A_141 : i32
        %add3A_143 = vector.broadcast %mul3A_142 : i32 to vector<16xi32>
        %add3A_144 = arith.addi %add3A_143, %iota3A : vector<16xi32>
        %lt3A_145 = vector.broadcast %parallel_loop3A_23#1 : i32 to vector<16xi32>
        %lt3A_146 = arith.cmpi slt, %add3A_144, %lt3A_145 : vector<16xi32>
        %gt3A = vector.broadcast %scan3A_57#1 : i32 to vector<16xi32>
        %gt3A_147 = arith.cmpi sgt, %and3A_140, %gt3A : vector<16xi32>
        %and3A_148 = arith.andi %gt3A_147, %lt3A_146 : vector<16xi1>
        %eq3A = vector.broadcast %scan3A_57#1 : i32 to vector<16xi32>
        %eq3A_149 = arith.cmpi eq, %and3A_140, %eq3A : vector<16xi32>
        %and3A_150 = arith.andi %eq3A_149, %lt3A_146 : vector<16xi1>
        %bitcast_convert_type3A = tpu.bitcast %get3A_131 : vector<16xi32> -> vector<16xf32>
        %swap3A = arith.index_cast %while3A_127 : i32 to index
        %swap3A_151 = tpu.vector_load %arg13[%swap3A] masked %and3A_148 {strides = array<i32>} : memref<1040xf32, #tpu.memory_space<vmem>>, vector<16xf32>, vector<16xi1>
        tpu.vector_store %arg13[%swap3A], %bitcast_convert_type3A masked %and3A_148 {strides = array<i32>} : memref<1040xf32, #tpu.memory_space<vmem>>, vector<16xf32>, vector<16xi1>
        %swap3A_152 = arith.index_cast %while3A_127 : i32 to index
        %swap3A_153 = tpu.vector_load %arg14[%swap3A_152] masked %and3A_148 {strides = array<i32>} : memref<1040xf32, #tpu.memory_space<vmem>>, vector<16xf32>, vector<16xi1>
        tpu.vector_store %arg14[%swap3A_152], %get3A_135 masked %and3A_148 {strides = array<i32>} : memref<1040xf32, #tpu.memory_space<vmem>>, vector<16xf32>, vector<16xi1>
        %swap3A_154 = arith.index_cast %while3A_128 : i32 to index
        %swap3A_155 = tpu.vector_load %arg11[%swap3A_154] masked %and3A_150 {strides = array<i32>} : memref<8208xi32, #tpu.memory_space<vmem>>, vector<16xi32>, vector<16xi1>
        tpu.vector_store %arg11[%swap3A_154], %get3A_131 masked %and3A_150 {strides = array<i32>} : memref<8208xi32, #tpu.memory_space<vmem>>, vector<16xi32>, vector<16xi1>
        %swap3A_156 = arith.index_cast %while3A_128 : i32 to index
        %swap3A_157 = tpu.vector_load %arg12[%swap3A_156] masked %and3A_150 {strides = array<i32>} : memref<8208xf32, #tpu.memory_space<vmem>>, vector<16xf32>, vector<16xi1>
        tpu.vector_store %arg12[%swap3A_156], %get3A_135 masked %and3A_150 {strides = array<i32>} : memref<8208xf32, #tpu.memory_space<vmem>>, vector<16xf32>, vector<16xi1>
        %all_reduce_population_count3A = tpu.all_reduce %and3A_148 {dim = 0 : i64, kind = #tpu.reduction_kind<sum>} : vector<16xi1> -> vector<16xi32>
        %slice3A = vector.extract_strided_slice %all_reduce_population_count3A {offsets = [0], sizes = [1], strides = [1]} : vector<16xi32> to vector<1xi32>
        %squeeze3A = vector.extract %slice3A[0] : i32 from vector<1xi32>
        %all_reduce_population_count3A_158 = tpu.all_reduce %and3A_150 {dim = 0 : i64, kind = #tpu.reduction_kind<sum>} : vector<16xi1> -> vector<16xi32>
        %slice3A_159 = vector.extract_strided_slice %all_reduce_population_count3A_158 {offsets = [0], sizes = [1], strides = [1]} : vector<16xi32> to vector<1xi32>
        %squeeze3A_160 = vector.extract %slice3A_159[0] : i32 from vector<1xi32>
        %add3A_161 = arith.addi %while3A_127, %squeeze3A : i32
        %add3A_162 = arith.addi %while3A_128, %squeeze3A_160 : i32
        scf.yield %add3A_161, %add3A_162 : i32, i32
      }
      %while3A_69 = arith.constant 1 : i32
      %while3A_70:2 = scf.for %while3A_126 = %while3A_66 to %while3A_62 step %while3A_69 iter_args(%while3A_127 = %while3A_68#0, %while3A_128 = %while3A_68#1) -> (i32, i32)  : i32 {
        %mul3A_129 = arith.constant 16 : i32
        %mul3A_130 = arith.muli %while3A_126, %mul3A_129 : i32
        %get3A = arith.index_cast %mul3A_130 : i32 to index
        %get3A_131 = tpu.vector_load %arg9[%get3A] {strides = array<i32>} : memref<8208xi32, #tpu.memory_space<vmem>>, vector<16xi32>,
        %mul3A_132 = arith.constant 16 : i32
        %mul3A_133 = arith.muli %while3A_126, %mul3A_132 : i32
        %get3A_134 = arith.index_cast %mul3A_133 : i32 to index
        %get3A_135 = tpu.vector_load %arg10[%get3A_134] {strides = array<i32>} : memref<8208xf32, #tpu.memory_space<vmem>>, vector<16xf32>,
        %shift_right_logical3A = arith.constant 10 : i32
        %shift_right_logical3A_136 = vector.broadcast %shift_right_logical3A : i32 to vector<16xi32>
        %shift_right_logical3A_137 = arith.shrui %get3A_131, %shift_right_logical3A_136 : vector<16xi32>
        %and3A_138 = arith.constant 1023 : i32
        %and3A_139 = vector.broadcast %and3A_138 : i32 to vector<16xi32>
        %and3A_140 = arith.andi %shift_right_logical3A_137, %and3A_139 : vector<16xi32>
        %mul3A_141 = arith.constant 16 : i32
        %mul3A_142 = arith.muli %while3A_126, %mul3A_141 : i32
        %add3A_143 = vector.broadcast %mul3A_142 : i32 to vector<16xi32>
        %add3A_144 = arith.addi %add3A_143, %iota3A : vector<16xi32>
        %lt3A_145 = vector.broadcast %parallel_loop3A_23#1 : i32 to vector<16xi32>
        %lt3A_146 = arith.cmpi slt, %add3A_144, %lt3A_145 : vector<16xi32>
        %gt3A = vector.broadcast %scan3A_57#1 : i32 to vector<16xi32>
        %gt3A_147 = arith.cmpi sgt, %and3A_140, %gt3A : vector<16xi32>
        %and3A_148 = arith.andi %gt3A_147, %lt3A_146 : vector<16xi1>
        %eq3A = vector.broadcast %scan3A_57#1 : i32 to vector<16xi32>
        %eq3A_149 = arith.cmpi eq, %and3A_140, %eq3A : vector<16xi32>
        %and3A_150 = arith.andi %eq3A_149, %lt3A_146 : vector<16xi1>
        %bitcast_convert_type3A = tpu.bitcast %get3A_131 : vector<16xi32> -> vector<16xf32>
        %swap3A = arith.index_cast %while3A_127 : i32 to index
        %swap3A_151 = tpu.vector_load %arg13[%swap3A] masked %and3A_148 {strides = array<i32>} : memref<1040xf32, #tpu.memory_space<vmem>>, vector<16xf32>, vector<16xi1>
        tpu.vector_store %arg13[%swap3A], %bitcast_convert_type3A masked %and3A_148 {strides = array<i32>} : memref<1040xf32, #tpu.memory_space<vmem>>, vector<16xf32>, vector<16xi1>
        %swap3A_152 = arith.index_cast %while3A_127 : i32 to index
        %swap3A_153 = tpu.vector_load %arg14[%swap3A_152] masked %and3A_148 {strides = array<i32>} : memref<1040xf32, #tpu.memory_space<vmem>>, vector<16xf32>, vector<16xi1>
        tpu.vector_store %arg14[%swap3A_152], %get3A_135 masked %and3A_148 {strides = array<i32>} : memref<1040xf32, #tpu.memory_space<vmem>>, vector<16xf32>, vector<16xi1>
        %swap3A_154 = arith.index_cast %while3A_128 : i32 to index
        %swap3A_155 = tpu.vector_load %arg11[%swap3A_154] masked %and3A_150 {strides = array<i32>} : memref<8208xi32, #tpu.memory_space<vmem>>, vector<16xi32>, vector<16xi1>
        tpu.vector_store %arg11[%swap3A_154], %get3A_131 masked %and3A_150 {strides = array<i32>} : memref<8208xi32, #tpu.memory_space<vmem>>, vector<16xi32>, vector<16xi1>
        %swap3A_156 = arith.index_cast %while3A_128 : i32 to index
        %swap3A_157 = tpu.vector_load %arg12[%swap3A_156] masked %and3A_150 {strides = array<i32>} : memref<8208xf32, #tpu.memory_space<vmem>>, vector<16xf32>, vector<16xi1>
        tpu.vector_store %arg12[%swap3A_156], %get3A_135 masked %and3A_150 {strides = array<i32>} : memref<8208xf32, #tpu.memory_space<vmem>>, vector<16xf32>, vector<16xi1>
        %all_reduce_population_count3A = tpu.all_reduce %and3A_148 {dim = 0 : i64, kind = #tpu.reduction_kind<sum>} : vector<16xi1> -> vector<16xi32>
        %slice3A = vector.extract_strided_slice %all_reduce_population_count3A {offsets = [0], sizes = [1], strides = [1]} : vector<16xi32> to vector<1xi32>
        %squeeze3A = vector.extract %slice3A[0] : i32 from vector<1xi32>
        %all_reduce_population_count3A_158 = tpu.all_reduce %and3A_150 {dim = 0 : i64, kind = #tpu.reduction_kind<sum>} : vector<16xi1> -> vector<16xi32>
        %slice3A_159 = vector.extract_strided_slice %all_reduce_population_count3A_158 {offsets = [0], sizes = [1], strides = [1]} : vector<16xi32> to vector<1xi32>
        %squeeze3A_160 = vector.extract %slice3A_159[0] : i32 from vector<1xi32>
        %add3A_161 = arith.addi %while3A_127, %squeeze3A : i32
        %add3A_162 = arith.addi %while3A_128, %squeeze3A_160 : i32
        scf.yield %add3A_161, %add3A_162 : i32, i32
      }
      %parallel_loop3A_71 = arith.constant 0 : i32
      %parallel_loop3A_72 = arith.constant 8 : i32
      %parallel_loop3A_73 = arith.constant 1 : i32
      scf.for %parallel_loop3A_126 = %parallel_loop3A_71 to %parallel_loop3A_72 step %parallel_loop3A_73  : i32 {
        %parallel_loop3A_127 = arith.constant 128 : i32
        %parallel_loop3A_128 = arith.muli %parallel_loop3A_126, %parallel_loop3A_127 : i32
        %parallel_loop3A_129 = arith.constant 0 : i32
        %parallel_loop3A_130 = arith.addi %parallel_loop3A_128, %parallel_loop3A_129 : i32
        %parallel_loop3A_131 = arith.index_cast %parallel_loop3A_130 : i32 to index
        %parallel_loop3A_132 = tpu.vector_load %arg8[%parallel_loop3A_131] {strides = array<i32>} : memref<16384xi32, #tpu.memory_space<vmem>>, vector<16xi32>,
        tpu.vector_store %arg8[%parallel_loop3A_131], %broadcast_in_dim3A_3 {strides = array<i32>} : memref<16384xi32, #tpu.memory_space<vmem>>, vector<16xi32>,
        %parallel_loop3A_133 = arith.constant 16 : i32
        %parallel_loop3A_134 = arith.addi %parallel_loop3A_128, %parallel_loop3A_133 : i32
        %parallel_loop3A_135 = arith.index_cast %parallel_loop3A_134 : i32 to index
        %parallel_loop3A_136 = tpu.vector_load %arg8[%parallel_loop3A_135] {strides = array<i32>} : memref<16384xi32, #tpu.memory_space<vmem>>, vector<16xi32>,
        tpu.vector_store %arg8[%parallel_loop3A_135], %broadcast_in_dim3A_3 {strides = array<i32>} : memref<16384xi32, #tpu.memory_space<vmem>>, vector<16xi32>,
        %parallel_loop3A_137 = arith.constant 32 : i32
        %parallel_loop3A_138 = arith.addi %parallel_loop3A_128, %parallel_loop3A_137 : i32
        %parallel_loop3A_139 = arith.index_cast %parallel_loop3A_138 : i32 to index
        %parallel_loop3A_140 = tpu.vector_load %arg8[%parallel_loop3A_139] {strides = array<i32>} : memref<16384xi32, #tpu.memory_space<vmem>>, vector<16xi32>,
        tpu.vector_store %arg8[%parallel_loop3A_139], %broadcast_in_dim3A_3 {strides = array<i32>} : memref<16384xi32, #tpu.memory_space<vmem>>, vector<16xi32>,
        %parallel_loop3A_141 = arith.constant 48 : i32
        %parallel_loop3A_142 = arith.addi %parallel_loop3A_128, %parallel_loop3A_141 : i32
        %parallel_loop3A_143 = arith.index_cast %parallel_loop3A_142 : i32 to index
        %parallel_loop3A_144 = tpu.vector_load %arg8[%parallel_loop3A_143] {strides = array<i32>} : memref<16384xi32, #tpu.memory_space<vmem>>, vector<16xi32>,
        tpu.vector_store %arg8[%parallel_loop3A_143], %broadcast_in_dim3A_3 {strides = array<i32>} : memref<16384xi32, #tpu.memory_space<vmem>>, vector<16xi32>,
        %parallel_loop3A_145 = arith.constant 64 : i32
        %parallel_loop3A_146 = arith.addi %parallel_loop3A_128, %parallel_loop3A_145 : i32
        %parallel_loop3A_147 = arith.index_cast %parallel_loop3A_146 : i32 to index
        %parallel_loop3A_148 = tpu.vector_load %arg8[%parallel_loop3A_147] {strides = array<i32>} : memref<16384xi32, #tpu.memory_space<vmem>>, vector<16xi32>,
        tpu.vector_store %arg8[%parallel_loop3A_147], %broadcast_in_dim3A_3 {strides = array<i32>} : memref<16384xi32, #tpu.memory_space<vmem>>, vector<16xi32>,
        %parallel_loop3A_149 = arith.constant 80 : i32
        %parallel_loop3A_150 = arith.addi %parallel_loop3A_128, %parallel_loop3A_149 : i32
        %parallel_loop3A_151 = arith.index_cast %parallel_loop3A_150 : i32 to index
        %parallel_loop3A_152 = tpu.vector_load %arg8[%parallel_loop3A_151] {strides = array<i32>} : memref<16384xi32, #tpu.memory_space<vmem>>, vector<16xi32>,
        tpu.vector_store %arg8[%parallel_loop3A_151], %broadcast_in_dim3A_3 {strides = array<i32>} : memref<16384xi32, #tpu.memory_space<vmem>>, vector<16xi32>,
        %parallel_loop3A_153 = arith.constant 96 : i32
        %parallel_loop3A_154 = arith.addi %parallel_loop3A_128, %parallel_loop3A_153 : i32
        %parallel_loop3A_155 = arith.index_cast %parallel_loop3A_154 : i32 to index
        %parallel_loop3A_156 = tpu.vector_load %arg8[%parallel_loop3A_155] {strides = array<i32>} : memref<16384xi32, #tpu.memory_space<vmem>>, vector<16xi32>,
        tpu.vector_store %arg8[%parallel_loop3A_155], %broadcast_in_dim3A_3 {strides = array<i32>} : memref<16384xi32, #tpu.memory_space<vmem>>, vector<16xi32>,
        %parallel_loop3A_157 = arith.constant 112 : i32
        %parallel_loop3A_158 = arith.addi %parallel_loop3A_128, %parallel_loop3A_157 : i32
        %parallel_loop3A_159 = arith.index_cast %parallel_loop3A_158 : i32 to index
        %parallel_loop3A_160 = tpu.vector_load %arg8[%parallel_loop3A_159] {strides = array<i32>} : memref<16384xi32, #tpu.memory_space<vmem>>, vector<16xi32>,
        tpu.vector_store %arg8[%parallel_loop3A_159], %broadcast_in_dim3A_3 {strides = array<i32>} : memref<16384xi32, #tpu.memory_space<vmem>>, vector<16xi32>,
      } {sc.loop_unroll_factor = 4 : i64, sc.parallel_access}
      %add3A_74 = arith.constant 16 : i32
      %add3A_75 = arith.addi %while3A_70#1, %add3A_74 : i32
      %sub3A_76 = arith.constant 1 : i32
      %sub3A_77 = arith.subi %add3A_75, %sub3A_76 : i32
      %jit3A_78 = arith.constant 16 : i32
      %div3A_79 = arith.divsi %sub3A_77, %jit3A_78 : i32
      %sign3A_80 = arith.constant 0 : i32
      %sign3A_81 = arith.cmpi sgt, %sub3A_77, %sign3A_80 : i32
      %sign3A_82 = arith.extui %sign3A_81 : i1 to i32
      %sign3A_83 = arith.constant 0 : i32
      %sign3A_84 = arith.cmpi slt, %sub3A_77, %sign3A_83 : i32
      %sign3A_85 = arith.extui %sign3A_84 : i1 to i32
      %sign3A_86 = arith.subi %sign3A_82, %sign3A_85 : i32
      %sign3A_87 = arith.constant 0 : i32
      %sign3A_88 = arith.cmpi sgt, %jit3A_78, %sign3A_87 : i32
      %sign3A_89 = arith.extui %sign3A_88 : i1 to i32
      %sign3A_90 = arith.constant 0 : i32
      %sign3A_91 = arith.cmpi slt, %jit3A_78, %sign3A_90 : i32
      %sign3A_92 = arith.extui %sign3A_91 : i1 to i32
      %sign3A_93 = arith.subi %sign3A_89, %sign3A_92 : i32
      %ne3A_94 = arith.cmpi ne, %sign3A_86, %sign3A_93 : i32
      %rem3A_95 = arith.remsi %sub3A_77, %jit3A_78 : i32
      %ne3A_96 = arith.constant 0 : i32
      %ne3A_97 = arith.cmpi ne, %rem3A_95, %ne3A_96 : i32
      %and3A_98 = arith.andi %ne3A_94, %ne3A_97 : i1
      %sub3A_99 = arith.constant 1 : i32
      %sub3A_100 = arith.subi %div3A_79, %sub3A_99 : i32
      %select_n3A_101 = arith.select %and3A_98, %sub3A_100, %div3A_79 : i32
      %parallel_loop3A_102 = arith.constant 0 : i32
      %parallel_loop3A_103 = arith.constant 1 : i32
      scf.for %parallel_loop3A_126 = %parallel_loop3A_102 to %select_n3A_101 step %parallel_loop3A_103  : i32 {
        %parallel_loop3A_127 = arith.constant 16 : i32
        %parallel_loop3A_128 = arith.muli %parallel_loop3A_126, %parallel_loop3A_127 : i32
        %parallel_loop3A_129 = arith.index_cast %parallel_loop3A_128 : i32 to index
        %parallel_loop3A_130 = tpu.vector_load %arg11[%parallel_loop3A_129] {strides = array<i32>} : memref<8208xi32, #tpu.memory_space<vmem>>, vector<16xi32>,
        %parallel_loop3A_131 = arith.constant 1023 : i32
        %parallel_loop3A_132 = vector.broadcast %parallel_loop3A_131 : i32 to vector<16xi32>
        %parallel_loop3A_133 = arith.andi %parallel_loop3A_130, %parallel_loop3A_132 : vector<16xi32>
        %parallel_loop3A_134 = arith.constant 16 : i32
        %parallel_loop3A_135 = arith.muli %parallel_loop3A_126, %parallel_loop3A_134 : i32
        %parallel_loop3A_136 = vector.broadcast %parallel_loop3A_135 : i32 to vector<16xi32>
        %parallel_loop3A_137 = arith.addi %parallel_loop3A_136, %iota3A : vector<16xi32>
        %parallel_loop3A_138 = vector.broadcast %while3A_70#1 : i32 to vector<16xi32>
        %parallel_loop3A_139 = arith.cmpi slt, %parallel_loop3A_137, %parallel_loop3A_138 : vector<16xi32>
        %parallel_loop3A_140, %parallel_loop3A_141 = tpu.scan_count mask(%parallel_loop3A_139 : vector<16xi1>) value(%parallel_loop3A_133 : vector<16xi32>) : vector<16xi1>, vector<16xi32>
        tpu.vector_store_idx %arg8[%parallel_loop3A_133], %parallel_loop3A_141 masked %parallel_loop3A_140 {add = true} : memref<16384xi32, #tpu.memory_space<vmem>>[vector<16xi32>], vector<16xi32>, vector<16xi1>
      } {sc.loop_unroll_factor = 4 : i64, sc.parallel_access}
      %scan3A_104 = arith.constant 0 : i32
      %scan3A_105 = arith.constant 0 : i32
      %scan3A_106 = arith.constant 0 : i32
      %scan3A_107 = arith.constant 0 : i32
      %scan3A_108 = arith.constant 64 : i32
      %scan3A_109 = arith.addi %scan3A_107, %scan3A_108 : i32
      %scan3A_110 = arith.constant 1 : i32
      %scan3A_111:3 = scf.for %scan3A_126 = %scan3A_107 to %scan3A_109 step %scan3A_110 iter_args(%scan3A_127 = %scan3A_104, %scan3A_128 = %scan3A_105, %scan3A_129 = %scan3A_106) -> (i32, i32, i32)  : i32 {
        %sub3A_130 = arith.constant 63 : i32
        %sub3A_131 = arith.subi %sub3A_130, %scan3A_126 : i32
        %mul3A_132 = arith.constant 16 : i32
        %mul3A_133 = arith.muli %sub3A_131, %mul3A_132 : i32
        %get3A = arith.index_cast %mul3A_133 : i32 to index
        %get3A_134 = tpu.vector_load %arg8[%get3A] {strides = array<i32>} : memref<16384xi32, #tpu.memory_space<vmem>>, vector<16xi32>,
        %broadcast_in_dim3A_135 = arith.constant true
        %broadcast_in_dim3A_136 = vector.broadcast %broadcast_in_dim3A_135 : i1 to vector<16xi1>
        %masked_cumsum3A = tpu.scan <sum>, %get3A_134 masked %broadcast_in_dim3A_136 : vector<16xi32>, vector<16xi1> -> vector<16xi32>
        %slice3A = vector.extract_strided_slice %masked_cumsum3A {offsets = [15], sizes = [1], strides = [1]} : vector<16xi32> to vector<1xi32>
        %squeeze3A = vector.extract %slice3A[0] : i32 from vector<1xi32>
        %add3A_137 = arith.addi %scan3A_127, %squeeze3A : i32
        %sub3A_138 = vector.broadcast %add3A_137 : i32 to vector<16xi32>
        %sub3A_139 = arith.subi %sub3A_138, %masked_cumsum3A : vector<16xi32>
        %lt3A_140 = vector.broadcast %sub3A_59 : i32 to vector<16xi32>
        %lt3A_141 = arith.cmpi slt, %sub3A_139, %lt3A_140 : vector<16xi32>
        %add3A_142 = arith.addi %sub3A_139, %get3A_134 : vector<16xi32>
        %ge3A = vector.broadcast %sub3A_59 : i32 to vector<16xi32>
        %ge3A_143 = arith.cmpi sge, %add3A_142, %ge3A : vector<16xi32>
        %and3A_144 = arith.andi %lt3A_141, %ge3A_143 : vector<16xi1>
        %add3A_145 = vector.broadcast %mul3A_133 : i32 to vector<16xi32>
        %add3A_146 = arith.addi %add3A_145, %iota3A : vector<16xi32>
        %jit3A_147 = arith.constant 0 : i32
        %broadcast_in_dim3A_148 = vector.broadcast %jit3A_147 : i32 to vector<16xi32>
        %select_n3A_149 = arith.select %and3A_144, %add3A_146, %broadcast_in_dim3A_148 : vector<16xi1>, vector<16xi32>
        %reduce_sum3A = arith.constant true
        %reduce_sum3A_150 = vector.broadcast %reduce_sum3A : i1 to vector<16xi1>
        %reduce_sum3A_151 = tpu.scan <sum>, %select_n3A_149 masked %reduce_sum3A_150 : vector<16xi32>, vector<16xi1> -> vector<16xi32>
        %reduce_sum3A_152 = vector.extract %reduce_sum3A_151[15] : i32 from vector<16xi32>
        %add3A_153 = arith.addi %scan3A_128, %reduce_sum3A_152 : i32
        %jit3A_154 = arith.constant 0 : i32
        %broadcast_in_dim3A_155 = vector.broadcast %jit3A_154 : i32 to vector<16xi32>
        %select_n3A_156 = arith.select %and3A_144, %sub3A_139, %broadcast_in_dim3A_155 : vector<16xi1>, vector<16xi32>
        %reduce_sum3A_157 = arith.constant true
        %reduce_sum3A_158 = vector.broadcast %reduce_sum3A_157 : i1 to vector<16xi1>
        %reduce_sum3A_159 = tpu.scan <sum>, %select_n3A_156 masked %reduce_sum3A_158 : vector<16xi32>, vector<16xi1> -> vector<16xi32>
        %reduce_sum3A_160 = vector.extract %reduce_sum3A_159[15] : i32 from vector<16xi32>
        %add3A_161 = arith.addi %scan3A_129, %reduce_sum3A_160 : i32
        %add3A_162 = arith.addi %scan3A_127, %squeeze3A : i32
        scf.yield %add3A_162, %add3A_153, %add3A_161 : i32, i32, i32
      }
      %scan3A_112 = arith.constant 64 : i32
      %sub3A_113 = arith.subi %sub3A_59, %scan3A_111#2 : i32
      %while3A_114 = arith.constant 0 : i32
      %while3A_115 = arith.constant 0 : i32
      %while3A_116 = arith.subi %select_n3A_101, %while3A_114 : i32
      %while3A_117 = arith.addi %while3A_114, %while3A_116 : i32
      %while3A_118 = arith.constant 1 : i32
      %while3A_119 = arith.divsi %while3A_116, %while3A_118 : i32
      %while3A_120 = arith.muli %while3A_119, %while3A_118 : i32
      %while3A_121 = arith.addi %while3A_114, %while3A_120 : i32
      %while3A_122 = arith.constant 1 : i32
      %while3A_123:2 = scf.for %while3A_126 = %while3A_114 to %while3A_121 step %while3A_122 iter_args(%while3A_127 = %while3A_70#0, %while3A_128 = %while3A_115) -> (i32, i32)  : i32 {
        %mul3A_129 = arith.constant 16 : i32
        %mul3A_130 = arith.muli %while3A_126, %mul3A_129 : i32
        %get3A = arith.index_cast %mul3A_130 : i32 to index
        %get3A_131 = tpu.vector_load %arg11[%get3A] {strides = array<i32>} : memref<8208xi32, #tpu.memory_space<vmem>>, vector<16xi32>,
        %mul3A_132 = arith.constant 16 : i32
        %mul3A_133 = arith.muli %while3A_126, %mul3A_132 : i32
        %get3A_134 = arith.index_cast %mul3A_133 : i32 to index
        %get3A_135 = tpu.vector_load %arg12[%get3A_134] {strides = array<i32>} : memref<8208xf32, #tpu.memory_space<vmem>>, vector<16xf32>,
        %and3A_136 = arith.constant 1023 : i32
        %and3A_137 = vector.broadcast %and3A_136 : i32 to vector<16xi32>
        %and3A_138 = arith.andi %get3A_131, %and3A_137 : vector<16xi32>
        %mul3A_139 = arith.constant 16 : i32
        %mul3A_140 = arith.muli %while3A_126, %mul3A_139 : i32
        %add3A_141 = vector.broadcast %mul3A_140 : i32 to vector<16xi32>
        %add3A_142 = arith.addi %add3A_141, %iota3A : vector<16xi32>
        %lt3A_143 = vector.broadcast %while3A_70#1 : i32 to vector<16xi32>
        %lt3A_144 = arith.cmpi slt, %add3A_142, %lt3A_143 : vector<16xi32>
        %eq3A = vector.broadcast %scan3A_111#1 : i32 to vector<16xi32>
        %eq3A_145 = arith.cmpi eq, %and3A_138, %eq3A : vector<16xi32>
        %and3A_146 = arith.andi %eq3A_145, %lt3A_144 : vector<16xi1>
        %convert_element_type3A_147 = arith.extui %and3A_146 : vector<16xi1> to vector<16xi32>
        %broadcast_in_dim3A_148 = arith.constant true
        %broadcast_in_dim3A_149 = vector.broadcast %broadcast_in_dim3A_148 : i1 to vector<16xi1>
        %masked_cumsum3A = tpu.scan <sum>, %convert_element_type3A_147 masked %broadcast_in_dim3A_149 : vector<16xi32>, vector<16xi1> -> vector<16xi32>
        %add3A_150 = vector.broadcast %while3A_128 : i32 to vector<16xi32>
        %add3A_151 = arith.addi %add3A_150, %masked_cumsum3A : vector<16xi32>
        %le3A = vector.broadcast %sub3A_113 : i32 to vector<16xi32>
        %le3A_152 = arith.cmpi sle, %add3A_151, %le3A : vector<16xi32>
        %and3A_153 = arith.andi %and3A_146, %le3A_152 : vector<16xi1>
        %gt3A = vector.broadcast %scan3A_111#1 : i32 to vector<16xi32>
        %gt3A_154 = arith.cmpi sgt, %and3A_138, %gt3A : vector<16xi32>
        %and3A_155 = arith.andi %gt3A_154, %lt3A_144 : vector<16xi1>
        %or3A = arith.ori %and3A_155, %and3A_153 : vector<16xi1>
        %bitcast_convert_type3A = tpu.bitcast %get3A_131 : vector<16xi32> -> vector<16xf32>
        %swap3A = arith.index_cast %while3A_127 : i32 to index
        %swap3A_156 = tpu.vector_load %arg13[%swap3A] masked %or3A {strides = array<i32>} : memref<1040xf32, #tpu.memory_space<vmem>>, vector<16xf32>, vector<16xi1>
        tpu.vector_store %arg13[%swap3A], %bitcast_convert_type3A masked %or3A {strides = array<i32>} : memref<1040xf32, #tpu.memory_space<vmem>>, vector<16xf32>, vector<16xi1>
        %swap3A_157 = arith.index_cast %while3A_127 : i32 to index
        %swap3A_158 = tpu.vector_load %arg14[%swap3A_157] masked %or3A {strides = array<i32>} : memref<1040xf32, #tpu.memory_space<vmem>>, vector<16xf32>, vector<16xi1>
        tpu.vector_store %arg14[%swap3A_157], %get3A_135 masked %or3A {strides = array<i32>} : memref<1040xf32, #tpu.memory_space<vmem>>, vector<16xf32>, vector<16xi1>
        %all_reduce_population_count3A = tpu.all_reduce %or3A {dim = 0 : i64, kind = #tpu.reduction_kind<sum>} : vector<16xi1> -> vector<16xi32>
        %slice3A = vector.extract_strided_slice %all_reduce_population_count3A {offsets = [0], sizes = [1], strides = [1]} : vector<16xi32> to vector<1xi32>
        %squeeze3A = vector.extract %slice3A[0] : i32 from vector<1xi32>
        %add3A_159 = arith.addi %while3A_127, %squeeze3A : i32
        %slice3A_160 = vector.extract_strided_slice %masked_cumsum3A {offsets = [15], sizes = [1], strides = [1]} : vector<16xi32> to vector<1xi32>
        %squeeze3A_161 = vector.extract %slice3A_160[0] : i32 from vector<1xi32>
        %add3A_162 = arith.addi %while3A_128, %squeeze3A_161 : i32
        scf.yield %add3A_159, %add3A_162 : i32, i32
      }
      %while3A_124 = arith.constant 1 : i32
      %while3A_125:2 = scf.for %while3A_126 = %while3A_121 to %while3A_117 step %while3A_124 iter_args(%while3A_127 = %while3A_123#0, %while3A_128 = %while3A_123#1) -> (i32, i32)  : i32 {
        %mul3A_129 = arith.constant 16 : i32
        %mul3A_130 = arith.muli %while3A_126, %mul3A_129 : i32
        %get3A = arith.index_cast %mul3A_130 : i32 to index
        %get3A_131 = tpu.vector_load %arg11[%get3A] {strides = array<i32>} : memref<8208xi32, #tpu.memory_space<vmem>>, vector<16xi32>,
        %mul3A_132 = arith.constant 16 : i32
        %mul3A_133 = arith.muli %while3A_126, %mul3A_132 : i32
        %get3A_134 = arith.index_cast %mul3A_133 : i32 to index
        %get3A_135 = tpu.vector_load %arg12[%get3A_134] {strides = array<i32>} : memref<8208xf32, #tpu.memory_space<vmem>>, vector<16xf32>,
        %and3A_136 = arith.constant 1023 : i32
        %and3A_137 = vector.broadcast %and3A_136 : i32 to vector<16xi32>
        %and3A_138 = arith.andi %get3A_131, %and3A_137 : vector<16xi32>
        %mul3A_139 = arith.constant 16 : i32
        %mul3A_140 = arith.muli %while3A_126, %mul3A_139 : i32
        %add3A_141 = vector.broadcast %mul3A_140 : i32 to vector<16xi32>
        %add3A_142 = arith.addi %add3A_141, %iota3A : vector<16xi32>
        %lt3A_143 = vector.broadcast %while3A_70#1 : i32 to vector<16xi32>
        %lt3A_144 = arith.cmpi slt, %add3A_142, %lt3A_143 : vector<16xi32>
        %eq3A = vector.broadcast %scan3A_111#1 : i32 to vector<16xi32>
        %eq3A_145 = arith.cmpi eq, %and3A_138, %eq3A : vector<16xi32>
        %and3A_146 = arith.andi %eq3A_145, %lt3A_144 : vector<16xi1>
        %convert_element_type3A_147 = arith.extui %and3A_146 : vector<16xi1> to vector<16xi32>
        %broadcast_in_dim3A_148 = arith.constant true
        %broadcast_in_dim3A_149 = vector.broadcast %broadcast_in_dim3A_148 : i1 to vector<16xi1>
        %masked_cumsum3A = tpu.scan <sum>, %convert_element_type3A_147 masked %broadcast_in_dim3A_149 : vector<16xi32>, vector<16xi1> -> vector<16xi32>
        %add3A_150 = vector.broadcast %while3A_128 : i32 to vector<16xi32>
        %add3A_151 = arith.addi %add3A_150, %masked_cumsum3A : vector<16xi32>
        %le3A = vector.broadcast %sub3A_113 : i32 to vector<16xi32>
        %le3A_152 = arith.cmpi sle, %add3A_151, %le3A : vector<16xi32>
        %and3A_153 = arith.andi %and3A_146, %le3A_152 : vector<16xi1>
        %gt3A = vector.broadcast %scan3A_111#1 : i32 to vector<16xi32>
        %gt3A_154 = arith.cmpi sgt, %and3A_138, %gt3A : vector<16xi32>
        %and3A_155 = arith.andi %gt3A_154, %lt3A_144 : vector<16xi1>
        %or3A = arith.ori %and3A_155, %and3A_153 : vector<16xi1>
        %bitcast_convert_type3A = tpu.bitcast %get3A_131 : vector<16xi32> -> vector<16xf32>
        %swap3A = arith.index_cast %while3A_127 : i32 to index
        %swap3A_156 = tpu.vector_load %arg13[%swap3A] masked %or3A {strides = array<i32>} : memref<1040xf32, #tpu.memory_space<vmem>>, vector<16xf32>, vector<16xi1>
        tpu.vector_store %arg13[%swap3A], %bitcast_convert_type3A masked %or3A {strides = array<i32>} : memref<1040xf32, #tpu.memory_space<vmem>>, vector<16xf32>, vector<16xi1>
        %swap3A_157 = arith.index_cast %while3A_127 : i32 to index
        %swap3A_158 = tpu.vector_load %arg14[%swap3A_157] masked %or3A {strides = array<i32>} : memref<1040xf32, #tpu.memory_space<vmem>>, vector<16xf32>, vector<16xi1>
        tpu.vector_store %arg14[%swap3A_157], %get3A_135 masked %or3A {strides = array<i32>} : memref<1040xf32, #tpu.memory_space<vmem>>, vector<16xf32>, vector<16xi1>
        %all_reduce_population_count3A = tpu.all_reduce %or3A {dim = 0 : i64, kind = #tpu.reduction_kind<sum>} : vector<16xi1> -> vector<16xi32>
        %slice3A = vector.extract_strided_slice %all_reduce_population_count3A {offsets = [0], sizes = [1], strides = [1]} : vector<16xi32> to vector<1xi32>
        %squeeze3A = vector.extract %slice3A[0] : i32 from vector<1xi32>
        %add3A_159 = arith.addi %while3A_127, %squeeze3A : i32
        %slice3A_160 = vector.extract_strided_slice %masked_cumsum3A {offsets = [15], sizes = [1], strides = [1]} : vector<16xi32> to vector<1xi32>
        %squeeze3A_161 = vector.extract %slice3A_160[0] : i32 from vector<1xi32>
        %add3A_162 = arith.addi %while3A_128, %squeeze3A_161 : i32
        scf.yield %add3A_159, %add3A_162 : i32, i32
      }
      "tpu.region"() ({
        %run_scoped3A = tpu.sem_alloc : memref<!tpu.dma_semaphore, #tpu.memory_space<semaphore_mem>>
        %dma_start3A = arith.constant 0 : i32
        %dma_start3A_126 = tpu.memref_slice %arg13[%dma_start3A] : memref<1040xf32, #tpu.memory_space<vmem>> -> memref<1024xf32, #tpu.memory_space<vmem>>
        %dma_start3A_127 = arith.constant 0 : i32
        %dma_start3A_128 = tpu.memref_slice %arg4[%add3A, %dma_start3A_127] : memref<8x1024xf32, #tpu.memory_space<hbm>> -> memref<1x1024xf32, #tpu.memory_space<hbm>>
        %dma_start3A_129 = tpu.memref_squeeze %dma_start3A_128 : memref<1x1024xf32, #tpu.memory_space<hbm>> -> memref<1024xf32, #tpu.memory_space<hbm>>
        %dma_start3A_130 = arith.constant 0 : i32
        %dma_start3A_131 = tpu.memref_slice %arg4[%add3A, %dma_start3A_130] : memref<8x1024xf32, #tpu.memory_space<hbm>> -> memref<1x1024xf32, #tpu.memory_space<hbm>>
        %dma_start3A_132 = tpu.memref_squeeze %dma_start3A_131 : memref<1x1024xf32, #tpu.memory_space<hbm>> -> memref<1024xf32, #tpu.memory_space<hbm>>
        %dma_start3A_133 = arith.constant 0 : i32
        %dma_start3A_134 = tpu.memref_slice %arg13[%dma_start3A_133] : memref<1040xf32, #tpu.memory_space<vmem>> -> memref<1024xf32, #tpu.memory_space<vmem>>
        tpu.enqueue_dma source(%dma_start3A_134 : memref<1024xf32, #tpu.memory_space<vmem>>) target(%dma_start3A_132 : memref<1024xf32, #tpu.memory_space<hbm>>) target_semaphore(%run_scoped3A : memref<!tpu.dma_semaphore, #tpu.memory_space<semaphore_mem>>)
        %dma_wait3A = arith.constant 0 : i32
        %dma_wait3A_135 = tpu.memref_slice %arg13[%dma_wait3A] : memref<1040xf32, #tpu.memory_space<vmem>> -> memref<1024xf32, #tpu.memory_space<vmem>>
        %dma_wait3A_136 = arith.constant 0 : i32
        %dma_wait3A_137 = tpu.memref_slice %arg4[%add3A, %dma_wait3A_136] : memref<8x1024xf32, #tpu.memory_space<hbm>> -> memref<1x1024xf32, #tpu.memory_space<hbm>>
        %dma_wait3A_138 = tpu.memref_squeeze %dma_wait3A_137 : memref<1x1024xf32, #tpu.memory_space<hbm>> -> memref<1024xf32, #tpu.memory_space<hbm>>
        %dma_wait3A_139 = arith.constant 0 : i32
        %dma_wait3A_140 = tpu.memref_slice %arg4[%add3A, %dma_wait3A_139] : memref<8x1024xf32, #tpu.memory_space<hbm>> -> memref<1x1024xf32, #tpu.memory_space<hbm>>
        %dma_wait3A_141 = tpu.memref_squeeze %dma_wait3A_140 : memref<1x1024xf32, #tpu.memory_space<hbm>> -> memref<1024xf32, #tpu.memory_space<hbm>>
        %dma_wait3A_142 = arith.constant 0 : i32
        %dma_wait3A_143 = tpu.memref_slice %arg13[%dma_wait3A_142] : memref<1040xf32, #tpu.memory_space<vmem>> -> memref<1024xf32, #tpu.memory_space<vmem>>
        tpu.wait_dma2 semaphore(%run_scoped3A : memref<!tpu.dma_semaphore, #tpu.memory_space<semaphore_mem>>) src(%dma_wait3A_143 : memref<1024xf32, #tpu.memory_space<vmem>>) dst(%dma_wait3A_141 : memref<1024xf32, #tpu.memory_space<hbm>>)
        tpu.yield
      }) : () -> ()
      "tpu.region"() ({
        %run_scoped3A = tpu.sem_alloc : memref<!tpu.dma_semaphore, #tpu.memory_space<semaphore_mem>>
        %dma_start3A = arith.constant 0 : i32
        %dma_start3A_126 = tpu.memref_slice %arg14[%dma_start3A] : memref<1040xf32, #tpu.memory_space<vmem>> -> memref<1024xf32, #tpu.memory_space<vmem>>
        %dma_start3A_127 = arith.constant 0 : i32
        %dma_start3A_128 = tpu.memref_slice %arg5[%add3A, %dma_start3A_127] : memref<8x1024xf32, #tpu.memory_space<hbm>> -> memref<1x1024xf32, #tpu.memory_space<hbm>>
        %dma_start3A_129 = tpu.memref_squeeze %dma_start3A_128 : memref<1x1024xf32, #tpu.memory_space<hbm>> -> memref<1024xf32, #tpu.memory_space<hbm>>
        %dma_start3A_130 = arith.constant 0 : i32
        %dma_start3A_131 = tpu.memref_slice %arg5[%add3A, %dma_start3A_130] : memref<8x1024xf32, #tpu.memory_space<hbm>> -> memref<1x1024xf32, #tpu.memory_space<hbm>>
        %dma_start3A_132 = tpu.memref_squeeze %dma_start3A_131 : memref<1x1024xf32, #tpu.memory_space<hbm>> -> memref<1024xf32, #tpu.memory_space<hbm>>
        %dma_start3A_133 = arith.constant 0 : i32
        %dma_start3A_134 = tpu.memref_slice %arg14[%dma_start3A_133] : memref<1040xf32, #tpu.memory_space<vmem>> -> memref<1024xf32, #tpu.memory_space<vmem>>
        tpu.enqueue_dma source(%dma_start3A_134 : memref<1024xf32, #tpu.memory_space<vmem>>) target(%dma_start3A_132 : memref<1024xf32, #tpu.memory_space<hbm>>) target_semaphore(%run_scoped3A : memref<!tpu.dma_semaphore, #tpu.memory_space<semaphore_mem>>)
        %dma_wait3A = arith.constant 0 : i32
        %dma_wait3A_135 = tpu.memref_slice %arg14[%dma_wait3A] : memref<1040xf32, #tpu.memory_space<vmem>> -> memref<1024xf32, #tpu.memory_space<vmem>>
        %dma_wait3A_136 = arith.constant 0 : i32
        %dma_wait3A_137 = tpu.memref_slice %arg5[%add3A, %dma_wait3A_136] : memref<8x1024xf32, #tpu.memory_space<hbm>> -> memref<1x1024xf32, #tpu.memory_space<hbm>>
        %dma_wait3A_138 = tpu.memref_squeeze %dma_wait3A_137 : memref<1x1024xf32, #tpu.memory_space<hbm>> -> memref<1024xf32, #tpu.memory_space<hbm>>
        %dma_wait3A_139 = arith.constant 0 : i32
        %dma_wait3A_140 = tpu.memref_slice %arg5[%add3A, %dma_wait3A_139] : memref<8x1024xf32, #tpu.memory_space<hbm>> -> memref<1x1024xf32, #tpu.memory_space<hbm>>
        %dma_wait3A_141 = tpu.memref_squeeze %dma_wait3A_140 : memref<1x1024xf32, #tpu.memory_space<hbm>> -> memref<1024xf32, #tpu.memory_space<hbm>>
        %dma_wait3A_142 = arith.constant 0 : i32
        %dma_wait3A_143 = tpu.memref_slice %arg14[%dma_wait3A_142] : memref<1040xf32, #tpu.memory_space<vmem>> -> memref<1024xf32, #tpu.memory_space<vmem>>
        tpu.wait_dma2 semaphore(%run_scoped3A : memref<!tpu.dma_semaphore, #tpu.memory_space<semaphore_mem>>) src(%dma_wait3A_143 : memref<1024xf32, #tpu.memory_space<vmem>>) dst(%dma_wait3A_141 : memref<1024xf32, #tpu.memory_space<hbm>>)
        tpu.yield
      }) : () -> ()
    } else {
    }
    return
  }
}

module attributes {stable_mosaic.version = 14 : i64} {
  func.func @_matmul_body(%arg0: i32, %arg1: memref<8x8192xf32, #tpu.memory_space<vmem>>, %arg2: memref<256x8192xf32, #tpu.memory_space<vmem>>, %arg3: memref<1x256xf32, #tpu.memory_space<vmem>>, %arg4: memref<8x8192xf32, #tpu.memory_space<vmem>>, %arg5: memref<8x8192xf32, #tpu.memory_space<vmem>>) attributes {dimension_semantics = [#tpu.dimension_semantics<arbitrary>], iteration_bounds = array<i64: 32>, scalar_prefetch = 0 : i64, scratch_operands = 1 : i64, tpu.core_type = #tpu.core_type<tc>, window_params = [{pipeline_mode = #tpu.pipeline_mode<synchronous>, transform_indices = @transform_0, window_bounds = array<i64: 8, 8192>}, {transform_indices = @transform_1, window_bounds = array<i64: 256, 8192>}, {transform_indices = @transform_2, window_bounds = array<i64: 1, 256>}, {pipeline_mode = #tpu.pipeline_mode<synchronous>, transform_indices = @transform_3, window_bounds = array<i64: 8, 8192>}]} {
    %get3A = arith.constant 0 : index
    %get3A_0 = arith.constant 0 : index
    %get3A_1 = vector.load %arg1[%get3A, %get3A_0] : memref<8x8192xf32, #tpu.memory_space<vmem>>, vector<8x8192xf32>
    %get3A_2 = arith.constant 0 : index
    %get3A_3 = arith.constant 0 : index
    %get3A_4 = vector.load %arg2[%get3A_2, %get3A_3] : memref<256x8192xf32, #tpu.memory_space<vmem>>, vector<256x8192xf32>
    %dot_general3A = arith.constant dense<0.000000e+00> : vector<8x256xf32>
    %dot_general3A_5 = tpu.matmul %get3A_1, %get3A_4, %dot_general3A {dimension_numbers = #tpu.dot_dimension_numbers<[1], [1], [0], [0], [0, 0, 1, 0], [], []>, transpose_lhs_hint = false} : vector<8x8192xf32>, vector<256x8192xf32>, vector<8x256xf32> -> vector<8x256xf32>
    %get3A_6 = arith.constant 0 : index
    %get3A_7 = arith.constant 0 : index
    %get3A_8 = vector.load %arg3[%get3A_6, %get3A_7] : memref<1x256xf32, #tpu.memory_space<vmem>>, vector<1x256xf32>
    %add3A = vector.broadcast %get3A_8 : vector<1x256xf32> to vector<8x256xf32>
    %add3A_9 = arith.addf %dot_general3A_5, %add3A : vector<8x256xf32>
    %mul3A = arith.constant 256 : i32
    %mul3A_10 = arith.muli %arg0, %mul3A : i32
    %swap3A = arith.constant 0 : index
    %swap3A_11 = arith.index_cast %mul3A_10 : i32 to index
    %swap3A_12 = vector.load %arg5[%swap3A, %swap3A_11] : memref<8x8192xf32, #tpu.memory_space<vmem>>, vector<8x256xf32>
    tpu.vector_store %arg5[%swap3A, %swap3A_11], %add3A_9 {strides = array<i32>} : memref<8x8192xf32, #tpu.memory_space<vmem>>, vector<8x256xf32>,
    %eq3A = arith.constant 31 : i32
    %eq3A_13 = arith.cmpi eq, %arg0, %eq3A : i32
    %convert_element_type3A = arith.extui %eq3A_13 : i1 to i32
    %cond3A = arith.constant 0 : i32
    %cond3A_14 = arith.cmpi ne, %convert_element_type3A, %cond3A : i32
    scf.if %cond3A_14 {
      %get3A_15 = arith.constant 0 : index
      %get3A_16 = arith.constant 0 : index
      %get3A_17 = vector.load %arg5[%get3A_15, %get3A_16] : memref<8x8192xf32, #tpu.memory_space<vmem>>, vector<8x8192xf32>
      %reduce_max3A = arith.constant dense<0xFF800000> : vector<8xf32>
      %reduce_max3A_18 = vector.multi_reduction <maximumf>, %get3A_17, %reduce_max3A [1] : vector<8x8192xf32> to vector<8xf32>
      %broadcast_in_dim3A = vector.shape_cast %reduce_max3A_18 : vector<8xf32> to vector<8x1xf32>
      %sub3A = vector.broadcast %broadcast_in_dim3A : vector<8x1xf32> to vector<8x8192xf32>
      %sub3A_19 = arith.subf %get3A_17, %sub3A : vector<8x8192xf32>
      %exp3A = math.exp %sub3A_19 : vector<8x8192xf32>
      %reduce_sum3A = arith.constant dense<0.000000e+00> : vector<8xf32>
      %reduce_sum3A_20 = vector.multi_reduction <add>, %exp3A, %reduce_sum3A [1] : vector<8x8192xf32> to vector<8xf32>
      %broadcast_in_dim3A_21 = vector.shape_cast %reduce_sum3A_20 : vector<8xf32> to vector<8x1xf32>
      %div3A = vector.broadcast %broadcast_in_dim3A_21 : vector<8x1xf32> to vector<8x8192xf32>
      %div3A_22 = arith.divf %exp3A, %div3A : vector<8x8192xf32>
      %swap3A_23 = arith.constant 0 : index
      %swap3A_24 = arith.constant 0 : index
      %swap3A_25 = vector.load %arg4[%swap3A_23, %swap3A_24] : memref<8x8192xf32, #tpu.memory_space<vmem>>, vector<8x8192xf32>
      tpu.vector_store %arg4[%swap3A_23, %swap3A_24], %div3A_22 {strides = array<i32>} : memref<8x8192xf32, #tpu.memory_space<vmem>>, vector<8x8192xf32>,
    } else {
    }
    return
  }
  func.func @transform_0(%arg0: i32) -> (i32, i32) {
    %c0_i32 = arith.constant 0 : i32
    %c0_i32_0 = arith.constant 0 : i32
    %c0_i32_1 = arith.constant 0 : i32
    return %c0_i32, %c0_i32_0 : i32, i32
  }
  func.func @transform_1(%arg0: i32) -> (i32, i32) {
    %c0_i32 = arith.constant 0 : i32
    %c0_i32_0 = arith.constant 0 : i32
    return %arg0, %c0_i32 : i32, i32
  }
  func.func @transform_2(%arg0: i32) -> (i32, i32) {
    %c0_i32 = arith.constant 0 : i32
    %c0_i32_0 = arith.constant 0 : i32
    return %c0_i32, %arg0 : i32, i32
  }
  func.func @transform_3(%arg0: i32) -> (i32, i32) {
    %c0_i32 = arith.constant 0 : i32
    %c0_i32_0 = arith.constant 0 : i32
    %c0_i32_1 = arith.constant 0 : i32
    return %c0_i32, %c0_i32_0 : i32, i32
  }
}

module attributes {stable_mosaic.version = 14 : i64} {
  func.func @_bitonic_body(%arg0: memref<8x1024xf32, #tpu.memory_space<vmem>>, %arg1: memref<8x1024xf32, #tpu.memory_space<vmem>>, %arg2: memref<8x1024xf32, #tpu.memory_space<vmem>>) attributes {dimension_semantics = [], scalar_prefetch = 0 : i64, scratch_operands = 0 : i64, tpu.core_type = #tpu.core_type<tc>} {
    %get3A = arith.constant 0 : index
    %get3A_0 = arith.constant 0 : index
    %get3A_1 = vector.load %arg0[%get3A, %get3A_0] : memref<8x1024xf32, #tpu.memory_space<vmem>>, vector<8x1024xf32>
    %get3A_2 = arith.constant 0 : index
    %get3A_3 = arith.constant 0 : index
    %get3A_4 = vector.load %arg1[%get3A_2, %get3A_3] : memref<8x1024xf32, #tpu.memory_space<vmem>>, vector<8x1024xf32>
    %iota3A = tpu.iota {dimensions = array<i32: 1>} : vector<8x1024xi32>
    %and3A = arith.constant 1 : i32
    %and3A_5 = vector.broadcast %and3A : i32 to vector<8x1024xi32>
    %and3A_6 = arith.andi %iota3A, %and3A_5 : vector<8x1024xi32>
    %ne3A = arith.constant 0 : i32
    %ne3A_7 = vector.broadcast %ne3A : i32 to vector<8x1024xi32>
    %ne3A_8 = arith.cmpi ne, %and3A_6, %ne3A_7 : vector<8x1024xi32>
    %slice3A = vector.extract_strided_slice %get3A_1 {offsets = [0, 1023], sizes = [8, 1], strides = [1, 1]} : vector<8x1024xf32> to vector<8x1xf32>
    %slice3A_9 = vector.extract_strided_slice %get3A_1 {offsets = [0, 0], sizes = [8, 1023], strides = [1, 1]} : vector<8x1024xf32> to vector<8x1023xf32>
    %concatenate3A = tpu.concatenate %slice3A, %slice3A_9 in 1 : vector<8x1xf32>, vector<8x1023xf32> -> vector<8x1024xf32>
    %slice3A_10 = vector.extract_strided_slice %get3A_1 {offsets = [0, 1], sizes = [8, 1023], strides = [1, 1]} : vector<8x1024xf32> to vector<8x1023xf32>
    %slice3A_11 = vector.extract_strided_slice %get3A_1 {offsets = [0, 0], sizes = [8, 1], strides = [1, 1]} : vector<8x1024xf32> to vector<8x1xf32>
    %concatenate3A_12 = tpu.concatenate %slice3A_10, %slice3A_11 in 1 : vector<8x1023xf32>, vector<8x1xf32> -> vector<8x1024xf32>
    %select_n3A = arith.select %ne3A_8, %concatenate3A, %concatenate3A_12 : vector<8x1024xi1>, vector<8x1024xf32>
    %slice3A_13 = vector.extract_strided_slice %get3A_4 {offsets = [0, 1023], sizes = [8, 1], strides = [1, 1]} : vector<8x1024xf32> to vector<8x1xf32>
    %slice3A_14 = vector.extract_strided_slice %get3A_4 {offsets = [0, 0], sizes = [8, 1023], strides = [1, 1]} : vector<8x1024xf32> to vector<8x1023xf32>
    %concatenate3A_15 = tpu.concatenate %slice3A_13, %slice3A_14 in 1 : vector<8x1xf32>, vector<8x1023xf32> -> vector<8x1024xf32>
    %slice3A_16 = vector.extract_strided_slice %get3A_4 {offsets = [0, 1], sizes = [8, 1023], strides = [1, 1]} : vector<8x1024xf32> to vector<8x1023xf32>
    %slice3A_17 = vector.extract_strided_slice %get3A_4 {offsets = [0, 0], sizes = [8, 1], strides = [1, 1]} : vector<8x1024xf32> to vector<8x1xf32>
    %concatenate3A_18 = tpu.concatenate %slice3A_16, %slice3A_17 in 1 : vector<8x1023xf32>, vector<8x1xf32> -> vector<8x1024xf32>
    %select_n3A_19 = arith.select %ne3A_8, %concatenate3A_15, %concatenate3A_18 : vector<8x1024xi1>, vector<8x1024xf32>
    %slice3A_20 = vector.extract_strided_slice %iota3A {offsets = [0, 1023], sizes = [8, 1], strides = [1, 1]} : vector<8x1024xi32> to vector<8x1xi32>
    %slice3A_21 = vector.extract_strided_slice %iota3A {offsets = [0, 0], sizes = [8, 1023], strides = [1, 1]} : vector<8x1024xi32> to vector<8x1023xi32>
    %concatenate3A_22 = tpu.concatenate %slice3A_20, %slice3A_21 in 1 : vector<8x1xi32>, vector<8x1023xi32> -> vector<8x1024xi32>
    %slice3A_23 = vector.extract_strided_slice %iota3A {offsets = [0, 1], sizes = [8, 1023], strides = [1, 1]} : vector<8x1024xi32> to vector<8x1023xi32>
    %slice3A_24 = vector.extract_strided_slice %iota3A {offsets = [0, 0], sizes = [8, 1], strides = [1, 1]} : vector<8x1024xi32> to vector<8x1xi32>
    %concatenate3A_25 = tpu.concatenate %slice3A_23, %slice3A_24 in 1 : vector<8x1023xi32>, vector<8x1xi32> -> vector<8x1024xi32>
    %select_n3A_26 = arith.select %ne3A_8, %concatenate3A_22, %concatenate3A_25 : vector<8x1024xi1>, vector<8x1024xi32>
    %gt3A = arith.cmpf ogt, %select_n3A, %get3A_1 : vector<8x1024xf32>
    %eq3A = arith.cmpf oeq, %select_n3A, %get3A_1 : vector<8x1024xf32>
    %lt3A = arith.cmpi slt, %select_n3A_26, %iota3A : vector<8x1024xi32>
    %and3A_27 = arith.andi %eq3A, %lt3A : vector<8x1024xi1>
    %or3A = arith.ori %gt3A, %and3A_27 : vector<8x1024xi1>
    %and3A_28 = arith.constant 2 : i32
    %and3A_29 = vector.broadcast %and3A_28 : i32 to vector<8x1024xi32>
    %and3A_30 = arith.andi %iota3A, %and3A_29 : vector<8x1024xi32>
    %eq3A_31 = arith.constant 0 : i32
    %eq3A_32 = vector.broadcast %eq3A_31 : i32 to vector<8x1024xi32>
    %eq3A_33 = arith.cmpi eq, %and3A_30, %eq3A_32 : vector<8x1024xi32>
    %not3A = arith.constant dense<true> : vector<8x1024xi1>
    %not3A_34 = arith.xori %ne3A_8, %not3A : vector<8x1024xi1>
    %eq3A_35 = arith.xori %not3A_34, %eq3A_33 : vector<8x1024xi1>
    %eq3A_36 = arith.constant dense<true> : vector<8x1024xi1>
    %eq3A_37 = arith.xori %eq3A_35, %eq3A_36 : vector<8x1024xi1>
    %eq3A_38 = arith.xori %eq3A_37, %or3A : vector<8x1024xi1>
    %eq3A_39 = arith.constant dense<true> : vector<8x1024xi1>
    %eq3A_40 = arith.xori %eq3A_38, %eq3A_39 : vector<8x1024xi1>
    %select_n3A_41 = arith.select %eq3A_40, %select_n3A, %get3A_1 : vector<8x1024xi1>, vector<8x1024xf32>
    %select_n3A_42 = arith.select %eq3A_40, %select_n3A_19, %get3A_4 : vector<8x1024xi1>, vector<8x1024xf32>
    %select_n3A_43 = arith.select %eq3A_40, %select_n3A_26, %iota3A : vector<8x1024xi1>, vector<8x1024xi32>
    %and3A_44 = arith.constant 2 : i32
    %and3A_45 = vector.broadcast %and3A_44 : i32 to vector<8x1024xi32>
    %and3A_46 = arith.andi %iota3A, %and3A_45 : vector<8x1024xi32>
    %ne3A_47 = arith.constant 0 : i32
    %ne3A_48 = vector.broadcast %ne3A_47 : i32 to vector<8x1024xi32>
    %ne3A_49 = arith.cmpi ne, %and3A_46, %ne3A_48 : vector<8x1024xi32>
    %slice3A_50 = vector.extract_strided_slice %select_n3A_41 {offsets = [0, 1022], sizes = [8, 2], strides = [1, 1]} : vector<8x1024xf32> to vector<8x2xf32>
    %slice3A_51 = vector.extract_strided_slice %select_n3A_41 {offsets = [0, 0], sizes = [8, 1022], strides = [1, 1]} : vector<8x1024xf32> to vector<8x1022xf32>
    %concatenate3A_52 = tpu.concatenate %slice3A_50, %slice3A_51 in 1 : vector<8x2xf32>, vector<8x1022xf32> -> vector<8x1024xf32>
    %slice3A_53 = vector.extract_strided_slice %select_n3A_41 {offsets = [0, 2], sizes = [8, 1022], strides = [1, 1]} : vector<8x1024xf32> to vector<8x1022xf32>
    %slice3A_54 = vector.extract_strided_slice %select_n3A_41 {offsets = [0, 0], sizes = [8, 2], strides = [1, 1]} : vector<8x1024xf32> to vector<8x2xf32>
    %concatenate3A_55 = tpu.concatenate %slice3A_53, %slice3A_54 in 1 : vector<8x1022xf32>, vector<8x2xf32> -> vector<8x1024xf32>
    %select_n3A_56 = arith.select %ne3A_49, %concatenate3A_52, %concatenate3A_55 : vector<8x1024xi1>, vector<8x1024xf32>
    %slice3A_57 = vector.extract_strided_slice %select_n3A_42 {offsets = [0, 1022], sizes = [8, 2], strides = [1, 1]} : vector<8x1024xf32> to vector<8x2xf32>
    %slice3A_58 = vector.extract_strided_slice %select_n3A_42 {offsets = [0, 0], sizes = [8, 1022], strides = [1, 1]} : vector<8x1024xf32> to vector<8x1022xf32>
    %concatenate3A_59 = tpu.concatenate %slice3A_57, %slice3A_58 in 1 : vector<8x2xf32>, vector<8x1022xf32> -> vector<8x1024xf32>
    %slice3A_60 = vector.extract_strided_slice %select_n3A_42 {offsets = [0, 2], sizes = [8, 1022], strides = [1, 1]} : vector<8x1024xf32> to vector<8x1022xf32>
    %slice3A_61 = vector.extract_strided_slice %select_n3A_42 {offsets = [0, 0], sizes = [8, 2], strides = [1, 1]} : vector<8x1024xf32> to vector<8x2xf32>
    %concatenate3A_62 = tpu.concatenate %slice3A_60, %slice3A_61 in 1 : vector<8x1022xf32>, vector<8x2xf32> -> vector<8x1024xf32>
    %select_n3A_63 = arith.select %ne3A_49, %concatenate3A_59, %concatenate3A_62 : vector<8x1024xi1>, vector<8x1024xf32>
    %slice3A_64 = vector.extract_strided_slice %select_n3A_43 {offsets = [0, 1022], sizes = [8, 2], strides = [1, 1]} : vector<8x1024xi32> to vector<8x2xi32>
    %slice3A_65 = vector.extract_strided_slice %select_n3A_43 {offsets = [0, 0], sizes = [8, 1022], strides = [1, 1]} : vector<8x1024xi32> to vector<8x1022xi32>
    %concatenate3A_66 = tpu.concatenate %slice3A_64, %slice3A_65 in 1 : vector<8x2xi32>, vector<8x1022xi32> -> vector<8x1024xi32>
    %slice3A_67 = vector.extract_strided_slice %select_n3A_43 {offsets = [0, 2], sizes = [8, 1022], strides = [1, 1]} : vector<8x1024xi32> to vector<8x1022xi32>
    %slice3A_68 = vector.extract_strided_slice %select_n3A_43 {offsets = [0, 0], sizes = [8, 2], strides = [1, 1]} : vector<8x1024xi32> to vector<8x2xi32>
    %concatenate3A_69 = tpu.concatenate %slice3A_67, %slice3A_68 in 1 : vector<8x1022xi32>, vector<8x2xi32> -> vector<8x1024xi32>
    %select_n3A_70 = arith.select %ne3A_49, %concatenate3A_66, %concatenate3A_69 : vector<8x1024xi1>, vector<8x1024xi32>
    %gt3A_71 = arith.cmpf ogt, %select_n3A_56, %select_n3A_41 : vector<8x1024xf32>
    %eq3A_72 = arith.cmpf oeq, %select_n3A_56, %select_n3A_41 : vector<8x1024xf32>
    %lt3A_73 = arith.cmpi slt, %select_n3A_70, %select_n3A_43 : vector<8x1024xi32>
    %and3A_74 = arith.andi %eq3A_72, %lt3A_73 : vector<8x1024xi1>
    %or3A_75 = arith.ori %gt3A_71, %and3A_74 : vector<8x1024xi1>
    %and3A_76 = arith.constant 4 : i32
    %and3A_77 = vector.broadcast %and3A_76 : i32 to vector<8x1024xi32>
    %and3A_78 = arith.andi %iota3A, %and3A_77 : vector<8x1024xi32>
    %eq3A_79 = arith.constant 0 : i32
    %eq3A_80 = vector.broadcast %eq3A_79 : i32 to vector<8x1024xi32>
    %eq3A_81 = arith.cmpi eq, %and3A_78, %eq3A_80 : vector<8x1024xi32>
    %not3A_82 = arith.constant dense<true> : vector<8x1024xi1>
    %not3A_83 = arith.xori %ne3A_49, %not3A_82 : vector<8x1024xi1>
    %eq3A_84 = arith.xori %not3A_83, %eq3A_81 : vector<8x1024xi1>
    %eq3A_85 = arith.constant dense<true> : vector<8x1024xi1>
    %eq3A_86 = arith.xori %eq3A_84, %eq3A_85 : vector<8x1024xi1>
    %eq3A_87 = arith.xori %eq3A_86, %or3A_75 : vector<8x1024xi1>
    %eq3A_88 = arith.constant dense<true> : vector<8x1024xi1>
    %eq3A_89 = arith.xori %eq3A_87, %eq3A_88 : vector<8x1024xi1>
    %select_n3A_90 = arith.select %eq3A_89, %select_n3A_56, %select_n3A_41 : vector<8x1024xi1>, vector<8x1024xf32>
    %select_n3A_91 = arith.select %eq3A_89, %select_n3A_63, %select_n3A_42 : vector<8x1024xi1>, vector<8x1024xf32>
    %select_n3A_92 = arith.select %eq3A_89, %select_n3A_70, %select_n3A_43 : vector<8x1024xi1>, vector<8x1024xi32>
    %and3A_93 = arith.constant 1 : i32
    %and3A_94 = vector.broadcast %and3A_93 : i32 to vector<8x1024xi32>
    %and3A_95 = arith.andi %iota3A, %and3A_94 : vector<8x1024xi32>
    %ne3A_96 = arith.constant 0 : i32
    %ne3A_97 = vector.broadcast %ne3A_96 : i32 to vector<8x1024xi32>
    %ne3A_98 = arith.cmpi ne, %and3A_95, %ne3A_97 : vector<8x1024xi32>
    %slice3A_99 = vector.extract_strided_slice %select_n3A_90 {offsets = [0, 1023], sizes = [8, 1], strides = [1, 1]} : vector<8x1024xf32> to vector<8x1xf32>
    %slice3A_100 = vector.extract_strided_slice %select_n3A_90 {offsets = [0, 0], sizes = [8, 1023], strides = [1, 1]} : vector<8x1024xf32> to vector<8x1023xf32>
    %concatenate3A_101 = tpu.concatenate %slice3A_99, %slice3A_100 in 1 : vector<8x1xf32>, vector<8x1023xf32> -> vector<8x1024xf32>
    %slice3A_102 = vector.extract_strided_slice %select_n3A_90 {offsets = [0, 1], sizes = [8, 1023], strides = [1, 1]} : vector<8x1024xf32> to vector<8x1023xf32>
    %slice3A_103 = vector.extract_strided_slice %select_n3A_90 {offsets = [0, 0], sizes = [8, 1], strides = [1, 1]} : vector<8x1024xf32> to vector<8x1xf32>
    %concatenate3A_104 = tpu.concatenate %slice3A_102, %slice3A_103 in 1 : vector<8x1023xf32>, vector<8x1xf32> -> vector<8x1024xf32>
    %select_n3A_105 = arith.select %ne3A_98, %concatenate3A_101, %concatenate3A_104 : vector<8x1024xi1>, vector<8x1024xf32>
    %slice3A_106 = vector.extract_strided_slice %select_n3A_91 {offsets = [0, 1023], sizes = [8, 1], strides = [1, 1]} : vector<8x1024xf32> to vector<8x1xf32>
    %slice3A_107 = vector.extract_strided_slice %select_n3A_91 {offsets = [0, 0], sizes = [8, 1023], strides = [1, 1]} : vector<8x1024xf32> to vector<8x1023xf32>
    %concatenate3A_108 = tpu.concatenate %slice3A_106, %slice3A_107 in 1 : vector<8x1xf32>, vector<8x1023xf32> -> vector<8x1024xf32>
    %slice3A_109 = vector.extract_strided_slice %select_n3A_91 {offsets = [0, 1], sizes = [8, 1023], strides = [1, 1]} : vector<8x1024xf32> to vector<8x1023xf32>
    %slice3A_110 = vector.extract_strided_slice %select_n3A_91 {offsets = [0, 0], sizes = [8, 1], strides = [1, 1]} : vector<8x1024xf32> to vector<8x1xf32>
    %concatenate3A_111 = tpu.concatenate %slice3A_109, %slice3A_110 in 1 : vector<8x1023xf32>, vector<8x1xf32> -> vector<8x1024xf32>
    %select_n3A_112 = arith.select %ne3A_98, %concatenate3A_108, %concatenate3A_111 : vector<8x1024xi1>, vector<8x1024xf32>
    %slice3A_113 = vector.extract_strided_slice %select_n3A_92 {offsets = [0, 1023], sizes = [8, 1], strides = [1, 1]} : vector<8x1024xi32> to vector<8x1xi32>
    %slice3A_114 = vector.extract_strided_slice %select_n3A_92 {offsets = [0, 0], sizes = [8, 1023], strides = [1, 1]} : vector<8x1024xi32> to vector<8x1023xi32>
    %concatenate3A_115 = tpu.concatenate %slice3A_113, %slice3A_114 in 1 : vector<8x1xi32>, vector<8x1023xi32> -> vector<8x1024xi32>
    %slice3A_116 = vector.extract_strided_slice %select_n3A_92 {offsets = [0, 1], sizes = [8, 1023], strides = [1, 1]} : vector<8x1024xi32> to vector<8x1023xi32>
    %slice3A_117 = vector.extract_strided_slice %select_n3A_92 {offsets = [0, 0], sizes = [8, 1], strides = [1, 1]} : vector<8x1024xi32> to vector<8x1xi32>
    %concatenate3A_118 = tpu.concatenate %slice3A_116, %slice3A_117 in 1 : vector<8x1023xi32>, vector<8x1xi32> -> vector<8x1024xi32>
    %select_n3A_119 = arith.select %ne3A_98, %concatenate3A_115, %concatenate3A_118 : vector<8x1024xi1>, vector<8x1024xi32>
    %gt3A_120 = arith.cmpf ogt, %select_n3A_105, %select_n3A_90 : vector<8x1024xf32>
    %eq3A_121 = arith.cmpf oeq, %select_n3A_105, %select_n3A_90 : vector<8x1024xf32>
    %lt3A_122 = arith.cmpi slt, %select_n3A_119, %select_n3A_92 : vector<8x1024xi32>
    %and3A_123 = arith.andi %eq3A_121, %lt3A_122 : vector<8x1024xi1>
    %or3A_124 = arith.ori %gt3A_120, %and3A_123 : vector<8x1024xi1>
    %and3A_125 = arith.constant 4 : i32
    %and3A_126 = vector.broadcast %and3A_125 : i32 to vector<8x1024xi32>
    %and3A_127 = arith.andi %iota3A, %and3A_126 : vector<8x1024xi32>
    %eq3A_128 = arith.constant 0 : i32
    %eq3A_129 = vector.broadcast %eq3A_128 : i32 to vector<8x1024xi32>
    %eq3A_130 = arith.cmpi eq, %and3A_127, %eq3A_129 : vector<8x1024xi32>
    %not3A_131 = arith.constant dense<true> : vector<8x1024xi1>
    %not3A_132 = arith.xori %ne3A_98, %not3A_131 : vector<8x1024xi1>
    %eq3A_133 = arith.xori %not3A_132, %eq3A_130 : vector<8x1024xi1>
    %eq3A_134 = arith.constant dense<true> : vector<8x1024xi1>
    %eq3A_135 = arith.xori %eq3A_133, %eq3A_134 : vector<8x1024xi1>
    %eq3A_136 = arith.xori %eq3A_135, %or3A_124 : vector<8x1024xi1>
    %eq3A_137 = arith.constant dense<true> : vector<8x1024xi1>
    %eq3A_138 = arith.xori %eq3A_136, %eq3A_137 : vector<8x1024xi1>
    %select_n3A_139 = arith.select %eq3A_138, %select_n3A_105, %select_n3A_90 : vector<8x1024xi1>, vector<8x1024xf32>
    %select_n3A_140 = arith.select %eq3A_138, %select_n3A_112, %select_n3A_91 : vector<8x1024xi1>, vector<8x1024xf32>
    %select_n3A_141 = arith.select %eq3A_138, %select_n3A_119, %select_n3A_92 : vector<8x1024xi1>, vector<8x1024xi32>
    %and3A_142 = arith.constant 4 : i32
    %and3A_143 = vector.broadcast %and3A_142 : i32 to vector<8x1024xi32>
    %and3A_144 = arith.andi %iota3A, %and3A_143 : vector<8x1024xi32>
    %ne3A_145 = arith.constant 0 : i32
    %ne3A_146 = vector.broadcast %ne3A_145 : i32 to vector<8x1024xi32>
    %ne3A_147 = arith.cmpi ne, %and3A_144, %ne3A_146 : vector<8x1024xi32>
    %slice3A_148 = vector.extract_strided_slice %select_n3A_139 {offsets = [0, 1020], sizes = [8, 4], strides = [1, 1]} : vector<8x1024xf32> to vector<8x4xf32>
    %slice3A_149 = vector.extract_strided_slice %select_n3A_139 {offsets = [0, 0], sizes = [8, 1020], strides = [1, 1]} : vector<8x1024xf32> to vector<8x1020xf32>
    %concatenate3A_150 = tpu.concatenate %slice3A_148, %slice3A_149 in 1 : vector<8x4xf32>, vector<8x1020xf32> -> vector<8x1024xf32>
    %slice3A_151 = vector.extract_strided_slice %select_n3A_139 {offsets = [0, 4], sizes = [8, 1020], strides = [1, 1]} : vector<8x1024xf32> to vector<8x1020xf32>
    %slice3A_152 = vector.extract_strided_slice %select_n3A_139 {offsets = [0, 0], sizes = [8, 4], strides = [1, 1]} : vector<8x1024xf32> to vector<8x4xf32>
    %concatenate3A_153 = tpu.concatenate %slice3A_151, %slice3A_152 in 1 : vector<8x1020xf32>, vector<8x4xf32> -> vector<8x1024xf32>
    %select_n3A_154 = arith.select %ne3A_147, %concatenate3A_150, %concatenate3A_153 : vector<8x1024xi1>, vector<8x1024xf32>
    %slice3A_155 = vector.extract_strided_slice %select_n3A_140 {offsets = [0, 1020], sizes = [8, 4], strides = [1, 1]} : vector<8x1024xf32> to vector<8x4xf32>
    %slice3A_156 = vector.extract_strided_slice %select_n3A_140 {offsets = [0, 0], sizes = [8, 1020], strides = [1, 1]} : vector<8x1024xf32> to vector<8x1020xf32>
    %concatenate3A_157 = tpu.concatenate %slice3A_155, %slice3A_156 in 1 : vector<8x4xf32>, vector<8x1020xf32> -> vector<8x1024xf32>
    %slice3A_158 = vector.extract_strided_slice %select_n3A_140 {offsets = [0, 4], sizes = [8, 1020], strides = [1, 1]} : vector<8x1024xf32> to vector<8x1020xf32>
    %slice3A_159 = vector.extract_strided_slice %select_n3A_140 {offsets = [0, 0], sizes = [8, 4], strides = [1, 1]} : vector<8x1024xf32> to vector<8x4xf32>
    %concatenate3A_160 = tpu.concatenate %slice3A_158, %slice3A_159 in 1 : vector<8x1020xf32>, vector<8x4xf32> -> vector<8x1024xf32>
    %select_n3A_161 = arith.select %ne3A_147, %concatenate3A_157, %concatenate3A_160 : vector<8x1024xi1>, vector<8x1024xf32>
    %slice3A_162 = vector.extract_strided_slice %select_n3A_141 {offsets = [0, 1020], sizes = [8, 4], strides = [1, 1]} : vector<8x1024xi32> to vector<8x4xi32>
    %slice3A_163 = vector.extract_strided_slice %select_n3A_141 {offsets = [0, 0], sizes = [8, 1020], strides = [1, 1]} : vector<8x1024xi32> to vector<8x1020xi32>
    %concatenate3A_164 = tpu.concatenate %slice3A_162, %slice3A_163 in 1 : vector<8x4xi32>, vector<8x1020xi32> -> vector<8x1024xi32>
    %slice3A_165 = vector.extract_strided_slice %select_n3A_141 {offsets = [0, 4], sizes = [8, 1020], strides = [1, 1]} : vector<8x1024xi32> to vector<8x1020xi32>
    %slice3A_166 = vector.extract_strided_slice %select_n3A_141 {offsets = [0, 0], sizes = [8, 4], strides = [1, 1]} : vector<8x1024xi32> to vector<8x4xi32>
    %concatenate3A_167 = tpu.concatenate %slice3A_165, %slice3A_166 in 1 : vector<8x1020xi32>, vector<8x4xi32> -> vector<8x1024xi32>
    %select_n3A_168 = arith.select %ne3A_147, %concatenate3A_164, %concatenate3A_167 : vector<8x1024xi1>, vector<8x1024xi32>
    %gt3A_169 = arith.cmpf ogt, %select_n3A_154, %select_n3A_139 : vector<8x1024xf32>
    %eq3A_170 = arith.cmpf oeq, %select_n3A_154, %select_n3A_139 : vector<8x1024xf32>
    %lt3A_171 = arith.cmpi slt, %select_n3A_168, %select_n3A_141 : vector<8x1024xi32>
    %and3A_172 = arith.andi %eq3A_170, %lt3A_171 : vector<8x1024xi1>
    %or3A_173 = arith.ori %gt3A_169, %and3A_172 : vector<8x1024xi1>
    %and3A_174 = arith.constant 8 : i32
    %and3A_175 = vector.broadcast %and3A_174 : i32 to vector<8x1024xi32>
    %and3A_176 = arith.andi %iota3A, %and3A_175 : vector<8x1024xi32>
    %eq3A_177 = arith.constant 0 : i32
    %eq3A_178 = vector.broadcast %eq3A_177 : i32 to vector<8x1024xi32>
    %eq3A_179 = arith.cmpi eq, %and3A_176, %eq3A_178 : vector<8x1024xi32>
    %not3A_180 = arith.constant dense<true> : vector<8x1024xi1>
    %not3A_181 = arith.xori %ne3A_147, %not3A_180 : vector<8x1024xi1>
    %eq3A_182 = arith.xori %not3A_181, %eq3A_179 : vector<8x1024xi1>
    %eq3A_183 = arith.constant dense<true> : vector<8x1024xi1>
    %eq3A_184 = arith.xori %eq3A_182, %eq3A_183 : vector<8x1024xi1>
    %eq3A_185 = arith.xori %eq3A_184, %or3A_173 : vector<8x1024xi1>
    %eq3A_186 = arith.constant dense<true> : vector<8x1024xi1>
    %eq3A_187 = arith.xori %eq3A_185, %eq3A_186 : vector<8x1024xi1>
    %select_n3A_188 = arith.select %eq3A_187, %select_n3A_154, %select_n3A_139 : vector<8x1024xi1>, vector<8x1024xf32>
    %select_n3A_189 = arith.select %eq3A_187, %select_n3A_161, %select_n3A_140 : vector<8x1024xi1>, vector<8x1024xf32>
    %select_n3A_190 = arith.select %eq3A_187, %select_n3A_168, %select_n3A_141 : vector<8x1024xi1>, vector<8x1024xi32>
    %and3A_191 = arith.constant 2 : i32
    %and3A_192 = vector.broadcast %and3A_191 : i32 to vector<8x1024xi32>
    %and3A_193 = arith.andi %iota3A, %and3A_192 : vector<8x1024xi32>
    %ne3A_194 = arith.constant 0 : i32
    %ne3A_195 = vector.broadcast %ne3A_194 : i32 to vector<8x1024xi32>
    %ne3A_196 = arith.cmpi ne, %and3A_193, %ne3A_195 : vector<8x1024xi32>
    %slice3A_197 = vector.extract_strided_slice %select_n3A_188 {offsets = [0, 1022], sizes = [8, 2], strides = [1, 1]} : vector<8x1024xf32> to vector<8x2xf32>
    %slice3A_198 = vector.extract_strided_slice %select_n3A_188 {offsets = [0, 0], sizes = [8, 1022], strides = [1, 1]} : vector<8x1024xf32> to vector<8x1022xf32>
    %concatenate3A_199 = tpu.concatenate %slice3A_197, %slice3A_198 in 1 : vector<8x2xf32>, vector<8x1022xf32> -> vector<8x1024xf32>
    %slice3A_200 = vector.extract_strided_slice %select_n3A_188 {offsets = [0, 2], sizes = [8, 1022], strides = [1, 1]} : vector<8x1024xf32> to vector<8x1022xf32>
    %slice3A_201 = vector.extract_strided_slice %select_n3A_188 {offsets = [0, 0], sizes = [8, 2], strides = [1, 1]} : vector<8x1024xf32> to vector<8x2xf32>
    %concatenate3A_202 = tpu.concatenate %slice3A_200, %slice3A_201 in 1 : vector<8x1022xf32>, vector<8x2xf32> -> vector<8x1024xf32>
    %select_n3A_203 = arith.select %ne3A_196, %concatenate3A_199, %concatenate3A_202 : vector<8x1024xi1>, vector<8x1024xf32>
    %slice3A_204 = vector.extract_strided_slice %select_n3A_189 {offsets = [0, 1022], sizes = [8, 2], strides = [1, 1]} : vector<8x1024xf32> to vector<8x2xf32>
    %slice3A_205 = vector.extract_strided_slice %select_n3A_189 {offsets = [0, 0], sizes = [8, 1022], strides = [1, 1]} : vector<8x1024xf32> to vector<8x1022xf32>
    %concatenate3A_206 = tpu.concatenate %slice3A_204, %slice3A_205 in 1 : vector<8x2xf32>, vector<8x1022xf32> -> vector<8x1024xf32>
    %slice3A_207 = vector.extract_strided_slice %select_n3A_189 {offsets = [0, 2], sizes = [8, 1022], strides = [1, 1]} : vector<8x1024xf32> to vector<8x1022xf32>
    %slice3A_208 = vector.extract_strided_slice %select_n3A_189 {offsets = [0, 0], sizes = [8, 2], strides = [1, 1]} : vector<8x1024xf32> to vector<8x2xf32>
    %concatenate3A_209 = tpu.concatenate %slice3A_207, %slice3A_208 in 1 : vector<8x1022xf32>, vector<8x2xf32> -> vector<8x1024xf32>
    %select_n3A_210 = arith.select %ne3A_196, %concatenate3A_206, %concatenate3A_209 : vector<8x1024xi1>, vector<8x1024xf32>
    %slice3A_211 = vector.extract_strided_slice %select_n3A_190 {offsets = [0, 1022], sizes = [8, 2], strides = [1, 1]} : vector<8x1024xi32> to vector<8x2xi32>
    %slice3A_212 = vector.extract_strided_slice %select_n3A_190 {offsets = [0, 0], sizes = [8, 1022], strides = [1, 1]} : vector<8x1024xi32> to vector<8x1022xi32>
    %concatenate3A_213 = tpu.concatenate %slice3A_211, %slice3A_212 in 1 : vector<8x2xi32>, vector<8x1022xi32> -> vector<8x1024xi32>
    %slice3A_214 = vector.extract_strided_slice %select_n3A_190 {offsets = [0, 2], sizes = [8, 1022], strides = [1, 1]} : vector<8x1024xi32> to vector<8x1022xi32>
    %slice3A_215 = vector.extract_strided_slice %select_n3A_190 {offsets = [0, 0], sizes = [8, 2], strides = [1, 1]} : vector<8x1024xi32> to vector<8x2xi32>
    %concatenate3A_216 = tpu.concatenate %slice3A_214, %slice3A_215 in 1 : vector<8x1022xi32>, vector<8x2xi32> -> vector<8x1024xi32>
    %select_n3A_217 = arith.select %ne3A_196, %concatenate3A_213, %concatenate3A_216 : vector<8x1024xi1>, vector<8x1024xi32>
    %gt3A_218 = arith.cmpf ogt, %select_n3A_203, %select_n3A_188 : vector<8x1024xf32>
    %eq3A_219 = arith.cmpf oeq, %select_n3A_203, %select_n3A_188 : vector<8x1024xf32>
    %lt3A_220 = arith.cmpi slt, %select_n3A_217, %select_n3A_190 : vector<8x1024xi32>
    %and3A_221 = arith.andi %eq3A_219, %lt3A_220 : vector<8x1024xi1>
    %or3A_222 = arith.ori %gt3A_218, %and3A_221 : vector<8x1024xi1>
    %and3A_223 = arith.constant 8 : i32
    %and3A_224 = vector.broadcast %and3A_223 : i32 to vector<8x1024xi32>
    %and3A_225 = arith.andi %iota3A, %and3A_224 : vector<8x1024xi32>
    %eq3A_226 = arith.constant 0 : i32
    %eq3A_227 = vector.broadcast %eq3A_226 : i32 to vector<8x1024xi32>
    %eq3A_228 = arith.cmpi eq, %and3A_225, %eq3A_227 : vector<8x1024xi32>
    %not3A_229 = arith.constant dense<true> : vector<8x1024xi1>
    %not3A_230 = arith.xori %ne3A_196, %not3A_229 : vector<8x1024xi1>
    %eq3A_231 = arith.xori %not3A_230, %eq3A_228 : vector<8x1024xi1>
    %eq3A_232 = arith.constant dense<true> : vector<8x1024xi1>
    %eq3A_233 = arith.xori %eq3A_231, %eq3A_232 : vector<8x1024xi1>
    %eq3A_234 = arith.xori %eq3A_233, %or3A_222 : vector<8x1024xi1>
    %eq3A_235 = arith.constant dense<true> : vector<8x1024xi1>
    %eq3A_236 = arith.xori %eq3A_234, %eq3A_235 : vector<8x1024xi1>
    %select_n3A_237 = arith.select %eq3A_236, %select_n3A_203, %select_n3A_188 : vector<8x1024xi1>, vector<8x1024xf32>
    %select_n3A_238 = arith.select %eq3A_236, %select_n3A_210, %select_n3A_189 : vector<8x1024xi1>, vector<8x1024xf32>
    %select_n3A_239 = arith.select %eq3A_236, %select_n3A_217, %select_n3A_190 : vector<8x1024xi1>, vector<8x1024xi32>
    %and3A_240 = arith.constant 1 : i32
    %and3A_241 = vector.broadcast %and3A_240 : i32 to vector<8x1024xi32>
    %and3A_242 = arith.andi %iota3A, %and3A_241 : vector<8x1024xi32>
    %ne3A_243 = arith.constant 0 : i32
    %ne3A_244 = vector.broadcast %ne3A_243 : i32 to vector<8x1024xi32>
    %ne3A_245 = arith.cmpi ne, %and3A_242, %ne3A_244 : vector<8x1024xi32>
    %slice3A_246 = vector.extract_strided_slice %select_n3A_237 {offsets = [0, 1023], sizes = [8, 1], strides = [1, 1]} : vector<8x1024xf32> to vector<8x1xf32>
    %slice3A_247 = vector.extract_strided_slice %select_n3A_237 {offsets = [0, 0], sizes = [8, 1023], strides = [1, 1]} : vector<8x1024xf32> to vector<8x1023xf32>
    %concatenate3A_248 = tpu.concatenate %slice3A_246, %slice3A_247 in 1 : vector<8x1xf32>, vector<8x1023xf32> -> vector<8x1024xf32>
    %slice3A_249 = vector.extract_strided_slice %select_n3A_237 {offsets = [0, 1], sizes = [8, 1023], strides = [1, 1]} : vector<8x1024xf32> to vector<8x1023xf32>
    %slice3A_250 = vector.extract_strided_slice %select_n3A_237 {offsets = [0, 0], sizes = [8, 1], strides = [1, 1]} : vector<8x1024xf32> to vector<8x1xf32>
    %concatenate3A_251 = tpu.concatenate %slice3A_249, %slice3A_250 in 1 : vector<8x1023xf32>, vector<8x1xf32> -> vector<8x1024xf32>
    %select_n3A_252 = arith.select %ne3A_245, %concatenate3A_248, %concatenate3A_251 : vector<8x1024xi1>, vector<8x1024xf32>
    %slice3A_253 = vector.extract_strided_slice %select_n3A_238 {offsets = [0, 1023], sizes = [8, 1], strides = [1, 1]} : vector<8x1024xf32> to vector<8x1xf32>
    %slice3A_254 = vector.extract_strided_slice %select_n3A_238 {offsets = [0, 0], sizes = [8, 1023], strides = [1, 1]} : vector<8x1024xf32> to vector<8x1023xf32>
    %concatenate3A_255 = tpu.concatenate %slice3A_253, %slice3A_254 in 1 : vector<8x1xf32>, vector<8x1023xf32> -> vector<8x1024xf32>
    %slice3A_256 = vector.extract_strided_slice %select_n3A_238 {offsets = [0, 1], sizes = [8, 1023], strides = [1, 1]} : vector<8x1024xf32> to vector<8x1023xf32>
    %slice3A_257 = vector.extract_strided_slice %select_n3A_238 {offsets = [0, 0], sizes = [8, 1], strides = [1, 1]} : vector<8x1024xf32> to vector<8x1xf32>
    %concatenate3A_258 = tpu.concatenate %slice3A_256, %slice3A_257 in 1 : vector<8x1023xf32>, vector<8x1xf32> -> vector<8x1024xf32>
    %select_n3A_259 = arith.select %ne3A_245, %concatenate3A_255, %concatenate3A_258 : vector<8x1024xi1>, vector<8x1024xf32>
    %slice3A_260 = vector.extract_strided_slice %select_n3A_239 {offsets = [0, 1023], sizes = [8, 1], strides = [1, 1]} : vector<8x1024xi32> to vector<8x1xi32>
    %slice3A_261 = vector.extract_strided_slice %select_n3A_239 {offsets = [0, 0], sizes = [8, 1023], strides = [1, 1]} : vector<8x1024xi32> to vector<8x1023xi32>
    %concatenate3A_262 = tpu.concatenate %slice3A_260, %slice3A_261 in 1 : vector<8x1xi32>, vector<8x1023xi32> -> vector<8x1024xi32>
    %slice3A_263 = vector.extract_strided_slice %select_n3A_239 {offsets = [0, 1], sizes = [8, 1023], strides = [1, 1]} : vector<8x1024xi32> to vector<8x1023xi32>
    %slice3A_264 = vector.extract_strided_slice %select_n3A_239 {offsets = [0, 0], sizes = [8, 1], strides = [1, 1]} : vector<8x1024xi32> to vector<8x1xi32>
    %concatenate3A_265 = tpu.concatenate %slice3A_263, %slice3A_264 in 1 : vector<8x1023xi32>, vector<8x1xi32> -> vector<8x1024xi32>
    %select_n3A_266 = arith.select %ne3A_245, %concatenate3A_262, %concatenate3A_265 : vector<8x1024xi1>, vector<8x1024xi32>
    %gt3A_267 = arith.cmpf ogt, %select_n3A_252, %select_n3A_237 : vector<8x1024xf32>
    %eq3A_268 = arith.cmpf oeq, %select_n3A_252, %select_n3A_237 : vector<8x1024xf32>
    %lt3A_269 = arith.cmpi slt, %select_n3A_266, %select_n3A_239 : vector<8x1024xi32>
    %and3A_270 = arith.andi %eq3A_268, %lt3A_269 : vector<8x1024xi1>
    %or3A_271 = arith.ori %gt3A_267, %and3A_270 : vector<8x1024xi1>
    %and3A_272 = arith.constant 8 : i32
    %and3A_273 = vector.broadcast %and3A_272 : i32 to vector<8x1024xi32>
    %and3A_274 = arith.andi %iota3A, %and3A_273 : vector<8x1024xi32>
    %eq3A_275 = arith.constant 0 : i32
    %eq3A_276 = vector.broadcast %eq3A_275 : i32 to vector<8x1024xi32>
    %eq3A_277 = arith.cmpi eq, %and3A_274, %eq3A_276 : vector<8x1024xi32>
    %not3A_278 = arith.constant dense<true> : vector<8x1024xi1>
    %not3A_279 = arith.xori %ne3A_245, %not3A_278 : vector<8x1024xi1>
    %eq3A_280 = arith.xori %not3A_279, %eq3A_277 : vector<8x1024xi1>
    %eq3A_281 = arith.constant dense<true> : vector<8x1024xi1>
    %eq3A_282 = arith.xori %eq3A_280, %eq3A_281 : vector<8x1024xi1>
    %eq3A_283 = arith.xori %eq3A_282, %or3A_271 : vector<8x1024xi1>
    %eq3A_284 = arith.constant dense<true> : vector<8x1024xi1>
    %eq3A_285 = arith.xori %eq3A_283, %eq3A_284 : vector<8x1024xi1>
    %select_n3A_286 = arith.select %eq3A_285, %select_n3A_252, %select_n3A_237 : vector<8x1024xi1>, vector<8x1024xf32>
    %select_n3A_287 = arith.select %eq3A_285, %select_n3A_259, %select_n3A_238 : vector<8x1024xi1>, vector<8x1024xf32>
    %select_n3A_288 = arith.select %eq3A_285, %select_n3A_266, %select_n3A_239 : vector<8x1024xi1>, vector<8x1024xi32>
    %and3A_289 = arith.constant 8 : i32
    %and3A_290 = vector.broadcast %and3A_289 : i32 to vector<8x1024xi32>
    %and3A_291 = arith.andi %iota3A, %and3A_290 : vector<8x1024xi32>
    %ne3A_292 = arith.constant 0 : i32
    %ne3A_293 = vector.broadcast %ne3A_292 : i32 to vector<8x1024xi32>
    %ne3A_294 = arith.cmpi ne, %and3A_291, %ne3A_293 : vector<8x1024xi32>
    %slice3A_295 = vector.extract_strided_slice %select_n3A_286 {offsets = [0, 1016], sizes = [8, 8], strides = [1, 1]} : vector<8x1024xf32> to vector<8x8xf32>
    %slice3A_296 = vector.extract_strided_slice %select_n3A_286 {offsets = [0, 0], sizes = [8, 1016], strides = [1, 1]} : vector<8x1024xf32> to vector<8x1016xf32>
    %concatenate3A_297 = tpu.concatenate %slice3A_295, %slice3A_296 in 1 : vector<8x8xf32>, vector<8x1016xf32> -> vector<8x1024xf32>
    %slice3A_298 = vector.extract_strided_slice %select_n3A_286 {offsets = [0, 8], sizes = [8, 1016], strides = [1, 1]} : vector<8x1024xf32> to vector<8x1016xf32>
    %slice3A_299 = vector.extract_strided_slice %select_n3A_286 {offsets = [0, 0], sizes = [8, 8], strides = [1, 1]} : vector<8x1024xf32> to vector<8x8xf32>
    %concatenate3A_300 = tpu.concatenate %slice3A_298, %slice3A_299 in 1 : vector<8x1016xf32>, vector<8x8xf32> -> vector<8x1024xf32>
    %select_n3A_301 = arith.select %ne3A_294, %concatenate3A_297, %concatenate3A_300 : vector<8x1024xi1>, vector<8x1024xf32>
    %slice3A_302 = vector.extract_strided_slice %select_n3A_287 {offsets = [0, 1016], sizes = [8, 8], strides = [1, 1]} : vector<8x1024xf32> to vector<8x8xf32>
    %slice3A_303 = vector.extract_strided_slice %select_n3A_287 {offsets = [0, 0], sizes = [8, 1016], strides = [1, 1]} : vector<8x1024xf32> to vector<8x1016xf32>
    %concatenate3A_304 = tpu.concatenate %slice3A_302, %slice3A_303 in 1 : vector<8x8xf32>, vector<8x1016xf32> -> vector<8x1024xf32>
    %slice3A_305 = vector.extract_strided_slice %select_n3A_287 {offsets = [0, 8], sizes = [8, 1016], strides = [1, 1]} : vector<8x1024xf32> to vector<8x1016xf32>
    %slice3A_306 = vector.extract_strided_slice %select_n3A_287 {offsets = [0, 0], sizes = [8, 8], strides = [1, 1]} : vector<8x1024xf32> to vector<8x8xf32>
    %concatenate3A_307 = tpu.concatenate %slice3A_305, %slice3A_306 in 1 : vector<8x1016xf32>, vector<8x8xf32> -> vector<8x1024xf32>
    %select_n3A_308 = arith.select %ne3A_294, %concatenate3A_304, %concatenate3A_307 : vector<8x1024xi1>, vector<8x1024xf32>
    %slice3A_309 = vector.extract_strided_slice %select_n3A_288 {offsets = [0, 1016], sizes = [8, 8], strides = [1, 1]} : vector<8x1024xi32> to vector<8x8xi32>
    %slice3A_310 = vector.extract_strided_slice %select_n3A_288 {offsets = [0, 0], sizes = [8, 1016], strides = [1, 1]} : vector<8x1024xi32> to vector<8x1016xi32>
    %concatenate3A_311 = tpu.concatenate %slice3A_309, %slice3A_310 in 1 : vector<8x8xi32>, vector<8x1016xi32> -> vector<8x1024xi32>
    %slice3A_312 = vector.extract_strided_slice %select_n3A_288 {offsets = [0, 8], sizes = [8, 1016], strides = [1, 1]} : vector<8x1024xi32> to vector<8x1016xi32>
    %slice3A_313 = vector.extract_strided_slice %select_n3A_288 {offsets = [0, 0], sizes = [8, 8], strides = [1, 1]} : vector<8x1024xi32> to vector<8x8xi32>
    %concatenate3A_314 = tpu.concatenate %slice3A_312, %slice3A_313 in 1 : vector<8x1016xi32>, vector<8x8xi32> -> vector<8x1024xi32>
    %select_n3A_315 = arith.select %ne3A_294, %concatenate3A_311, %concatenate3A_314 : vector<8x1024xi1>, vector<8x1024xi32>
    %gt3A_316 = arith.cmpf ogt, %select_n3A_301, %select_n3A_286 : vector<8x1024xf32>
    %eq3A_317 = arith.cmpf oeq, %select_n3A_301, %select_n3A_286 : vector<8x1024xf32>
    %lt3A_318 = arith.cmpi slt, %select_n3A_315, %select_n3A_288 : vector<8x1024xi32>
    %and3A_319 = arith.andi %eq3A_317, %lt3A_318 : vector<8x1024xi1>
    %or3A_320 = arith.ori %gt3A_316, %and3A_319 : vector<8x1024xi1>
    %and3A_321 = arith.constant 16 : i32
    %and3A_322 = vector.broadcast %and3A_321 : i32 to vector<8x1024xi32>
    %and3A_323 = arith.andi %iota3A, %and3A_322 : vector<8x1024xi32>
    %eq3A_324 = arith.constant 0 : i32
    %eq3A_325 = vector.broadcast %eq3A_324 : i32 to vector<8x1024xi32>
    %eq3A_326 = arith.cmpi eq, %and3A_323, %eq3A_325 : vector<8x1024xi32>
    %not3A_327 = arith.constant dense<true> : vector<8x1024xi1>
    %not3A_328 = arith.xori %ne3A_294, %not3A_327 : vector<8x1024xi1>
    %eq3A_329 = arith.xori %not3A_328, %eq3A_326 : vector<8x1024xi1>
    %eq3A_330 = arith.constant dense<true> : vector<8x1024xi1>
    %eq3A_331 = arith.xori %eq3A_329, %eq3A_330 : vector<8x1024xi1>
    %eq3A_332 = arith.xori %eq3A_331, %or3A_320 : vector<8x1024xi1>
    %eq3A_333 = arith.constant dense<true> : vector<8x1024xi1>
    %eq3A_334 = arith.xori %eq3A_332, %eq3A_333 : vector<8x1024xi1>
    %select_n3A_335 = arith.select %eq3A_334, %select_n3A_301, %select_n3A_286 : vector<8x1024xi1>, vector<8x1024xf32>
    %select_n3A_336 = arith.select %eq3A_334, %select_n3A_308, %select_n3A_287 : vector<8x1024xi1>, vector<8x1024xf32>
    %select_n3A_337 = arith.select %eq3A_334, %select_n3A_315, %select_n3A_288 : vector<8x1024xi1>, vector<8x1024xi32>
    %and3A_338 = arith.constant 4 : i32
    %and3A_339 = vector.broadcast %and3A_338 : i32 to vector<8x1024xi32>
    %and3A_340 = arith.andi %iota3A, %and3A_339 : vector<8x1024xi32>
    %ne3A_341 = arith.constant 0 : i32
    %ne3A_342 = vector.broadcast %ne3A_341 : i32 to vector<8x1024xi32>
    %ne3A_343 = arith.cmpi ne, %and3A_340, %ne3A_342 : vector<8x1024xi32>
    %slice3A_344 = vector.extract_strided_slice %select_n3A_335 {offsets = [0, 1020], sizes = [8, 4], strides = [1, 1]} : vector<8x1024xf32> to vector<8x4xf32>
    %slice3A_345 = vector.extract_strided_slice %select_n3A_335 {offsets = [0, 0], sizes = [8, 1020], strides = [1, 1]} : vector<8x1024xf32> to vector<8x1020xf32>
    %concatenate3A_346 = tpu.concatenate %slice3A_344, %slice3A_345 in 1 : vector<8x4xf32>, vector<8x1020xf32> -> vector<8x1024xf32>
    %slice3A_347 = vector.extract_strided_slice %select_n3A_335 {offsets = [0, 4], sizes = [8, 1020], strides = [1, 1]} : vector<8x1024xf32> to vector<8x1020xf32>
    %slice3A_348 = vector.extract_strided_slice %select_n3A_335 {offsets = [0, 0], sizes = [8, 4], strides = [1, 1]} : vector<8x1024xf32> to vector<8x4xf32>
    %concatenate3A_349 = tpu.concatenate %slice3A_347, %slice3A_348 in 1 : vector<8x1020xf32>, vector<8x4xf32> -> vector<8x1024xf32>
    %select_n3A_350 = arith.select %ne3A_343, %concatenate3A_346, %concatenate3A_349 : vector<8x1024xi1>, vector<8x1024xf32>
    %slice3A_351 = vector.extract_strided_slice %select_n3A_336 {offsets = [0, 1020], sizes = [8, 4], strides = [1, 1]} : vector<8x1024xf32> to vector<8x4xf32>
    %slice3A_352 = vector.extract_strided_slice %select_n3A_336 {offsets = [0, 0], sizes = [8, 1020], strides = [1, 1]} : vector<8x1024xf32> to vector<8x1020xf32>
    %concatenate3A_353 = tpu.concatenate %slice3A_351, %slice3A_352 in 1 : vector<8x4xf32>, vector<8x1020xf32> -> vector<8x1024xf32>
    %slice3A_354 = vector.extract_strided_slice %select_n3A_336 {offsets = [0, 4], sizes = [8, 1020], strides = [1, 1]} : vector<8x1024xf32> to vector<8x1020xf32>
    %slice3A_355 = vector.extract_strided_slice %select_n3A_336 {offsets = [0, 0], sizes = [8, 4], strides = [1, 1]} : vector<8x1024xf32> to vector<8x4xf32>
    %concatenate3A_356 = tpu.concatenate %slice3A_354, %slice3A_355 in 1 : vector<8x1020xf32>, vector<8x4xf32> -> vector<8x1024xf32>
    %select_n3A_357 = arith.select %ne3A_343, %concatenate3A_353, %concatenate3A_356 : vector<8x1024xi1>, vector<8x1024xf32>
    %slice3A_358 = vector.extract_strided_slice %select_n3A_337 {offsets = [0, 1020], sizes = [8, 4], strides = [1, 1]} : vector<8x1024xi32> to vector<8x4xi32>
    %slice3A_359 = vector.extract_strided_slice %select_n3A_337 {offsets = [0, 0], sizes = [8, 1020], strides = [1, 1]} : vector<8x1024xi32> to vector<8x1020xi32>
    %concatenate3A_360 = tpu.concatenate %slice3A_358, %slice3A_359 in 1 : vector<8x4xi32>, vector<8x1020xi32> -> vector<8x1024xi32>
    %slice3A_361 = vector.extract_strided_slice %select_n3A_337 {offsets = [0, 4], sizes = [8, 1020], strides = [1, 1]} : vector<8x1024xi32> to vector<8x1020xi32>
    %slice3A_362 = vector.extract_strided_slice %select_n3A_337 {offsets = [0, 0], sizes = [8, 4], strides = [1, 1]} : vector<8x1024xi32> to vector<8x4xi32>
    %concatenate3A_363 = tpu.concatenate %slice3A_361, %slice3A_362 in 1 : vector<8x1020xi32>, vector<8x4xi32> -> vector<8x1024xi32>
    %select_n3A_364 = arith.select %ne3A_343, %concatenate3A_360, %concatenate3A_363 : vector<8x1024xi1>, vector<8x1024xi32>
    %gt3A_365 = arith.cmpf ogt, %select_n3A_350, %select_n3A_335 : vector<8x1024xf32>
    %eq3A_366 = arith.cmpf oeq, %select_n3A_350, %select_n3A_335 : vector<8x1024xf32>
    %lt3A_367 = arith.cmpi slt, %select_n3A_364, %select_n3A_337 : vector<8x1024xi32>
    %and3A_368 = arith.andi %eq3A_366, %lt3A_367 : vector<8x1024xi1>
    %or3A_369 = arith.ori %gt3A_365, %and3A_368 : vector<8x1024xi1>
    %and3A_370 = arith.constant 16 : i32
    %and3A_371 = vector.broadcast %and3A_370 : i32 to vector<8x1024xi32>
    %and3A_372 = arith.andi %iota3A, %and3A_371 : vector<8x1024xi32>
    %eq3A_373 = arith.constant 0 : i32
    %eq3A_374 = vector.broadcast %eq3A_373 : i32 to vector<8x1024xi32>
    %eq3A_375 = arith.cmpi eq, %and3A_372, %eq3A_374 : vector<8x1024xi32>
    %not3A_376 = arith.constant dense<true> : vector<8x1024xi1>
    %not3A_377 = arith.xori %ne3A_343, %not3A_376 : vector<8x1024xi1>
    %eq3A_378 = arith.xori %not3A_377, %eq3A_375 : vector<8x1024xi1>
    %eq3A_379 = arith.constant dense<true> : vector<8x1024xi1>
    %eq3A_380 = arith.xori %eq3A_378, %eq3A_379 : vector<8x1024xi1>
    %eq3A_381 = arith.xori %eq3A_380, %or3A_369 : vector<8x1024xi1>
    %eq3A_382 = arith.constant dense<true> : vector<8x1024xi1>
    %eq3A_383 = arith.xori %eq3A_381, %eq3A_382 : vector<8x1024xi1>
    %select_n3A_384 = arith.select %eq3A_383, %select_n3A_350, %select_n3A_335 : vector<8x1024xi1>, vector<8x1024xf32>
    %select_n3A_385 = arith.select %eq3A_383, %select_n3A_357, %select_n3A_336 : vector<8x1024xi1>, vector<8x1024xf32>
    %select_n3A_386 = arith.select %eq3A_383, %select_n3A_364, %select_n3A_337 : vector<8x1024xi1>, vector<8x1024xi32>
    %and3A_387 = arith.constant 2 : i32
    %and3A_388 = vector.broadcast %and3A_387 : i32 to vector<8x1024xi32>
    %and3A_389 = arith.andi %iota3A, %and3A_388 : vector<8x1024xi32>
    %ne3A_390 = arith.constant 0 : i32
    %ne3A_391 = vector.broadcast %ne3A_390 : i32 to vector<8x1024xi32>
    %ne3A_392 = arith.cmpi ne, %and3A_389, %ne3A_391 : vector<8x1024xi32>
    %slice3A_393 = vector.extract_strided_slice %select_n3A_384 {offsets = [0, 1022], sizes = [8, 2], strides = [1, 1]} : vector<8x1024xf32> to vector<8x2xf32>
    %slice3A_394 = vector.extract_strided_slice %select_n3A_384 {offsets = [0, 0], sizes = [8, 1022], strides = [1, 1]} : vector<8x1024xf32> to vector<8x1022xf32>
    %concatenate3A_395 = tpu.concatenate %slice3A_393, %slice3A_394 in 1 : vector<8x2xf32>, vector<8x1022xf32> -> vector<8x1024xf32>
    %slice3A_396 = vector.extract_strided_slice %select_n3A_384 {offsets = [0, 2], sizes = [8, 1022], strides = [1, 1]} : vector<8x1024xf32> to vector<8x1022xf32>
    %slice3A_397 = vector.extract_strided_slice %select_n3A_384 {offsets = [0, 0], sizes = [8, 2], strides = [1, 1]} : vector<8x1024xf32> to vector<8x2xf32>
    %concatenate3A_398 = tpu.concatenate %slice3A_396, %slice3A_397 in 1 : vector<8x1022xf32>, vector<8x2xf32> -> vector<8x1024xf32>
    %select_n3A_399 = arith.select %ne3A_392, %concatenate3A_395, %concatenate3A_398 : vector<8x1024xi1>, vector<8x1024xf32>
    %slice3A_400 = vector.extract_strided_slice %select_n3A_385 {offsets = [0, 1022], sizes = [8, 2], strides = [1, 1]} : vector<8x1024xf32> to vector<8x2xf32>
    %slice3A_401 = vector.extract_strided_slice %select_n3A_385 {offsets = [0, 0], sizes = [8, 1022], strides = [1, 1]} : vector<8x1024xf32> to vector<8x1022xf32>
    %concatenate3A_402 = tpu.concatenate %slice3A_400, %slice3A_401 in 1 : vector<8x2xf32>, vector<8x1022xf32> -> vector<8x1024xf32>
    %slice3A_403 = vector.extract_strided_slice %select_n3A_385 {offsets = [0, 2], sizes = [8, 1022], strides = [1, 1]} : vector<8x1024xf32> to vector<8x1022xf32>
    %slice3A_404 = vector.extract_strided_slice %select_n3A_385 {offsets = [0, 0], sizes = [8, 2], strides = [1, 1]} : vector<8x1024xf32> to vector<8x2xf32>
    %concatenate3A_405 = tpu.concatenate %slice3A_403, %slice3A_404 in 1 : vector<8x1022xf32>, vector<8x2xf32> -> vector<8x1024xf32>
    %select_n3A_406 = arith.select %ne3A_392, %concatenate3A_402, %concatenate3A_405 : vector<8x1024xi1>, vector<8x1024xf32>
    %slice3A_407 = vector.extract_strided_slice %select_n3A_386 {offsets = [0, 1022], sizes = [8, 2], strides = [1, 1]} : vector<8x1024xi32> to vector<8x2xi32>
    %slice3A_408 = vector.extract_strided_slice %select_n3A_386 {offsets = [0, 0], sizes = [8, 1022], strides = [1, 1]} : vector<8x1024xi32> to vector<8x1022xi32>
    %concatenate3A_409 = tpu.concatenate %slice3A_407, %slice3A_408 in 1 : vector<8x2xi32>, vector<8x1022xi32> -> vector<8x1024xi32>
    %slice3A_410 = vector.extract_strided_slice %select_n3A_386 {offsets = [0, 2], sizes = [8, 1022], strides = [1, 1]} : vector<8x1024xi32> to vector<8x1022xi32>
    %slice3A_411 = vector.extract_strided_slice %select_n3A_386 {offsets = [0, 0], sizes = [8, 2], strides = [1, 1]} : vector<8x1024xi32> to vector<8x2xi32>
    %concatenate3A_412 = tpu.concatenate %slice3A_410, %slice3A_411 in 1 : vector<8x1022xi32>, vector<8x2xi32> -> vector<8x1024xi32>
    %select_n3A_413 = arith.select %ne3A_392, %concatenate3A_409, %concatenate3A_412 : vector<8x1024xi1>, vector<8x1024xi32>
    %gt3A_414 = arith.cmpf ogt, %select_n3A_399, %select_n3A_384 : vector<8x1024xf32>
    %eq3A_415 = arith.cmpf oeq, %select_n3A_399, %select_n3A_384 : vector<8x1024xf32>
    %lt3A_416 = arith.cmpi slt, %select_n3A_413, %select_n3A_386 : vector<8x1024xi32>
    %and3A_417 = arith.andi %eq3A_415, %lt3A_416 : vector<8x1024xi1>
    %or3A_418 = arith.ori %gt3A_414, %and3A_417 : vector<8x1024xi1>
    %and3A_419 = arith.constant 16 : i32
    %and3A_420 = vector.broadcast %and3A_419 : i32 to vector<8x1024xi32>
    %and3A_421 = arith.andi %iota3A, %and3A_420 : vector<8x1024xi32>
    %eq3A_422 = arith.constant 0 : i32
    %eq3A_423 = vector.broadcast %eq3A_422 : i32 to vector<8x1024xi32>
    %eq3A_424 = arith.cmpi eq, %and3A_421, %eq3A_423 : vector<8x1024xi32>
    %not3A_425 = arith.constant dense<true> : vector<8x1024xi1>
    %not3A_426 = arith.xori %ne3A_392, %not3A_425 : vector<8x1024xi1>
    %eq3A_427 = arith.xori %not3A_426, %eq3A_424 : vector<8x1024xi1>
    %eq3A_428 = arith.constant dense<true> : vector<8x1024xi1>
    %eq3A_429 = arith.xori %eq3A_427, %eq3A_428 : vector<8x1024xi1>
    %eq3A_430 = arith.xori %eq3A_429, %or3A_418 : vector<8x1024xi1>
    %eq3A_431 = arith.constant dense<true> : vector<8x1024xi1>
    %eq3A_432 = arith.xori %eq3A_430, %eq3A_431 : vector<8x1024xi1>
    %select_n3A_433 = arith.select %eq3A_432, %select_n3A_399, %select_n3A_384 : vector<8x1024xi1>, vector<8x1024xf32>
    %select_n3A_434 = arith.select %eq3A_432, %select_n3A_406, %select_n3A_385 : vector<8x1024xi1>, vector<8x1024xf32>
    %select_n3A_435 = arith.select %eq3A_432, %select_n3A_413, %select_n3A_386 : vector<8x1024xi1>, vector<8x1024xi32>
    %and3A_436 = arith.constant 1 : i32
    %and3A_437 = vector.broadcast %and3A_436 : i32 to vector<8x1024xi32>
    %and3A_438 = arith.andi %iota3A, %and3A_437 : vector<8x1024xi32>
    %ne3A_439 = arith.constant 0 : i32
    %ne3A_440 = vector.broadcast %ne3A_439 : i32 to vector<8x1024xi32>
    %ne3A_441 = arith.cmpi ne, %and3A_438, %ne3A_440 : vector<8x1024xi32>
    %slice3A_442 = vector.extract_strided_slice %select_n3A_433 {offsets = [0, 1023], sizes = [8, 1], strides = [1, 1]} : vector<8x1024xf32> to vector<8x1xf32>
    %slice3A_443 = vector.extract_strided_slice %select_n3A_433 {offsets = [0, 0], sizes = [8, 1023], strides = [1, 1]} : vector<8x1024xf32> to vector<8x1023xf32>
    %concatenate3A_444 = tpu.concatenate %slice3A_442, %slice3A_443 in 1 : vector<8x1xf32>, vector<8x1023xf32> -> vector<8x1024xf32>
    %slice3A_445 = vector.extract_strided_slice %select_n3A_433 {offsets = [0, 1], sizes = [8, 1023], strides = [1, 1]} : vector<8x1024xf32> to vector<8x1023xf32>
    %slice3A_446 = vector.extract_strided_slice %select_n3A_433 {offsets = [0, 0], sizes = [8, 1], strides = [1, 1]} : vector<8x1024xf32> to vector<8x1xf32>
    %concatenate3A_447 = tpu.concatenate %slice3A_445, %slice3A_446 in 1 : vector<8x1023xf32>, vector<8x1xf32> -> vector<8x1024xf32>
    %select_n3A_448 = arith.select %ne3A_441, %concatenate3A_444, %concatenate3A_447 : vector<8x1024xi1>, vector<8x1024xf32>
    %slice3A_449 = vector.extract_strided_slice %select_n3A_434 {offsets = [0, 1023], sizes = [8, 1], strides = [1, 1]} : vector<8x1024xf32> to vector<8x1xf32>
    %slice3A_450 = vector.extract_strided_slice %select_n3A_434 {offsets = [0, 0], sizes = [8, 1023], strides = [1, 1]} : vector<8x1024xf32> to vector<8x1023xf32>
    %concatenate3A_451 = tpu.concatenate %slice3A_449, %slice3A_450 in 1 : vector<8x1xf32>, vector<8x1023xf32> -> vector<8x1024xf32>
    %slice3A_452 = vector.extract_strided_slice %select_n3A_434 {offsets = [0, 1], sizes = [8, 1023], strides = [1, 1]} : vector<8x1024xf32> to vector<8x1023xf32>
    %slice3A_453 = vector.extract_strided_slice %select_n3A_434 {offsets = [0, 0], sizes = [8, 1], strides = [1, 1]} : vector<8x1024xf32> to vector<8x1xf32>
    %concatenate3A_454 = tpu.concatenate %slice3A_452, %slice3A_453 in 1 : vector<8x1023xf32>, vector<8x1xf32> -> vector<8x1024xf32>
    %select_n3A_455 = arith.select %ne3A_441, %concatenate3A_451, %concatenate3A_454 : vector<8x1024xi1>, vector<8x1024xf32>
    %slice3A_456 = vector.extract_strided_slice %select_n3A_435 {offsets = [0, 1023], sizes = [8, 1], strides = [1, 1]} : vector<8x1024xi32> to vector<8x1xi32>
    %slice3A_457 = vector.extract_strided_slice %select_n3A_435 {offsets = [0, 0], sizes = [8, 1023], strides = [1, 1]} : vector<8x1024xi32> to vector<8x1023xi32>
    %concatenate3A_458 = tpu.concatenate %slice3A_456, %slice3A_457 in 1 : vector<8x1xi32>, vector<8x1023xi32> -> vector<8x1024xi32>
    %slice3A_459 = vector.extract_strided_slice %select_n3A_435 {offsets = [0, 1], sizes = [8, 1023], strides = [1, 1]} : vector<8x1024xi32> to vector<8x1023xi32>
    %slice3A_460 = vector.extract_strided_slice %select_n3A_435 {offsets = [0, 0], sizes = [8, 1], strides = [1, 1]} : vector<8x1024xi32> to vector<8x1xi32>
    %concatenate3A_461 = tpu.concatenate %slice3A_459, %slice3A_460 in 1 : vector<8x1023xi32>, vector<8x1xi32> -> vector<8x1024xi32>
    %select_n3A_462 = arith.select %ne3A_441, %concatenate3A_458, %concatenate3A_461 : vector<8x1024xi1>, vector<8x1024xi32>
    %gt3A_463 = arith.cmpf ogt, %select_n3A_448, %select_n3A_433 : vector<8x1024xf32>
    %eq3A_464 = arith.cmpf oeq, %select_n3A_448, %select_n3A_433 : vector<8x1024xf32>
    %lt3A_465 = arith.cmpi slt, %select_n3A_462, %select_n3A_435 : vector<8x1024xi32>
    %and3A_466 = arith.andi %eq3A_464, %lt3A_465 : vector<8x1024xi1>
    %or3A_467 = arith.ori %gt3A_463, %and3A_466 : vector<8x1024xi1>
    %and3A_468 = arith.constant 16 : i32
    %and3A_469 = vector.broadcast %and3A_468 : i32 to vector<8x1024xi32>
    %and3A_470 = arith.andi %iota3A, %and3A_469 : vector<8x1024xi32>
    %eq3A_471 = arith.constant 0 : i32
    %eq3A_472 = vector.broadcast %eq3A_471 : i32 to vector<8x1024xi32>
    %eq3A_473 = arith.cmpi eq, %and3A_470, %eq3A_472 : vector<8x1024xi32>
    %not3A_474 = arith.constant dense<true> : vector<8x1024xi1>
    %not3A_475 = arith.xori %ne3A_441, %not3A_474 : vector<8x1024xi1>
    %eq3A_476 = arith.xori %not3A_475, %eq3A_473 : vector<8x1024xi1>
    %eq3A_477 = arith.constant dense<true> : vector<8x1024xi1>
    %eq3A_478 = arith.xori %eq3A_476, %eq3A_477 : vector<8x1024xi1>
    %eq3A_479 = arith.xori %eq3A_478, %or3A_467 : vector<8x1024xi1>
    %eq3A_480 = arith.constant dense<true> : vector<8x1024xi1>
    %eq3A_481 = arith.xori %eq3A_479, %eq3A_480 : vector<8x1024xi1>
    %select_n3A_482 = arith.select %eq3A_481, %select_n3A_448, %select_n3A_433 : vector<8x1024xi1>, vector<8x1024xf32>
    %select_n3A_483 = arith.select %eq3A_481, %select_n3A_455, %select_n3A_434 : vector<8x1024xi1>, vector<8x1024xf32>
    %select_n3A_484 = arith.select %eq3A_481, %select_n3A_462, %select_n3A_435 : vector<8x1024xi1>, vector<8x1024xi32>
    %and3A_485 = arith.constant 16 : i32
    %and3A_486 = vector.broadcast %and3A_485 : i32 to vector<8x1024xi32>
    %and3A_487 = arith.andi %iota3A, %and3A_486 : vector<8x1024xi32>
    %ne3A_488 = arith.constant 0 : i32
    %ne3A_489 = vector.broadcast %ne3A_488 : i32 to vector<8x1024xi32>
    %ne3A_490 = arith.cmpi ne, %and3A_487, %ne3A_489 : vector<8x1024xi32>
    %slice3A_491 = vector.extract_strided_slice %select_n3A_482 {offsets = [0, 1008], sizes = [8, 16], strides = [1, 1]} : vector<8x1024xf32> to vector<8x16xf32>
    %slice3A_492 = vector.extract_strided_slice %select_n3A_482 {offsets = [0, 0], sizes = [8, 1008], strides = [1, 1]} : vector<8x1024xf32> to vector<8x1008xf32>
    %concatenate3A_493 = tpu.concatenate %slice3A_491, %slice3A_492 in 1 : vector<8x16xf32>, vector<8x1008xf32> -> vector<8x1024xf32>
    %slice3A_494 = vector.extract_strided_slice %select_n3A_482 {offsets = [0, 16], sizes = [8, 1008], strides = [1, 1]} : vector<8x1024xf32> to vector<8x1008xf32>
    %slice3A_495 = vector.extract_strided_slice %select_n3A_482 {offsets = [0, 0], sizes = [8, 16], strides = [1, 1]} : vector<8x1024xf32> to vector<8x16xf32>
    %concatenate3A_496 = tpu.concatenate %slice3A_494, %slice3A_495 in 1 : vector<8x1008xf32>, vector<8x16xf32> -> vector<8x1024xf32>
    %select_n3A_497 = arith.select %ne3A_490, %concatenate3A_493, %concatenate3A_496 : vector<8x1024xi1>, vector<8x1024xf32>
    %slice3A_498 = vector.extract_strided_slice %select_n3A_483 {offsets = [0, 1008], sizes = [8, 16], strides = [1, 1]} : vector<8x1024xf32> to vector<8x16xf32>
    %slice3A_499 = vector.extract_strided_slice %select_n3A_483 {offsets = [0, 0], sizes = [8, 1008], strides = [1, 1]} : vector<8x1024xf32> to vector<8x1008xf32>
    %concatenate3A_500 = tpu.concatenate %slice3A_498, %slice3A_499 in 1 : vector<8x16xf32>, vector<8x1008xf32> -> vector<8x1024xf32>
    %slice3A_501 = vector.extract_strided_slice %select_n3A_483 {offsets = [0, 16], sizes = [8, 1008], strides = [1, 1]} : vector<8x1024xf32> to vector<8x1008xf32>
    %slice3A_502 = vector.extract_strided_slice %select_n3A_483 {offsets = [0, 0], sizes = [8, 16], strides = [1, 1]} : vector<8x1024xf32> to vector<8x16xf32>
    %concatenate3A_503 = tpu.concatenate %slice3A_501, %slice3A_502 in 1 : vector<8x1008xf32>, vector<8x16xf32> -> vector<8x1024xf32>
    %select_n3A_504 = arith.select %ne3A_490, %concatenate3A_500, %concatenate3A_503 : vector<8x1024xi1>, vector<8x1024xf32>
    %slice3A_505 = vector.extract_strided_slice %select_n3A_484 {offsets = [0, 1008], sizes = [8, 16], strides = [1, 1]} : vector<8x1024xi32> to vector<8x16xi32>
    %slice3A_506 = vector.extract_strided_slice %select_n3A_484 {offsets = [0, 0], sizes = [8, 1008], strides = [1, 1]} : vector<8x1024xi32> to vector<8x1008xi32>
    %concatenate3A_507 = tpu.concatenate %slice3A_505, %slice3A_506 in 1 : vector<8x16xi32>, vector<8x1008xi32> -> vector<8x1024xi32>
    %slice3A_508 = vector.extract_strided_slice %select_n3A_484 {offsets = [0, 16], sizes = [8, 1008], strides = [1, 1]} : vector<8x1024xi32> to vector<8x1008xi32>
    %slice3A_509 = vector.extract_strided_slice %select_n3A_484 {offsets = [0, 0], sizes = [8, 16], strides = [1, 1]} : vector<8x1024xi32> to vector<8x16xi32>
    %concatenate3A_510 = tpu.concatenate %slice3A_508, %slice3A_509 in 1 : vector<8x1008xi32>, vector<8x16xi32> -> vector<8x1024xi32>
    %select_n3A_511 = arith.select %ne3A_490, %concatenate3A_507, %concatenate3A_510 : vector<8x1024xi1>, vector<8x1024xi32>
    %gt3A_512 = arith.cmpf ogt, %select_n3A_497, %select_n3A_482 : vector<8x1024xf32>
    %eq3A_513 = arith.cmpf oeq, %select_n3A_497, %select_n3A_482 : vector<8x1024xf32>
    %lt3A_514 = arith.cmpi slt, %select_n3A_511, %select_n3A_484 : vector<8x1024xi32>
    %and3A_515 = arith.andi %eq3A_513, %lt3A_514 : vector<8x1024xi1>
    %or3A_516 = arith.ori %gt3A_512, %and3A_515 : vector<8x1024xi1>
    %and3A_517 = arith.constant 32 : i32
    %and3A_518 = vector.broadcast %and3A_517 : i32 to vector<8x1024xi32>
    %and3A_519 = arith.andi %iota3A, %and3A_518 : vector<8x1024xi32>
    %eq3A_520 = arith.constant 0 : i32
    %eq3A_521 = vector.broadcast %eq3A_520 : i32 to vector<8x1024xi32>
    %eq3A_522 = arith.cmpi eq, %and3A_519, %eq3A_521 : vector<8x1024xi32>
    %not3A_523 = arith.constant dense<true> : vector<8x1024xi1>
    %not3A_524 = arith.xori %ne3A_490, %not3A_523 : vector<8x1024xi1>
    %eq3A_525 = arith.xori %not3A_524, %eq3A_522 : vector<8x1024xi1>
    %eq3A_526 = arith.constant dense<true> : vector<8x1024xi1>
    %eq3A_527 = arith.xori %eq3A_525, %eq3A_526 : vector<8x1024xi1>
    %eq3A_528 = arith.xori %eq3A_527, %or3A_516 : vector<8x1024xi1>
    %eq3A_529 = arith.constant dense<true> : vector<8x1024xi1>
    %eq3A_530 = arith.xori %eq3A_528, %eq3A_529 : vector<8x1024xi1>
    %select_n3A_531 = arith.select %eq3A_530, %select_n3A_497, %select_n3A_482 : vector<8x1024xi1>, vector<8x1024xf32>
    %select_n3A_532 = arith.select %eq3A_530, %select_n3A_504, %select_n3A_483 : vector<8x1024xi1>, vector<8x1024xf32>
    %select_n3A_533 = arith.select %eq3A_530, %select_n3A_511, %select_n3A_484 : vector<8x1024xi1>, vector<8x1024xi32>
    %and3A_534 = arith.constant 8 : i32
    %and3A_535 = vector.broadcast %and3A_534 : i32 to vector<8x1024xi32>
    %and3A_536 = arith.andi %iota3A, %and3A_535 : vector<8x1024xi32>
    %ne3A_537 = arith.constant 0 : i32
    %ne3A_538 = vector.broadcast %ne3A_537 : i32 to vector<8x1024xi32>
    %ne3A_539 = arith.cmpi ne, %and3A_536, %ne3A_538 : vector<8x1024xi32>
    %slice3A_540 = vector.extract_strided_slice %select_n3A_531 {offsets = [0, 1016], sizes = [8, 8], strides = [1, 1]} : vector<8x1024xf32> to vector<8x8xf32>
    %slice3A_541 = vector.extract_strided_slice %select_n3A_531 {offsets = [0, 0], sizes = [8, 1016], strides = [1, 1]} : vector<8x1024xf32> to vector<8x1016xf32>
    %concatenate3A_542 = tpu.concatenate %slice3A_540, %slice3A_541 in 1 : vector<8x8xf32>, vector<8x1016xf32> -> vector<8x1024xf32>
    %slice3A_543 = vector.extract_strided_slice %select_n3A_531 {offsets = [0, 8], sizes = [8, 1016], strides = [1, 1]} : vector<8x1024xf32> to vector<8x1016xf32>
    %slice3A_544 = vector.extract_strided_slice %select_n3A_531 {offsets = [0, 0], sizes = [8, 8], strides = [1, 1]} : vector<8x1024xf32> to vector<8x8xf32>
    %concatenate3A_545 = tpu.concatenate %slice3A_543, %slice3A_544 in 1 : vector<8x1016xf32>, vector<8x8xf32> -> vector<8x1024xf32>
    %select_n3A_546 = arith.select %ne3A_539, %concatenate3A_542, %concatenate3A_545 : vector<8x1024xi1>, vector<8x1024xf32>
    %slice3A_547 = vector.extract_strided_slice %select_n3A_532 {offsets = [0, 1016], sizes = [8, 8], strides = [1, 1]} : vector<8x1024xf32> to vector<8x8xf32>
    %slice3A_548 = vector.extract_strided_slice %select_n3A_532 {offsets = [0, 0], sizes = [8, 1016], strides = [1, 1]} : vector<8x1024xf32> to vector<8x1016xf32>
    %concatenate3A_549 = tpu.concatenate %slice3A_547, %slice3A_548 in 1 : vector<8x8xf32>, vector<8x1016xf32> -> vector<8x1024xf32>
    %slice3A_550 = vector.extract_strided_slice %select_n3A_532 {offsets = [0, 8], sizes = [8, 1016], strides = [1, 1]} : vector<8x1024xf32> to vector<8x1016xf32>
    %slice3A_551 = vector.extract_strided_slice %select_n3A_532 {offsets = [0, 0], sizes = [8, 8], strides = [1, 1]} : vector<8x1024xf32> to vector<8x8xf32>
    %concatenate3A_552 = tpu.concatenate %slice3A_550, %slice3A_551 in 1 : vector<8x1016xf32>, vector<8x8xf32> -> vector<8x1024xf32>
    %select_n3A_553 = arith.select %ne3A_539, %concatenate3A_549, %concatenate3A_552 : vector<8x1024xi1>, vector<8x1024xf32>
    %slice3A_554 = vector.extract_strided_slice %select_n3A_533 {offsets = [0, 1016], sizes = [8, 8], strides = [1, 1]} : vector<8x1024xi32> to vector<8x8xi32>
    %slice3A_555 = vector.extract_strided_slice %select_n3A_533 {offsets = [0, 0], sizes = [8, 1016], strides = [1, 1]} : vector<8x1024xi32> to vector<8x1016xi32>
    %concatenate3A_556 = tpu.concatenate %slice3A_554, %slice3A_555 in 1 : vector<8x8xi32>, vector<8x1016xi32> -> vector<8x1024xi32>
    %slice3A_557 = vector.extract_strided_slice %select_n3A_533 {offsets = [0, 8], sizes = [8, 1016], strides = [1, 1]} : vector<8x1024xi32> to vector<8x1016xi32>
    %slice3A_558 = vector.extract_strided_slice %select_n3A_533 {offsets = [0, 0], sizes = [8, 8], strides = [1, 1]} : vector<8x1024xi32> to vector<8x8xi32>
    %concatenate3A_559 = tpu.concatenate %slice3A_557, %slice3A_558 in 1 : vector<8x1016xi32>, vector<8x8xi32> -> vector<8x1024xi32>
    %select_n3A_560 = arith.select %ne3A_539, %concatenate3A_556, %concatenate3A_559 : vector<8x1024xi1>, vector<8x1024xi32>
    %gt3A_561 = arith.cmpf ogt, %select_n3A_546, %select_n3A_531 : vector<8x1024xf32>
    %eq3A_562 = arith.cmpf oeq, %select_n3A_546, %select_n3A_531 : vector<8x1024xf32>
    %lt3A_563 = arith.cmpi slt, %select_n3A_560, %select_n3A_533 : vector<8x1024xi32>
    %and3A_564 = arith.andi %eq3A_562, %lt3A_563 : vector<8x1024xi1>
    %or3A_565 = arith.ori %gt3A_561, %and3A_564 : vector<8x1024xi1>
    %and3A_566 = arith.constant 32 : i32
    %and3A_567 = vector.broadcast %and3A_566 : i32 to vector<8x1024xi32>
    %and3A_568 = arith.andi %iota3A, %and3A_567 : vector<8x1024xi32>
    %eq3A_569 = arith.constant 0 : i32
    %eq3A_570 = vector.broadcast %eq3A_569 : i32 to vector<8x1024xi32>
    %eq3A_571 = arith.cmpi eq, %and3A_568, %eq3A_570 : vector<8x1024xi32>
    %not3A_572 = arith.constant dense<true> : vector<8x1024xi1>
    %not3A_573 = arith.xori %ne3A_539, %not3A_572 : vector<8x1024xi1>
    %eq3A_574 = arith.xori %not3A_573, %eq3A_571 : vector<8x1024xi1>
    %eq3A_575 = arith.constant dense<true> : vector<8x1024xi1>
    %eq3A_576 = arith.xori %eq3A_574, %eq3A_575 : vector<8x1024xi1>
    %eq3A_577 = arith.xori %eq3A_576, %or3A_565 : vector<8x1024xi1>
    %eq3A_578 = arith.constant dense<true> : vector<8x1024xi1>
    %eq3A_579 = arith.xori %eq3A_577, %eq3A_578 : vector<8x1024xi1>
    %select_n3A_580 = arith.select %eq3A_579, %select_n3A_546, %select_n3A_531 : vector<8x1024xi1>, vector<8x1024xf32>
    %select_n3A_581 = arith.select %eq3A_579, %select_n3A_553, %select_n3A_532 : vector<8x1024xi1>, vector<8x1024xf32>
    %select_n3A_582 = arith.select %eq3A_579, %select_n3A_560, %select_n3A_533 : vector<8x1024xi1>, vector<8x1024xi32>
    %and3A_583 = arith.constant 4 : i32
    %and3A_584 = vector.broadcast %and3A_583 : i32 to vector<8x1024xi32>
    %and3A_585 = arith.andi %iota3A, %and3A_584 : vector<8x1024xi32>
    %ne3A_586 = arith.constant 0 : i32
    %ne3A_587 = vector.broadcast %ne3A_586 : i32 to vector<8x1024xi32>
    %ne3A_588 = arith.cmpi ne, %and3A_585, %ne3A_587 : vector<8x1024xi32>
    %slice3A_589 = vector.extract_strided_slice %select_n3A_580 {offsets = [0, 1020], sizes = [8, 4], strides = [1, 1]} : vector<8x1024xf32> to vector<8x4xf32>
    %slice3A_590 = vector.extract_strided_slice %select_n3A_580 {offsets = [0, 0], sizes = [8, 1020], strides = [1, 1]} : vector<8x1024xf32> to vector<8x1020xf32>
    %concatenate3A_591 = tpu.concatenate %slice3A_589, %slice3A_590 in 1 : vector<8x4xf32>, vector<8x1020xf32> -> vector<8x1024xf32>
    %slice3A_592 = vector.extract_strided_slice %select_n3A_580 {offsets = [0, 4], sizes = [8, 1020], strides = [1, 1]} : vector<8x1024xf32> to vector<8x1020xf32>
    %slice3A_593 = vector.extract_strided_slice %select_n3A_580 {offsets = [0, 0], sizes = [8, 4], strides = [1, 1]} : vector<8x1024xf32> to vector<8x4xf32>
    %concatenate3A_594 = tpu.concatenate %slice3A_592, %slice3A_593 in 1 : vector<8x1020xf32>, vector<8x4xf32> -> vector<8x1024xf32>
    %select_n3A_595 = arith.select %ne3A_588, %concatenate3A_591, %concatenate3A_594 : vector<8x1024xi1>, vector<8x1024xf32>
    %slice3A_596 = vector.extract_strided_slice %select_n3A_581 {offsets = [0, 1020], sizes = [8, 4], strides = [1, 1]} : vector<8x1024xf32> to vector<8x4xf32>
    %slice3A_597 = vector.extract_strided_slice %select_n3A_581 {offsets = [0, 0], sizes = [8, 1020], strides = [1, 1]} : vector<8x1024xf32> to vector<8x1020xf32>
    %concatenate3A_598 = tpu.concatenate %slice3A_596, %slice3A_597 in 1 : vector<8x4xf32>, vector<8x1020xf32> -> vector<8x1024xf32>
    %slice3A_599 = vector.extract_strided_slice %select_n3A_581 {offsets = [0, 4], sizes = [8, 1020], strides = [1, 1]} : vector<8x1024xf32> to vector<8x1020xf32>
    %slice3A_600 = vector.extract_strided_slice %select_n3A_581 {offsets = [0, 0], sizes = [8, 4], strides = [1, 1]} : vector<8x1024xf32> to vector<8x4xf32>
    %concatenate3A_601 = tpu.concatenate %slice3A_599, %slice3A_600 in 1 : vector<8x1020xf32>, vector<8x4xf32> -> vector<8x1024xf32>
    %select_n3A_602 = arith.select %ne3A_588, %concatenate3A_598, %concatenate3A_601 : vector<8x1024xi1>, vector<8x1024xf32>
    %slice3A_603 = vector.extract_strided_slice %select_n3A_582 {offsets = [0, 1020], sizes = [8, 4], strides = [1, 1]} : vector<8x1024xi32> to vector<8x4xi32>
    %slice3A_604 = vector.extract_strided_slice %select_n3A_582 {offsets = [0, 0], sizes = [8, 1020], strides = [1, 1]} : vector<8x1024xi32> to vector<8x1020xi32>
    %concatenate3A_605 = tpu.concatenate %slice3A_603, %slice3A_604 in 1 : vector<8x4xi32>, vector<8x1020xi32> -> vector<8x1024xi32>
    %slice3A_606 = vector.extract_strided_slice %select_n3A_582 {offsets = [0, 4], sizes = [8, 1020], strides = [1, 1]} : vector<8x1024xi32> to vector<8x1020xi32>
    %slice3A_607 = vector.extract_strided_slice %select_n3A_582 {offsets = [0, 0], sizes = [8, 4], strides = [1, 1]} : vector<8x1024xi32> to vector<8x4xi32>
    %concatenate3A_608 = tpu.concatenate %slice3A_606, %slice3A_607 in 1 : vector<8x1020xi32>, vector<8x4xi32> -> vector<8x1024xi32>
    %select_n3A_609 = arith.select %ne3A_588, %concatenate3A_605, %concatenate3A_608 : vector<8x1024xi1>, vector<8x1024xi32>
    %gt3A_610 = arith.cmpf ogt, %select_n3A_595, %select_n3A_580 : vector<8x1024xf32>
    %eq3A_611 = arith.cmpf oeq, %select_n3A_595, %select_n3A_580 : vector<8x1024xf32>
    %lt3A_612 = arith.cmpi slt, %select_n3A_609, %select_n3A_582 : vector<8x1024xi32>
    %and3A_613 = arith.andi %eq3A_611, %lt3A_612 : vector<8x1024xi1>
    %or3A_614 = arith.ori %gt3A_610, %and3A_613 : vector<8x1024xi1>
    %and3A_615 = arith.constant 32 : i32
    %and3A_616 = vector.broadcast %and3A_615 : i32 to vector<8x1024xi32>
    %and3A_617 = arith.andi %iota3A, %and3A_616 : vector<8x1024xi32>
    %eq3A_618 = arith.constant 0 : i32
    %eq3A_619 = vector.broadcast %eq3A_618 : i32 to vector<8x1024xi32>
    %eq3A_620 = arith.cmpi eq, %and3A_617, %eq3A_619 : vector<8x1024xi32>
    %not3A_621 = arith.constant dense<true> : vector<8x1024xi1>
    %not3A_622 = arith.xori %ne3A_588, %not3A_621 : vector<8x1024xi1>
    %eq3A_623 = arith.xori %not3A_622, %eq3A_620 : vector<8x1024xi1>
    %eq3A_624 = arith.constant dense<true> : vector<8x1024xi1>
    %eq3A_625 = arith.xori %eq3A_623, %eq3A_624 : vector<8x1024xi1>
    %eq3A_626 = arith.xori %eq3A_625, %or3A_614 : vector<8x1024xi1>
    %eq3A_627 = arith.constant dense<true> : vector<8x1024xi1>
    %eq3A_628 = arith.xori %eq3A_626, %eq3A_627 : vector<8x1024xi1>
    %select_n3A_629 = arith.select %eq3A_628, %select_n3A_595, %select_n3A_580 : vector<8x1024xi1>, vector<8x1024xf32>
    %select_n3A_630 = arith.select %eq3A_628, %select_n3A_602, %select_n3A_581 : vector<8x1024xi1>, vector<8x1024xf32>
    %select_n3A_631 = arith.select %eq3A_628, %select_n3A_609, %select_n3A_582 : vector<8x1024xi1>, vector<8x1024xi32>
    %and3A_632 = arith.constant 2 : i32
    %and3A_633 = vector.broadcast %and3A_632 : i32 to vector<8x1024xi32>
    %and3A_634 = arith.andi %iota3A, %and3A_633 : vector<8x1024xi32>
    %ne3A_635 = arith.constant 0 : i32
    %ne3A_636 = vector.broadcast %ne3A_635 : i32 to vector<8x1024xi32>
    %ne3A_637 = arith.cmpi ne, %and3A_634, %ne3A_636 : vector<8x1024xi32>
    %slice3A_638 = vector.extract_strided_slice %select_n3A_629 {offsets = [0, 1022], sizes = [8, 2], strides = [1, 1]} : vector<8x1024xf32> to vector<8x2xf32>
    %slice3A_639 = vector.extract_strided_slice %select_n3A_629 {offsets = [0, 0], sizes = [8, 1022], strides = [1, 1]} : vector<8x1024xf32> to vector<8x1022xf32>
    %concatenate3A_640 = tpu.concatenate %slice3A_638, %slice3A_639 in 1 : vector<8x2xf32>, vector<8x1022xf32> -> vector<8x1024xf32>
    %slice3A_641 = vector.extract_strided_slice %select_n3A_629 {offsets = [0, 2], sizes = [8, 1022], strides = [1, 1]} : vector<8x1024xf32> to vector<8x1022xf32>
    %slice3A_642 = vector.extract_strided_slice %select_n3A_629 {offsets = [0, 0], sizes = [8, 2], strides = [1, 1]} : vector<8x1024xf32> to vector<8x2xf32>
    %concatenate3A_643 = tpu.concatenate %slice3A_641, %slice3A_642 in 1 : vector<8x1022xf32>, vector<8x2xf32> -> vector<8x1024xf32>
    %select_n3A_644 = arith.select %ne3A_637, %concatenate3A_640, %concatenate3A_643 : vector<8x1024xi1>, vector<8x1024xf32>
    %slice3A_645 = vector.extract_strided_slice %select_n3A_630 {offsets = [0, 1022], sizes = [8, 2], strides = [1, 1]} : vector<8x1024xf32> to vector<8x2xf32>
    %slice3A_646 = vector.extract_strided_slice %select_n3A_630 {offsets = [0, 0], sizes = [8, 1022], strides = [1, 1]} : vector<8x1024xf32> to vector<8x1022xf32>
    %concatenate3A_647 = tpu.concatenate %slice3A_645, %slice3A_646 in 1 : vector<8x2xf32>, vector<8x1022xf32> -> vector<8x1024xf32>
    %slice3A_648 = vector.extract_strided_slice %select_n3A_630 {offsets = [0, 2], sizes = [8, 1022], strides = [1, 1]} : vector<8x1024xf32> to vector<8x1022xf32>
    %slice3A_649 = vector.extract_strided_slice %select_n3A_630 {offsets = [0, 0], sizes = [8, 2], strides = [1, 1]} : vector<8x1024xf32> to vector<8x2xf32>
    %concatenate3A_650 = tpu.concatenate %slice3A_648, %slice3A_649 in 1 : vector<8x1022xf32>, vector<8x2xf32> -> vector<8x1024xf32>
    %select_n3A_651 = arith.select %ne3A_637, %concatenate3A_647, %concatenate3A_650 : vector<8x1024xi1>, vector<8x1024xf32>
    %slice3A_652 = vector.extract_strided_slice %select_n3A_631 {offsets = [0, 1022], sizes = [8, 2], strides = [1, 1]} : vector<8x1024xi32> to vector<8x2xi32>
    %slice3A_653 = vector.extract_strided_slice %select_n3A_631 {offsets = [0, 0], sizes = [8, 1022], strides = [1, 1]} : vector<8x1024xi32> to vector<8x1022xi32>
    %concatenate3A_654 = tpu.concatenate %slice3A_652, %slice3A_653 in 1 : vector<8x2xi32>, vector<8x1022xi32> -> vector<8x1024xi32>
    %slice3A_655 = vector.extract_strided_slice %select_n3A_631 {offsets = [0, 2], sizes = [8, 1022], strides = [1, 1]} : vector<8x1024xi32> to vector<8x1022xi32>
    %slice3A_656 = vector.extract_strided_slice %select_n3A_631 {offsets = [0, 0], sizes = [8, 2], strides = [1, 1]} : vector<8x1024xi32> to vector<8x2xi32>
    %concatenate3A_657 = tpu.concatenate %slice3A_655, %slice3A_656 in 1 : vector<8x1022xi32>, vector<8x2xi32> -> vector<8x1024xi32>
    %select_n3A_658 = arith.select %ne3A_637, %concatenate3A_654, %concatenate3A_657 : vector<8x1024xi1>, vector<8x1024xi32>
    %gt3A_659 = arith.cmpf ogt, %select_n3A_644, %select_n3A_629 : vector<8x1024xf32>
    %eq3A_660 = arith.cmpf oeq, %select_n3A_644, %select_n3A_629 : vector<8x1024xf32>
    %lt3A_661 = arith.cmpi slt, %select_n3A_658, %select_n3A_631 : vector<8x1024xi32>
    %and3A_662 = arith.andi %eq3A_660, %lt3A_661 : vector<8x1024xi1>
    %or3A_663 = arith.ori %gt3A_659, %and3A_662 : vector<8x1024xi1>
    %and3A_664 = arith.constant 32 : i32
    %and3A_665 = vector.broadcast %and3A_664 : i32 to vector<8x1024xi32>
    %and3A_666 = arith.andi %iota3A, %and3A_665 : vector<8x1024xi32>
    %eq3A_667 = arith.constant 0 : i32
    %eq3A_668 = vector.broadcast %eq3A_667 : i32 to vector<8x1024xi32>
    %eq3A_669 = arith.cmpi eq, %and3A_666, %eq3A_668 : vector<8x1024xi32>
    %not3A_670 = arith.constant dense<true> : vector<8x1024xi1>
    %not3A_671 = arith.xori %ne3A_637, %not3A_670 : vector<8x1024xi1>
    %eq3A_672 = arith.xori %not3A_671, %eq3A_669 : vector<8x1024xi1>
    %eq3A_673 = arith.constant dense<true> : vector<8x1024xi1>
    %eq3A_674 = arith.xori %eq3A_672, %eq3A_673 : vector<8x1024xi1>
    %eq3A_675 = arith.xori %eq3A_674, %or3A_663 : vector<8x1024xi1>
    %eq3A_676 = arith.constant dense<true> : vector<8x1024xi1>
    %eq3A_677 = arith.xori %eq3A_675, %eq3A_676 : vector<8x1024xi1>
    %select_n3A_678 = arith.select %eq3A_677, %select_n3A_644, %select_n3A_629 : vector<8x1024xi1>, vector<8x1024xf32>
    %select_n3A_679 = arith.select %eq3A_677, %select_n3A_651, %select_n3A_630 : vector<8x1024xi1>, vector<8x1024xf32>
    %select_n3A_680 = arith.select %eq3A_677, %select_n3A_658, %select_n3A_631 : vector<8x1024xi1>, vector<8x1024xi32>
    %and3A_681 = arith.constant 1 : i32
    %and3A_682 = vector.broadcast %and3A_681 : i32 to vector<8x1024xi32>
    %and3A_683 = arith.andi %iota3A, %and3A_682 : vector<8x1024xi32>
    %ne3A_684 = arith.constant 0 : i32
    %ne3A_685 = vector.broadcast %ne3A_684 : i32 to vector<8x1024xi32>
    %ne3A_686 = arith.cmpi ne, %and3A_683, %ne3A_685 : vector<8x1024xi32>
    %slice3A_687 = vector.extract_strided_slice %select_n3A_678 {offsets = [0, 1023], sizes = [8, 1], strides = [1, 1]} : vector<8x1024xf32> to vector<8x1xf32>
    %slice3A_688 = vector.extract_strided_slice %select_n3A_678 {offsets = [0, 0], sizes = [8, 1023], strides = [1, 1]} : vector<8x1024xf32> to vector<8x1023xf32>
    %concatenate3A_689 = tpu.concatenate %slice3A_687, %slice3A_688 in 1 : vector<8x1xf32>, vector<8x1023xf32> -> vector<8x1024xf32>
    %slice3A_690 = vector.extract_strided_slice %select_n3A_678 {offsets = [0, 1], sizes = [8, 1023], strides = [1, 1]} : vector<8x1024xf32> to vector<8x1023xf32>
    %slice3A_691 = vector.extract_strided_slice %select_n3A_678 {offsets = [0, 0], sizes = [8, 1], strides = [1, 1]} : vector<8x1024xf32> to vector<8x1xf32>
    %concatenate3A_692 = tpu.concatenate %slice3A_690, %slice3A_691 in 1 : vector<8x1023xf32>, vector<8x1xf32> -> vector<8x1024xf32>
    %select_n3A_693 = arith.select %ne3A_686, %concatenate3A_689, %concatenate3A_692 : vector<8x1024xi1>, vector<8x1024xf32>
    %slice3A_694 = vector.extract_strided_slice %select_n3A_679 {offsets = [0, 1023], sizes = [8, 1], strides = [1, 1]} : vector<8x1024xf32> to vector<8x1xf32>
    %slice3A_695 = vector.extract_strided_slice %select_n3A_679 {offsets = [0, 0], sizes = [8, 1023], strides = [1, 1]} : vector<8x1024xf32> to vector<8x1023xf32>
    %concatenate3A_696 = tpu.concatenate %slice3A_694, %slice3A_695 in 1 : vector<8x1xf32>, vector<8x1023xf32> -> vector<8x1024xf32>
    %slice3A_697 = vector.extract_strided_slice %select_n3A_679 {offsets = [0, 1], sizes = [8, 1023], strides = [1, 1]} : vector<8x1024xf32> to vector<8x1023xf32>
    %slice3A_698 = vector.extract_strided_slice %select_n3A_679 {offsets = [0, 0], sizes = [8, 1], strides = [1, 1]} : vector<8x1024xf32> to vector<8x1xf32>
    %concatenate3A_699 = tpu.concatenate %slice3A_697, %slice3A_698 in 1 : vector<8x1023xf32>, vector<8x1xf32> -> vector<8x1024xf32>
    %select_n3A_700 = arith.select %ne3A_686, %concatenate3A_696, %concatenate3A_699 : vector<8x1024xi1>, vector<8x1024xf32>
    %slice3A_701 = vector.extract_strided_slice %select_n3A_680 {offsets = [0, 1023], sizes = [8, 1], strides = [1, 1]} : vector<8x1024xi32> to vector<8x1xi32>
    %slice3A_702 = vector.extract_strided_slice %select_n3A_680 {offsets = [0, 0], sizes = [8, 1023], strides = [1, 1]} : vector<8x1024xi32> to vector<8x1023xi32>
    %concatenate3A_703 = tpu.concatenate %slice3A_701, %slice3A_702 in 1 : vector<8x1xi32>, vector<8x1023xi32> -> vector<8x1024xi32>
    %slice3A_704 = vector.extract_strided_slice %select_n3A_680 {offsets = [0, 1], sizes = [8, 1023], strides = [1, 1]} : vector<8x1024xi32> to vector<8x1023xi32>
    %slice3A_705 = vector.extract_strided_slice %select_n3A_680 {offsets = [0, 0], sizes = [8, 1], strides = [1, 1]} : vector<8x1024xi32> to vector<8x1xi32>
    %concatenate3A_706 = tpu.concatenate %slice3A_704, %slice3A_705 in 1 : vector<8x1023xi32>, vector<8x1xi32> -> vector<8x1024xi32>
    %select_n3A_707 = arith.select %ne3A_686, %concatenate3A_703, %concatenate3A_706 : vector<8x1024xi1>, vector<8x1024xi32>
    %gt3A_708 = arith.cmpf ogt, %select_n3A_693, %select_n3A_678 : vector<8x1024xf32>
    %eq3A_709 = arith.cmpf oeq, %select_n3A_693, %select_n3A_678 : vector<8x1024xf32>
    %lt3A_710 = arith.cmpi slt, %select_n3A_707, %select_n3A_680 : vector<8x1024xi32>
    %and3A_711 = arith.andi %eq3A_709, %lt3A_710 : vector<8x1024xi1>
    %or3A_712 = arith.ori %gt3A_708, %and3A_711 : vector<8x1024xi1>
    %and3A_713 = arith.constant 32 : i32
    %and3A_714 = vector.broadcast %and3A_713 : i32 to vector<8x1024xi32>
    %and3A_715 = arith.andi %iota3A, %and3A_714 : vector<8x1024xi32>
    %eq3A_716 = arith.constant 0 : i32
    %eq3A_717 = vector.broadcast %eq3A_716 : i32 to vector<8x1024xi32>
    %eq3A_718 = arith.cmpi eq, %and3A_715, %eq3A_717 : vector<8x1024xi32>
    %not3A_719 = arith.constant dense<true> : vector<8x1024xi1>
    %not3A_720 = arith.xori %ne3A_686, %not3A_719 : vector<8x1024xi1>
    %eq3A_721 = arith.xori %not3A_720, %eq3A_718 : vector<8x1024xi1>
    %eq3A_722 = arith.constant dense<true> : vector<8x1024xi1>
    %eq3A_723 = arith.xori %eq3A_721, %eq3A_722 : vector<8x1024xi1>
    %eq3A_724 = arith.xori %eq3A_723, %or3A_712 : vector<8x1024xi1>
    %eq3A_725 = arith.constant dense<true> : vector<8x1024xi1>
    %eq3A_726 = arith.xori %eq3A_724, %eq3A_725 : vector<8x1024xi1>
    %select_n3A_727 = arith.select %eq3A_726, %select_n3A_693, %select_n3A_678 : vector<8x1024xi1>, vector<8x1024xf32>
    %select_n3A_728 = arith.select %eq3A_726, %select_n3A_700, %select_n3A_679 : vector<8x1024xi1>, vector<8x1024xf32>
    %select_n3A_729 = arith.select %eq3A_726, %select_n3A_707, %select_n3A_680 : vector<8x1024xi1>, vector<8x1024xi32>
    %and3A_730 = arith.constant 32 : i32
    %and3A_731 = vector.broadcast %and3A_730 : i32 to vector<8x1024xi32>
    %and3A_732 = arith.andi %iota3A, %and3A_731 : vector<8x1024xi32>
    %ne3A_733 = arith.constant 0 : i32
    %ne3A_734 = vector.broadcast %ne3A_733 : i32 to vector<8x1024xi32>
    %ne3A_735 = arith.cmpi ne, %and3A_732, %ne3A_734 : vector<8x1024xi32>
    %slice3A_736 = vector.extract_strided_slice %select_n3A_727 {offsets = [0, 992], sizes = [8, 32], strides = [1, 1]} : vector<8x1024xf32> to vector<8x32xf32>
    %slice3A_737 = vector.extract_strided_slice %select_n3A_727 {offsets = [0, 0], sizes = [8, 992], strides = [1, 1]} : vector<8x1024xf32> to vector<8x992xf32>
    %concatenate3A_738 = tpu.concatenate %slice3A_736, %slice3A_737 in 1 : vector<8x32xf32>, vector<8x992xf32> -> vector<8x1024xf32>
    %slice3A_739 = vector.extract_strided_slice %select_n3A_727 {offsets = [0, 32], sizes = [8, 992], strides = [1, 1]} : vector<8x1024xf32> to vector<8x992xf32>
    %slice3A_740 = vector.extract_strided_slice %select_n3A_727 {offsets = [0, 0], sizes = [8, 32], strides = [1, 1]} : vector<8x1024xf32> to vector<8x32xf32>
    %concatenate3A_741 = tpu.concatenate %slice3A_739, %slice3A_740 in 1 : vector<8x992xf32>, vector<8x32xf32> -> vector<8x1024xf32>
    %select_n3A_742 = arith.select %ne3A_735, %concatenate3A_738, %concatenate3A_741 : vector<8x1024xi1>, vector<8x1024xf32>
    %slice3A_743 = vector.extract_strided_slice %select_n3A_728 {offsets = [0, 992], sizes = [8, 32], strides = [1, 1]} : vector<8x1024xf32> to vector<8x32xf32>
    %slice3A_744 = vector.extract_strided_slice %select_n3A_728 {offsets = [0, 0], sizes = [8, 992], strides = [1, 1]} : vector<8x1024xf32> to vector<8x992xf32>
    %concatenate3A_745 = tpu.concatenate %slice3A_743, %slice3A_744 in 1 : vector<8x32xf32>, vector<8x992xf32> -> vector<8x1024xf32>
    %slice3A_746 = vector.extract_strided_slice %select_n3A_728 {offsets = [0, 32], sizes = [8, 992], strides = [1, 1]} : vector<8x1024xf32> to vector<8x992xf32>
    %slice3A_747 = vector.extract_strided_slice %select_n3A_728 {offsets = [0, 0], sizes = [8, 32], strides = [1, 1]} : vector<8x1024xf32> to vector<8x32xf32>
    %concatenate3A_748 = tpu.concatenate %slice3A_746, %slice3A_747 in 1 : vector<8x992xf32>, vector<8x32xf32> -> vector<8x1024xf32>
    %select_n3A_749 = arith.select %ne3A_735, %concatenate3A_745, %concatenate3A_748 : vector<8x1024xi1>, vector<8x1024xf32>
    %slice3A_750 = vector.extract_strided_slice %select_n3A_729 {offsets = [0, 992], sizes = [8, 32], strides = [1, 1]} : vector<8x1024xi32> to vector<8x32xi32>
    %slice3A_751 = vector.extract_strided_slice %select_n3A_729 {offsets = [0, 0], sizes = [8, 992], strides = [1, 1]} : vector<8x1024xi32> to vector<8x992xi32>
    %concatenate3A_752 = tpu.concatenate %slice3A_750, %slice3A_751 in 1 : vector<8x32xi32>, vector<8x992xi32> -> vector<8x1024xi32>
    %slice3A_753 = vector.extract_strided_slice %select_n3A_729 {offsets = [0, 32], sizes = [8, 992], strides = [1, 1]} : vector<8x1024xi32> to vector<8x992xi32>
    %slice3A_754 = vector.extract_strided_slice %select_n3A_729 {offsets = [0, 0], sizes = [8, 32], strides = [1, 1]} : vector<8x1024xi32> to vector<8x32xi32>
    %concatenate3A_755 = tpu.concatenate %slice3A_753, %slice3A_754 in 1 : vector<8x992xi32>, vector<8x32xi32> -> vector<8x1024xi32>
    %select_n3A_756 = arith.select %ne3A_735, %concatenate3A_752, %concatenate3A_755 : vector<8x1024xi1>, vector<8x1024xi32>
    %gt3A_757 = arith.cmpf ogt, %select_n3A_742, %select_n3A_727 : vector<8x1024xf32>
    %eq3A_758 = arith.cmpf oeq, %select_n3A_742, %select_n3A_727 : vector<8x1024xf32>
    %lt3A_759 = arith.cmpi slt, %select_n3A_756, %select_n3A_729 : vector<8x1024xi32>
    %and3A_760 = arith.andi %eq3A_758, %lt3A_759 : vector<8x1024xi1>
    %or3A_761 = arith.ori %gt3A_757, %and3A_760 : vector<8x1024xi1>
    %and3A_762 = arith.constant 64 : i32
    %and3A_763 = vector.broadcast %and3A_762 : i32 to vector<8x1024xi32>
    %and3A_764 = arith.andi %iota3A, %and3A_763 : vector<8x1024xi32>
    %eq3A_765 = arith.constant 0 : i32
    %eq3A_766 = vector.broadcast %eq3A_765 : i32 to vector<8x1024xi32>
    %eq3A_767 = arith.cmpi eq, %and3A_764, %eq3A_766 : vector<8x1024xi32>
    %not3A_768 = arith.constant dense<true> : vector<8x1024xi1>
    %not3A_769 = arith.xori %ne3A_735, %not3A_768 : vector<8x1024xi1>
    %eq3A_770 = arith.xori %not3A_769, %eq3A_767 : vector<8x1024xi1>
    %eq3A_771 = arith.constant dense<true> : vector<8x1024xi1>
    %eq3A_772 = arith.xori %eq3A_770, %eq3A_771 : vector<8x1024xi1>
    %eq3A_773 = arith.xori %eq3A_772, %or3A_761 : vector<8x1024xi1>
    %eq3A_774 = arith.constant dense<true> : vector<8x1024xi1>
    %eq3A_775 = arith.xori %eq3A_773, %eq3A_774 : vector<8x1024xi1>
    %select_n3A_776 = arith.select %eq3A_775, %select_n3A_742, %select_n3A_727 : vector<8x1024xi1>, vector<8x1024xf32>
    %select_n3A_777 = arith.select %eq3A_775, %select_n3A_749, %select_n3A_728 : vector<8x1024xi1>, vector<8x1024xf32>
    %select_n3A_778 = arith.select %eq3A_775, %select_n3A_756, %select_n3A_729 : vector<8x1024xi1>, vector<8x1024xi32>
    %and3A_779 = arith.constant 16 : i32
    %and3A_780 = vector.broadcast %and3A_779 : i32 to vector<8x1024xi32>
    %and3A_781 = arith.andi %iota3A, %and3A_780 : vector<8x1024xi32>
    %ne3A_782 = arith.constant 0 : i32
    %ne3A_783 = vector.broadcast %ne3A_782 : i32 to vector<8x1024xi32>
    %ne3A_784 = arith.cmpi ne, %and3A_781, %ne3A_783 : vector<8x1024xi32>
    %slice3A_785 = vector.extract_strided_slice %select_n3A_776 {offsets = [0, 1008], sizes = [8, 16], strides = [1, 1]} : vector<8x1024xf32> to vector<8x16xf32>
    %slice3A_786 = vector.extract_strided_slice %select_n3A_776 {offsets = [0, 0], sizes = [8, 1008], strides = [1, 1]} : vector<8x1024xf32> to vector<8x1008xf32>
    %concatenate3A_787 = tpu.concatenate %slice3A_785, %slice3A_786 in 1 : vector<8x16xf32>, vector<8x1008xf32> -> vector<8x1024xf32>
    %slice3A_788 = vector.extract_strided_slice %select_n3A_776 {offsets = [0, 16], sizes = [8, 1008], strides = [1, 1]} : vector<8x1024xf32> to vector<8x1008xf32>
    %slice3A_789 = vector.extract_strided_slice %select_n3A_776 {offsets = [0, 0], sizes = [8, 16], strides = [1, 1]} : vector<8x1024xf32> to vector<8x16xf32>
    %concatenate3A_790 = tpu.concatenate %slice3A_788, %slice3A_789 in 1 : vector<8x1008xf32>, vector<8x16xf32> -> vector<8x1024xf32>
    %select_n3A_791 = arith.select %ne3A_784, %concatenate3A_787, %concatenate3A_790 : vector<8x1024xi1>, vector<8x1024xf32>
    %slice3A_792 = vector.extract_strided_slice %select_n3A_777 {offsets = [0, 1008], sizes = [8, 16], strides = [1, 1]} : vector<8x1024xf32> to vector<8x16xf32>
    %slice3A_793 = vector.extract_strided_slice %select_n3A_777 {offsets = [0, 0], sizes = [8, 1008], strides = [1, 1]} : vector<8x1024xf32> to vector<8x1008xf32>
    %concatenate3A_794 = tpu.concatenate %slice3A_792, %slice3A_793 in 1 : vector<8x16xf32>, vector<8x1008xf32> -> vector<8x1024xf32>
    %slice3A_795 = vector.extract_strided_slice %select_n3A_777 {offsets = [0, 16], sizes = [8, 1008], strides = [1, 1]} : vector<8x1024xf32> to vector<8x1008xf32>
    %slice3A_796 = vector.extract_strided_slice %select_n3A_777 {offsets = [0, 0], sizes = [8, 16], strides = [1, 1]} : vector<8x1024xf32> to vector<8x16xf32>
    %concatenate3A_797 = tpu.concatenate %slice3A_795, %slice3A_796 in 1 : vector<8x1008xf32>, vector<8x16xf32> -> vector<8x1024xf32>
    %select_n3A_798 = arith.select %ne3A_784, %concatenate3A_794, %concatenate3A_797 : vector<8x1024xi1>, vector<8x1024xf32>
    %slice3A_799 = vector.extract_strided_slice %select_n3A_778 {offsets = [0, 1008], sizes = [8, 16], strides = [1, 1]} : vector<8x1024xi32> to vector<8x16xi32>
    %slice3A_800 = vector.extract_strided_slice %select_n3A_778 {offsets = [0, 0], sizes = [8, 1008], strides = [1, 1]} : vector<8x1024xi32> to vector<8x1008xi32>
    %concatenate3A_801 = tpu.concatenate %slice3A_799, %slice3A_800 in 1 : vector<8x16xi32>, vector<8x1008xi32> -> vector<8x1024xi32>
    %slice3A_802 = vector.extract_strided_slice %select_n3A_778 {offsets = [0, 16], sizes = [8, 1008], strides = [1, 1]} : vector<8x1024xi32> to vector<8x1008xi32>
    %slice3A_803 = vector.extract_strided_slice %select_n3A_778 {offsets = [0, 0], sizes = [8, 16], strides = [1, 1]} : vector<8x1024xi32> to vector<8x16xi32>
    %concatenate3A_804 = tpu.concatenate %slice3A_802, %slice3A_803 in 1 : vector<8x1008xi32>, vector<8x16xi32> -> vector<8x1024xi32>
    %select_n3A_805 = arith.select %ne3A_784, %concatenate3A_801, %concatenate3A_804 : vector<8x1024xi1>, vector<8x1024xi32>
    %gt3A_806 = arith.cmpf ogt, %select_n3A_791, %select_n3A_776 : vector<8x1024xf32>
    %eq3A_807 = arith.cmpf oeq, %select_n3A_791, %select_n3A_776 : vector<8x1024xf32>
    %lt3A_808 = arith.cmpi slt, %select_n3A_805, %select_n3A_778 : vector<8x1024xi32>
    %and3A_809 = arith.andi %eq3A_807, %lt3A_808 : vector<8x1024xi1>
    %or3A_810 = arith.ori %gt3A_806, %and3A_809 : vector<8x1024xi1>
    %and3A_811 = arith.constant 64 : i32
    %and3A_812 = vector.broadcast %and3A_811 : i32 to vector<8x1024xi32>
    %and3A_813 = arith.andi %iota3A, %and3A_812 : vector<8x1024xi32>
    %eq3A_814 = arith.constant 0 : i32
    %eq3A_815 = vector.broadcast %eq3A_814 : i32 to vector<8x1024xi32>
    %eq3A_816 = arith.cmpi eq, %and3A_813, %eq3A_815 : vector<8x1024xi32>
    %not3A_817 = arith.constant dense<true> : vector<8x1024xi1>
    %not3A_818 = arith.xori %ne3A_784, %not3A_817 : vector<8x1024xi1>
    %eq3A_819 = arith.xori %not3A_818, %eq3A_816 : vector<8x1024xi1>
    %eq3A_820 = arith.constant dense<true> : vector<8x1024xi1>
    %eq3A_821 = arith.xori %eq3A_819, %eq3A_820 : vector<8x1024xi1>
    %eq3A_822 = arith.xori %eq3A_821, %or3A_810 : vector<8x1024xi1>
    %eq3A_823 = arith.constant dense<true> : vector<8x1024xi1>
    %eq3A_824 = arith.xori %eq3A_822, %eq3A_823 : vector<8x1024xi1>
    %select_n3A_825 = arith.select %eq3A_824, %select_n3A_791, %select_n3A_776 : vector<8x1024xi1>, vector<8x1024xf32>
    %select_n3A_826 = arith.select %eq3A_824, %select_n3A_798, %select_n3A_777 : vector<8x1024xi1>, vector<8x1024xf32>
    %select_n3A_827 = arith.select %eq3A_824, %select_n3A_805, %select_n3A_778 : vector<8x1024xi1>, vector<8x1024xi32>
    %and3A_828 = arith.constant 8 : i32
    %and3A_829 = vector.broadcast %and3A_828 : i32 to vector<8x1024xi32>
    %and3A_830 = arith.andi %iota3A, %and3A_829 : vector<8x1024xi32>
    %ne3A_831 = arith.constant 0 : i32
    %ne3A_832 = vector.broadcast %ne3A_831 : i32 to vector<8x1024xi32>
    %ne3A_833 = arith.cmpi ne, %and3A_830, %ne3A_832 : vector<8x1024xi32>
    %slice3A_834 = vector.extract_strided_slice %select_n3A_825 {offsets = [0, 1016], sizes = [8, 8], strides = [1, 1]} : vector<8x1024xf32> to vector<8x8xf32>
    %slice3A_835 = vector.extract_strided_slice %select_n3A_825 {offsets = [0, 0], sizes = [8, 1016], strides = [1, 1]} : vector<8x1024xf32> to vector<8x1016xf32>
    %concatenate3A_836 = tpu.concatenate %slice3A_834, %slice3A_835 in 1 : vector<8x8xf32>, vector<8x1016xf32> -> vector<8x1024xf32>
    %slice3A_837 = vector.extract_strided_slice %select_n3A_825 {offsets = [0, 8], sizes = [8, 1016], strides = [1, 1]} : vector<8x1024xf32> to vector<8x1016xf32>
    %slice3A_838 = vector.extract_strided_slice %select_n3A_825 {offsets = [0, 0], sizes = [8, 8], strides = [1, 1]} : vector<8x1024xf32> to vector<8x8xf32>
    %concatenate3A_839 = tpu.concatenate %slice3A_837, %slice3A_838 in 1 : vector<8x1016xf32>, vector<8x8xf32> -> vector<8x1024xf32>
    %select_n3A_840 = arith.select %ne3A_833, %concatenate3A_836, %concatenate3A_839 : vector<8x1024xi1>, vector<8x1024xf32>
    %slice3A_841 = vector.extract_strided_slice %select_n3A_826 {offsets = [0, 1016], sizes = [8, 8], strides = [1, 1]} : vector<8x1024xf32> to vector<8x8xf32>
    %slice3A_842 = vector.extract_strided_slice %select_n3A_826 {offsets = [0, 0], sizes = [8, 1016], strides = [1, 1]} : vector<8x1024xf32> to vector<8x1016xf32>
    %concatenate3A_843 = tpu.concatenate %slice3A_841, %slice3A_842 in 1 : vector<8x8xf32>, vector<8x1016xf32> -> vector<8x1024xf32>
    %slice3A_844 = vector.extract_strided_slice %select_n3A_826 {offsets = [0, 8], sizes = [8, 1016], strides = [1, 1]} : vector<8x1024xf32> to vector<8x1016xf32>
    %slice3A_845 = vector.extract_strided_slice %select_n3A_826 {offsets = [0, 0], sizes = [8, 8], strides = [1, 1]} : vector<8x1024xf32> to vector<8x8xf32>
    %concatenate3A_846 = tpu.concatenate %slice3A_844, %slice3A_845 in 1 : vector<8x1016xf32>, vector<8x8xf32> -> vector<8x1024xf32>
    %select_n3A_847 = arith.select %ne3A_833, %concatenate3A_843, %concatenate3A_846 : vector<8x1024xi1>, vector<8x1024xf32>
    %slice3A_848 = vector.extract_strided_slice %select_n3A_827 {offsets = [0, 1016], sizes = [8, 8], strides = [1, 1]} : vector<8x1024xi32> to vector<8x8xi32>
    %slice3A_849 = vector.extract_strided_slice %select_n3A_827 {offsets = [0, 0], sizes = [8, 1016], strides = [1, 1]} : vector<8x1024xi32> to vector<8x1016xi32>
    %concatenate3A_850 = tpu.concatenate %slice3A_848, %slice3A_849 in 1 : vector<8x8xi32>, vector<8x1016xi32> -> vector<8x1024xi32>
    %slice3A_851 = vector.extract_strided_slice %select_n3A_827 {offsets = [0, 8], sizes = [8, 1016], strides = [1, 1]} : vector<8x1024xi32> to vector<8x1016xi32>
    %slice3A_852 = vector.extract_strided_slice %select_n3A_827 {offsets = [0, 0], sizes = [8, 8], strides = [1, 1]} : vector<8x1024xi32> to vector<8x8xi32>
    %concatenate3A_853 = tpu.concatenate %slice3A_851, %slice3A_852 in 1 : vector<8x1016xi32>, vector<8x8xi32> -> vector<8x1024xi32>
    %select_n3A_854 = arith.select %ne3A_833, %concatenate3A_850, %concatenate3A_853 : vector<8x1024xi1>, vector<8x1024xi32>
    %gt3A_855 = arith.cmpf ogt, %select_n3A_840, %select_n3A_825 : vector<8x1024xf32>
    %eq3A_856 = arith.cmpf oeq, %select_n3A_840, %select_n3A_825 : vector<8x1024xf32>
    %lt3A_857 = arith.cmpi slt, %select_n3A_854, %select_n3A_827 : vector<8x1024xi32>
    %and3A_858 = arith.andi %eq3A_856, %lt3A_857 : vector<8x1024xi1>
    %or3A_859 = arith.ori %gt3A_855, %and3A_858 : vector<8x1024xi1>
    %and3A_860 = arith.constant 64 : i32
    %and3A_861 = vector.broadcast %and3A_860 : i32 to vector<8x1024xi32>
    %and3A_862 = arith.andi %iota3A, %and3A_861 : vector<8x1024xi32>
    %eq3A_863 = arith.constant 0 : i32
    %eq3A_864 = vector.broadcast %eq3A_863 : i32 to vector<8x1024xi32>
    %eq3A_865 = arith.cmpi eq, %and3A_862, %eq3A_864 : vector<8x1024xi32>
    %not3A_866 = arith.constant dense<true> : vector<8x1024xi1>
    %not3A_867 = arith.xori %ne3A_833, %not3A_866 : vector<8x1024xi1>
    %eq3A_868 = arith.xori %not3A_867, %eq3A_865 : vector<8x1024xi1>
    %eq3A_869 = arith.constant dense<true> : vector<8x1024xi1>
    %eq3A_870 = arith.xori %eq3A_868, %eq3A_869 : vector<8x1024xi1>
    %eq3A_871 = arith.xori %eq3A_870, %or3A_859 : vector<8x1024xi1>
    %eq3A_872 = arith.constant dense<true> : vector<8x1024xi1>
    %eq3A_873 = arith.xori %eq3A_871, %eq3A_872 : vector<8x1024xi1>
    %select_n3A_874 = arith.select %eq3A_873, %select_n3A_840, %select_n3A_825 : vector<8x1024xi1>, vector<8x1024xf32>
    %select_n3A_875 = arith.select %eq3A_873, %select_n3A_847, %select_n3A_826 : vector<8x1024xi1>, vector<8x1024xf32>
    %select_n3A_876 = arith.select %eq3A_873, %select_n3A_854, %select_n3A_827 : vector<8x1024xi1>, vector<8x1024xi32>
    %and3A_877 = arith.constant 4 : i32
    %and3A_878 = vector.broadcast %and3A_877 : i32 to vector<8x1024xi32>
    %and3A_879 = arith.andi %iota3A, %and3A_878 : vector<8x1024xi32>
    %ne3A_880 = arith.constant 0 : i32
    %ne3A_881 = vector.broadcast %ne3A_880 : i32 to vector<8x1024xi32>
    %ne3A_882 = arith.cmpi ne, %and3A_879, %ne3A_881 : vector<8x1024xi32>
    %slice3A_883 = vector.extract_strided_slice %select_n3A_874 {offsets = [0, 1020], sizes = [8, 4], strides = [1, 1]} : vector<8x1024xf32> to vector<8x4xf32>
    %slice3A_884 = vector.extract_strided_slice %select_n3A_874 {offsets = [0, 0], sizes = [8, 1020], strides = [1, 1]} : vector<8x1024xf32> to vector<8x1020xf32>
    %concatenate3A_885 = tpu.concatenate %slice3A_883, %slice3A_884 in 1 : vector<8x4xf32>, vector<8x1020xf32> -> vector<8x1024xf32>
    %slice3A_886 = vector.extract_strided_slice %select_n3A_874 {offsets = [0, 4], sizes = [8, 1020], strides = [1, 1]} : vector<8x1024xf32> to vector<8x1020xf32>
    %slice3A_887 = vector.extract_strided_slice %select_n3A_874 {offsets = [0, 0], sizes = [8, 4], strides = [1, 1]} : vector<8x1024xf32> to vector<8x4xf32>
    %concatenate3A_888 = tpu.concatenate %slice3A_886, %slice3A_887 in 1 : vector<8x1020xf32>, vector<8x4xf32> -> vector<8x1024xf32>
    %select_n3A_889 = arith.select %ne3A_882, %concatenate3A_885, %concatenate3A_888 : vector<8x1024xi1>, vector<8x1024xf32>
    %slice3A_890 = vector.extract_strided_slice %select_n3A_875 {offsets = [0, 1020], sizes = [8, 4], strides = [1, 1]} : vector<8x1024xf32> to vector<8x4xf32>
    %slice3A_891 = vector.extract_strided_slice %select_n3A_875 {offsets = [0, 0], sizes = [8, 1020], strides = [1, 1]} : vector<8x1024xf32> to vector<8x1020xf32>
    %concatenate3A_892 = tpu.concatenate %slice3A_890, %slice3A_891 in 1 : vector<8x4xf32>, vector<8x1020xf32> -> vector<8x1024xf32>
    %slice3A_893 = vector.extract_strided_slice %select_n3A_875 {offsets = [0, 4], sizes = [8, 1020], strides = [1, 1]} : vector<8x1024xf32> to vector<8x1020xf32>
    %slice3A_894 = vector.extract_strided_slice %select_n3A_875 {offsets = [0, 0], sizes = [8, 4], strides = [1, 1]} : vector<8x1024xf32> to vector<8x4xf32>
    %concatenate3A_895 = tpu.concatenate %slice3A_893, %slice3A_894 in 1 : vector<8x1020xf32>, vector<8x4xf32> -> vector<8x1024xf32>
    %select_n3A_896 = arith.select %ne3A_882, %concatenate3A_892, %concatenate3A_895 : vector<8x1024xi1>, vector<8x1024xf32>
    %slice3A_897 = vector.extract_strided_slice %select_n3A_876 {offsets = [0, 1020], sizes = [8, 4], strides = [1, 1]} : vector<8x1024xi32> to vector<8x4xi32>
    %slice3A_898 = vector.extract_strided_slice %select_n3A_876 {offsets = [0, 0], sizes = [8, 1020], strides = [1, 1]} : vector<8x1024xi32> to vector<8x1020xi32>
    %concatenate3A_899 = tpu.concatenate %slice3A_897, %slice3A_898 in 1 : vector<8x4xi32>, vector<8x1020xi32> -> vector<8x1024xi32>
    %slice3A_900 = vector.extract_strided_slice %select_n3A_876 {offsets = [0, 4], sizes = [8, 1020], strides = [1, 1]} : vector<8x1024xi32> to vector<8x1020xi32>
    %slice3A_901 = vector.extract_strided_slice %select_n3A_876 {offsets = [0, 0], sizes = [8, 4], strides = [1, 1]} : vector<8x1024xi32> to vector<8x4xi32>
    %concatenate3A_902 = tpu.concatenate %slice3A_900, %slice3A_901 in 1 : vector<8x1020xi32>, vector<8x4xi32> -> vector<8x1024xi32>
    %select_n3A_903 = arith.select %ne3A_882, %concatenate3A_899, %concatenate3A_902 : vector<8x1024xi1>, vector<8x1024xi32>
    %gt3A_904 = arith.cmpf ogt, %select_n3A_889, %select_n3A_874 : vector<8x1024xf32>
    %eq3A_905 = arith.cmpf oeq, %select_n3A_889, %select_n3A_874 : vector<8x1024xf32>
    %lt3A_906 = arith.cmpi slt, %select_n3A_903, %select_n3A_876 : vector<8x1024xi32>
    %and3A_907 = arith.andi %eq3A_905, %lt3A_906 : vector<8x1024xi1>
    %or3A_908 = arith.ori %gt3A_904, %and3A_907 : vector<8x1024xi1>
    %and3A_909 = arith.constant 64 : i32
    %and3A_910 = vector.broadcast %and3A_909 : i32 to vector<8x1024xi32>
    %and3A_911 = arith.andi %iota3A, %and3A_910 : vector<8x1024xi32>
    %eq3A_912 = arith.constant 0 : i32
    %eq3A_913 = vector.broadcast %eq3A_912 : i32 to vector<8x1024xi32>
    %eq3A_914 = arith.cmpi eq, %and3A_911, %eq3A_913 : vector<8x1024xi32>
    %not3A_915 = arith.constant dense<true> : vector<8x1024xi1>
    %not3A_916 = arith.xori %ne3A_882, %not3A_915 : vector<8x1024xi1>
    %eq3A_917 = arith.xori %not3A_916, %eq3A_914 : vector<8x1024xi1>
    %eq3A_918 = arith.constant dense<true> : vector<8x1024xi1>
    %eq3A_919 = arith.xori %eq3A_917, %eq3A_918 : vector<8x1024xi1>
    %eq3A_920 = arith.xori %eq3A_919, %or3A_908 : vector<8x1024xi1>
    %eq3A_921 = arith.constant dense<true> : vector<8x1024xi1>
    %eq3A_922 = arith.xori %eq3A_920, %eq3A_921 : vector<8x1024xi1>
    %select_n3A_923 = arith.select %eq3A_922, %select_n3A_889, %select_n3A_874 : vector<8x1024xi1>, vector<8x1024xf32>
    %select_n3A_924 = arith.select %eq3A_922, %select_n3A_896, %select_n3A_875 : vector<8x1024xi1>, vector<8x1024xf32>
    %select_n3A_925 = arith.select %eq3A_922, %select_n3A_903, %select_n3A_876 : vector<8x1024xi1>, vector<8x1024xi32>
    %and3A_926 = arith.constant 2 : i32
    %and3A_927 = vector.broadcast %and3A_926 : i32 to vector<8x1024xi32>
    %and3A_928 = arith.andi %iota3A, %and3A_927 : vector<8x1024xi32>
    %ne3A_929 = arith.constant 0 : i32
    %ne3A_930 = vector.broadcast %ne3A_929 : i32 to vector<8x1024xi32>
    %ne3A_931 = arith.cmpi ne, %and3A_928, %ne3A_930 : vector<8x1024xi32>
    %slice3A_932 = vector.extract_strided_slice %select_n3A_923 {offsets = [0, 1022], sizes = [8, 2], strides = [1, 1]} : vector<8x1024xf32> to vector<8x2xf32>
    %slice3A_933 = vector.extract_strided_slice %select_n3A_923 {offsets = [0, 0], sizes = [8, 1022], strides = [1, 1]} : vector<8x1024xf32> to vector<8x1022xf32>
    %concatenate3A_934 = tpu.concatenate %slice3A_932, %slice3A_933 in 1 : vector<8x2xf32>, vector<8x1022xf32> -> vector<8x1024xf32>
    %slice3A_935 = vector.extract_strided_slice %select_n3A_923 {offsets = [0, 2], sizes = [8, 1022], strides = [1, 1]} : vector<8x1024xf32> to vector<8x1022xf32>
    %slice3A_936 = vector.extract_strided_slice %select_n3A_923 {offsets = [0, 0], sizes = [8, 2], strides = [1, 1]} : vector<8x1024xf32> to vector<8x2xf32>
    %concatenate3A_937 = tpu.concatenate %slice3A_935, %slice3A_936 in 1 : vector<8x1022xf32>, vector<8x2xf32> -> vector<8x1024xf32>
    %select_n3A_938 = arith.select %ne3A_931, %concatenate3A_934, %concatenate3A_937 : vector<8x1024xi1>, vector<8x1024xf32>
    %slice3A_939 = vector.extract_strided_slice %select_n3A_924 {offsets = [0, 1022], sizes = [8, 2], strides = [1, 1]} : vector<8x1024xf32> to vector<8x2xf32>
    %slice3A_940 = vector.extract_strided_slice %select_n3A_924 {offsets = [0, 0], sizes = [8, 1022], strides = [1, 1]} : vector<8x1024xf32> to vector<8x1022xf32>
    %concatenate3A_941 = tpu.concatenate %slice3A_939, %slice3A_940 in 1 : vector<8x2xf32>, vector<8x1022xf32> -> vector<8x1024xf32>
    %slice3A_942 = vector.extract_strided_slice %select_n3A_924 {offsets = [0, 2], sizes = [8, 1022], strides = [1, 1]} : vector<8x1024xf32> to vector<8x1022xf32>
    %slice3A_943 = vector.extract_strided_slice %select_n3A_924 {offsets = [0, 0], sizes = [8, 2], strides = [1, 1]} : vector<8x1024xf32> to vector<8x2xf32>
    %concatenate3A_944 = tpu.concatenate %slice3A_942, %slice3A_943 in 1 : vector<8x1022xf32>, vector<8x2xf32> -> vector<8x1024xf32>
    %select_n3A_945 = arith.select %ne3A_931, %concatenate3A_941, %concatenate3A_944 : vector<8x1024xi1>, vector<8x1024xf32>
    %slice3A_946 = vector.extract_strided_slice %select_n3A_925 {offsets = [0, 1022], sizes = [8, 2], strides = [1, 1]} : vector<8x1024xi32> to vector<8x2xi32>
    %slice3A_947 = vector.extract_strided_slice %select_n3A_925 {offsets = [0, 0], sizes = [8, 1022], strides = [1, 1]} : vector<8x1024xi32> to vector<8x1022xi32>
    %concatenate3A_948 = tpu.concatenate %slice3A_946, %slice3A_947 in 1 : vector<8x2xi32>, vector<8x1022xi32> -> vector<8x1024xi32>
    %slice3A_949 = vector.extract_strided_slice %select_n3A_925 {offsets = [0, 2], sizes = [8, 1022], strides = [1, 1]} : vector<8x1024xi32> to vector<8x1022xi32>
    %slice3A_950 = vector.extract_strided_slice %select_n3A_925 {offsets = [0, 0], sizes = [8, 2], strides = [1, 1]} : vector<8x1024xi32> to vector<8x2xi32>
    %concatenate3A_951 = tpu.concatenate %slice3A_949, %slice3A_950 in 1 : vector<8x1022xi32>, vector<8x2xi32> -> vector<8x1024xi32>
    %select_n3A_952 = arith.select %ne3A_931, %concatenate3A_948, %concatenate3A_951 : vector<8x1024xi1>, vector<8x1024xi32>
    %gt3A_953 = arith.cmpf ogt, %select_n3A_938, %select_n3A_923 : vector<8x1024xf32>
    %eq3A_954 = arith.cmpf oeq, %select_n3A_938, %select_n3A_923 : vector<8x1024xf32>
    %lt3A_955 = arith.cmpi slt, %select_n3A_952, %select_n3A_925 : vector<8x1024xi32>
    %and3A_956 = arith.andi %eq3A_954, %lt3A_955 : vector<8x1024xi1>
    %or3A_957 = arith.ori %gt3A_953, %and3A_956 : vector<8x1024xi1>
    %and3A_958 = arith.constant 64 : i32
    %and3A_959 = vector.broadcast %and3A_958 : i32 to vector<8x1024xi32>
    %and3A_960 = arith.andi %iota3A, %and3A_959 : vector<8x1024xi32>
    %eq3A_961 = arith.constant 0 : i32
    %eq3A_962 = vector.broadcast %eq3A_961 : i32 to vector<8x1024xi32>
    %eq3A_963 = arith.cmpi eq, %and3A_960, %eq3A_962 : vector<8x1024xi32>
    %not3A_964 = arith.constant dense<true> : vector<8x1024xi1>
    %not3A_965 = arith.xori %ne3A_931, %not3A_964 : vector<8x1024xi1>
    %eq3A_966 = arith.xori %not3A_965, %eq3A_963 : vector<8x1024xi1>
    %eq3A_967 = arith.constant dense<true> : vector<8x1024xi1>
    %eq3A_968 = arith.xori %eq3A_966, %eq3A_967 : vector<8x1024xi1>
    %eq3A_969 = arith.xori %eq3A_968, %or3A_957 : vector<8x1024xi1>
    %eq3A_970 = arith.constant dense<true> : vector<8x1024xi1>
    %eq3A_971 = arith.xori %eq3A_969, %eq3A_970 : vector<8x1024xi1>
    %select_n3A_972 = arith.select %eq3A_971, %select_n3A_938, %select_n3A_923 : vector<8x1024xi1>, vector<8x1024xf32>
    %select_n3A_973 = arith.select %eq3A_971, %select_n3A_945, %select_n3A_924 : vector<8x1024xi1>, vector<8x1024xf32>
    %select_n3A_974 = arith.select %eq3A_971, %select_n3A_952, %select_n3A_925 : vector<8x1024xi1>, vector<8x1024xi32>
    %and3A_975 = arith.constant 1 : i32
    %and3A_976 = vector.broadcast %and3A_975 : i32 to vector<8x1024xi32>
    %and3A_977 = arith.andi %iota3A, %and3A_976 : vector<8x1024xi32>
    %ne3A_978 = arith.constant 0 : i32
    %ne3A_979 = vector.broadcast %ne3A_978 : i32 to vector<8x1024xi32>
    %ne3A_980 = arith.cmpi ne, %and3A_977, %ne3A_979 : vector<8x1024xi32>
    %slice3A_981 = vector.extract_strided_slice %select_n3A_972 {offsets = [0, 1023], sizes = [8, 1], strides = [1, 1]} : vector<8x1024xf32> to vector<8x1xf32>
    %slice3A_982 = vector.extract_strided_slice %select_n3A_972 {offsets = [0, 0], sizes = [8, 1023], strides = [1, 1]} : vector<8x1024xf32> to vector<8x1023xf32>
    %concatenate3A_983 = tpu.concatenate %slice3A_981, %slice3A_982 in 1 : vector<8x1xf32>, vector<8x1023xf32> -> vector<8x1024xf32>
    %slice3A_984 = vector.extract_strided_slice %select_n3A_972 {offsets = [0, 1], sizes = [8, 1023], strides = [1, 1]} : vector<8x1024xf32> to vector<8x1023xf32>
    %slice3A_985 = vector.extract_strided_slice %select_n3A_972 {offsets = [0, 0], sizes = [8, 1], strides = [1, 1]} : vector<8x1024xf32> to vector<8x1xf32>
    %concatenate3A_986 = tpu.concatenate %slice3A_984, %slice3A_985 in 1 : vector<8x1023xf32>, vector<8x1xf32> -> vector<8x1024xf32>
    %select_n3A_987 = arith.select %ne3A_980, %concatenate3A_983, %concatenate3A_986 : vector<8x1024xi1>, vector<8x1024xf32>
    %slice3A_988 = vector.extract_strided_slice %select_n3A_973 {offsets = [0, 1023], sizes = [8, 1], strides = [1, 1]} : vector<8x1024xf32> to vector<8x1xf32>
    %slice3A_989 = vector.extract_strided_slice %select_n3A_973 {offsets = [0, 0], sizes = [8, 1023], strides = [1, 1]} : vector<8x1024xf32> to vector<8x1023xf32>
    %concatenate3A_990 = tpu.concatenate %slice3A_988, %slice3A_989 in 1 : vector<8x1xf32>, vector<8x1023xf32> -> vector<8x1024xf32>
    %slice3A_991 = vector.extract_strided_slice %select_n3A_973 {offsets = [0, 1], sizes = [8, 1023], strides = [1, 1]} : vector<8x1024xf32> to vector<8x1023xf32>
    %slice3A_992 = vector.extract_strided_slice %select_n3A_973 {offsets = [0, 0], sizes = [8, 1], strides = [1, 1]} : vector<8x1024xf32> to vector<8x1xf32>
    %concatenate3A_993 = tpu.concatenate %slice3A_991, %slice3A_992 in 1 : vector<8x1023xf32>, vector<8x1xf32> -> vector<8x1024xf32>
    %select_n3A_994 = arith.select %ne3A_980, %concatenate3A_990, %concatenate3A_993 : vector<8x1024xi1>, vector<8x1024xf32>
    %slice3A_995 = vector.extract_strided_slice %select_n3A_974 {offsets = [0, 1023], sizes = [8, 1], strides = [1, 1]} : vector<8x1024xi32> to vector<8x1xi32>
    %slice3A_996 = vector.extract_strided_slice %select_n3A_974 {offsets = [0, 0], sizes = [8, 1023], strides = [1, 1]} : vector<8x1024xi32> to vector<8x1023xi32>
    %concatenate3A_997 = tpu.concatenate %slice3A_995, %slice3A_996 in 1 : vector<8x1xi32>, vector<8x1023xi32> -> vector<8x1024xi32>
    %slice3A_998 = vector.extract_strided_slice %select_n3A_974 {offsets = [0, 1], sizes = [8, 1023], strides = [1, 1]} : vector<8x1024xi32> to vector<8x1023xi32>
    %slice3A_999 = vector.extract_strided_slice %select_n3A_974 {offsets = [0, 0], sizes = [8, 1], strides = [1, 1]} : vector<8x1024xi32> to vector<8x1xi32>
    %concatenate3A_1000 = tpu.concatenate %slice3A_998, %slice3A_999 in 1 : vector<8x1023xi32>, vector<8x1xi32> -> vector<8x1024xi32>
    %select_n3A_1001 = arith.select %ne3A_980, %concatenate3A_997, %concatenate3A_1000 : vector<8x1024xi1>, vector<8x1024xi32>
    %gt3A_1002 = arith.cmpf ogt, %select_n3A_987, %select_n3A_972 : vector<8x1024xf32>
    %eq3A_1003 = arith.cmpf oeq, %select_n3A_987, %select_n3A_972 : vector<8x1024xf32>
    %lt3A_1004 = arith.cmpi slt, %select_n3A_1001, %select_n3A_974 : vector<8x1024xi32>
    %and3A_1005 = arith.andi %eq3A_1003, %lt3A_1004 : vector<8x1024xi1>
    %or3A_1006 = arith.ori %gt3A_1002, %and3A_1005 : vector<8x1024xi1>
    %and3A_1007 = arith.constant 64 : i32
    %and3A_1008 = vector.broadcast %and3A_1007 : i32 to vector<8x1024xi32>
    %and3A_1009 = arith.andi %iota3A, %and3A_1008 : vector<8x1024xi32>
    %eq3A_1010 = arith.constant 0 : i32
    %eq3A_1011 = vector.broadcast %eq3A_1010 : i32 to vector<8x1024xi32>
    %eq3A_1012 = arith.cmpi eq, %and3A_1009, %eq3A_1011 : vector<8x1024xi32>
    %not3A_1013 = arith.constant dense<true> : vector<8x1024xi1>
    %not3A_1014 = arith.xori %ne3A_980, %not3A_1013 : vector<8x1024xi1>
    %eq3A_1015 = arith.xori %not3A_1014, %eq3A_1012 : vector<8x1024xi1>
    %eq3A_1016 = arith.constant dense<true> : vector<8x1024xi1>
    %eq3A_1017 = arith.xori %eq3A_1015, %eq3A_1016 : vector<8x1024xi1>
    %eq3A_1018 = arith.xori %eq3A_1017, %or3A_1006 : vector<8x1024xi1>
    %eq3A_1019 = arith.constant dense<true> : vector<8x1024xi1>
    %eq3A_1020 = arith.xori %eq3A_1018, %eq3A_1019 : vector<8x1024xi1>
    %select_n3A_1021 = arith.select %eq3A_1020, %select_n3A_987, %select_n3A_972 : vector<8x1024xi1>, vector<8x1024xf32>
    %select_n3A_1022 = arith.select %eq3A_1020, %select_n3A_994, %select_n3A_973 : vector<8x1024xi1>, vector<8x1024xf32>
    %select_n3A_1023 = arith.select %eq3A_1020, %select_n3A_1001, %select_n3A_974 : vector<8x1024xi1>, vector<8x1024xi32>
    %and3A_1024 = arith.constant 64 : i32
    %and3A_1025 = vector.broadcast %and3A_1024 : i32 to vector<8x1024xi32>
    %and3A_1026 = arith.andi %iota3A, %and3A_1025 : vector<8x1024xi32>
    %ne3A_1027 = arith.constant 0 : i32
    %ne3A_1028 = vector.broadcast %ne3A_1027 : i32 to vector<8x1024xi32>
    %ne3A_1029 = arith.cmpi ne, %and3A_1026, %ne3A_1028 : vector<8x1024xi32>
    %slice3A_1030 = vector.extract_strided_slice %select_n3A_1021 {offsets = [0, 960], sizes = [8, 64], strides = [1, 1]} : vector<8x1024xf32> to vector<8x64xf32>
    %slice3A_1031 = vector.extract_strided_slice %select_n3A_1021 {offsets = [0, 0], sizes = [8, 960], strides = [1, 1]} : vector<8x1024xf32> to vector<8x960xf32>
    %concatenate3A_1032 = tpu.concatenate %slice3A_1030, %slice3A_1031 in 1 : vector<8x64xf32>, vector<8x960xf32> -> vector<8x1024xf32>
    %slice3A_1033 = vector.extract_strided_slice %select_n3A_1021 {offsets = [0, 64], sizes = [8, 960], strides = [1, 1]} : vector<8x1024xf32> to vector<8x960xf32>
    %slice3A_1034 = vector.extract_strided_slice %select_n3A_1021 {offsets = [0, 0], sizes = [8, 64], strides = [1, 1]} : vector<8x1024xf32> to vector<8x64xf32>
    %concatenate3A_1035 = tpu.concatenate %slice3A_1033, %slice3A_1034 in 1 : vector<8x960xf32>, vector<8x64xf32> -> vector<8x1024xf32>
    %select_n3A_1036 = arith.select %ne3A_1029, %concatenate3A_1032, %concatenate3A_1035 : vector<8x1024xi1>, vector<8x1024xf32>
    %slice3A_1037 = vector.extract_strided_slice %select_n3A_1022 {offsets = [0, 960], sizes = [8, 64], strides = [1, 1]} : vector<8x1024xf32> to vector<8x64xf32>
    %slice3A_1038 = vector.extract_strided_slice %select_n3A_1022 {offsets = [0, 0], sizes = [8, 960], strides = [1, 1]} : vector<8x1024xf32> to vector<8x960xf32>
    %concatenate3A_1039 = tpu.concatenate %slice3A_1037, %slice3A_1038 in 1 : vector<8x64xf32>, vector<8x960xf32> -> vector<8x1024xf32>
    %slice3A_1040 = vector.extract_strided_slice %select_n3A_1022 {offsets = [0, 64], sizes = [8, 960], strides = [1, 1]} : vector<8x1024xf32> to vector<8x960xf32>
    %slice3A_1041 = vector.extract_strided_slice %select_n3A_1022 {offsets = [0, 0], sizes = [8, 64], strides = [1, 1]} : vector<8x1024xf32> to vector<8x64xf32>
    %concatenate3A_1042 = tpu.concatenate %slice3A_1040, %slice3A_1041 in 1 : vector<8x960xf32>, vector<8x64xf32> -> vector<8x1024xf32>
    %select_n3A_1043 = arith.select %ne3A_1029, %concatenate3A_1039, %concatenate3A_1042 : vector<8x1024xi1>, vector<8x1024xf32>
    %slice3A_1044 = vector.extract_strided_slice %select_n3A_1023 {offsets = [0, 960], sizes = [8, 64], strides = [1, 1]} : vector<8x1024xi32> to vector<8x64xi32>
    %slice3A_1045 = vector.extract_strided_slice %select_n3A_1023 {offsets = [0, 0], sizes = [8, 960], strides = [1, 1]} : vector<8x1024xi32> to vector<8x960xi32>
    %concatenate3A_1046 = tpu.concatenate %slice3A_1044, %slice3A_1045 in 1 : vector<8x64xi32>, vector<8x960xi32> -> vector<8x1024xi32>
    %slice3A_1047 = vector.extract_strided_slice %select_n3A_1023 {offsets = [0, 64], sizes = [8, 960], strides = [1, 1]} : vector<8x1024xi32> to vector<8x960xi32>
    %slice3A_1048 = vector.extract_strided_slice %select_n3A_1023 {offsets = [0, 0], sizes = [8, 64], strides = [1, 1]} : vector<8x1024xi32> to vector<8x64xi32>
    %concatenate3A_1049 = tpu.concatenate %slice3A_1047, %slice3A_1048 in 1 : vector<8x960xi32>, vector<8x64xi32> -> vector<8x1024xi32>
    %select_n3A_1050 = arith.select %ne3A_1029, %concatenate3A_1046, %concatenate3A_1049 : vector<8x1024xi1>, vector<8x1024xi32>
    %gt3A_1051 = arith.cmpf ogt, %select_n3A_1036, %select_n3A_1021 : vector<8x1024xf32>
    %eq3A_1052 = arith.cmpf oeq, %select_n3A_1036, %select_n3A_1021 : vector<8x1024xf32>
    %lt3A_1053 = arith.cmpi slt, %select_n3A_1050, %select_n3A_1023 : vector<8x1024xi32>
    %and3A_1054 = arith.andi %eq3A_1052, %lt3A_1053 : vector<8x1024xi1>
    %or3A_1055 = arith.ori %gt3A_1051, %and3A_1054 : vector<8x1024xi1>
    %and3A_1056 = arith.constant 128 : i32
    %and3A_1057 = vector.broadcast %and3A_1056 : i32 to vector<8x1024xi32>
    %and3A_1058 = arith.andi %iota3A, %and3A_1057 : vector<8x1024xi32>
    %eq3A_1059 = arith.constant 0 : i32
    %eq3A_1060 = vector.broadcast %eq3A_1059 : i32 to vector<8x1024xi32>
    %eq3A_1061 = arith.cmpi eq, %and3A_1058, %eq3A_1060 : vector<8x1024xi32>
    %not3A_1062 = arith.constant dense<true> : vector<8x1024xi1>
    %not3A_1063 = arith.xori %ne3A_1029, %not3A_1062 : vector<8x1024xi1>
    %eq3A_1064 = arith.xori %not3A_1063, %eq3A_1061 : vector<8x1024xi1>
    %eq3A_1065 = arith.constant dense<true> : vector<8x1024xi1>
    %eq3A_1066 = arith.xori %eq3A_1064, %eq3A_1065 : vector<8x1024xi1>
    %eq3A_1067 = arith.xori %eq3A_1066, %or3A_1055 : vector<8x1024xi1>
    %eq3A_1068 = arith.constant dense<true> : vector<8x1024xi1>
    %eq3A_1069 = arith.xori %eq3A_1067, %eq3A_1068 : vector<8x1024xi1>
    %select_n3A_1070 = arith.select %eq3A_1069, %select_n3A_1036, %select_n3A_1021 : vector<8x1024xi1>, vector<8x1024xf32>
    %select_n3A_1071 = arith.select %eq3A_1069, %select_n3A_1043, %select_n3A_1022 : vector<8x1024xi1>, vector<8x1024xf32>
    %select_n3A_1072 = arith.select %eq3A_1069, %select_n3A_1050, %select_n3A_1023 : vector<8x1024xi1>, vector<8x1024xi32>
    %and3A_1073 = arith.constant 32 : i32
    %and3A_1074 = vector.broadcast %and3A_1073 : i32 to vector<8x1024xi32>
    %and3A_1075 = arith.andi %iota3A, %and3A_1074 : vector<8x1024xi32>
    %ne3A_1076 = arith.constant 0 : i32
    %ne3A_1077 = vector.broadcast %ne3A_1076 : i32 to vector<8x1024xi32>
    %ne3A_1078 = arith.cmpi ne, %and3A_1075, %ne3A_1077 : vector<8x1024xi32>
    %slice3A_1079 = vector.extract_strided_slice %select_n3A_1070 {offsets = [0, 992], sizes = [8, 32], strides = [1, 1]} : vector<8x1024xf32> to vector<8x32xf32>
    %slice3A_1080 = vector.extract_strided_slice %select_n3A_1070 {offsets = [0, 0], sizes = [8, 992], strides = [1, 1]} : vector<8x1024xf32> to vector<8x992xf32>
    %concatenate3A_1081 = tpu.concatenate %slice3A_1079, %slice3A_1080 in 1 : vector<8x32xf32>, vector<8x992xf32> -> vector<8x1024xf32>
    %slice3A_1082 = vector.extract_strided_slice %select_n3A_1070 {offsets = [0, 32], sizes = [8, 992], strides = [1, 1]} : vector<8x1024xf32> to vector<8x992xf32>
    %slice3A_1083 = vector.extract_strided_slice %select_n3A_1070 {offsets = [0, 0], sizes = [8, 32], strides = [1, 1]} : vector<8x1024xf32> to vector<8x32xf32>
    %concatenate3A_1084 = tpu.concatenate %slice3A_1082, %slice3A_1083 in 1 : vector<8x992xf32>, vector<8x32xf32> -> vector<8x1024xf32>
    %select_n3A_1085 = arith.select %ne3A_1078, %concatenate3A_1081, %concatenate3A_1084 : vector<8x1024xi1>, vector<8x1024xf32>
    %slice3A_1086 = vector.extract_strided_slice %select_n3A_1071 {offsets = [0, 992], sizes = [8, 32], strides = [1, 1]} : vector<8x1024xf32> to vector<8x32xf32>
    %slice3A_1087 = vector.extract_strided_slice %select_n3A_1071 {offsets = [0, 0], sizes = [8, 992], strides = [1, 1]} : vector<8x1024xf32> to vector<8x992xf32>
    %concatenate3A_1088 = tpu.concatenate %slice3A_1086, %slice3A_1087 in 1 : vector<8x32xf32>, vector<8x992xf32> -> vector<8x1024xf32>
    %slice3A_1089 = vector.extract_strided_slice %select_n3A_1071 {offsets = [0, 32], sizes = [8, 992], strides = [1, 1]} : vector<8x1024xf32> to vector<8x992xf32>
    %slice3A_1090 = vector.extract_strided_slice %select_n3A_1071 {offsets = [0, 0], sizes = [8, 32], strides = [1, 1]} : vector<8x1024xf32> to vector<8x32xf32>
    %concatenate3A_1091 = tpu.concatenate %slice3A_1089, %slice3A_1090 in 1 : vector<8x992xf32>, vector<8x32xf32> -> vector<8x1024xf32>
    %select_n3A_1092 = arith.select %ne3A_1078, %concatenate3A_1088, %concatenate3A_1091 : vector<8x1024xi1>, vector<8x1024xf32>
    %slice3A_1093 = vector.extract_strided_slice %select_n3A_1072 {offsets = [0, 992], sizes = [8, 32], strides = [1, 1]} : vector<8x1024xi32> to vector<8x32xi32>
    %slice3A_1094 = vector.extract_strided_slice %select_n3A_1072 {offsets = [0, 0], sizes = [8, 992], strides = [1, 1]} : vector<8x1024xi32> to vector<8x992xi32>
    %concatenate3A_1095 = tpu.concatenate %slice3A_1093, %slice3A_1094 in 1 : vector<8x32xi32>, vector<8x992xi32> -> vector<8x1024xi32>
    %slice3A_1096 = vector.extract_strided_slice %select_n3A_1072 {offsets = [0, 32], sizes = [8, 992], strides = [1, 1]} : vector<8x1024xi32> to vector<8x992xi32>
    %slice3A_1097 = vector.extract_strided_slice %select_n3A_1072 {offsets = [0, 0], sizes = [8, 32], strides = [1, 1]} : vector<8x1024xi32> to vector<8x32xi32>
    %concatenate3A_1098 = tpu.concatenate %slice3A_1096, %slice3A_1097 in 1 : vector<8x992xi32>, vector<8x32xi32> -> vector<8x1024xi32>
    %select_n3A_1099 = arith.select %ne3A_1078, %concatenate3A_1095, %concatenate3A_1098 : vector<8x1024xi1>, vector<8x1024xi32>
    %gt3A_1100 = arith.cmpf ogt, %select_n3A_1085, %select_n3A_1070 : vector<8x1024xf32>
    %eq3A_1101 = arith.cmpf oeq, %select_n3A_1085, %select_n3A_1070 : vector<8x1024xf32>
    %lt3A_1102 = arith.cmpi slt, %select_n3A_1099, %select_n3A_1072 : vector<8x1024xi32>
    %and3A_1103 = arith.andi %eq3A_1101, %lt3A_1102 : vector<8x1024xi1>
    %or3A_1104 = arith.ori %gt3A_1100, %and3A_1103 : vector<8x1024xi1>
    %and3A_1105 = arith.constant 128 : i32
    %and3A_1106 = vector.broadcast %and3A_1105 : i32 to vector<8x1024xi32>
    %and3A_1107 = arith.andi %iota3A, %and3A_1106 : vector<8x1024xi32>
    %eq3A_1108 = arith.constant 0 : i32
    %eq3A_1109 = vector.broadcast %eq3A_1108 : i32 to vector<8x1024xi32>
    %eq3A_1110 = arith.cmpi eq, %and3A_1107, %eq3A_1109 : vector<8x1024xi32>
    %not3A_1111 = arith.constant dense<true> : vector<8x1024xi1>
    %not3A_1112 = arith.xori %ne3A_1078, %not3A_1111 : vector<8x1024xi1>
    %eq3A_1113 = arith.xori %not3A_1112, %eq3A_1110 : vector<8x1024xi1>
    %eq3A_1114 = arith.constant dense<true> : vector<8x1024xi1>
    %eq3A_1115 = arith.xori %eq3A_1113, %eq3A_1114 : vector<8x1024xi1>
    %eq3A_1116 = arith.xori %eq3A_1115, %or3A_1104 : vector<8x1024xi1>
    %eq3A_1117 = arith.constant dense<true> : vector<8x1024xi1>
    %eq3A_1118 = arith.xori %eq3A_1116, %eq3A_1117 : vector<8x1024xi1>
    %select_n3A_1119 = arith.select %eq3A_1118, %select_n3A_1085, %select_n3A_1070 : vector<8x1024xi1>, vector<8x1024xf32>
    %select_n3A_1120 = arith.select %eq3A_1118, %select_n3A_1092, %select_n3A_1071 : vector<8x1024xi1>, vector<8x1024xf32>
    %select_n3A_1121 = arith.select %eq3A_1118, %select_n3A_1099, %select_n3A_1072 : vector<8x1024xi1>, vector<8x1024xi32>
    %and3A_1122 = arith.constant 16 : i32
    %and3A_1123 = vector.broadcast %and3A_1122 : i32 to vector<8x1024xi32>
    %and3A_1124 = arith.andi %iota3A, %and3A_1123 : vector<8x1024xi32>
    %ne3A_1125 = arith.constant 0 : i32
    %ne3A_1126 = vector.broadcast %ne3A_1125 : i32 to vector<8x1024xi32>
    %ne3A_1127 = arith.cmpi ne, %and3A_1124, %ne3A_1126 : vector<8x1024xi32>
    %slice3A_1128 = vector.extract_strided_slice %select_n3A_1119 {offsets = [0, 1008], sizes = [8, 16], strides = [1, 1]} : vector<8x1024xf32> to vector<8x16xf32>
    %slice3A_1129 = vector.extract_strided_slice %select_n3A_1119 {offsets = [0, 0], sizes = [8, 1008], strides = [1, 1]} : vector<8x1024xf32> to vector<8x1008xf32>
    %concatenate3A_1130 = tpu.concatenate %slice3A_1128, %slice3A_1129 in 1 : vector<8x16xf32>, vector<8x1008xf32> -> vector<8x1024xf32>
    %slice3A_1131 = vector.extract_strided_slice %select_n3A_1119 {offsets = [0, 16], sizes = [8, 1008], strides = [1, 1]} : vector<8x1024xf32> to vector<8x1008xf32>
    %slice3A_1132 = vector.extract_strided_slice %select_n3A_1119 {offsets = [0, 0], sizes = [8, 16], strides = [1, 1]} : vector<8x1024xf32> to vector<8x16xf32>
    %concatenate3A_1133 = tpu.concatenate %slice3A_1131, %slice3A_1132 in 1 : vector<8x1008xf32>, vector<8x16xf32> -> vector<8x1024xf32>
    %select_n3A_1134 = arith.select %ne3A_1127, %concatenate3A_1130, %concatenate3A_1133 : vector<8x1024xi1>, vector<8x1024xf32>
    %slice3A_1135 = vector.extract_strided_slice %select_n3A_1120 {offsets = [0, 1008], sizes = [8, 16], strides = [1, 1]} : vector<8x1024xf32> to vector<8x16xf32>
    %slice3A_1136 = vector.extract_strided_slice %select_n3A_1120 {offsets = [0, 0], sizes = [8, 1008], strides = [1, 1]} : vector<8x1024xf32> to vector<8x1008xf32>
    %concatenate3A_1137 = tpu.concatenate %slice3A_1135, %slice3A_1136 in 1 : vector<8x16xf32>, vector<8x1008xf32> -> vector<8x1024xf32>
    %slice3A_1138 = vector.extract_strided_slice %select_n3A_1120 {offsets = [0, 16], sizes = [8, 1008], strides = [1, 1]} : vector<8x1024xf32> to vector<8x1008xf32>
    %slice3A_1139 = vector.extract_strided_slice %select_n3A_1120 {offsets = [0, 0], sizes = [8, 16], strides = [1, 1]} : vector<8x1024xf32> to vector<8x16xf32>
    %concatenate3A_1140 = tpu.concatenate %slice3A_1138, %slice3A_1139 in 1 : vector<8x1008xf32>, vector<8x16xf32> -> vector<8x1024xf32>
    %select_n3A_1141 = arith.select %ne3A_1127, %concatenate3A_1137, %concatenate3A_1140 : vector<8x1024xi1>, vector<8x1024xf32>
    %slice3A_1142 = vector.extract_strided_slice %select_n3A_1121 {offsets = [0, 1008], sizes = [8, 16], strides = [1, 1]} : vector<8x1024xi32> to vector<8x16xi32>
    %slice3A_1143 = vector.extract_strided_slice %select_n3A_1121 {offsets = [0, 0], sizes = [8, 1008], strides = [1, 1]} : vector<8x1024xi32> to vector<8x1008xi32>
    %concatenate3A_1144 = tpu.concatenate %slice3A_1142, %slice3A_1143 in 1 : vector<8x16xi32>, vector<8x1008xi32> -> vector<8x1024xi32>
    %slice3A_1145 = vector.extract_strided_slice %select_n3A_1121 {offsets = [0, 16], sizes = [8, 1008], strides = [1, 1]} : vector<8x1024xi32> to vector<8x1008xi32>
    %slice3A_1146 = vector.extract_strided_slice %select_n3A_1121 {offsets = [0, 0], sizes = [8, 16], strides = [1, 1]} : vector<8x1024xi32> to vector<8x16xi32>
    %concatenate3A_1147 = tpu.concatenate %slice3A_1145, %slice3A_1146 in 1 : vector<8x1008xi32>, vector<8x16xi32> -> vector<8x1024xi32>
    %select_n3A_1148 = arith.select %ne3A_1127, %concatenate3A_1144, %concatenate3A_1147 : vector<8x1024xi1>, vector<8x1024xi32>
    %gt3A_1149 = arith.cmpf ogt, %select_n3A_1134, %select_n3A_1119 : vector<8x1024xf32>
    %eq3A_1150 = arith.cmpf oeq, %select_n3A_1134, %select_n3A_1119 : vector<8x1024xf32>
    %lt3A_1151 = arith.cmpi slt, %select_n3A_1148, %select_n3A_1121 : vector<8x1024xi32>
    %and3A_1152 = arith.andi %eq3A_1150, %lt3A_1151 : vector<8x1024xi1>
    %or3A_1153 = arith.ori %gt3A_1149, %and3A_1152 : vector<8x1024xi1>
    %and3A_1154 = arith.constant 128 : i32
    %and3A_1155 = vector.broadcast %and3A_1154 : i32 to vector<8x1024xi32>
    %and3A_1156 = arith.andi %iota3A, %and3A_1155 : vector<8x1024xi32>
    %eq3A_1157 = arith.constant 0 : i32
    %eq3A_1158 = vector.broadcast %eq3A_1157 : i32 to vector<8x1024xi32>
    %eq3A_1159 = arith.cmpi eq, %and3A_1156, %eq3A_1158 : vector<8x1024xi32>
    %not3A_1160 = arith.constant dense<true> : vector<8x1024xi1>
    %not3A_1161 = arith.xori %ne3A_1127, %not3A_1160 : vector<8x1024xi1>
    %eq3A_1162 = arith.xori %not3A_1161, %eq3A_1159 : vector<8x1024xi1>
    %eq3A_1163 = arith.constant dense<true> : vector<8x1024xi1>
    %eq3A_1164 = arith.xori %eq3A_1162, %eq3A_1163 : vector<8x1024xi1>
    %eq3A_1165 = arith.xori %eq3A_1164, %or3A_1153 : vector<8x1024xi1>
    %eq3A_1166 = arith.constant dense<true> : vector<8x1024xi1>
    %eq3A_1167 = arith.xori %eq3A_1165, %eq3A_1166 : vector<8x1024xi1>
    %select_n3A_1168 = arith.select %eq3A_1167, %select_n3A_1134, %select_n3A_1119 : vector<8x1024xi1>, vector<8x1024xf32>
    %select_n3A_1169 = arith.select %eq3A_1167, %select_n3A_1141, %select_n3A_1120 : vector<8x1024xi1>, vector<8x1024xf32>
    %select_n3A_1170 = arith.select %eq3A_1167, %select_n3A_1148, %select_n3A_1121 : vector<8x1024xi1>, vector<8x1024xi32>
    %and3A_1171 = arith.constant 8 : i32
    %and3A_1172 = vector.broadcast %and3A_1171 : i32 to vector<8x1024xi32>
    %and3A_1173 = arith.andi %iota3A, %and3A_1172 : vector<8x1024xi32>
    %ne3A_1174 = arith.constant 0 : i32
    %ne3A_1175 = vector.broadcast %ne3A_1174 : i32 to vector<8x1024xi32>
    %ne3A_1176 = arith.cmpi ne, %and3A_1173, %ne3A_1175 : vector<8x1024xi32>
    %slice3A_1177 = vector.extract_strided_slice %select_n3A_1168 {offsets = [0, 1016], sizes = [8, 8], strides = [1, 1]} : vector<8x1024xf32> to vector<8x8xf32>
    %slice3A_1178 = vector.extract_strided_slice %select_n3A_1168 {offsets = [0, 0], sizes = [8, 1016], strides = [1, 1]} : vector<8x1024xf32> to vector<8x1016xf32>
    %concatenate3A_1179 = tpu.concatenate %slice3A_1177, %slice3A_1178 in 1 : vector<8x8xf32>, vector<8x1016xf32> -> vector<8x1024xf32>
    %slice3A_1180 = vector.extract_strided_slice %select_n3A_1168 {offsets = [0, 8], sizes = [8, 1016], strides = [1, 1]} : vector<8x1024xf32> to vector<8x1016xf32>
    %slice3A_1181 = vector.extract_strided_slice %select_n3A_1168 {offsets = [0, 0], sizes = [8, 8], strides = [1, 1]} : vector<8x1024xf32> to vector<8x8xf32>
    %concatenate3A_1182 = tpu.concatenate %slice3A_1180, %slice3A_1181 in 1 : vector<8x1016xf32>, vector<8x8xf32> -> vector<8x1024xf32>
    %select_n3A_1183 = arith.select %ne3A_1176, %concatenate3A_1179, %concatenate3A_1182 : vector<8x1024xi1>, vector<8x1024xf32>
    %slice3A_1184 = vector.extract_strided_slice %select_n3A_1169 {offsets = [0, 1016], sizes = [8, 8], strides = [1, 1]} : vector<8x1024xf32> to vector<8x8xf32>
    %slice3A_1185 = vector.extract_strided_slice %select_n3A_1169 {offsets = [0, 0], sizes = [8, 1016], strides = [1, 1]} : vector<8x1024xf32> to vector<8x1016xf32>
    %concatenate3A_1186 = tpu.concatenate %slice3A_1184, %slice3A_1185 in 1 : vector<8x8xf32>, vector<8x1016xf32> -> vector<8x1024xf32>
    %slice3A_1187 = vector.extract_strided_slice %select_n3A_1169 {offsets = [0, 8], sizes = [8, 1016], strides = [1, 1]} : vector<8x1024xf32> to vector<8x1016xf32>
    %slice3A_1188 = vector.extract_strided_slice %select_n3A_1169 {offsets = [0, 0], sizes = [8, 8], strides = [1, 1]} : vector<8x1024xf32> to vector<8x8xf32>
    %concatenate3A_1189 = tpu.concatenate %slice3A_1187, %slice3A_1188 in 1 : vector<8x1016xf32>, vector<8x8xf32> -> vector<8x1024xf32>
    %select_n3A_1190 = arith.select %ne3A_1176, %concatenate3A_1186, %concatenate3A_1189 : vector<8x1024xi1>, vector<8x1024xf32>
    %slice3A_1191 = vector.extract_strided_slice %select_n3A_1170 {offsets = [0, 1016], sizes = [8, 8], strides = [1, 1]} : vector<8x1024xi32> to vector<8x8xi32>
    %slice3A_1192 = vector.extract_strided_slice %select_n3A_1170 {offsets = [0, 0], sizes = [8, 1016], strides = [1, 1]} : vector<8x1024xi32> to vector<8x1016xi32>
    %concatenate3A_1193 = tpu.concatenate %slice3A_1191, %slice3A_1192 in 1 : vector<8x8xi32>, vector<8x1016xi32> -> vector<8x1024xi32>
    %slice3A_1194 = vector.extract_strided_slice %select_n3A_1170 {offsets = [0, 8], sizes = [8, 1016], strides = [1, 1]} : vector<8x1024xi32> to vector<8x1016xi32>
    %slice3A_1195 = vector.extract_strided_slice %select_n3A_1170 {offsets = [0, 0], sizes = [8, 8], strides = [1, 1]} : vector<8x1024xi32> to vector<8x8xi32>
    %concatenate3A_1196 = tpu.concatenate %slice3A_1194, %slice3A_1195 in 1 : vector<8x1016xi32>, vector<8x8xi32> -> vector<8x1024xi32>
    %select_n3A_1197 = arith.select %ne3A_1176, %concatenate3A_1193, %concatenate3A_1196 : vector<8x1024xi1>, vector<8x1024xi32>
    %gt3A_1198 = arith.cmpf ogt, %select_n3A_1183, %select_n3A_1168 : vector<8x1024xf32>
    %eq3A_1199 = arith.cmpf oeq, %select_n3A_1183, %select_n3A_1168 : vector<8x1024xf32>
    %lt3A_1200 = arith.cmpi slt, %select_n3A_1197, %select_n3A_1170 : vector<8x1024xi32>
    %and3A_1201 = arith.andi %eq3A_1199, %lt3A_1200 : vector<8x1024xi1>
    %or3A_1202 = arith.ori %gt3A_1198, %and3A_1201 : vector<8x1024xi1>
    %and3A_1203 = arith.constant 128 : i32
    %and3A_1204 = vector.broadcast %and3A_1203 : i32 to vector<8x1024xi32>
    %and3A_1205 = arith.andi %iota3A, %and3A_1204 : vector<8x1024xi32>
    %eq3A_1206 = arith.constant 0 : i32
    %eq3A_1207 = vector.broadcast %eq3A_1206 : i32 to vector<8x1024xi32>
    %eq3A_1208 = arith.cmpi eq, %and3A_1205, %eq3A_1207 : vector<8x1024xi32>
    %not3A_1209 = arith.constant dense<true> : vector<8x1024xi1>
    %not3A_1210 = arith.xori %ne3A_1176, %not3A_1209 : vector<8x1024xi1>
    %eq3A_1211 = arith.xori %not3A_1210, %eq3A_1208 : vector<8x1024xi1>
    %eq3A_1212 = arith.constant dense<true> : vector<8x1024xi1>
    %eq3A_1213 = arith.xori %eq3A_1211, %eq3A_1212 : vector<8x1024xi1>
    %eq3A_1214 = arith.xori %eq3A_1213, %or3A_1202 : vector<8x1024xi1>
    %eq3A_1215 = arith.constant dense<true> : vector<8x1024xi1>
    %eq3A_1216 = arith.xori %eq3A_1214, %eq3A_1215 : vector<8x1024xi1>
    %select_n3A_1217 = arith.select %eq3A_1216, %select_n3A_1183, %select_n3A_1168 : vector<8x1024xi1>, vector<8x1024xf32>
    %select_n3A_1218 = arith.select %eq3A_1216, %select_n3A_1190, %select_n3A_1169 : vector<8x1024xi1>, vector<8x1024xf32>
    %select_n3A_1219 = arith.select %eq3A_1216, %select_n3A_1197, %select_n3A_1170 : vector<8x1024xi1>, vector<8x1024xi32>
    %and3A_1220 = arith.constant 4 : i32
    %and3A_1221 = vector.broadcast %and3A_1220 : i32 to vector<8x1024xi32>
    %and3A_1222 = arith.andi %iota3A, %and3A_1221 : vector<8x1024xi32>
    %ne3A_1223 = arith.constant 0 : i32
    %ne3A_1224 = vector.broadcast %ne3A_1223 : i32 to vector<8x1024xi32>
    %ne3A_1225 = arith.cmpi ne, %and3A_1222, %ne3A_1224 : vector<8x1024xi32>
    %slice3A_1226 = vector.extract_strided_slice %select_n3A_1217 {offsets = [0, 1020], sizes = [8, 4], strides = [1, 1]} : vector<8x1024xf32> to vector<8x4xf32>
    %slice3A_1227 = vector.extract_strided_slice %select_n3A_1217 {offsets = [0, 0], sizes = [8, 1020], strides = [1, 1]} : vector<8x1024xf32> to vector<8x1020xf32>
    %concatenate3A_1228 = tpu.concatenate %slice3A_1226, %slice3A_1227 in 1 : vector<8x4xf32>, vector<8x1020xf32> -> vector<8x1024xf32>
    %slice3A_1229 = vector.extract_strided_slice %select_n3A_1217 {offsets = [0, 4], sizes = [8, 1020], strides = [1, 1]} : vector<8x1024xf32> to vector<8x1020xf32>
    %slice3A_1230 = vector.extract_strided_slice %select_n3A_1217 {offsets = [0, 0], sizes = [8, 4], strides = [1, 1]} : vector<8x1024xf32> to vector<8x4xf32>
    %concatenate3A_1231 = tpu.concatenate %slice3A_1229, %slice3A_1230 in 1 : vector<8x1020xf32>, vector<8x4xf32> -> vector<8x1024xf32>
    %select_n3A_1232 = arith.select %ne3A_1225, %concatenate3A_1228, %concatenate3A_1231 : vector<8x1024xi1>, vector<8x1024xf32>
    %slice3A_1233 = vector.extract_strided_slice %select_n3A_1218 {offsets = [0, 1020], sizes = [8, 4], strides = [1, 1]} : vector<8x1024xf32> to vector<8x4xf32>
    %slice3A_1234 = vector.extract_strided_slice %select_n3A_1218 {offsets = [0, 0], sizes = [8, 1020], strides = [1, 1]} : vector<8x1024xf32> to vector<8x1020xf32>
    %concatenate3A_1235 = tpu.concatenate %slice3A_1233, %slice3A_1234 in 1 : vector<8x4xf32>, vector<8x1020xf32> -> vector<8x1024xf32>
    %slice3A_1236 = vector.extract_strided_slice %select_n3A_1218 {offsets = [0, 4], sizes = [8, 1020], strides = [1, 1]} : vector<8x1024xf32> to vector<8x1020xf32>
    %slice3A_1237 = vector.extract_strided_slice %select_n3A_1218 {offsets = [0, 0], sizes = [8, 4], strides = [1, 1]} : vector<8x1024xf32> to vector<8x4xf32>
    %concatenate3A_1238 = tpu.concatenate %slice3A_1236, %slice3A_1237 in 1 : vector<8x1020xf32>, vector<8x4xf32> -> vector<8x1024xf32>
    %select_n3A_1239 = arith.select %ne3A_1225, %concatenate3A_1235, %concatenate3A_1238 : vector<8x1024xi1>, vector<8x1024xf32>
    %slice3A_1240 = vector.extract_strided_slice %select_n3A_1219 {offsets = [0, 1020], sizes = [8, 4], strides = [1, 1]} : vector<8x1024xi32> to vector<8x4xi32>
    %slice3A_1241 = vector.extract_strided_slice %select_n3A_1219 {offsets = [0, 0], sizes = [8, 1020], strides = [1, 1]} : vector<8x1024xi32> to vector<8x1020xi32>
    %concatenate3A_1242 = tpu.concatenate %slice3A_1240, %slice3A_1241 in 1 : vector<8x4xi32>, vector<8x1020xi32> -> vector<8x1024xi32>
    %slice3A_1243 = vector.extract_strided_slice %select_n3A_1219 {offsets = [0, 4], sizes = [8, 1020], strides = [1, 1]} : vector<8x1024xi32> to vector<8x1020xi32>
    %slice3A_1244 = vector.extract_strided_slice %select_n3A_1219 {offsets = [0, 0], sizes = [8, 4], strides = [1, 1]} : vector<8x1024xi32> to vector<8x4xi32>
    %concatenate3A_1245 = tpu.concatenate %slice3A_1243, %slice3A_1244 in 1 : vector<8x1020xi32>, vector<8x4xi32> -> vector<8x1024xi32>
    %select_n3A_1246 = arith.select %ne3A_1225, %concatenate3A_1242, %concatenate3A_1245 : vector<8x1024xi1>, vector<8x1024xi32>
    %gt3A_1247 = arith.cmpf ogt, %select_n3A_1232, %select_n3A_1217 : vector<8x1024xf32>
    %eq3A_1248 = arith.cmpf oeq, %select_n3A_1232, %select_n3A_1217 : vector<8x1024xf32>
    %lt3A_1249 = arith.cmpi slt, %select_n3A_1246, %select_n3A_1219 : vector<8x1024xi32>
    %and3A_1250 = arith.andi %eq3A_1248, %lt3A_1249 : vector<8x1024xi1>
    %or3A_1251 = arith.ori %gt3A_1247, %and3A_1250 : vector<8x1024xi1>
    %and3A_1252 = arith.constant 128 : i32
    %and3A_1253 = vector.broadcast %and3A_1252 : i32 to vector<8x1024xi32>
    %and3A_1254 = arith.andi %iota3A, %and3A_1253 : vector<8x1024xi32>
    %eq3A_1255 = arith.constant 0 : i32
    %eq3A_1256 = vector.broadcast %eq3A_1255 : i32 to vector<8x1024xi32>
    %eq3A_1257 = arith.cmpi eq, %and3A_1254, %eq3A_1256 : vector<8x1024xi32>
    %not3A_1258 = arith.constant dense<true> : vector<8x1024xi1>
    %not3A_1259 = arith.xori %ne3A_1225, %not3A_1258 : vector<8x1024xi1>
    %eq3A_1260 = arith.xori %not3A_1259, %eq3A_1257 : vector<8x1024xi1>
    %eq3A_1261 = arith.constant dense<true> : vector<8x1024xi1>
    %eq3A_1262 = arith.xori %eq3A_1260, %eq3A_1261 : vector<8x1024xi1>
    %eq3A_1263 = arith.xori %eq3A_1262, %or3A_1251 : vector<8x1024xi1>
    %eq3A_1264 = arith.constant dense<true> : vector<8x1024xi1>
    %eq3A_1265 = arith.xori %eq3A_1263, %eq3A_1264 : vector<8x1024xi1>
    %select_n3A_1266 = arith.select %eq3A_1265, %select_n3A_1232, %select_n3A_1217 : vector<8x1024xi1>, vector<8x1024xf32>
    %select_n3A_1267 = arith.select %eq3A_1265, %select_n3A_1239, %select_n3A_1218 : vector<8x1024xi1>, vector<8x1024xf32>
    %select_n3A_1268 = arith.select %eq3A_1265, %select_n3A_1246, %select_n3A_1219 : vector<8x1024xi1>, vector<8x1024xi32>
    %and3A_1269 = arith.constant 2 : i32
    %and3A_1270 = vector.broadcast %and3A_1269 : i32 to vector<8x1024xi32>
    %and3A_1271 = arith.andi %iota3A, %and3A_1270 : vector<8x1024xi32>
    %ne3A_1272 = arith.constant 0 : i32
    %ne3A_1273 = vector.broadcast %ne3A_1272 : i32 to vector<8x1024xi32>
    %ne3A_1274 = arith.cmpi ne, %and3A_1271, %ne3A_1273 : vector<8x1024xi32>
    %slice3A_1275 = vector.extract_strided_slice %select_n3A_1266 {offsets = [0, 1022], sizes = [8, 2], strides = [1, 1]} : vector<8x1024xf32> to vector<8x2xf32>
    %slice3A_1276 = vector.extract_strided_slice %select_n3A_1266 {offsets = [0, 0], sizes = [8, 1022], strides = [1, 1]} : vector<8x1024xf32> to vector<8x1022xf32>
    %concatenate3A_1277 = tpu.concatenate %slice3A_1275, %slice3A_1276 in 1 : vector<8x2xf32>, vector<8x1022xf32> -> vector<8x1024xf32>
    %slice3A_1278 = vector.extract_strided_slice %select_n3A_1266 {offsets = [0, 2], sizes = [8, 1022], strides = [1, 1]} : vector<8x1024xf32> to vector<8x1022xf32>
    %slice3A_1279 = vector.extract_strided_slice %select_n3A_1266 {offsets = [0, 0], sizes = [8, 2], strides = [1, 1]} : vector<8x1024xf32> to vector<8x2xf32>
    %concatenate3A_1280 = tpu.concatenate %slice3A_1278, %slice3A_1279 in 1 : vector<8x1022xf32>, vector<8x2xf32> -> vector<8x1024xf32>
    %select_n3A_1281 = arith.select %ne3A_1274, %concatenate3A_1277, %concatenate3A_1280 : vector<8x1024xi1>, vector<8x1024xf32>
    %slice3A_1282 = vector.extract_strided_slice %select_n3A_1267 {offsets = [0, 1022], sizes = [8, 2], strides = [1, 1]} : vector<8x1024xf32> to vector<8x2xf32>
    %slice3A_1283 = vector.extract_strided_slice %select_n3A_1267 {offsets = [0, 0], sizes = [8, 1022], strides = [1, 1]} : vector<8x1024xf32> to vector<8x1022xf32>
    %concatenate3A_1284 = tpu.concatenate %slice3A_1282, %slice3A_1283 in 1 : vector<8x2xf32>, vector<8x1022xf32> -> vector<8x1024xf32>
    %slice3A_1285 = vector.extract_strided_slice %select_n3A_1267 {offsets = [0, 2], sizes = [8, 1022], strides = [1, 1]} : vector<8x1024xf32> to vector<8x1022xf32>
    %slice3A_1286 = vector.extract_strided_slice %select_n3A_1267 {offsets = [0, 0], sizes = [8, 2], strides = [1, 1]} : vector<8x1024xf32> to vector<8x2xf32>
    %concatenate3A_1287 = tpu.concatenate %slice3A_1285, %slice3A_1286 in 1 : vector<8x1022xf32>, vector<8x2xf32> -> vector<8x1024xf32>
    %select_n3A_1288 = arith.select %ne3A_1274, %concatenate3A_1284, %concatenate3A_1287 : vector<8x1024xi1>, vector<8x1024xf32>
    %slice3A_1289 = vector.extract_strided_slice %select_n3A_1268 {offsets = [0, 1022], sizes = [8, 2], strides = [1, 1]} : vector<8x1024xi32> to vector<8x2xi32>
    %slice3A_1290 = vector.extract_strided_slice %select_n3A_1268 {offsets = [0, 0], sizes = [8, 1022], strides = [1, 1]} : vector<8x1024xi32> to vector<8x1022xi32>
    %concatenate3A_1291 = tpu.concatenate %slice3A_1289, %slice3A_1290 in 1 : vector<8x2xi32>, vector<8x1022xi32> -> vector<8x1024xi32>
    %slice3A_1292 = vector.extract_strided_slice %select_n3A_1268 {offsets = [0, 2], sizes = [8, 1022], strides = [1, 1]} : vector<8x1024xi32> to vector<8x1022xi32>
    %slice3A_1293 = vector.extract_strided_slice %select_n3A_1268 {offsets = [0, 0], sizes = [8, 2], strides = [1, 1]} : vector<8x1024xi32> to vector<8x2xi32>
    %concatenate3A_1294 = tpu.concatenate %slice3A_1292, %slice3A_1293 in 1 : vector<8x1022xi32>, vector<8x2xi32> -> vector<8x1024xi32>
    %select_n3A_1295 = arith.select %ne3A_1274, %concatenate3A_1291, %concatenate3A_1294 : vector<8x1024xi1>, vector<8x1024xi32>
    %gt3A_1296 = arith.cmpf ogt, %select_n3A_1281, %select_n3A_1266 : vector<8x1024xf32>
    %eq3A_1297 = arith.cmpf oeq, %select_n3A_1281, %select_n3A_1266 : vector<8x1024xf32>
    %lt3A_1298 = arith.cmpi slt, %select_n3A_1295, %select_n3A_1268 : vector<8x1024xi32>
    %and3A_1299 = arith.andi %eq3A_1297, %lt3A_1298 : vector<8x1024xi1>
    %or3A_1300 = arith.ori %gt3A_1296, %and3A_1299 : vector<8x1024xi1>
    %and3A_1301 = arith.constant 128 : i32
    %and3A_1302 = vector.broadcast %and3A_1301 : i32 to vector<8x1024xi32>
    %and3A_1303 = arith.andi %iota3A, %and3A_1302 : vector<8x1024xi32>
    %eq3A_1304 = arith.constant 0 : i32
    %eq3A_1305 = vector.broadcast %eq3A_1304 : i32 to vector<8x1024xi32>
    %eq3A_1306 = arith.cmpi eq, %and3A_1303, %eq3A_1305 : vector<8x1024xi32>
    %not3A_1307 = arith.constant dense<true> : vector<8x1024xi1>
    %not3A_1308 = arith.xori %ne3A_1274, %not3A_1307 : vector<8x1024xi1>
    %eq3A_1309 = arith.xori %not3A_1308, %eq3A_1306 : vector<8x1024xi1>
    %eq3A_1310 = arith.constant dense<true> : vector<8x1024xi1>
    %eq3A_1311 = arith.xori %eq3A_1309, %eq3A_1310 : vector<8x1024xi1>
    %eq3A_1312 = arith.xori %eq3A_1311, %or3A_1300 : vector<8x1024xi1>
    %eq3A_1313 = arith.constant dense<true> : vector<8x1024xi1>
    %eq3A_1314 = arith.xori %eq3A_1312, %eq3A_1313 : vector<8x1024xi1>
    %select_n3A_1315 = arith.select %eq3A_1314, %select_n3A_1281, %select_n3A_1266 : vector<8x1024xi1>, vector<8x1024xf32>
    %select_n3A_1316 = arith.select %eq3A_1314, %select_n3A_1288, %select_n3A_1267 : vector<8x1024xi1>, vector<8x1024xf32>
    %select_n3A_1317 = arith.select %eq3A_1314, %select_n3A_1295, %select_n3A_1268 : vector<8x1024xi1>, vector<8x1024xi32>
    %and3A_1318 = arith.constant 1 : i32
    %and3A_1319 = vector.broadcast %and3A_1318 : i32 to vector<8x1024xi32>
    %and3A_1320 = arith.andi %iota3A, %and3A_1319 : vector<8x1024xi32>
    %ne3A_1321 = arith.constant 0 : i32
    %ne3A_1322 = vector.broadcast %ne3A_1321 : i32 to vector<8x1024xi32>
    %ne3A_1323 = arith.cmpi ne, %and3A_1320, %ne3A_1322 : vector<8x1024xi32>
    %slice3A_1324 = vector.extract_strided_slice %select_n3A_1315 {offsets = [0, 1023], sizes = [8, 1], strides = [1, 1]} : vector<8x1024xf32> to vector<8x1xf32>
    %slice3A_1325 = vector.extract_strided_slice %select_n3A_1315 {offsets = [0, 0], sizes = [8, 1023], strides = [1, 1]} : vector<8x1024xf32> to vector<8x1023xf32>
    %concatenate3A_1326 = tpu.concatenate %slice3A_1324, %slice3A_1325 in 1 : vector<8x1xf32>, vector<8x1023xf32> -> vector<8x1024xf32>
    %slice3A_1327 = vector.extract_strided_slice %select_n3A_1315 {offsets = [0, 1], sizes = [8, 1023], strides = [1, 1]} : vector<8x1024xf32> to vector<8x1023xf32>
    %slice3A_1328 = vector.extract_strided_slice %select_n3A_1315 {offsets = [0, 0], sizes = [8, 1], strides = [1, 1]} : vector<8x1024xf32> to vector<8x1xf32>
    %concatenate3A_1329 = tpu.concatenate %slice3A_1327, %slice3A_1328 in 1 : vector<8x1023xf32>, vector<8x1xf32> -> vector<8x1024xf32>
    %select_n3A_1330 = arith.select %ne3A_1323, %concatenate3A_1326, %concatenate3A_1329 : vector<8x1024xi1>, vector<8x1024xf32>
    %slice3A_1331 = vector.extract_strided_slice %select_n3A_1316 {offsets = [0, 1023], sizes = [8, 1], strides = [1, 1]} : vector<8x1024xf32> to vector<8x1xf32>
    %slice3A_1332 = vector.extract_strided_slice %select_n3A_1316 {offsets = [0, 0], sizes = [8, 1023], strides = [1, 1]} : vector<8x1024xf32> to vector<8x1023xf32>
    %concatenate3A_1333 = tpu.concatenate %slice3A_1331, %slice3A_1332 in 1 : vector<8x1xf32>, vector<8x1023xf32> -> vector<8x1024xf32>
    %slice3A_1334 = vector.extract_strided_slice %select_n3A_1316 {offsets = [0, 1], sizes = [8, 1023], strides = [1, 1]} : vector<8x1024xf32> to vector<8x1023xf32>
    %slice3A_1335 = vector.extract_strided_slice %select_n3A_1316 {offsets = [0, 0], sizes = [8, 1], strides = [1, 1]} : vector<8x1024xf32> to vector<8x1xf32>
    %concatenate3A_1336 = tpu.concatenate %slice3A_1334, %slice3A_1335 in 1 : vector<8x1023xf32>, vector<8x1xf32> -> vector<8x1024xf32>
    %select_n3A_1337 = arith.select %ne3A_1323, %concatenate3A_1333, %concatenate3A_1336 : vector<8x1024xi1>, vector<8x1024xf32>
    %slice3A_1338 = vector.extract_strided_slice %select_n3A_1317 {offsets = [0, 1023], sizes = [8, 1], strides = [1, 1]} : vector<8x1024xi32> to vector<8x1xi32>
    %slice3A_1339 = vector.extract_strided_slice %select_n3A_1317 {offsets = [0, 0], sizes = [8, 1023], strides = [1, 1]} : vector<8x1024xi32> to vector<8x1023xi32>
    %concatenate3A_1340 = tpu.concatenate %slice3A_1338, %slice3A_1339 in 1 : vector<8x1xi32>, vector<8x1023xi32> -> vector<8x1024xi32>
    %slice3A_1341 = vector.extract_strided_slice %select_n3A_1317 {offsets = [0, 1], sizes = [8, 1023], strides = [1, 1]} : vector<8x1024xi32> to vector<8x1023xi32>
    %slice3A_1342 = vector.extract_strided_slice %select_n3A_1317 {offsets = [0, 0], sizes = [8, 1], strides = [1, 1]} : vector<8x1024xi32> to vector<8x1xi32>
    %concatenate3A_1343 = tpu.concatenate %slice3A_1341, %slice3A_1342 in 1 : vector<8x1023xi32>, vector<8x1xi32> -> vector<8x1024xi32>
    %select_n3A_1344 = arith.select %ne3A_1323, %concatenate3A_1340, %concatenate3A_1343 : vector<8x1024xi1>, vector<8x1024xi32>
    %gt3A_1345 = arith.cmpf ogt, %select_n3A_1330, %select_n3A_1315 : vector<8x1024xf32>
    %eq3A_1346 = arith.cmpf oeq, %select_n3A_1330, %select_n3A_1315 : vector<8x1024xf32>
    %lt3A_1347 = arith.cmpi slt, %select_n3A_1344, %select_n3A_1317 : vector<8x1024xi32>
    %and3A_1348 = arith.andi %eq3A_1346, %lt3A_1347 : vector<8x1024xi1>
    %or3A_1349 = arith.ori %gt3A_1345, %and3A_1348 : vector<8x1024xi1>
    %and3A_1350 = arith.constant 128 : i32
    %and3A_1351 = vector.broadcast %and3A_1350 : i32 to vector<8x1024xi32>
    %and3A_1352 = arith.andi %iota3A, %and3A_1351 : vector<8x1024xi32>
    %eq3A_1353 = arith.constant 0 : i32
    %eq3A_1354 = vector.broadcast %eq3A_1353 : i32 to vector<8x1024xi32>
    %eq3A_1355 = arith.cmpi eq, %and3A_1352, %eq3A_1354 : vector<8x1024xi32>
    %not3A_1356 = arith.constant dense<true> : vector<8x1024xi1>
    %not3A_1357 = arith.xori %ne3A_1323, %not3A_1356 : vector<8x1024xi1>
    %eq3A_1358 = arith.xori %not3A_1357, %eq3A_1355 : vector<8x1024xi1>
    %eq3A_1359 = arith.constant dense<true> : vector<8x1024xi1>
    %eq3A_1360 = arith.xori %eq3A_1358, %eq3A_1359 : vector<8x1024xi1>
    %eq3A_1361 = arith.xori %eq3A_1360, %or3A_1349 : vector<8x1024xi1>
    %eq3A_1362 = arith.constant dense<true> : vector<8x1024xi1>
    %eq3A_1363 = arith.xori %eq3A_1361, %eq3A_1362 : vector<8x1024xi1>
    %select_n3A_1364 = arith.select %eq3A_1363, %select_n3A_1330, %select_n3A_1315 : vector<8x1024xi1>, vector<8x1024xf32>
    %select_n3A_1365 = arith.select %eq3A_1363, %select_n3A_1337, %select_n3A_1316 : vector<8x1024xi1>, vector<8x1024xf32>
    %select_n3A_1366 = arith.select %eq3A_1363, %select_n3A_1344, %select_n3A_1317 : vector<8x1024xi1>, vector<8x1024xi32>
    %and3A_1367 = arith.constant 128 : i32
    %and3A_1368 = vector.broadcast %and3A_1367 : i32 to vector<8x1024xi32>
    %and3A_1369 = arith.andi %iota3A, %and3A_1368 : vector<8x1024xi32>
    %ne3A_1370 = arith.constant 0 : i32
    %ne3A_1371 = vector.broadcast %ne3A_1370 : i32 to vector<8x1024xi32>
    %ne3A_1372 = arith.cmpi ne, %and3A_1369, %ne3A_1371 : vector<8x1024xi32>
    %slice3A_1373 = vector.extract_strided_slice %select_n3A_1364 {offsets = [0, 896], sizes = [8, 128], strides = [1, 1]} : vector<8x1024xf32> to vector<8x128xf32>
    %slice3A_1374 = vector.extract_strided_slice %select_n3A_1364 {offsets = [0, 0], sizes = [8, 896], strides = [1, 1]} : vector<8x1024xf32> to vector<8x896xf32>
    %concatenate3A_1375 = tpu.concatenate %slice3A_1373, %slice3A_1374 in 1 : vector<8x128xf32>, vector<8x896xf32> -> vector<8x1024xf32>
    %slice3A_1376 = vector.extract_strided_slice %select_n3A_1364 {offsets = [0, 128], sizes = [8, 896], strides = [1, 1]} : vector<8x1024xf32> to vector<8x896xf32>
    %slice3A_1377 = vector.extract_strided_slice %select_n3A_1364 {offsets = [0, 0], sizes = [8, 128], strides = [1, 1]} : vector<8x1024xf32> to vector<8x128xf32>
    %concatenate3A_1378 = tpu.concatenate %slice3A_1376, %slice3A_1377 in 1 : vector<8x896xf32>, vector<8x128xf32> -> vector<8x1024xf32>
    %select_n3A_1379 = arith.select %ne3A_1372, %concatenate3A_1375, %concatenate3A_1378 : vector<8x1024xi1>, vector<8x1024xf32>
    %slice3A_1380 = vector.extract_strided_slice %select_n3A_1365 {offsets = [0, 896], sizes = [8, 128], strides = [1, 1]} : vector<8x1024xf32> to vector<8x128xf32>
    %slice3A_1381 = vector.extract_strided_slice %select_n3A_1365 {offsets = [0, 0], sizes = [8, 896], strides = [1, 1]} : vector<8x1024xf32> to vector<8x896xf32>
    %concatenate3A_1382 = tpu.concatenate %slice3A_1380, %slice3A_1381 in 1 : vector<8x128xf32>, vector<8x896xf32> -> vector<8x1024xf32>
    %slice3A_1383 = vector.extract_strided_slice %select_n3A_1365 {offsets = [0, 128], sizes = [8, 896], strides = [1, 1]} : vector<8x1024xf32> to vector<8x896xf32>
    %slice3A_1384 = vector.extract_strided_slice %select_n3A_1365 {offsets = [0, 0], sizes = [8, 128], strides = [1, 1]} : vector<8x1024xf32> to vector<8x128xf32>
    %concatenate3A_1385 = tpu.concatenate %slice3A_1383, %slice3A_1384 in 1 : vector<8x896xf32>, vector<8x128xf32> -> vector<8x1024xf32>
    %select_n3A_1386 = arith.select %ne3A_1372, %concatenate3A_1382, %concatenate3A_1385 : vector<8x1024xi1>, vector<8x1024xf32>
    %slice3A_1387 = vector.extract_strided_slice %select_n3A_1366 {offsets = [0, 896], sizes = [8, 128], strides = [1, 1]} : vector<8x1024xi32> to vector<8x128xi32>
    %slice3A_1388 = vector.extract_strided_slice %select_n3A_1366 {offsets = [0, 0], sizes = [8, 896], strides = [1, 1]} : vector<8x1024xi32> to vector<8x896xi32>
    %concatenate3A_1389 = tpu.concatenate %slice3A_1387, %slice3A_1388 in 1 : vector<8x128xi32>, vector<8x896xi32> -> vector<8x1024xi32>
    %slice3A_1390 = vector.extract_strided_slice %select_n3A_1366 {offsets = [0, 128], sizes = [8, 896], strides = [1, 1]} : vector<8x1024xi32> to vector<8x896xi32>
    %slice3A_1391 = vector.extract_strided_slice %select_n3A_1366 {offsets = [0, 0], sizes = [8, 128], strides = [1, 1]} : vector<8x1024xi32> to vector<8x128xi32>
    %concatenate3A_1392 = tpu.concatenate %slice3A_1390, %slice3A_1391 in 1 : vector<8x896xi32>, vector<8x128xi32> -> vector<8x1024xi32>
    %select_n3A_1393 = arith.select %ne3A_1372, %concatenate3A_1389, %concatenate3A_1392 : vector<8x1024xi1>, vector<8x1024xi32>
    %gt3A_1394 = arith.cmpf ogt, %select_n3A_1379, %select_n3A_1364 : vector<8x1024xf32>
    %eq3A_1395 = arith.cmpf oeq, %select_n3A_1379, %select_n3A_1364 : vector<8x1024xf32>
    %lt3A_1396 = arith.cmpi slt, %select_n3A_1393, %select_n3A_1366 : vector<8x1024xi32>
    %and3A_1397 = arith.andi %eq3A_1395, %lt3A_1396 : vector<8x1024xi1>
    %or3A_1398 = arith.ori %gt3A_1394, %and3A_1397 : vector<8x1024xi1>
    %and3A_1399 = arith.constant 256 : i32
    %and3A_1400 = vector.broadcast %and3A_1399 : i32 to vector<8x1024xi32>
    %and3A_1401 = arith.andi %iota3A, %and3A_1400 : vector<8x1024xi32>
    %eq3A_1402 = arith.constant 0 : i32
    %eq3A_1403 = vector.broadcast %eq3A_1402 : i32 to vector<8x1024xi32>
    %eq3A_1404 = arith.cmpi eq, %and3A_1401, %eq3A_1403 : vector<8x1024xi32>
    %not3A_1405 = arith.constant dense<true> : vector<8x1024xi1>
    %not3A_1406 = arith.xori %ne3A_1372, %not3A_1405 : vector<8x1024xi1>
    %eq3A_1407 = arith.xori %not3A_1406, %eq3A_1404 : vector<8x1024xi1>
    %eq3A_1408 = arith.constant dense<true> : vector<8x1024xi1>
    %eq3A_1409 = arith.xori %eq3A_1407, %eq3A_1408 : vector<8x1024xi1>
    %eq3A_1410 = arith.xori %eq3A_1409, %or3A_1398 : vector<8x1024xi1>
    %eq3A_1411 = arith.constant dense<true> : vector<8x1024xi1>
    %eq3A_1412 = arith.xori %eq3A_1410, %eq3A_1411 : vector<8x1024xi1>
    %select_n3A_1413 = arith.select %eq3A_1412, %select_n3A_1379, %select_n3A_1364 : vector<8x1024xi1>, vector<8x1024xf32>
    %select_n3A_1414 = arith.select %eq3A_1412, %select_n3A_1386, %select_n3A_1365 : vector<8x1024xi1>, vector<8x1024xf32>
    %select_n3A_1415 = arith.select %eq3A_1412, %select_n3A_1393, %select_n3A_1366 : vector<8x1024xi1>, vector<8x1024xi32>
    %and3A_1416 = arith.constant 64 : i32
    %and3A_1417 = vector.broadcast %and3A_1416 : i32 to vector<8x1024xi32>
    %and3A_1418 = arith.andi %iota3A, %and3A_1417 : vector<8x1024xi32>
    %ne3A_1419 = arith.constant 0 : i32
    %ne3A_1420 = vector.broadcast %ne3A_1419 : i32 to vector<8x1024xi32>
    %ne3A_1421 = arith.cmpi ne, %and3A_1418, %ne3A_1420 : vector<8x1024xi32>
    %slice3A_1422 = vector.extract_strided_slice %select_n3A_1413 {offsets = [0, 960], sizes = [8, 64], strides = [1, 1]} : vector<8x1024xf32> to vector<8x64xf32>
    %slice3A_1423 = vector.extract_strided_slice %select_n3A_1413 {offsets = [0, 0], sizes = [8, 960], strides = [1, 1]} : vector<8x1024xf32> to vector<8x960xf32>
    %concatenate3A_1424 = tpu.concatenate %slice3A_1422, %slice3A_1423 in 1 : vector<8x64xf32>, vector<8x960xf32> -> vector<8x1024xf32>
    %slice3A_1425 = vector.extract_strided_slice %select_n3A_1413 {offsets = [0, 64], sizes = [8, 960], strides = [1, 1]} : vector<8x1024xf32> to vector<8x960xf32>
    %slice3A_1426 = vector.extract_strided_slice %select_n3A_1413 {offsets = [0, 0], sizes = [8, 64], strides = [1, 1]} : vector<8x1024xf32> to vector<8x64xf32>
    %concatenate3A_1427 = tpu.concatenate %slice3A_1425, %slice3A_1426 in 1 : vector<8x960xf32>, vector<8x64xf32> -> vector<8x1024xf32>
    %select_n3A_1428 = arith.select %ne3A_1421, %concatenate3A_1424, %concatenate3A_1427 : vector<8x1024xi1>, vector<8x1024xf32>
    %slice3A_1429 = vector.extract_strided_slice %select_n3A_1414 {offsets = [0, 960], sizes = [8, 64], strides = [1, 1]} : vector<8x1024xf32> to vector<8x64xf32>
    %slice3A_1430 = vector.extract_strided_slice %select_n3A_1414 {offsets = [0, 0], sizes = [8, 960], strides = [1, 1]} : vector<8x1024xf32> to vector<8x960xf32>
    %concatenate3A_1431 = tpu.concatenate %slice3A_1429, %slice3A_1430 in 1 : vector<8x64xf32>, vector<8x960xf32> -> vector<8x1024xf32>
    %slice3A_1432 = vector.extract_strided_slice %select_n3A_1414 {offsets = [0, 64], sizes = [8, 960], strides = [1, 1]} : vector<8x1024xf32> to vector<8x960xf32>
    %slice3A_1433 = vector.extract_strided_slice %select_n3A_1414 {offsets = [0, 0], sizes = [8, 64], strides = [1, 1]} : vector<8x1024xf32> to vector<8x64xf32>
    %concatenate3A_1434 = tpu.concatenate %slice3A_1432, %slice3A_1433 in 1 : vector<8x960xf32>, vector<8x64xf32> -> vector<8x1024xf32>
    %select_n3A_1435 = arith.select %ne3A_1421, %concatenate3A_1431, %concatenate3A_1434 : vector<8x1024xi1>, vector<8x1024xf32>
    %slice3A_1436 = vector.extract_strided_slice %select_n3A_1415 {offsets = [0, 960], sizes = [8, 64], strides = [1, 1]} : vector<8x1024xi32> to vector<8x64xi32>
    %slice3A_1437 = vector.extract_strided_slice %select_n3A_1415 {offsets = [0, 0], sizes = [8, 960], strides = [1, 1]} : vector<8x1024xi32> to vector<8x960xi32>
    %concatenate3A_1438 = tpu.concatenate %slice3A_1436, %slice3A_1437 in 1 : vector<8x64xi32>, vector<8x960xi32> -> vector<8x1024xi32>
    %slice3A_1439 = vector.extract_strided_slice %select_n3A_1415 {offsets = [0, 64], sizes = [8, 960], strides = [1, 1]} : vector<8x1024xi32> to vector<8x960xi32>
    %slice3A_1440 = vector.extract_strided_slice %select_n3A_1415 {offsets = [0, 0], sizes = [8, 64], strides = [1, 1]} : vector<8x1024xi32> to vector<8x64xi32>
    %concatenate3A_1441 = tpu.concatenate %slice3A_1439, %slice3A_1440 in 1 : vector<8x960xi32>, vector<8x64xi32> -> vector<8x1024xi32>
    %select_n3A_1442 = arith.select %ne3A_1421, %concatenate3A_1438, %concatenate3A_1441 : vector<8x1024xi1>, vector<8x1024xi32>
    %gt3A_1443 = arith.cmpf ogt, %select_n3A_1428, %select_n3A_1413 : vector<8x1024xf32>
    %eq3A_1444 = arith.cmpf oeq, %select_n3A_1428, %select_n3A_1413 : vector<8x1024xf32>
    %lt3A_1445 = arith.cmpi slt, %select_n3A_1442, %select_n3A_1415 : vector<8x1024xi32>
    %and3A_1446 = arith.andi %eq3A_1444, %lt3A_1445 : vector<8x1024xi1>
    %or3A_1447 = arith.ori %gt3A_1443, %and3A_1446 : vector<8x1024xi1>
    %and3A_1448 = arith.constant 256 : i32
    %and3A_1449 = vector.broadcast %and3A_1448 : i32 to vector<8x1024xi32>
    %and3A_1450 = arith.andi %iota3A, %and3A_1449 : vector<8x1024xi32>
    %eq3A_1451 = arith.constant 0 : i32
    %eq3A_1452 = vector.broadcast %eq3A_1451 : i32 to vector<8x1024xi32>
    %eq3A_1453 = arith.cmpi eq, %and3A_1450, %eq3A_1452 : vector<8x1024xi32>
    %not3A_1454 = arith.constant dense<true> : vector<8x1024xi1>
    %not3A_1455 = arith.xori %ne3A_1421, %not3A_1454 : vector<8x1024xi1>
    %eq3A_1456 = arith.xori %not3A_1455, %eq3A_1453 : vector<8x1024xi1>
    %eq3A_1457 = arith.constant dense<true> : vector<8x1024xi1>
    %eq3A_1458 = arith.xori %eq3A_1456, %eq3A_1457 : vector<8x1024xi1>
    %eq3A_1459 = arith.xori %eq3A_1458, %or3A_1447 : vector<8x1024xi1>
    %eq3A_1460 = arith.constant dense<true> : vector<8x1024xi1>
    %eq3A_1461 = arith.xori %eq3A_1459, %eq3A_1460 : vector<8x1024xi1>
    %select_n3A_1462 = arith.select %eq3A_1461, %select_n3A_1428, %select_n3A_1413 : vector<8x1024xi1>, vector<8x1024xf32>
    %select_n3A_1463 = arith.select %eq3A_1461, %select_n3A_1435, %select_n3A_1414 : vector<8x1024xi1>, vector<8x1024xf32>
    %select_n3A_1464 = arith.select %eq3A_1461, %select_n3A_1442, %select_n3A_1415 : vector<8x1024xi1>, vector<8x1024xi32>
    %and3A_1465 = arith.constant 32 : i32
    %and3A_1466 = vector.broadcast %and3A_1465 : i32 to vector<8x1024xi32>
    %and3A_1467 = arith.andi %iota3A, %and3A_1466 : vector<8x1024xi32>
    %ne3A_1468 = arith.constant 0 : i32
    %ne3A_1469 = vector.broadcast %ne3A_1468 : i32 to vector<8x1024xi32>
    %ne3A_1470 = arith.cmpi ne, %and3A_1467, %ne3A_1469 : vector<8x1024xi32>
    %slice3A_1471 = vector.extract_strided_slice %select_n3A_1462 {offsets = [0, 992], sizes = [8, 32], strides = [1, 1]} : vector<8x1024xf32> to vector<8x32xf32>
    %slice3A_1472 = vector.extract_strided_slice %select_n3A_1462 {offsets = [0, 0], sizes = [8, 992], strides = [1, 1]} : vector<8x1024xf32> to vector<8x992xf32>
    %concatenate3A_1473 = tpu.concatenate %slice3A_1471, %slice3A_1472 in 1 : vector<8x32xf32>, vector<8x992xf32> -> vector<8x1024xf32>
    %slice3A_1474 = vector.extract_strided_slice %select_n3A_1462 {offsets = [0, 32], sizes = [8, 992], strides = [1, 1]} : vector<8x1024xf32> to vector<8x992xf32>
    %slice3A_1475 = vector.extract_strided_slice %select_n3A_1462 {offsets = [0, 0], sizes = [8, 32], strides = [1, 1]} : vector<8x1024xf32> to vector<8x32xf32>
    %concatenate3A_1476 = tpu.concatenate %slice3A_1474, %slice3A_1475 in 1 : vector<8x992xf32>, vector<8x32xf32> -> vector<8x1024xf32>
    %select_n3A_1477 = arith.select %ne3A_1470, %concatenate3A_1473, %concatenate3A_1476 : vector<8x1024xi1>, vector<8x1024xf32>
    %slice3A_1478 = vector.extract_strided_slice %select_n3A_1463 {offsets = [0, 992], sizes = [8, 32], strides = [1, 1]} : vector<8x1024xf32> to vector<8x32xf32>
    %slice3A_1479 = vector.extract_strided_slice %select_n3A_1463 {offsets = [0, 0], sizes = [8, 992], strides = [1, 1]} : vector<8x1024xf32> to vector<8x992xf32>
    %concatenate3A_1480 = tpu.concatenate %slice3A_1478, %slice3A_1479 in 1 : vector<8x32xf32>, vector<8x992xf32> -> vector<8x1024xf32>
    %slice3A_1481 = vector.extract_strided_slice %select_n3A_1463 {offsets = [0, 32], sizes = [8, 992], strides = [1, 1]} : vector<8x1024xf32> to vector<8x992xf32>
    %slice3A_1482 = vector.extract_strided_slice %select_n3A_1463 {offsets = [0, 0], sizes = [8, 32], strides = [1, 1]} : vector<8x1024xf32> to vector<8x32xf32>
    %concatenate3A_1483 = tpu.concatenate %slice3A_1481, %slice3A_1482 in 1 : vector<8x992xf32>, vector<8x32xf32> -> vector<8x1024xf32>
    %select_n3A_1484 = arith.select %ne3A_1470, %concatenate3A_1480, %concatenate3A_1483 : vector<8x1024xi1>, vector<8x1024xf32>
    %slice3A_1485 = vector.extract_strided_slice %select_n3A_1464 {offsets = [0, 992], sizes = [8, 32], strides = [1, 1]} : vector<8x1024xi32> to vector<8x32xi32>
    %slice3A_1486 = vector.extract_strided_slice %select_n3A_1464 {offsets = [0, 0], sizes = [8, 992], strides = [1, 1]} : vector<8x1024xi32> to vector<8x992xi32>
    %concatenate3A_1487 = tpu.concatenate %slice3A_1485, %slice3A_1486 in 1 : vector<8x32xi32>, vector<8x992xi32> -> vector<8x1024xi32>
    %slice3A_1488 = vector.extract_strided_slice %select_n3A_1464 {offsets = [0, 32], sizes = [8, 992], strides = [1, 1]} : vector<8x1024xi32> to vector<8x992xi32>
    %slice3A_1489 = vector.extract_strided_slice %select_n3A_1464 {offsets = [0, 0], sizes = [8, 32], strides = [1, 1]} : vector<8x1024xi32> to vector<8x32xi32>
    %concatenate3A_1490 = tpu.concatenate %slice3A_1488, %slice3A_1489 in 1 : vector<8x992xi32>, vector<8x32xi32> -> vector<8x1024xi32>
    %select_n3A_1491 = arith.select %ne3A_1470, %concatenate3A_1487, %concatenate3A_1490 : vector<8x1024xi1>, vector<8x1024xi32>
    %gt3A_1492 = arith.cmpf ogt, %select_n3A_1477, %select_n3A_1462 : vector<8x1024xf32>
    %eq3A_1493 = arith.cmpf oeq, %select_n3A_1477, %select_n3A_1462 : vector<8x1024xf32>
    %lt3A_1494 = arith.cmpi slt, %select_n3A_1491, %select_n3A_1464 : vector<8x1024xi32>
    %and3A_1495 = arith.andi %eq3A_1493, %lt3A_1494 : vector<8x1024xi1>
    %or3A_1496 = arith.ori %gt3A_1492, %and3A_1495 : vector<8x1024xi1>
    %and3A_1497 = arith.constant 256 : i32
    %and3A_1498 = vector.broadcast %and3A_1497 : i32 to vector<8x1024xi32>
    %and3A_1499 = arith.andi %iota3A, %and3A_1498 : vector<8x1024xi32>
    %eq3A_1500 = arith.constant 0 : i32
    %eq3A_1501 = vector.broadcast %eq3A_1500 : i32 to vector<8x1024xi32>
    %eq3A_1502 = arith.cmpi eq, %and3A_1499, %eq3A_1501 : vector<8x1024xi32>
    %not3A_1503 = arith.constant dense<true> : vector<8x1024xi1>
    %not3A_1504 = arith.xori %ne3A_1470, %not3A_1503 : vector<8x1024xi1>
    %eq3A_1505 = arith.xori %not3A_1504, %eq3A_1502 : vector<8x1024xi1>
    %eq3A_1506 = arith.constant dense<true> : vector<8x1024xi1>
    %eq3A_1507 = arith.xori %eq3A_1505, %eq3A_1506 : vector<8x1024xi1>
    %eq3A_1508 = arith.xori %eq3A_1507, %or3A_1496 : vector<8x1024xi1>
    %eq3A_1509 = arith.constant dense<true> : vector<8x1024xi1>
    %eq3A_1510 = arith.xori %eq3A_1508, %eq3A_1509 : vector<8x1024xi1>
    %select_n3A_1511 = arith.select %eq3A_1510, %select_n3A_1477, %select_n3A_1462 : vector<8x1024xi1>, vector<8x1024xf32>
    %select_n3A_1512 = arith.select %eq3A_1510, %select_n3A_1484, %select_n3A_1463 : vector<8x1024xi1>, vector<8x1024xf32>
    %select_n3A_1513 = arith.select %eq3A_1510, %select_n3A_1491, %select_n3A_1464 : vector<8x1024xi1>, vector<8x1024xi32>
    %and3A_1514 = arith.constant 16 : i32
    %and3A_1515 = vector.broadcast %and3A_1514 : i32 to vector<8x1024xi32>
    %and3A_1516 = arith.andi %iota3A, %and3A_1515 : vector<8x1024xi32>
    %ne3A_1517 = arith.constant 0 : i32
    %ne3A_1518 = vector.broadcast %ne3A_1517 : i32 to vector<8x1024xi32>
    %ne3A_1519 = arith.cmpi ne, %and3A_1516, %ne3A_1518 : vector<8x1024xi32>
    %slice3A_1520 = vector.extract_strided_slice %select_n3A_1511 {offsets = [0, 1008], sizes = [8, 16], strides = [1, 1]} : vector<8x1024xf32> to vector<8x16xf32>
    %slice3A_1521 = vector.extract_strided_slice %select_n3A_1511 {offsets = [0, 0], sizes = [8, 1008], strides = [1, 1]} : vector<8x1024xf32> to vector<8x1008xf32>
    %concatenate3A_1522 = tpu.concatenate %slice3A_1520, %slice3A_1521 in 1 : vector<8x16xf32>, vector<8x1008xf32> -> vector<8x1024xf32>
    %slice3A_1523 = vector.extract_strided_slice %select_n3A_1511 {offsets = [0, 16], sizes = [8, 1008], strides = [1, 1]} : vector<8x1024xf32> to vector<8x1008xf32>
    %slice3A_1524 = vector.extract_strided_slice %select_n3A_1511 {offsets = [0, 0], sizes = [8, 16], strides = [1, 1]} : vector<8x1024xf32> to vector<8x16xf32>
    %concatenate3A_1525 = tpu.concatenate %slice3A_1523, %slice3A_1524 in 1 : vector<8x1008xf32>, vector<8x16xf32> -> vector<8x1024xf32>
    %select_n3A_1526 = arith.select %ne3A_1519, %concatenate3A_1522, %concatenate3A_1525 : vector<8x1024xi1>, vector<8x1024xf32>
    %slice3A_1527 = vector.extract_strided_slice %select_n3A_1512 {offsets = [0, 1008], sizes = [8, 16], strides = [1, 1]} : vector<8x1024xf32> to vector<8x16xf32>
    %slice3A_1528 = vector.extract_strided_slice %select_n3A_1512 {offsets = [0, 0], sizes = [8, 1008], strides = [1, 1]} : vector<8x1024xf32> to vector<8x1008xf32>
    %concatenate3A_1529 = tpu.concatenate %slice3A_1527, %slice3A_1528 in 1 : vector<8x16xf32>, vector<8x1008xf32> -> vector<8x1024xf32>
    %slice3A_1530 = vector.extract_strided_slice %select_n3A_1512 {offsets = [0, 16], sizes = [8, 1008], strides = [1, 1]} : vector<8x1024xf32> to vector<8x1008xf32>
    %slice3A_1531 = vector.extract_strided_slice %select_n3A_1512 {offsets = [0, 0], sizes = [8, 16], strides = [1, 1]} : vector<8x1024xf32> to vector<8x16xf32>
    %concatenate3A_1532 = tpu.concatenate %slice3A_1530, %slice3A_1531 in 1 : vector<8x1008xf32>, vector<8x16xf32> -> vector<8x1024xf32>
    %select_n3A_1533 = arith.select %ne3A_1519, %concatenate3A_1529, %concatenate3A_1532 : vector<8x1024xi1>, vector<8x1024xf32>
    %slice3A_1534 = vector.extract_strided_slice %select_n3A_1513 {offsets = [0, 1008], sizes = [8, 16], strides = [1, 1]} : vector<8x1024xi32> to vector<8x16xi32>
    %slice3A_1535 = vector.extract_strided_slice %select_n3A_1513 {offsets = [0, 0], sizes = [8, 1008], strides = [1, 1]} : vector<8x1024xi32> to vector<8x1008xi32>
    %concatenate3A_1536 = tpu.concatenate %slice3A_1534, %slice3A_1535 in 1 : vector<8x16xi32>, vector<8x1008xi32> -> vector<8x1024xi32>
    %slice3A_1537 = vector.extract_strided_slice %select_n3A_1513 {offsets = [0, 16], sizes = [8, 1008], strides = [1, 1]} : vector<8x1024xi32> to vector<8x1008xi32>
    %slice3A_1538 = vector.extract_strided_slice %select_n3A_1513 {offsets = [0, 0], sizes = [8, 16], strides = [1, 1]} : vector<8x1024xi32> to vector<8x16xi32>
    %concatenate3A_1539 = tpu.concatenate %slice3A_1537, %slice3A_1538 in 1 : vector<8x1008xi32>, vector<8x16xi32> -> vector<8x1024xi32>
    %select_n3A_1540 = arith.select %ne3A_1519, %concatenate3A_1536, %concatenate3A_1539 : vector<8x1024xi1>, vector<8x1024xi32>
    %gt3A_1541 = arith.cmpf ogt, %select_n3A_1526, %select_n3A_1511 : vector<8x1024xf32>
    %eq3A_1542 = arith.cmpf oeq, %select_n3A_1526, %select_n3A_1511 : vector<8x1024xf32>
    %lt3A_1543 = arith.cmpi slt, %select_n3A_1540, %select_n3A_1513 : vector<8x1024xi32>
    %and3A_1544 = arith.andi %eq3A_1542, %lt3A_1543 : vector<8x1024xi1>
    %or3A_1545 = arith.ori %gt3A_1541, %and3A_1544 : vector<8x1024xi1>
    %and3A_1546 = arith.constant 256 : i32
    %and3A_1547 = vector.broadcast %and3A_1546 : i32 to vector<8x1024xi32>
    %and3A_1548 = arith.andi %iota3A, %and3A_1547 : vector<8x1024xi32>
    %eq3A_1549 = arith.constant 0 : i32
    %eq3A_1550 = vector.broadcast %eq3A_1549 : i32 to vector<8x1024xi32>
    %eq3A_1551 = arith.cmpi eq, %and3A_1548, %eq3A_1550 : vector<8x1024xi32>
    %not3A_1552 = arith.constant dense<true> : vector<8x1024xi1>
    %not3A_1553 = arith.xori %ne3A_1519, %not3A_1552 : vector<8x1024xi1>
    %eq3A_1554 = arith.xori %not3A_1553, %eq3A_1551 : vector<8x1024xi1>
    %eq3A_1555 = arith.constant dense<true> : vector<8x1024xi1>
    %eq3A_1556 = arith.xori %eq3A_1554, %eq3A_1555 : vector<8x1024xi1>
    %eq3A_1557 = arith.xori %eq3A_1556, %or3A_1545 : vector<8x1024xi1>
    %eq3A_1558 = arith.constant dense<true> : vector<8x1024xi1>
    %eq3A_1559 = arith.xori %eq3A_1557, %eq3A_1558 : vector<8x1024xi1>
    %select_n3A_1560 = arith.select %eq3A_1559, %select_n3A_1526, %select_n3A_1511 : vector<8x1024xi1>, vector<8x1024xf32>
    %select_n3A_1561 = arith.select %eq3A_1559, %select_n3A_1533, %select_n3A_1512 : vector<8x1024xi1>, vector<8x1024xf32>
    %select_n3A_1562 = arith.select %eq3A_1559, %select_n3A_1540, %select_n3A_1513 : vector<8x1024xi1>, vector<8x1024xi32>
    %and3A_1563 = arith.constant 8 : i32
    %and3A_1564 = vector.broadcast %and3A_1563 : i32 to vector<8x1024xi32>
    %and3A_1565 = arith.andi %iota3A, %and3A_1564 : vector<8x1024xi32>
    %ne3A_1566 = arith.constant 0 : i32
    %ne3A_1567 = vector.broadcast %ne3A_1566 : i32 to vector<8x1024xi32>
    %ne3A_1568 = arith.cmpi ne, %and3A_1565, %ne3A_1567 : vector<8x1024xi32>
    %slice3A_1569 = vector.extract_strided_slice %select_n3A_1560 {offsets = [0, 1016], sizes = [8, 8], strides = [1, 1]} : vector<8x1024xf32> to vector<8x8xf32>
    %slice3A_1570 = vector.extract_strided_slice %select_n3A_1560 {offsets = [0, 0], sizes = [8, 1016], strides = [1, 1]} : vector<8x1024xf32> to vector<8x1016xf32>
    %concatenate3A_1571 = tpu.concatenate %slice3A_1569, %slice3A_1570 in 1 : vector<8x8xf32>, vector<8x1016xf32> -> vector<8x1024xf32>
    %slice3A_1572 = vector.extract_strided_slice %select_n3A_1560 {offsets = [0, 8], sizes = [8, 1016], strides = [1, 1]} : vector<8x1024xf32> to vector<8x1016xf32>
    %slice3A_1573 = vector.extract_strided_slice %select_n3A_1560 {offsets = [0, 0], sizes = [8, 8], strides = [1, 1]} : vector<8x1024xf32> to vector<8x8xf32>
    %concatenate3A_1574 = tpu.concatenate %slice3A_1572, %slice3A_1573 in 1 : vector<8x1016xf32>, vector<8x8xf32> -> vector<8x1024xf32>
    %select_n3A_1575 = arith.select %ne3A_1568, %concatenate3A_1571, %concatenate3A_1574 : vector<8x1024xi1>, vector<8x1024xf32>
    %slice3A_1576 = vector.extract_strided_slice %select_n3A_1561 {offsets = [0, 1016], sizes = [8, 8], strides = [1, 1]} : vector<8x1024xf32> to vector<8x8xf32>
    %slice3A_1577 = vector.extract_strided_slice %select_n3A_1561 {offsets = [0, 0], sizes = [8, 1016], strides = [1, 1]} : vector<8x1024xf32> to vector<8x1016xf32>
    %concatenate3A_1578 = tpu.concatenate %slice3A_1576, %slice3A_1577 in 1 : vector<8x8xf32>, vector<8x1016xf32> -> vector<8x1024xf32>
    %slice3A_1579 = vector.extract_strided_slice %select_n3A_1561 {offsets = [0, 8], sizes = [8, 1016], strides = [1, 1]} : vector<8x1024xf32> to vector<8x1016xf32>
    %slice3A_1580 = vector.extract_strided_slice %select_n3A_1561 {offsets = [0, 0], sizes = [8, 8], strides = [1, 1]} : vector<8x1024xf32> to vector<8x8xf32>
    %concatenate3A_1581 = tpu.concatenate %slice3A_1579, %slice3A_1580 in 1 : vector<8x1016xf32>, vector<8x8xf32> -> vector<8x1024xf32>
    %select_n3A_1582 = arith.select %ne3A_1568, %concatenate3A_1578, %concatenate3A_1581 : vector<8x1024xi1>, vector<8x1024xf32>
    %slice3A_1583 = vector.extract_strided_slice %select_n3A_1562 {offsets = [0, 1016], sizes = [8, 8], strides = [1, 1]} : vector<8x1024xi32> to vector<8x8xi32>
    %slice3A_1584 = vector.extract_strided_slice %select_n3A_1562 {offsets = [0, 0], sizes = [8, 1016], strides = [1, 1]} : vector<8x1024xi32> to vector<8x1016xi32>
    %concatenate3A_1585 = tpu.concatenate %slice3A_1583, %slice3A_1584 in 1 : vector<8x8xi32>, vector<8x1016xi32> -> vector<8x1024xi32>
    %slice3A_1586 = vector.extract_strided_slice %select_n3A_1562 {offsets = [0, 8], sizes = [8, 1016], strides = [1, 1]} : vector<8x1024xi32> to vector<8x1016xi32>
    %slice3A_1587 = vector.extract_strided_slice %select_n3A_1562 {offsets = [0, 0], sizes = [8, 8], strides = [1, 1]} : vector<8x1024xi32> to vector<8x8xi32>
    %concatenate3A_1588 = tpu.concatenate %slice3A_1586, %slice3A_1587 in 1 : vector<8x1016xi32>, vector<8x8xi32> -> vector<8x1024xi32>
    %select_n3A_1589 = arith.select %ne3A_1568, %concatenate3A_1585, %concatenate3A_1588 : vector<8x1024xi1>, vector<8x1024xi32>
    %gt3A_1590 = arith.cmpf ogt, %select_n3A_1575, %select_n3A_1560 : vector<8x1024xf32>
    %eq3A_1591 = arith.cmpf oeq, %select_n3A_1575, %select_n3A_1560 : vector<8x1024xf32>
    %lt3A_1592 = arith.cmpi slt, %select_n3A_1589, %select_n3A_1562 : vector<8x1024xi32>
    %and3A_1593 = arith.andi %eq3A_1591, %lt3A_1592 : vector<8x1024xi1>
    %or3A_1594 = arith.ori %gt3A_1590, %and3A_1593 : vector<8x1024xi1>
    %and3A_1595 = arith.constant 256 : i32
    %and3A_1596 = vector.broadcast %and3A_1595 : i32 to vector<8x1024xi32>
    %and3A_1597 = arith.andi %iota3A, %and3A_1596 : vector<8x1024xi32>
    %eq3A_1598 = arith.constant 0 : i32
    %eq3A_1599 = vector.broadcast %eq3A_1598 : i32 to vector<8x1024xi32>
    %eq3A_1600 = arith.cmpi eq, %and3A_1597, %eq3A_1599 : vector<8x1024xi32>
    %not3A_1601 = arith.constant dense<true> : vector<8x1024xi1>
    %not3A_1602 = arith.xori %ne3A_1568, %not3A_1601 : vector<8x1024xi1>
    %eq3A_1603 = arith.xori %not3A_1602, %eq3A_1600 : vector<8x1024xi1>
    %eq3A_1604 = arith.constant dense<true> : vector<8x1024xi1>
    %eq3A_1605 = arith.xori %eq3A_1603, %eq3A_1604 : vector<8x1024xi1>
    %eq3A_1606 = arith.xori %eq3A_1605, %or3A_1594 : vector<8x1024xi1>
    %eq3A_1607 = arith.constant dense<true> : vector<8x1024xi1>
    %eq3A_1608 = arith.xori %eq3A_1606, %eq3A_1607 : vector<8x1024xi1>
    %select_n3A_1609 = arith.select %eq3A_1608, %select_n3A_1575, %select_n3A_1560 : vector<8x1024xi1>, vector<8x1024xf32>
    %select_n3A_1610 = arith.select %eq3A_1608, %select_n3A_1582, %select_n3A_1561 : vector<8x1024xi1>, vector<8x1024xf32>
    %select_n3A_1611 = arith.select %eq3A_1608, %select_n3A_1589, %select_n3A_1562 : vector<8x1024xi1>, vector<8x1024xi32>
    %and3A_1612 = arith.constant 4 : i32
    %and3A_1613 = vector.broadcast %and3A_1612 : i32 to vector<8x1024xi32>
    %and3A_1614 = arith.andi %iota3A, %and3A_1613 : vector<8x1024xi32>
    %ne3A_1615 = arith.constant 0 : i32
    %ne3A_1616 = vector.broadcast %ne3A_1615 : i32 to vector<8x1024xi32>
    %ne3A_1617 = arith.cmpi ne, %and3A_1614, %ne3A_1616 : vector<8x1024xi32>
    %slice3A_1618 = vector.extract_strided_slice %select_n3A_1609 {offsets = [0, 1020], sizes = [8, 4], strides = [1, 1]} : vector<8x1024xf32> to vector<8x4xf32>
    %slice3A_1619 = vector.extract_strided_slice %select_n3A_1609 {offsets = [0, 0], sizes = [8, 1020], strides = [1, 1]} : vector<8x1024xf32> to vector<8x1020xf32>
    %concatenate3A_1620 = tpu.concatenate %slice3A_1618, %slice3A_1619 in 1 : vector<8x4xf32>, vector<8x1020xf32> -> vector<8x1024xf32>
    %slice3A_1621 = vector.extract_strided_slice %select_n3A_1609 {offsets = [0, 4], sizes = [8, 1020], strides = [1, 1]} : vector<8x1024xf32> to vector<8x1020xf32>
    %slice3A_1622 = vector.extract_strided_slice %select_n3A_1609 {offsets = [0, 0], sizes = [8, 4], strides = [1, 1]} : vector<8x1024xf32> to vector<8x4xf32>
    %concatenate3A_1623 = tpu.concatenate %slice3A_1621, %slice3A_1622 in 1 : vector<8x1020xf32>, vector<8x4xf32> -> vector<8x1024xf32>
    %select_n3A_1624 = arith.select %ne3A_1617, %concatenate3A_1620, %concatenate3A_1623 : vector<8x1024xi1>, vector<8x1024xf32>
    %slice3A_1625 = vector.extract_strided_slice %select_n3A_1610 {offsets = [0, 1020], sizes = [8, 4], strides = [1, 1]} : vector<8x1024xf32> to vector<8x4xf32>
    %slice3A_1626 = vector.extract_strided_slice %select_n3A_1610 {offsets = [0, 0], sizes = [8, 1020], strides = [1, 1]} : vector<8x1024xf32> to vector<8x1020xf32>
    %concatenate3A_1627 = tpu.concatenate %slice3A_1625, %slice3A_1626 in 1 : vector<8x4xf32>, vector<8x1020xf32> -> vector<8x1024xf32>
    %slice3A_1628 = vector.extract_strided_slice %select_n3A_1610 {offsets = [0, 4], sizes = [8, 1020], strides = [1, 1]} : vector<8x1024xf32> to vector<8x1020xf32>
    %slice3A_1629 = vector.extract_strided_slice %select_n3A_1610 {offsets = [0, 0], sizes = [8, 4], strides = [1, 1]} : vector<8x1024xf32> to vector<8x4xf32>
    %concatenate3A_1630 = tpu.concatenate %slice3A_1628, %slice3A_1629 in 1 : vector<8x1020xf32>, vector<8x4xf32> -> vector<8x1024xf32>
    %select_n3A_1631 = arith.select %ne3A_1617, %concatenate3A_1627, %concatenate3A_1630 : vector<8x1024xi1>, vector<8x1024xf32>
    %slice3A_1632 = vector.extract_strided_slice %select_n3A_1611 {offsets = [0, 1020], sizes = [8, 4], strides = [1, 1]} : vector<8x1024xi32> to vector<8x4xi32>
    %slice3A_1633 = vector.extract_strided_slice %select_n3A_1611 {offsets = [0, 0], sizes = [8, 1020], strides = [1, 1]} : vector<8x1024xi32> to vector<8x1020xi32>
    %concatenate3A_1634 = tpu.concatenate %slice3A_1632, %slice3A_1633 in 1 : vector<8x4xi32>, vector<8x1020xi32> -> vector<8x1024xi32>
    %slice3A_1635 = vector.extract_strided_slice %select_n3A_1611 {offsets = [0, 4], sizes = [8, 1020], strides = [1, 1]} : vector<8x1024xi32> to vector<8x1020xi32>
    %slice3A_1636 = vector.extract_strided_slice %select_n3A_1611 {offsets = [0, 0], sizes = [8, 4], strides = [1, 1]} : vector<8x1024xi32> to vector<8x4xi32>
    %concatenate3A_1637 = tpu.concatenate %slice3A_1635, %slice3A_1636 in 1 : vector<8x1020xi32>, vector<8x4xi32> -> vector<8x1024xi32>
    %select_n3A_1638 = arith.select %ne3A_1617, %concatenate3A_1634, %concatenate3A_1637 : vector<8x1024xi1>, vector<8x1024xi32>
    %gt3A_1639 = arith.cmpf ogt, %select_n3A_1624, %select_n3A_1609 : vector<8x1024xf32>
    %eq3A_1640 = arith.cmpf oeq, %select_n3A_1624, %select_n3A_1609 : vector<8x1024xf32>
    %lt3A_1641 = arith.cmpi slt, %select_n3A_1638, %select_n3A_1611 : vector<8x1024xi32>
    %and3A_1642 = arith.andi %eq3A_1640, %lt3A_1641 : vector<8x1024xi1>
    %or3A_1643 = arith.ori %gt3A_1639, %and3A_1642 : vector<8x1024xi1>
    %and3A_1644 = arith.constant 256 : i32
    %and3A_1645 = vector.broadcast %and3A_1644 : i32 to vector<8x1024xi32>
    %and3A_1646 = arith.andi %iota3A, %and3A_1645 : vector<8x1024xi32>
    %eq3A_1647 = arith.constant 0 : i32
    %eq3A_1648 = vector.broadcast %eq3A_1647 : i32 to vector<8x1024xi32>
    %eq3A_1649 = arith.cmpi eq, %and3A_1646, %eq3A_1648 : vector<8x1024xi32>
    %not3A_1650 = arith.constant dense<true> : vector<8x1024xi1>
    %not3A_1651 = arith.xori %ne3A_1617, %not3A_1650 : vector<8x1024xi1>
    %eq3A_1652 = arith.xori %not3A_1651, %eq3A_1649 : vector<8x1024xi1>
    %eq3A_1653 = arith.constant dense<true> : vector<8x1024xi1>
    %eq3A_1654 = arith.xori %eq3A_1652, %eq3A_1653 : vector<8x1024xi1>
    %eq3A_1655 = arith.xori %eq3A_1654, %or3A_1643 : vector<8x1024xi1>
    %eq3A_1656 = arith.constant dense<true> : vector<8x1024xi1>
    %eq3A_1657 = arith.xori %eq3A_1655, %eq3A_1656 : vector<8x1024xi1>
    %select_n3A_1658 = arith.select %eq3A_1657, %select_n3A_1624, %select_n3A_1609 : vector<8x1024xi1>, vector<8x1024xf32>
    %select_n3A_1659 = arith.select %eq3A_1657, %select_n3A_1631, %select_n3A_1610 : vector<8x1024xi1>, vector<8x1024xf32>
    %select_n3A_1660 = arith.select %eq3A_1657, %select_n3A_1638, %select_n3A_1611 : vector<8x1024xi1>, vector<8x1024xi32>
    %and3A_1661 = arith.constant 2 : i32
    %and3A_1662 = vector.broadcast %and3A_1661 : i32 to vector<8x1024xi32>
    %and3A_1663 = arith.andi %iota3A, %and3A_1662 : vector<8x1024xi32>
    %ne3A_1664 = arith.constant 0 : i32
    %ne3A_1665 = vector.broadcast %ne3A_1664 : i32 to vector<8x1024xi32>
    %ne3A_1666 = arith.cmpi ne, %and3A_1663, %ne3A_1665 : vector<8x1024xi32>
    %slice3A_1667 = vector.extract_strided_slice %select_n3A_1658 {offsets = [0, 1022], sizes = [8, 2], strides = [1, 1]} : vector<8x1024xf32> to vector<8x2xf32>
    %slice3A_1668 = vector.extract_strided_slice %select_n3A_1658 {offsets = [0, 0], sizes = [8, 1022], strides = [1, 1]} : vector<8x1024xf32> to vector<8x1022xf32>
    %concatenate3A_1669 = tpu.concatenate %slice3A_1667, %slice3A_1668 in 1 : vector<8x2xf32>, vector<8x1022xf32> -> vector<8x1024xf32>
    %slice3A_1670 = vector.extract_strided_slice %select_n3A_1658 {offsets = [0, 2], sizes = [8, 1022], strides = [1, 1]} : vector<8x1024xf32> to vector<8x1022xf32>
    %slice3A_1671 = vector.extract_strided_slice %select_n3A_1658 {offsets = [0, 0], sizes = [8, 2], strides = [1, 1]} : vector<8x1024xf32> to vector<8x2xf32>
    %concatenate3A_1672 = tpu.concatenate %slice3A_1670, %slice3A_1671 in 1 : vector<8x1022xf32>, vector<8x2xf32> -> vector<8x1024xf32>
    %select_n3A_1673 = arith.select %ne3A_1666, %concatenate3A_1669, %concatenate3A_1672 : vector<8x1024xi1>, vector<8x1024xf32>
    %slice3A_1674 = vector.extract_strided_slice %select_n3A_1659 {offsets = [0, 1022], sizes = [8, 2], strides = [1, 1]} : vector<8x1024xf32> to vector<8x2xf32>
    %slice3A_1675 = vector.extract_strided_slice %select_n3A_1659 {offsets = [0, 0], sizes = [8, 1022], strides = [1, 1]} : vector<8x1024xf32> to vector<8x1022xf32>
    %concatenate3A_1676 = tpu.concatenate %slice3A_1674, %slice3A_1675 in 1 : vector<8x2xf32>, vector<8x1022xf32> -> vector<8x1024xf32>
    %slice3A_1677 = vector.extract_strided_slice %select_n3A_1659 {offsets = [0, 2], sizes = [8, 1022], strides = [1, 1]} : vector<8x1024xf32> to vector<8x1022xf32>
    %slice3A_1678 = vector.extract_strided_slice %select_n3A_1659 {offsets = [0, 0], sizes = [8, 2], strides = [1, 1]} : vector<8x1024xf32> to vector<8x2xf32>
    %concatenate3A_1679 = tpu.concatenate %slice3A_1677, %slice3A_1678 in 1 : vector<8x1022xf32>, vector<8x2xf32> -> vector<8x1024xf32>
    %select_n3A_1680 = arith.select %ne3A_1666, %concatenate3A_1676, %concatenate3A_1679 : vector<8x1024xi1>, vector<8x1024xf32>
    %slice3A_1681 = vector.extract_strided_slice %select_n3A_1660 {offsets = [0, 1022], sizes = [8, 2], strides = [1, 1]} : vector<8x1024xi32> to vector<8x2xi32>
    %slice3A_1682 = vector.extract_strided_slice %select_n3A_1660 {offsets = [0, 0], sizes = [8, 1022], strides = [1, 1]} : vector<8x1024xi32> to vector<8x1022xi32>
    %concatenate3A_1683 = tpu.concatenate %slice3A_1681, %slice3A_1682 in 1 : vector<8x2xi32>, vector<8x1022xi32> -> vector<8x1024xi32>
    %slice3A_1684 = vector.extract_strided_slice %select_n3A_1660 {offsets = [0, 2], sizes = [8, 1022], strides = [1, 1]} : vector<8x1024xi32> to vector<8x1022xi32>
    %slice3A_1685 = vector.extract_strided_slice %select_n3A_1660 {offsets = [0, 0], sizes = [8, 2], strides = [1, 1]} : vector<8x1024xi32> to vector<8x2xi32>
    %concatenate3A_1686 = tpu.concatenate %slice3A_1684, %slice3A_1685 in 1 : vector<8x1022xi32>, vector<8x2xi32> -> vector<8x1024xi32>
    %select_n3A_1687 = arith.select %ne3A_1666, %concatenate3A_1683, %concatenate3A_1686 : vector<8x1024xi1>, vector<8x1024xi32>
    %gt3A_1688 = arith.cmpf ogt, %select_n3A_1673, %select_n3A_1658 : vector<8x1024xf32>
    %eq3A_1689 = arith.cmpf oeq, %select_n3A_1673, %select_n3A_1658 : vector<8x1024xf32>
    %lt3A_1690 = arith.cmpi slt, %select_n3A_1687, %select_n3A_1660 : vector<8x1024xi32>
    %and3A_1691 = arith.andi %eq3A_1689, %lt3A_1690 : vector<8x1024xi1>
    %or3A_1692 = arith.ori %gt3A_1688, %and3A_1691 : vector<8x1024xi1>
    %and3A_1693 = arith.constant 256 : i32
    %and3A_1694 = vector.broadcast %and3A_1693 : i32 to vector<8x1024xi32>
    %and3A_1695 = arith.andi %iota3A, %and3A_1694 : vector<8x1024xi32>
    %eq3A_1696 = arith.constant 0 : i32
    %eq3A_1697 = vector.broadcast %eq3A_1696 : i32 to vector<8x1024xi32>
    %eq3A_1698 = arith.cmpi eq, %and3A_1695, %eq3A_1697 : vector<8x1024xi32>
    %not3A_1699 = arith.constant dense<true> : vector<8x1024xi1>
    %not3A_1700 = arith.xori %ne3A_1666, %not3A_1699 : vector<8x1024xi1>
    %eq3A_1701 = arith.xori %not3A_1700, %eq3A_1698 : vector<8x1024xi1>
    %eq3A_1702 = arith.constant dense<true> : vector<8x1024xi1>
    %eq3A_1703 = arith.xori %eq3A_1701, %eq3A_1702 : vector<8x1024xi1>
    %eq3A_1704 = arith.xori %eq3A_1703, %or3A_1692 : vector<8x1024xi1>
    %eq3A_1705 = arith.constant dense<true> : vector<8x1024xi1>
    %eq3A_1706 = arith.xori %eq3A_1704, %eq3A_1705 : vector<8x1024xi1>
    %select_n3A_1707 = arith.select %eq3A_1706, %select_n3A_1673, %select_n3A_1658 : vector<8x1024xi1>, vector<8x1024xf32>
    %select_n3A_1708 = arith.select %eq3A_1706, %select_n3A_1680, %select_n3A_1659 : vector<8x1024xi1>, vector<8x1024xf32>
    %select_n3A_1709 = arith.select %eq3A_1706, %select_n3A_1687, %select_n3A_1660 : vector<8x1024xi1>, vector<8x1024xi32>
    %and3A_1710 = arith.constant 1 : i32
    %and3A_1711 = vector.broadcast %and3A_1710 : i32 to vector<8x1024xi32>
    %and3A_1712 = arith.andi %iota3A, %and3A_1711 : vector<8x1024xi32>
    %ne3A_1713 = arith.constant 0 : i32
    %ne3A_1714 = vector.broadcast %ne3A_1713 : i32 to vector<8x1024xi32>
    %ne3A_1715 = arith.cmpi ne, %and3A_1712, %ne3A_1714 : vector<8x1024xi32>
    %slice3A_1716 = vector.extract_strided_slice %select_n3A_1707 {offsets = [0, 1023], sizes = [8, 1], strides = [1, 1]} : vector<8x1024xf32> to vector<8x1xf32>
    %slice3A_1717 = vector.extract_strided_slice %select_n3A_1707 {offsets = [0, 0], sizes = [8, 1023], strides = [1, 1]} : vector<8x1024xf32> to vector<8x1023xf32>
    %concatenate3A_1718 = tpu.concatenate %slice3A_1716, %slice3A_1717 in 1 : vector<8x1xf32>, vector<8x1023xf32> -> vector<8x1024xf32>
    %slice3A_1719 = vector.extract_strided_slice %select_n3A_1707 {offsets = [0, 1], sizes = [8, 1023], strides = [1, 1]} : vector<8x1024xf32> to vector<8x1023xf32>
    %slice3A_1720 = vector.extract_strided_slice %select_n3A_1707 {offsets = [0, 0], sizes = [8, 1], strides = [1, 1]} : vector<8x1024xf32> to vector<8x1xf32>
    %concatenate3A_1721 = tpu.concatenate %slice3A_1719, %slice3A_1720 in 1 : vector<8x1023xf32>, vector<8x1xf32> -> vector<8x1024xf32>
    %select_n3A_1722 = arith.select %ne3A_1715, %concatenate3A_1718, %concatenate3A_1721 : vector<8x1024xi1>, vector<8x1024xf32>
    %slice3A_1723 = vector.extract_strided_slice %select_n3A_1708 {offsets = [0, 1023], sizes = [8, 1], strides = [1, 1]} : vector<8x1024xf32> to vector<8x1xf32>
    %slice3A_1724 = vector.extract_strided_slice %select_n3A_1708 {offsets = [0, 0], sizes = [8, 1023], strides = [1, 1]} : vector<8x1024xf32> to vector<8x1023xf32>
    %concatenate3A_1725 = tpu.concatenate %slice3A_1723, %slice3A_1724 in 1 : vector<8x1xf32>, vector<8x1023xf32> -> vector<8x1024xf32>
    %slice3A_1726 = vector.extract_strided_slice %select_n3A_1708 {offsets = [0, 1], sizes = [8, 1023], strides = [1, 1]} : vector<8x1024xf32> to vector<8x1023xf32>
    %slice3A_1727 = vector.extract_strided_slice %select_n3A_1708 {offsets = [0, 0], sizes = [8, 1], strides = [1, 1]} : vector<8x1024xf32> to vector<8x1xf32>
    %concatenate3A_1728 = tpu.concatenate %slice3A_1726, %slice3A_1727 in 1 : vector<8x1023xf32>, vector<8x1xf32> -> vector<8x1024xf32>
    %select_n3A_1729 = arith.select %ne3A_1715, %concatenate3A_1725, %concatenate3A_1728 : vector<8x1024xi1>, vector<8x1024xf32>
    %slice3A_1730 = vector.extract_strided_slice %select_n3A_1709 {offsets = [0, 1023], sizes = [8, 1], strides = [1, 1]} : vector<8x1024xi32> to vector<8x1xi32>
    %slice3A_1731 = vector.extract_strided_slice %select_n3A_1709 {offsets = [0, 0], sizes = [8, 1023], strides = [1, 1]} : vector<8x1024xi32> to vector<8x1023xi32>
    %concatenate3A_1732 = tpu.concatenate %slice3A_1730, %slice3A_1731 in 1 : vector<8x1xi32>, vector<8x1023xi32> -> vector<8x1024xi32>
    %slice3A_1733 = vector.extract_strided_slice %select_n3A_1709 {offsets = [0, 1], sizes = [8, 1023], strides = [1, 1]} : vector<8x1024xi32> to vector<8x1023xi32>
    %slice3A_1734 = vector.extract_strided_slice %select_n3A_1709 {offsets = [0, 0], sizes = [8, 1], strides = [1, 1]} : vector<8x1024xi32> to vector<8x1xi32>
    %concatenate3A_1735 = tpu.concatenate %slice3A_1733, %slice3A_1734 in 1 : vector<8x1023xi32>, vector<8x1xi32> -> vector<8x1024xi32>
    %select_n3A_1736 = arith.select %ne3A_1715, %concatenate3A_1732, %concatenate3A_1735 : vector<8x1024xi1>, vector<8x1024xi32>
    %gt3A_1737 = arith.cmpf ogt, %select_n3A_1722, %select_n3A_1707 : vector<8x1024xf32>
    %eq3A_1738 = arith.cmpf oeq, %select_n3A_1722, %select_n3A_1707 : vector<8x1024xf32>
    %lt3A_1739 = arith.cmpi slt, %select_n3A_1736, %select_n3A_1709 : vector<8x1024xi32>
    %and3A_1740 = arith.andi %eq3A_1738, %lt3A_1739 : vector<8x1024xi1>
    %or3A_1741 = arith.ori %gt3A_1737, %and3A_1740 : vector<8x1024xi1>
    %and3A_1742 = arith.constant 256 : i32
    %and3A_1743 = vector.broadcast %and3A_1742 : i32 to vector<8x1024xi32>
    %and3A_1744 = arith.andi %iota3A, %and3A_1743 : vector<8x1024xi32>
    %eq3A_1745 = arith.constant 0 : i32
    %eq3A_1746 = vector.broadcast %eq3A_1745 : i32 to vector<8x1024xi32>
    %eq3A_1747 = arith.cmpi eq, %and3A_1744, %eq3A_1746 : vector<8x1024xi32>
    %not3A_1748 = arith.constant dense<true> : vector<8x1024xi1>
    %not3A_1749 = arith.xori %ne3A_1715, %not3A_1748 : vector<8x1024xi1>
    %eq3A_1750 = arith.xori %not3A_1749, %eq3A_1747 : vector<8x1024xi1>
    %eq3A_1751 = arith.constant dense<true> : vector<8x1024xi1>
    %eq3A_1752 = arith.xori %eq3A_1750, %eq3A_1751 : vector<8x1024xi1>
    %eq3A_1753 = arith.xori %eq3A_1752, %or3A_1741 : vector<8x1024xi1>
    %eq3A_1754 = arith.constant dense<true> : vector<8x1024xi1>
    %eq3A_1755 = arith.xori %eq3A_1753, %eq3A_1754 : vector<8x1024xi1>
    %select_n3A_1756 = arith.select %eq3A_1755, %select_n3A_1722, %select_n3A_1707 : vector<8x1024xi1>, vector<8x1024xf32>
    %select_n3A_1757 = arith.select %eq3A_1755, %select_n3A_1729, %select_n3A_1708 : vector<8x1024xi1>, vector<8x1024xf32>
    %select_n3A_1758 = arith.select %eq3A_1755, %select_n3A_1736, %select_n3A_1709 : vector<8x1024xi1>, vector<8x1024xi32>
    %and3A_1759 = arith.constant 256 : i32
    %and3A_1760 = vector.broadcast %and3A_1759 : i32 to vector<8x1024xi32>
    %and3A_1761 = arith.andi %iota3A, %and3A_1760 : vector<8x1024xi32>
    %ne3A_1762 = arith.constant 0 : i32
    %ne3A_1763 = vector.broadcast %ne3A_1762 : i32 to vector<8x1024xi32>
    %ne3A_1764 = arith.cmpi ne, %and3A_1761, %ne3A_1763 : vector<8x1024xi32>
    %slice3A_1765 = vector.extract_strided_slice %select_n3A_1756 {offsets = [0, 768], sizes = [8, 256], strides = [1, 1]} : vector<8x1024xf32> to vector<8x256xf32>
    %slice3A_1766 = vector.extract_strided_slice %select_n3A_1756 {offsets = [0, 0], sizes = [8, 768], strides = [1, 1]} : vector<8x1024xf32> to vector<8x768xf32>
    %concatenate3A_1767 = tpu.concatenate %slice3A_1765, %slice3A_1766 in 1 : vector<8x256xf32>, vector<8x768xf32> -> vector<8x1024xf32>
    %slice3A_1768 = vector.extract_strided_slice %select_n3A_1756 {offsets = [0, 256], sizes = [8, 768], strides = [1, 1]} : vector<8x1024xf32> to vector<8x768xf32>
    %slice3A_1769 = vector.extract_strided_slice %select_n3A_1756 {offsets = [0, 0], sizes = [8, 256], strides = [1, 1]} : vector<8x1024xf32> to vector<8x256xf32>
    %concatenate3A_1770 = tpu.concatenate %slice3A_1768, %slice3A_1769 in 1 : vector<8x768xf32>, vector<8x256xf32> -> vector<8x1024xf32>
    %select_n3A_1771 = arith.select %ne3A_1764, %concatenate3A_1767, %concatenate3A_1770 : vector<8x1024xi1>, vector<8x1024xf32>
    %slice3A_1772 = vector.extract_strided_slice %select_n3A_1757 {offsets = [0, 768], sizes = [8, 256], strides = [1, 1]} : vector<8x1024xf32> to vector<8x256xf32>
    %slice3A_1773 = vector.extract_strided_slice %select_n3A_1757 {offsets = [0, 0], sizes = [8, 768], strides = [1, 1]} : vector<8x1024xf32> to vector<8x768xf32>
    %concatenate3A_1774 = tpu.concatenate %slice3A_1772, %slice3A_1773 in 1 : vector<8x256xf32>, vector<8x768xf32> -> vector<8x1024xf32>
    %slice3A_1775 = vector.extract_strided_slice %select_n3A_1757 {offsets = [0, 256], sizes = [8, 768], strides = [1, 1]} : vector<8x1024xf32> to vector<8x768xf32>
    %slice3A_1776 = vector.extract_strided_slice %select_n3A_1757 {offsets = [0, 0], sizes = [8, 256], strides = [1, 1]} : vector<8x1024xf32> to vector<8x256xf32>
    %concatenate3A_1777 = tpu.concatenate %slice3A_1775, %slice3A_1776 in 1 : vector<8x768xf32>, vector<8x256xf32> -> vector<8x1024xf32>
    %select_n3A_1778 = arith.select %ne3A_1764, %concatenate3A_1774, %concatenate3A_1777 : vector<8x1024xi1>, vector<8x1024xf32>
    %slice3A_1779 = vector.extract_strided_slice %select_n3A_1758 {offsets = [0, 768], sizes = [8, 256], strides = [1, 1]} : vector<8x1024xi32> to vector<8x256xi32>
    %slice3A_1780 = vector.extract_strided_slice %select_n3A_1758 {offsets = [0, 0], sizes = [8, 768], strides = [1, 1]} : vector<8x1024xi32> to vector<8x768xi32>
    %concatenate3A_1781 = tpu.concatenate %slice3A_1779, %slice3A_1780 in 1 : vector<8x256xi32>, vector<8x768xi32> -> vector<8x1024xi32>
    %slice3A_1782 = vector.extract_strided_slice %select_n3A_1758 {offsets = [0, 256], sizes = [8, 768], strides = [1, 1]} : vector<8x1024xi32> to vector<8x768xi32>
    %slice3A_1783 = vector.extract_strided_slice %select_n3A_1758 {offsets = [0, 0], sizes = [8, 256], strides = [1, 1]} : vector<8x1024xi32> to vector<8x256xi32>
    %concatenate3A_1784 = tpu.concatenate %slice3A_1782, %slice3A_1783 in 1 : vector<8x768xi32>, vector<8x256xi32> -> vector<8x1024xi32>
    %select_n3A_1785 = arith.select %ne3A_1764, %concatenate3A_1781, %concatenate3A_1784 : vector<8x1024xi1>, vector<8x1024xi32>
    %gt3A_1786 = arith.cmpf ogt, %select_n3A_1771, %select_n3A_1756 : vector<8x1024xf32>
    %eq3A_1787 = arith.cmpf oeq, %select_n3A_1771, %select_n3A_1756 : vector<8x1024xf32>
    %lt3A_1788 = arith.cmpi slt, %select_n3A_1785, %select_n3A_1758 : vector<8x1024xi32>
    %and3A_1789 = arith.andi %eq3A_1787, %lt3A_1788 : vector<8x1024xi1>
    %or3A_1790 = arith.ori %gt3A_1786, %and3A_1789 : vector<8x1024xi1>
    %and3A_1791 = arith.constant 512 : i32
    %and3A_1792 = vector.broadcast %and3A_1791 : i32 to vector<8x1024xi32>
    %and3A_1793 = arith.andi %iota3A, %and3A_1792 : vector<8x1024xi32>
    %eq3A_1794 = arith.constant 0 : i32
    %eq3A_1795 = vector.broadcast %eq3A_1794 : i32 to vector<8x1024xi32>
    %eq3A_1796 = arith.cmpi eq, %and3A_1793, %eq3A_1795 : vector<8x1024xi32>
    %not3A_1797 = arith.constant dense<true> : vector<8x1024xi1>
    %not3A_1798 = arith.xori %ne3A_1764, %not3A_1797 : vector<8x1024xi1>
    %eq3A_1799 = arith.xori %not3A_1798, %eq3A_1796 : vector<8x1024xi1>
    %eq3A_1800 = arith.constant dense<true> : vector<8x1024xi1>
    %eq3A_1801 = arith.xori %eq3A_1799, %eq3A_1800 : vector<8x1024xi1>
    %eq3A_1802 = arith.xori %eq3A_1801, %or3A_1790 : vector<8x1024xi1>
    %eq3A_1803 = arith.constant dense<true> : vector<8x1024xi1>
    %eq3A_1804 = arith.xori %eq3A_1802, %eq3A_1803 : vector<8x1024xi1>
    %select_n3A_1805 = arith.select %eq3A_1804, %select_n3A_1771, %select_n3A_1756 : vector<8x1024xi1>, vector<8x1024xf32>
    %select_n3A_1806 = arith.select %eq3A_1804, %select_n3A_1778, %select_n3A_1757 : vector<8x1024xi1>, vector<8x1024xf32>
    %select_n3A_1807 = arith.select %eq3A_1804, %select_n3A_1785, %select_n3A_1758 : vector<8x1024xi1>, vector<8x1024xi32>
    %and3A_1808 = arith.constant 128 : i32
    %and3A_1809 = vector.broadcast %and3A_1808 : i32 to vector<8x1024xi32>
    %and3A_1810 = arith.andi %iota3A, %and3A_1809 : vector<8x1024xi32>
    %ne3A_1811 = arith.constant 0 : i32
    %ne3A_1812 = vector.broadcast %ne3A_1811 : i32 to vector<8x1024xi32>
    %ne3A_1813 = arith.cmpi ne, %and3A_1810, %ne3A_1812 : vector<8x1024xi32>
    %slice3A_1814 = vector.extract_strided_slice %select_n3A_1805 {offsets = [0, 896], sizes = [8, 128], strides = [1, 1]} : vector<8x1024xf32> to vector<8x128xf32>
    %slice3A_1815 = vector.extract_strided_slice %select_n3A_1805 {offsets = [0, 0], sizes = [8, 896], strides = [1, 1]} : vector<8x1024xf32> to vector<8x896xf32>
    %concatenate3A_1816 = tpu.concatenate %slice3A_1814, %slice3A_1815 in 1 : vector<8x128xf32>, vector<8x896xf32> -> vector<8x1024xf32>
    %slice3A_1817 = vector.extract_strided_slice %select_n3A_1805 {offsets = [0, 128], sizes = [8, 896], strides = [1, 1]} : vector<8x1024xf32> to vector<8x896xf32>
    %slice3A_1818 = vector.extract_strided_slice %select_n3A_1805 {offsets = [0, 0], sizes = [8, 128], strides = [1, 1]} : vector<8x1024xf32> to vector<8x128xf32>
    %concatenate3A_1819 = tpu.concatenate %slice3A_1817, %slice3A_1818 in 1 : vector<8x896xf32>, vector<8x128xf32> -> vector<8x1024xf32>
    %select_n3A_1820 = arith.select %ne3A_1813, %concatenate3A_1816, %concatenate3A_1819 : vector<8x1024xi1>, vector<8x1024xf32>
    %slice3A_1821 = vector.extract_strided_slice %select_n3A_1806 {offsets = [0, 896], sizes = [8, 128], strides = [1, 1]} : vector<8x1024xf32> to vector<8x128xf32>
    %slice3A_1822 = vector.extract_strided_slice %select_n3A_1806 {offsets = [0, 0], sizes = [8, 896], strides = [1, 1]} : vector<8x1024xf32> to vector<8x896xf32>
    %concatenate3A_1823 = tpu.concatenate %slice3A_1821, %slice3A_1822 in 1 : vector<8x128xf32>, vector<8x896xf32> -> vector<8x1024xf32>
    %slice3A_1824 = vector.extract_strided_slice %select_n3A_1806 {offsets = [0, 128], sizes = [8, 896], strides = [1, 1]} : vector<8x1024xf32> to vector<8x896xf32>
    %slice3A_1825 = vector.extract_strided_slice %select_n3A_1806 {offsets = [0, 0], sizes = [8, 128], strides = [1, 1]} : vector<8x1024xf32> to vector<8x128xf32>
    %concatenate3A_1826 = tpu.concatenate %slice3A_1824, %slice3A_1825 in 1 : vector<8x896xf32>, vector<8x128xf32> -> vector<8x1024xf32>
    %select_n3A_1827 = arith.select %ne3A_1813, %concatenate3A_1823, %concatenate3A_1826 : vector<8x1024xi1>, vector<8x1024xf32>
    %slice3A_1828 = vector.extract_strided_slice %select_n3A_1807 {offsets = [0, 896], sizes = [8, 128], strides = [1, 1]} : vector<8x1024xi32> to vector<8x128xi32>
    %slice3A_1829 = vector.extract_strided_slice %select_n3A_1807 {offsets = [0, 0], sizes = [8, 896], strides = [1, 1]} : vector<8x1024xi32> to vector<8x896xi32>
    %concatenate3A_1830 = tpu.concatenate %slice3A_1828, %slice3A_1829 in 1 : vector<8x128xi32>, vector<8x896xi32> -> vector<8x1024xi32>
    %slice3A_1831 = vector.extract_strided_slice %select_n3A_1807 {offsets = [0, 128], sizes = [8, 896], strides = [1, 1]} : vector<8x1024xi32> to vector<8x896xi32>
    %slice3A_1832 = vector.extract_strided_slice %select_n3A_1807 {offsets = [0, 0], sizes = [8, 128], strides = [1, 1]} : vector<8x1024xi32> to vector<8x128xi32>
    %concatenate3A_1833 = tpu.concatenate %slice3A_1831, %slice3A_1832 in 1 : vector<8x896xi32>, vector<8x128xi32> -> vector<8x1024xi32>
    %select_n3A_1834 = arith.select %ne3A_1813, %concatenate3A_1830, %concatenate3A_1833 : vector<8x1024xi1>, vector<8x1024xi32>
    %gt3A_1835 = arith.cmpf ogt, %select_n3A_1820, %select_n3A_1805 : vector<8x1024xf32>
    %eq3A_1836 = arith.cmpf oeq, %select_n3A_1820, %select_n3A_1805 : vector<8x1024xf32>
    %lt3A_1837 = arith.cmpi slt, %select_n3A_1834, %select_n3A_1807 : vector<8x1024xi32>
    %and3A_1838 = arith.andi %eq3A_1836, %lt3A_1837 : vector<8x1024xi1>
    %or3A_1839 = arith.ori %gt3A_1835, %and3A_1838 : vector<8x1024xi1>
    %and3A_1840 = arith.constant 512 : i32
    %and3A_1841 = vector.broadcast %and3A_1840 : i32 to vector<8x1024xi32>
    %and3A_1842 = arith.andi %iota3A, %and3A_1841 : vector<8x1024xi32>
    %eq3A_1843 = arith.constant 0 : i32
    %eq3A_1844 = vector.broadcast %eq3A_1843 : i32 to vector<8x1024xi32>
    %eq3A_1845 = arith.cmpi eq, %and3A_1842, %eq3A_1844 : vector<8x1024xi32>
    %not3A_1846 = arith.constant dense<true> : vector<8x1024xi1>
    %not3A_1847 = arith.xori %ne3A_1813, %not3A_1846 : vector<8x1024xi1>
    %eq3A_1848 = arith.xori %not3A_1847, %eq3A_1845 : vector<8x1024xi1>
    %eq3A_1849 = arith.constant dense<true> : vector<8x1024xi1>
    %eq3A_1850 = arith.xori %eq3A_1848, %eq3A_1849 : vector<8x1024xi1>
    %eq3A_1851 = arith.xori %eq3A_1850, %or3A_1839 : vector<8x1024xi1>
    %eq3A_1852 = arith.constant dense<true> : vector<8x1024xi1>
    %eq3A_1853 = arith.xori %eq3A_1851, %eq3A_1852 : vector<8x1024xi1>
    %select_n3A_1854 = arith.select %eq3A_1853, %select_n3A_1820, %select_n3A_1805 : vector<8x1024xi1>, vector<8x1024xf32>
    %select_n3A_1855 = arith.select %eq3A_1853, %select_n3A_1827, %select_n3A_1806 : vector<8x1024xi1>, vector<8x1024xf32>
    %select_n3A_1856 = arith.select %eq3A_1853, %select_n3A_1834, %select_n3A_1807 : vector<8x1024xi1>, vector<8x1024xi32>
    %and3A_1857 = arith.constant 64 : i32
    %and3A_1858 = vector.broadcast %and3A_1857 : i32 to vector<8x1024xi32>
    %and3A_1859 = arith.andi %iota3A, %and3A_1858 : vector<8x1024xi32>
    %ne3A_1860 = arith.constant 0 : i32
    %ne3A_1861 = vector.broadcast %ne3A_1860 : i32 to vector<8x1024xi32>
    %ne3A_1862 = arith.cmpi ne, %and3A_1859, %ne3A_1861 : vector<8x1024xi32>
    %slice3A_1863 = vector.extract_strided_slice %select_n3A_1854 {offsets = [0, 960], sizes = [8, 64], strides = [1, 1]} : vector<8x1024xf32> to vector<8x64xf32>
    %slice3A_1864 = vector.extract_strided_slice %select_n3A_1854 {offsets = [0, 0], sizes = [8, 960], strides = [1, 1]} : vector<8x1024xf32> to vector<8x960xf32>
    %concatenate3A_1865 = tpu.concatenate %slice3A_1863, %slice3A_1864 in 1 : vector<8x64xf32>, vector<8x960xf32> -> vector<8x1024xf32>
    %slice3A_1866 = vector.extract_strided_slice %select_n3A_1854 {offsets = [0, 64], sizes = [8, 960], strides = [1, 1]} : vector<8x1024xf32> to vector<8x960xf32>
    %slice3A_1867 = vector.extract_strided_slice %select_n3A_1854 {offsets = [0, 0], sizes = [8, 64], strides = [1, 1]} : vector<8x1024xf32> to vector<8x64xf32>
    %concatenate3A_1868 = tpu.concatenate %slice3A_1866, %slice3A_1867 in 1 : vector<8x960xf32>, vector<8x64xf32> -> vector<8x1024xf32>
    %select_n3A_1869 = arith.select %ne3A_1862, %concatenate3A_1865, %concatenate3A_1868 : vector<8x1024xi1>, vector<8x1024xf32>
    %slice3A_1870 = vector.extract_strided_slice %select_n3A_1855 {offsets = [0, 960], sizes = [8, 64], strides = [1, 1]} : vector<8x1024xf32> to vector<8x64xf32>
    %slice3A_1871 = vector.extract_strided_slice %select_n3A_1855 {offsets = [0, 0], sizes = [8, 960], strides = [1, 1]} : vector<8x1024xf32> to vector<8x960xf32>
    %concatenate3A_1872 = tpu.concatenate %slice3A_1870, %slice3A_1871 in 1 : vector<8x64xf32>, vector<8x960xf32> -> vector<8x1024xf32>
    %slice3A_1873 = vector.extract_strided_slice %select_n3A_1855 {offsets = [0, 64], sizes = [8, 960], strides = [1, 1]} : vector<8x1024xf32> to vector<8x960xf32>
    %slice3A_1874 = vector.extract_strided_slice %select_n3A_1855 {offsets = [0, 0], sizes = [8, 64], strides = [1, 1]} : vector<8x1024xf32> to vector<8x64xf32>
    %concatenate3A_1875 = tpu.concatenate %slice3A_1873, %slice3A_1874 in 1 : vector<8x960xf32>, vector<8x64xf32> -> vector<8x1024xf32>
    %select_n3A_1876 = arith.select %ne3A_1862, %concatenate3A_1872, %concatenate3A_1875 : vector<8x1024xi1>, vector<8x1024xf32>
    %slice3A_1877 = vector.extract_strided_slice %select_n3A_1856 {offsets = [0, 960], sizes = [8, 64], strides = [1, 1]} : vector<8x1024xi32> to vector<8x64xi32>
    %slice3A_1878 = vector.extract_strided_slice %select_n3A_1856 {offsets = [0, 0], sizes = [8, 960], strides = [1, 1]} : vector<8x1024xi32> to vector<8x960xi32>
    %concatenate3A_1879 = tpu.concatenate %slice3A_1877, %slice3A_1878 in 1 : vector<8x64xi32>, vector<8x960xi32> -> vector<8x1024xi32>
    %slice3A_1880 = vector.extract_strided_slice %select_n3A_1856 {offsets = [0, 64], sizes = [8, 960], strides = [1, 1]} : vector<8x1024xi32> to vector<8x960xi32>
    %slice3A_1881 = vector.extract_strided_slice %select_n3A_1856 {offsets = [0, 0], sizes = [8, 64], strides = [1, 1]} : vector<8x1024xi32> to vector<8x64xi32>
    %concatenate3A_1882 = tpu.concatenate %slice3A_1880, %slice3A_1881 in 1 : vector<8x960xi32>, vector<8x64xi32> -> vector<8x1024xi32>
    %select_n3A_1883 = arith.select %ne3A_1862, %concatenate3A_1879, %concatenate3A_1882 : vector<8x1024xi1>, vector<8x1024xi32>
    %gt3A_1884 = arith.cmpf ogt, %select_n3A_1869, %select_n3A_1854 : vector<8x1024xf32>
    %eq3A_1885 = arith.cmpf oeq, %select_n3A_1869, %select_n3A_1854 : vector<8x1024xf32>
    %lt3A_1886 = arith.cmpi slt, %select_n3A_1883, %select_n3A_1856 : vector<8x1024xi32>
    %and3A_1887 = arith.andi %eq3A_1885, %lt3A_1886 : vector<8x1024xi1>
    %or3A_1888 = arith.ori %gt3A_1884, %and3A_1887 : vector<8x1024xi1>
    %and3A_1889 = arith.constant 512 : i32
    %and3A_1890 = vector.broadcast %and3A_1889 : i32 to vector<8x1024xi32>
    %and3A_1891 = arith.andi %iota3A, %and3A_1890 : vector<8x1024xi32>
    %eq3A_1892 = arith.constant 0 : i32
    %eq3A_1893 = vector.broadcast %eq3A_1892 : i32 to vector<8x1024xi32>
    %eq3A_1894 = arith.cmpi eq, %and3A_1891, %eq3A_1893 : vector<8x1024xi32>
    %not3A_1895 = arith.constant dense<true> : vector<8x1024xi1>
    %not3A_1896 = arith.xori %ne3A_1862, %not3A_1895 : vector<8x1024xi1>
    %eq3A_1897 = arith.xori %not3A_1896, %eq3A_1894 : vector<8x1024xi1>
    %eq3A_1898 = arith.constant dense<true> : vector<8x1024xi1>
    %eq3A_1899 = arith.xori %eq3A_1897, %eq3A_1898 : vector<8x1024xi1>
    %eq3A_1900 = arith.xori %eq3A_1899, %or3A_1888 : vector<8x1024xi1>
    %eq3A_1901 = arith.constant dense<true> : vector<8x1024xi1>
    %eq3A_1902 = arith.xori %eq3A_1900, %eq3A_1901 : vector<8x1024xi1>
    %select_n3A_1903 = arith.select %eq3A_1902, %select_n3A_1869, %select_n3A_1854 : vector<8x1024xi1>, vector<8x1024xf32>
    %select_n3A_1904 = arith.select %eq3A_1902, %select_n3A_1876, %select_n3A_1855 : vector<8x1024xi1>, vector<8x1024xf32>
    %select_n3A_1905 = arith.select %eq3A_1902, %select_n3A_1883, %select_n3A_1856 : vector<8x1024xi1>, vector<8x1024xi32>
    %and3A_1906 = arith.constant 32 : i32
    %and3A_1907 = vector.broadcast %and3A_1906 : i32 to vector<8x1024xi32>
    %and3A_1908 = arith.andi %iota3A, %and3A_1907 : vector<8x1024xi32>
    %ne3A_1909 = arith.constant 0 : i32
    %ne3A_1910 = vector.broadcast %ne3A_1909 : i32 to vector<8x1024xi32>
    %ne3A_1911 = arith.cmpi ne, %and3A_1908, %ne3A_1910 : vector<8x1024xi32>
    %slice3A_1912 = vector.extract_strided_slice %select_n3A_1903 {offsets = [0, 992], sizes = [8, 32], strides = [1, 1]} : vector<8x1024xf32> to vector<8x32xf32>
    %slice3A_1913 = vector.extract_strided_slice %select_n3A_1903 {offsets = [0, 0], sizes = [8, 992], strides = [1, 1]} : vector<8x1024xf32> to vector<8x992xf32>
    %concatenate3A_1914 = tpu.concatenate %slice3A_1912, %slice3A_1913 in 1 : vector<8x32xf32>, vector<8x992xf32> -> vector<8x1024xf32>
    %slice3A_1915 = vector.extract_strided_slice %select_n3A_1903 {offsets = [0, 32], sizes = [8, 992], strides = [1, 1]} : vector<8x1024xf32> to vector<8x992xf32>
    %slice3A_1916 = vector.extract_strided_slice %select_n3A_1903 {offsets = [0, 0], sizes = [8, 32], strides = [1, 1]} : vector<8x1024xf32> to vector<8x32xf32>
    %concatenate3A_1917 = tpu.concatenate %slice3A_1915, %slice3A_1916 in 1 : vector<8x992xf32>, vector<8x32xf32> -> vector<8x1024xf32>
    %select_n3A_1918 = arith.select %ne3A_1911, %concatenate3A_1914, %concatenate3A_1917 : vector<8x1024xi1>, vector<8x1024xf32>
    %slice3A_1919 = vector.extract_strided_slice %select_n3A_1904 {offsets = [0, 992], sizes = [8, 32], strides = [1, 1]} : vector<8x1024xf32> to vector<8x32xf32>
    %slice3A_1920 = vector.extract_strided_slice %select_n3A_1904 {offsets = [0, 0], sizes = [8, 992], strides = [1, 1]} : vector<8x1024xf32> to vector<8x992xf32>
    %concatenate3A_1921 = tpu.concatenate %slice3A_1919, %slice3A_1920 in 1 : vector<8x32xf32>, vector<8x992xf32> -> vector<8x1024xf32>
    %slice3A_1922 = vector.extract_strided_slice %select_n3A_1904 {offsets = [0, 32], sizes = [8, 992], strides = [1, 1]} : vector<8x1024xf32> to vector<8x992xf32>
    %slice3A_1923 = vector.extract_strided_slice %select_n3A_1904 {offsets = [0, 0], sizes = [8, 32], strides = [1, 1]} : vector<8x1024xf32> to vector<8x32xf32>
    %concatenate3A_1924 = tpu.concatenate %slice3A_1922, %slice3A_1923 in 1 : vector<8x992xf32>, vector<8x32xf32> -> vector<8x1024xf32>
    %select_n3A_1925 = arith.select %ne3A_1911, %concatenate3A_1921, %concatenate3A_1924 : vector<8x1024xi1>, vector<8x1024xf32>
    %slice3A_1926 = vector.extract_strided_slice %select_n3A_1905 {offsets = [0, 992], sizes = [8, 32], strides = [1, 1]} : vector<8x1024xi32> to vector<8x32xi32>
    %slice3A_1927 = vector.extract_strided_slice %select_n3A_1905 {offsets = [0, 0], sizes = [8, 992], strides = [1, 1]} : vector<8x1024xi32> to vector<8x992xi32>
    %concatenate3A_1928 = tpu.concatenate %slice3A_1926, %slice3A_1927 in 1 : vector<8x32xi32>, vector<8x992xi32> -> vector<8x1024xi32>
    %slice3A_1929 = vector.extract_strided_slice %select_n3A_1905 {offsets = [0, 32], sizes = [8, 992], strides = [1, 1]} : vector<8x1024xi32> to vector<8x992xi32>
    %slice3A_1930 = vector.extract_strided_slice %select_n3A_1905 {offsets = [0, 0], sizes = [8, 32], strides = [1, 1]} : vector<8x1024xi32> to vector<8x32xi32>
    %concatenate3A_1931 = tpu.concatenate %slice3A_1929, %slice3A_1930 in 1 : vector<8x992xi32>, vector<8x32xi32> -> vector<8x1024xi32>
    %select_n3A_1932 = arith.select %ne3A_1911, %concatenate3A_1928, %concatenate3A_1931 : vector<8x1024xi1>, vector<8x1024xi32>
    %gt3A_1933 = arith.cmpf ogt, %select_n3A_1918, %select_n3A_1903 : vector<8x1024xf32>
    %eq3A_1934 = arith.cmpf oeq, %select_n3A_1918, %select_n3A_1903 : vector<8x1024xf32>
    %lt3A_1935 = arith.cmpi slt, %select_n3A_1932, %select_n3A_1905 : vector<8x1024xi32>
    %and3A_1936 = arith.andi %eq3A_1934, %lt3A_1935 : vector<8x1024xi1>
    %or3A_1937 = arith.ori %gt3A_1933, %and3A_1936 : vector<8x1024xi1>
    %and3A_1938 = arith.constant 512 : i32
    %and3A_1939 = vector.broadcast %and3A_1938 : i32 to vector<8x1024xi32>
    %and3A_1940 = arith.andi %iota3A, %and3A_1939 : vector<8x1024xi32>
    %eq3A_1941 = arith.constant 0 : i32
    %eq3A_1942 = vector.broadcast %eq3A_1941 : i32 to vector<8x1024xi32>
    %eq3A_1943 = arith.cmpi eq, %and3A_1940, %eq3A_1942 : vector<8x1024xi32>
    %not3A_1944 = arith.constant dense<true> : vector<8x1024xi1>
    %not3A_1945 = arith.xori %ne3A_1911, %not3A_1944 : vector<8x1024xi1>
    %eq3A_1946 = arith.xori %not3A_1945, %eq3A_1943 : vector<8x1024xi1>
    %eq3A_1947 = arith.constant dense<true> : vector<8x1024xi1>
    %eq3A_1948 = arith.xori %eq3A_1946, %eq3A_1947 : vector<8x1024xi1>
    %eq3A_1949 = arith.xori %eq3A_1948, %or3A_1937 : vector<8x1024xi1>
    %eq3A_1950 = arith.constant dense<true> : vector<8x1024xi1>
    %eq3A_1951 = arith.xori %eq3A_1949, %eq3A_1950 : vector<8x1024xi1>
    %select_n3A_1952 = arith.select %eq3A_1951, %select_n3A_1918, %select_n3A_1903 : vector<8x1024xi1>, vector<8x1024xf32>
    %select_n3A_1953 = arith.select %eq3A_1951, %select_n3A_1925, %select_n3A_1904 : vector<8x1024xi1>, vector<8x1024xf32>
    %select_n3A_1954 = arith.select %eq3A_1951, %select_n3A_1932, %select_n3A_1905 : vector<8x1024xi1>, vector<8x1024xi32>
    %and3A_1955 = arith.constant 16 : i32
    %and3A_1956 = vector.broadcast %and3A_1955 : i32 to vector<8x1024xi32>
    %and3A_1957 = arith.andi %iota3A, %and3A_1956 : vector<8x1024xi32>
    %ne3A_1958 = arith.constant 0 : i32
    %ne3A_1959 = vector.broadcast %ne3A_1958 : i32 to vector<8x1024xi32>
    %ne3A_1960 = arith.cmpi ne, %and3A_1957, %ne3A_1959 : vector<8x1024xi32>
    %slice3A_1961 = vector.extract_strided_slice %select_n3A_1952 {offsets = [0, 1008], sizes = [8, 16], strides = [1, 1]} : vector<8x1024xf32> to vector<8x16xf32>
    %slice3A_1962 = vector.extract_strided_slice %select_n3A_1952 {offsets = [0, 0], sizes = [8, 1008], strides = [1, 1]} : vector<8x1024xf32> to vector<8x1008xf32>
    %concatenate3A_1963 = tpu.concatenate %slice3A_1961, %slice3A_1962 in 1 : vector<8x16xf32>, vector<8x1008xf32> -> vector<8x1024xf32>
    %slice3A_1964 = vector.extract_strided_slice %select_n3A_1952 {offsets = [0, 16], sizes = [8, 1008], strides = [1, 1]} : vector<8x1024xf32> to vector<8x1008xf32>
    %slice3A_1965 = vector.extract_strided_slice %select_n3A_1952 {offsets = [0, 0], sizes = [8, 16], strides = [1, 1]} : vector<8x1024xf32> to vector<8x16xf32>
    %concatenate3A_1966 = tpu.concatenate %slice3A_1964, %slice3A_1965 in 1 : vector<8x1008xf32>, vector<8x16xf32> -> vector<8x1024xf32>
    %select_n3A_1967 = arith.select %ne3A_1960, %concatenate3A_1963, %concatenate3A_1966 : vector<8x1024xi1>, vector<8x1024xf32>
    %slice3A_1968 = vector.extract_strided_slice %select_n3A_1953 {offsets = [0, 1008], sizes = [8, 16], strides = [1, 1]} : vector<8x1024xf32> to vector<8x16xf32>
    %slice3A_1969 = vector.extract_strided_slice %select_n3A_1953 {offsets = [0, 0], sizes = [8, 1008], strides = [1, 1]} : vector<8x1024xf32> to vector<8x1008xf32>
    %concatenate3A_1970 = tpu.concatenate %slice3A_1968, %slice3A_1969 in 1 : vector<8x16xf32>, vector<8x1008xf32> -> vector<8x1024xf32>
    %slice3A_1971 = vector.extract_strided_slice %select_n3A_1953 {offsets = [0, 16], sizes = [8, 1008], strides = [1, 1]} : vector<8x1024xf32> to vector<8x1008xf32>
    %slice3A_1972 = vector.extract_strided_slice %select_n3A_1953 {offsets = [0, 0], sizes = [8, 16], strides = [1, 1]} : vector<8x1024xf32> to vector<8x16xf32>
    %concatenate3A_1973 = tpu.concatenate %slice3A_1971, %slice3A_1972 in 1 : vector<8x1008xf32>, vector<8x16xf32> -> vector<8x1024xf32>
    %select_n3A_1974 = arith.select %ne3A_1960, %concatenate3A_1970, %concatenate3A_1973 : vector<8x1024xi1>, vector<8x1024xf32>
    %slice3A_1975 = vector.extract_strided_slice %select_n3A_1954 {offsets = [0, 1008], sizes = [8, 16], strides = [1, 1]} : vector<8x1024xi32> to vector<8x16xi32>
    %slice3A_1976 = vector.extract_strided_slice %select_n3A_1954 {offsets = [0, 0], sizes = [8, 1008], strides = [1, 1]} : vector<8x1024xi32> to vector<8x1008xi32>
    %concatenate3A_1977 = tpu.concatenate %slice3A_1975, %slice3A_1976 in 1 : vector<8x16xi32>, vector<8x1008xi32> -> vector<8x1024xi32>
    %slice3A_1978 = vector.extract_strided_slice %select_n3A_1954 {offsets = [0, 16], sizes = [8, 1008], strides = [1, 1]} : vector<8x1024xi32> to vector<8x1008xi32>
    %slice3A_1979 = vector.extract_strided_slice %select_n3A_1954 {offsets = [0, 0], sizes = [8, 16], strides = [1, 1]} : vector<8x1024xi32> to vector<8x16xi32>
    %concatenate3A_1980 = tpu.concatenate %slice3A_1978, %slice3A_1979 in 1 : vector<8x1008xi32>, vector<8x16xi32> -> vector<8x1024xi32>
    %select_n3A_1981 = arith.select %ne3A_1960, %concatenate3A_1977, %concatenate3A_1980 : vector<8x1024xi1>, vector<8x1024xi32>
    %gt3A_1982 = arith.cmpf ogt, %select_n3A_1967, %select_n3A_1952 : vector<8x1024xf32>
    %eq3A_1983 = arith.cmpf oeq, %select_n3A_1967, %select_n3A_1952 : vector<8x1024xf32>
    %lt3A_1984 = arith.cmpi slt, %select_n3A_1981, %select_n3A_1954 : vector<8x1024xi32>
    %and3A_1985 = arith.andi %eq3A_1983, %lt3A_1984 : vector<8x1024xi1>
    %or3A_1986 = arith.ori %gt3A_1982, %and3A_1985 : vector<8x1024xi1>
    %and3A_1987 = arith.constant 512 : i32
    %and3A_1988 = vector.broadcast %and3A_1987 : i32 to vector<8x1024xi32>
    %and3A_1989 = arith.andi %iota3A, %and3A_1988 : vector<8x1024xi32>
    %eq3A_1990 = arith.constant 0 : i32
    %eq3A_1991 = vector.broadcast %eq3A_1990 : i32 to vector<8x1024xi32>
    %eq3A_1992 = arith.cmpi eq, %and3A_1989, %eq3A_1991 : vector<8x1024xi32>
    %not3A_1993 = arith.constant dense<true> : vector<8x1024xi1>
    %not3A_1994 = arith.xori %ne3A_1960, %not3A_1993 : vector<8x1024xi1>
    %eq3A_1995 = arith.xori %not3A_1994, %eq3A_1992 : vector<8x1024xi1>
    %eq3A_1996 = arith.constant dense<true> : vector<8x1024xi1>
    %eq3A_1997 = arith.xori %eq3A_1995, %eq3A_1996 : vector<8x1024xi1>
    %eq3A_1998 = arith.xori %eq3A_1997, %or3A_1986 : vector<8x1024xi1>
    %eq3A_1999 = arith.constant dense<true> : vector<8x1024xi1>
    %eq3A_2000 = arith.xori %eq3A_1998, %eq3A_1999 : vector<8x1024xi1>
    %select_n3A_2001 = arith.select %eq3A_2000, %select_n3A_1967, %select_n3A_1952 : vector<8x1024xi1>, vector<8x1024xf32>
    %select_n3A_2002 = arith.select %eq3A_2000, %select_n3A_1974, %select_n3A_1953 : vector<8x1024xi1>, vector<8x1024xf32>
    %select_n3A_2003 = arith.select %eq3A_2000, %select_n3A_1981, %select_n3A_1954 : vector<8x1024xi1>, vector<8x1024xi32>
    %and3A_2004 = arith.constant 8 : i32
    %and3A_2005 = vector.broadcast %and3A_2004 : i32 to vector<8x1024xi32>
    %and3A_2006 = arith.andi %iota3A, %and3A_2005 : vector<8x1024xi32>
    %ne3A_2007 = arith.constant 0 : i32
    %ne3A_2008 = vector.broadcast %ne3A_2007 : i32 to vector<8x1024xi32>
    %ne3A_2009 = arith.cmpi ne, %and3A_2006, %ne3A_2008 : vector<8x1024xi32>
    %slice3A_2010 = vector.extract_strided_slice %select_n3A_2001 {offsets = [0, 1016], sizes = [8, 8], strides = [1, 1]} : vector<8x1024xf32> to vector<8x8xf32>
    %slice3A_2011 = vector.extract_strided_slice %select_n3A_2001 {offsets = [0, 0], sizes = [8, 1016], strides = [1, 1]} : vector<8x1024xf32> to vector<8x1016xf32>
    %concatenate3A_2012 = tpu.concatenate %slice3A_2010, %slice3A_2011 in 1 : vector<8x8xf32>, vector<8x1016xf32> -> vector<8x1024xf32>
    %slice3A_2013 = vector.extract_strided_slice %select_n3A_2001 {offsets = [0, 8], sizes = [8, 1016], strides = [1, 1]} : vector<8x1024xf32> to vector<8x1016xf32>
    %slice3A_2014 = vector.extract_strided_slice %select_n3A_2001 {offsets = [0, 0], sizes = [8, 8], strides = [1, 1]} : vector<8x1024xf32> to vector<8x8xf32>
    %concatenate3A_2015 = tpu.concatenate %slice3A_2013, %slice3A_2014 in 1 : vector<8x1016xf32>, vector<8x8xf32> -> vector<8x1024xf32>
    %select_n3A_2016 = arith.select %ne3A_2009, %concatenate3A_2012, %concatenate3A_2015 : vector<8x1024xi1>, vector<8x1024xf32>
    %slice3A_2017 = vector.extract_strided_slice %select_n3A_2002 {offsets = [0, 1016], sizes = [8, 8], strides = [1, 1]} : vector<8x1024xf32> to vector<8x8xf32>
    %slice3A_2018 = vector.extract_strided_slice %select_n3A_2002 {offsets = [0, 0], sizes = [8, 1016], strides = [1, 1]} : vector<8x1024xf32> to vector<8x1016xf32>
    %concatenate3A_2019 = tpu.concatenate %slice3A_2017, %slice3A_2018 in 1 : vector<8x8xf32>, vector<8x1016xf32> -> vector<8x1024xf32>
    %slice3A_2020 = vector.extract_strided_slice %select_n3A_2002 {offsets = [0, 8], sizes = [8, 1016], strides = [1, 1]} : vector<8x1024xf32> to vector<8x1016xf32>
    %slice3A_2021 = vector.extract_strided_slice %select_n3A_2002 {offsets = [0, 0], sizes = [8, 8], strides = [1, 1]} : vector<8x1024xf32> to vector<8x8xf32>
    %concatenate3A_2022 = tpu.concatenate %slice3A_2020, %slice3A_2021 in 1 : vector<8x1016xf32>, vector<8x8xf32> -> vector<8x1024xf32>
    %select_n3A_2023 = arith.select %ne3A_2009, %concatenate3A_2019, %concatenate3A_2022 : vector<8x1024xi1>, vector<8x1024xf32>
    %slice3A_2024 = vector.extract_strided_slice %select_n3A_2003 {offsets = [0, 1016], sizes = [8, 8], strides = [1, 1]} : vector<8x1024xi32> to vector<8x8xi32>
    %slice3A_2025 = vector.extract_strided_slice %select_n3A_2003 {offsets = [0, 0], sizes = [8, 1016], strides = [1, 1]} : vector<8x1024xi32> to vector<8x1016xi32>
    %concatenate3A_2026 = tpu.concatenate %slice3A_2024, %slice3A_2025 in 1 : vector<8x8xi32>, vector<8x1016xi32> -> vector<8x1024xi32>
    %slice3A_2027 = vector.extract_strided_slice %select_n3A_2003 {offsets = [0, 8], sizes = [8, 1016], strides = [1, 1]} : vector<8x1024xi32> to vector<8x1016xi32>
    %slice3A_2028 = vector.extract_strided_slice %select_n3A_2003 {offsets = [0, 0], sizes = [8, 8], strides = [1, 1]} : vector<8x1024xi32> to vector<8x8xi32>
    %concatenate3A_2029 = tpu.concatenate %slice3A_2027, %slice3A_2028 in 1 : vector<8x1016xi32>, vector<8x8xi32> -> vector<8x1024xi32>
    %select_n3A_2030 = arith.select %ne3A_2009, %concatenate3A_2026, %concatenate3A_2029 : vector<8x1024xi1>, vector<8x1024xi32>
    %gt3A_2031 = arith.cmpf ogt, %select_n3A_2016, %select_n3A_2001 : vector<8x1024xf32>
    %eq3A_2032 = arith.cmpf oeq, %select_n3A_2016, %select_n3A_2001 : vector<8x1024xf32>
    %lt3A_2033 = arith.cmpi slt, %select_n3A_2030, %select_n3A_2003 : vector<8x1024xi32>
    %and3A_2034 = arith.andi %eq3A_2032, %lt3A_2033 : vector<8x1024xi1>
    %or3A_2035 = arith.ori %gt3A_2031, %and3A_2034 : vector<8x1024xi1>
    %and3A_2036 = arith.constant 512 : i32
    %and3A_2037 = vector.broadcast %and3A_2036 : i32 to vector<8x1024xi32>
    %and3A_2038 = arith.andi %iota3A, %and3A_2037 : vector<8x1024xi32>
    %eq3A_2039 = arith.constant 0 : i32
    %eq3A_2040 = vector.broadcast %eq3A_2039 : i32 to vector<8x1024xi32>
    %eq3A_2041 = arith.cmpi eq, %and3A_2038, %eq3A_2040 : vector<8x1024xi32>
    %not3A_2042 = arith.constant dense<true> : vector<8x1024xi1>
    %not3A_2043 = arith.xori %ne3A_2009, %not3A_2042 : vector<8x1024xi1>
    %eq3A_2044 = arith.xori %not3A_2043, %eq3A_2041 : vector<8x1024xi1>
    %eq3A_2045 = arith.constant dense<true> : vector<8x1024xi1>
    %eq3A_2046 = arith.xori %eq3A_2044, %eq3A_2045 : vector<8x1024xi1>
    %eq3A_2047 = arith.xori %eq3A_2046, %or3A_2035 : vector<8x1024xi1>
    %eq3A_2048 = arith.constant dense<true> : vector<8x1024xi1>
    %eq3A_2049 = arith.xori %eq3A_2047, %eq3A_2048 : vector<8x1024xi1>
    %select_n3A_2050 = arith.select %eq3A_2049, %select_n3A_2016, %select_n3A_2001 : vector<8x1024xi1>, vector<8x1024xf32>
    %select_n3A_2051 = arith.select %eq3A_2049, %select_n3A_2023, %select_n3A_2002 : vector<8x1024xi1>, vector<8x1024xf32>
    %select_n3A_2052 = arith.select %eq3A_2049, %select_n3A_2030, %select_n3A_2003 : vector<8x1024xi1>, vector<8x1024xi32>
    %and3A_2053 = arith.constant 4 : i32
    %and3A_2054 = vector.broadcast %and3A_2053 : i32 to vector<8x1024xi32>
    %and3A_2055 = arith.andi %iota3A, %and3A_2054 : vector<8x1024xi32>
    %ne3A_2056 = arith.constant 0 : i32
    %ne3A_2057 = vector.broadcast %ne3A_2056 : i32 to vector<8x1024xi32>
    %ne3A_2058 = arith.cmpi ne, %and3A_2055, %ne3A_2057 : vector<8x1024xi32>
    %slice3A_2059 = vector.extract_strided_slice %select_n3A_2050 {offsets = [0, 1020], sizes = [8, 4], strides = [1, 1]} : vector<8x1024xf32> to vector<8x4xf32>
    %slice3A_2060 = vector.extract_strided_slice %select_n3A_2050 {offsets = [0, 0], sizes = [8, 1020], strides = [1, 1]} : vector<8x1024xf32> to vector<8x1020xf32>
    %concatenate3A_2061 = tpu.concatenate %slice3A_2059, %slice3A_2060 in 1 : vector<8x4xf32>, vector<8x1020xf32> -> vector<8x1024xf32>
    %slice3A_2062 = vector.extract_strided_slice %select_n3A_2050 {offsets = [0, 4], sizes = [8, 1020], strides = [1, 1]} : vector<8x1024xf32> to vector<8x1020xf32>
    %slice3A_2063 = vector.extract_strided_slice %select_n3A_2050 {offsets = [0, 0], sizes = [8, 4], strides = [1, 1]} : vector<8x1024xf32> to vector<8x4xf32>
    %concatenate3A_2064 = tpu.concatenate %slice3A_2062, %slice3A_2063 in 1 : vector<8x1020xf32>, vector<8x4xf32> -> vector<8x1024xf32>
    %select_n3A_2065 = arith.select %ne3A_2058, %concatenate3A_2061, %concatenate3A_2064 : vector<8x1024xi1>, vector<8x1024xf32>
    %slice3A_2066 = vector.extract_strided_slice %select_n3A_2051 {offsets = [0, 1020], sizes = [8, 4], strides = [1, 1]} : vector<8x1024xf32> to vector<8x4xf32>
    %slice3A_2067 = vector.extract_strided_slice %select_n3A_2051 {offsets = [0, 0], sizes = [8, 1020], strides = [1, 1]} : vector<8x1024xf32> to vector<8x1020xf32>
    %concatenate3A_2068 = tpu.concatenate %slice3A_2066, %slice3A_2067 in 1 : vector<8x4xf32>, vector<8x1020xf32> -> vector<8x1024xf32>
    %slice3A_2069 = vector.extract_strided_slice %select_n3A_2051 {offsets = [0, 4], sizes = [8, 1020], strides = [1, 1]} : vector<8x1024xf32> to vector<8x1020xf32>
    %slice3A_2070 = vector.extract_strided_slice %select_n3A_2051 {offsets = [0, 0], sizes = [8, 4], strides = [1, 1]} : vector<8x1024xf32> to vector<8x4xf32>
    %concatenate3A_2071 = tpu.concatenate %slice3A_2069, %slice3A_2070 in 1 : vector<8x1020xf32>, vector<8x4xf32> -> vector<8x1024xf32>
    %select_n3A_2072 = arith.select %ne3A_2058, %concatenate3A_2068, %concatenate3A_2071 : vector<8x1024xi1>, vector<8x1024xf32>
    %slice3A_2073 = vector.extract_strided_slice %select_n3A_2052 {offsets = [0, 1020], sizes = [8, 4], strides = [1, 1]} : vector<8x1024xi32> to vector<8x4xi32>
    %slice3A_2074 = vector.extract_strided_slice %select_n3A_2052 {offsets = [0, 0], sizes = [8, 1020], strides = [1, 1]} : vector<8x1024xi32> to vector<8x1020xi32>
    %concatenate3A_2075 = tpu.concatenate %slice3A_2073, %slice3A_2074 in 1 : vector<8x4xi32>, vector<8x1020xi32> -> vector<8x1024xi32>
    %slice3A_2076 = vector.extract_strided_slice %select_n3A_2052 {offsets = [0, 4], sizes = [8, 1020], strides = [1, 1]} : vector<8x1024xi32> to vector<8x1020xi32>
    %slice3A_2077 = vector.extract_strided_slice %select_n3A_2052 {offsets = [0, 0], sizes = [8, 4], strides = [1, 1]} : vector<8x1024xi32> to vector<8x4xi32>
    %concatenate3A_2078 = tpu.concatenate %slice3A_2076, %slice3A_2077 in 1 : vector<8x1020xi32>, vector<8x4xi32> -> vector<8x1024xi32>
    %select_n3A_2079 = arith.select %ne3A_2058, %concatenate3A_2075, %concatenate3A_2078 : vector<8x1024xi1>, vector<8x1024xi32>
    %gt3A_2080 = arith.cmpf ogt, %select_n3A_2065, %select_n3A_2050 : vector<8x1024xf32>
    %eq3A_2081 = arith.cmpf oeq, %select_n3A_2065, %select_n3A_2050 : vector<8x1024xf32>
    %lt3A_2082 = arith.cmpi slt, %select_n3A_2079, %select_n3A_2052 : vector<8x1024xi32>
    %and3A_2083 = arith.andi %eq3A_2081, %lt3A_2082 : vector<8x1024xi1>
    %or3A_2084 = arith.ori %gt3A_2080, %and3A_2083 : vector<8x1024xi1>
    %and3A_2085 = arith.constant 512 : i32
    %and3A_2086 = vector.broadcast %and3A_2085 : i32 to vector<8x1024xi32>
    %and3A_2087 = arith.andi %iota3A, %and3A_2086 : vector<8x1024xi32>
    %eq3A_2088 = arith.constant 0 : i32
    %eq3A_2089 = vector.broadcast %eq3A_2088 : i32 to vector<8x1024xi32>
    %eq3A_2090 = arith.cmpi eq, %and3A_2087, %eq3A_2089 : vector<8x1024xi32>
    %not3A_2091 = arith.constant dense<true> : vector<8x1024xi1>
    %not3A_2092 = arith.xori %ne3A_2058, %not3A_2091 : vector<8x1024xi1>
    %eq3A_2093 = arith.xori %not3A_2092, %eq3A_2090 : vector<8x1024xi1>
    %eq3A_2094 = arith.constant dense<true> : vector<8x1024xi1>
    %eq3A_2095 = arith.xori %eq3A_2093, %eq3A_2094 : vector<8x1024xi1>
    %eq3A_2096 = arith.xori %eq3A_2095, %or3A_2084 : vector<8x1024xi1>
    %eq3A_2097 = arith.constant dense<true> : vector<8x1024xi1>
    %eq3A_2098 = arith.xori %eq3A_2096, %eq3A_2097 : vector<8x1024xi1>
    %select_n3A_2099 = arith.select %eq3A_2098, %select_n3A_2065, %select_n3A_2050 : vector<8x1024xi1>, vector<8x1024xf32>
    %select_n3A_2100 = arith.select %eq3A_2098, %select_n3A_2072, %select_n3A_2051 : vector<8x1024xi1>, vector<8x1024xf32>
    %select_n3A_2101 = arith.select %eq3A_2098, %select_n3A_2079, %select_n3A_2052 : vector<8x1024xi1>, vector<8x1024xi32>
    %and3A_2102 = arith.constant 2 : i32
    %and3A_2103 = vector.broadcast %and3A_2102 : i32 to vector<8x1024xi32>
    %and3A_2104 = arith.andi %iota3A, %and3A_2103 : vector<8x1024xi32>
    %ne3A_2105 = arith.constant 0 : i32
    %ne3A_2106 = vector.broadcast %ne3A_2105 : i32 to vector<8x1024xi32>
    %ne3A_2107 = arith.cmpi ne, %and3A_2104, %ne3A_2106 : vector<8x1024xi32>
    %slice3A_2108 = vector.extract_strided_slice %select_n3A_2099 {offsets = [0, 1022], sizes = [8, 2], strides = [1, 1]} : vector<8x1024xf32> to vector<8x2xf32>
    %slice3A_2109 = vector.extract_strided_slice %select_n3A_2099 {offsets = [0, 0], sizes = [8, 1022], strides = [1, 1]} : vector<8x1024xf32> to vector<8x1022xf32>
    %concatenate3A_2110 = tpu.concatenate %slice3A_2108, %slice3A_2109 in 1 : vector<8x2xf32>, vector<8x1022xf32> -> vector<8x1024xf32>
    %slice3A_2111 = vector.extract_strided_slice %select_n3A_2099 {offsets = [0, 2], sizes = [8, 1022], strides = [1, 1]} : vector<8x1024xf32> to vector<8x1022xf32>
    %slice3A_2112 = vector.extract_strided_slice %select_n3A_2099 {offsets = [0, 0], sizes = [8, 2], strides = [1, 1]} : vector<8x1024xf32> to vector<8x2xf32>
    %concatenate3A_2113 = tpu.concatenate %slice3A_2111, %slice3A_2112 in 1 : vector<8x1022xf32>, vector<8x2xf32> -> vector<8x1024xf32>
    %select_n3A_2114 = arith.select %ne3A_2107, %concatenate3A_2110, %concatenate3A_2113 : vector<8x1024xi1>, vector<8x1024xf32>
    %slice3A_2115 = vector.extract_strided_slice %select_n3A_2100 {offsets = [0, 1022], sizes = [8, 2], strides = [1, 1]} : vector<8x1024xf32> to vector<8x2xf32>
    %slice3A_2116 = vector.extract_strided_slice %select_n3A_2100 {offsets = [0, 0], sizes = [8, 1022], strides = [1, 1]} : vector<8x1024xf32> to vector<8x1022xf32>
    %concatenate3A_2117 = tpu.concatenate %slice3A_2115, %slice3A_2116 in 1 : vector<8x2xf32>, vector<8x1022xf32> -> vector<8x1024xf32>
    %slice3A_2118 = vector.extract_strided_slice %select_n3A_2100 {offsets = [0, 2], sizes = [8, 1022], strides = [1, 1]} : vector<8x1024xf32> to vector<8x1022xf32>
    %slice3A_2119 = vector.extract_strided_slice %select_n3A_2100 {offsets = [0, 0], sizes = [8, 2], strides = [1, 1]} : vector<8x1024xf32> to vector<8x2xf32>
    %concatenate3A_2120 = tpu.concatenate %slice3A_2118, %slice3A_2119 in 1 : vector<8x1022xf32>, vector<8x2xf32> -> vector<8x1024xf32>
    %select_n3A_2121 = arith.select %ne3A_2107, %concatenate3A_2117, %concatenate3A_2120 : vector<8x1024xi1>, vector<8x1024xf32>
    %slice3A_2122 = vector.extract_strided_slice %select_n3A_2101 {offsets = [0, 1022], sizes = [8, 2], strides = [1, 1]} : vector<8x1024xi32> to vector<8x2xi32>
    %slice3A_2123 = vector.extract_strided_slice %select_n3A_2101 {offsets = [0, 0], sizes = [8, 1022], strides = [1, 1]} : vector<8x1024xi32> to vector<8x1022xi32>
    %concatenate3A_2124 = tpu.concatenate %slice3A_2122, %slice3A_2123 in 1 : vector<8x2xi32>, vector<8x1022xi32> -> vector<8x1024xi32>
    %slice3A_2125 = vector.extract_strided_slice %select_n3A_2101 {offsets = [0, 2], sizes = [8, 1022], strides = [1, 1]} : vector<8x1024xi32> to vector<8x1022xi32>
    %slice3A_2126 = vector.extract_strided_slice %select_n3A_2101 {offsets = [0, 0], sizes = [8, 2], strides = [1, 1]} : vector<8x1024xi32> to vector<8x2xi32>
    %concatenate3A_2127 = tpu.concatenate %slice3A_2125, %slice3A_2126 in 1 : vector<8x1022xi32>, vector<8x2xi32> -> vector<8x1024xi32>
    %select_n3A_2128 = arith.select %ne3A_2107, %concatenate3A_2124, %concatenate3A_2127 : vector<8x1024xi1>, vector<8x1024xi32>
    %gt3A_2129 = arith.cmpf ogt, %select_n3A_2114, %select_n3A_2099 : vector<8x1024xf32>
    %eq3A_2130 = arith.cmpf oeq, %select_n3A_2114, %select_n3A_2099 : vector<8x1024xf32>
    %lt3A_2131 = arith.cmpi slt, %select_n3A_2128, %select_n3A_2101 : vector<8x1024xi32>
    %and3A_2132 = arith.andi %eq3A_2130, %lt3A_2131 : vector<8x1024xi1>
    %or3A_2133 = arith.ori %gt3A_2129, %and3A_2132 : vector<8x1024xi1>
    %and3A_2134 = arith.constant 512 : i32
    %and3A_2135 = vector.broadcast %and3A_2134 : i32 to vector<8x1024xi32>
    %and3A_2136 = arith.andi %iota3A, %and3A_2135 : vector<8x1024xi32>
    %eq3A_2137 = arith.constant 0 : i32
    %eq3A_2138 = vector.broadcast %eq3A_2137 : i32 to vector<8x1024xi32>
    %eq3A_2139 = arith.cmpi eq, %and3A_2136, %eq3A_2138 : vector<8x1024xi32>
    %not3A_2140 = arith.constant dense<true> : vector<8x1024xi1>
    %not3A_2141 = arith.xori %ne3A_2107, %not3A_2140 : vector<8x1024xi1>
    %eq3A_2142 = arith.xori %not3A_2141, %eq3A_2139 : vector<8x1024xi1>
    %eq3A_2143 = arith.constant dense<true> : vector<8x1024xi1>
    %eq3A_2144 = arith.xori %eq3A_2142, %eq3A_2143 : vector<8x1024xi1>
    %eq3A_2145 = arith.xori %eq3A_2144, %or3A_2133 : vector<8x1024xi1>
    %eq3A_2146 = arith.constant dense<true> : vector<8x1024xi1>
    %eq3A_2147 = arith.xori %eq3A_2145, %eq3A_2146 : vector<8x1024xi1>
    %select_n3A_2148 = arith.select %eq3A_2147, %select_n3A_2114, %select_n3A_2099 : vector<8x1024xi1>, vector<8x1024xf32>
    %select_n3A_2149 = arith.select %eq3A_2147, %select_n3A_2121, %select_n3A_2100 : vector<8x1024xi1>, vector<8x1024xf32>
    %select_n3A_2150 = arith.select %eq3A_2147, %select_n3A_2128, %select_n3A_2101 : vector<8x1024xi1>, vector<8x1024xi32>
    %and3A_2151 = arith.constant 1 : i32
    %and3A_2152 = vector.broadcast %and3A_2151 : i32 to vector<8x1024xi32>
    %and3A_2153 = arith.andi %iota3A, %and3A_2152 : vector<8x1024xi32>
    %ne3A_2154 = arith.constant 0 : i32
    %ne3A_2155 = vector.broadcast %ne3A_2154 : i32 to vector<8x1024xi32>
    %ne3A_2156 = arith.cmpi ne, %and3A_2153, %ne3A_2155 : vector<8x1024xi32>
    %slice3A_2157 = vector.extract_strided_slice %select_n3A_2148 {offsets = [0, 1023], sizes = [8, 1], strides = [1, 1]} : vector<8x1024xf32> to vector<8x1xf32>
    %slice3A_2158 = vector.extract_strided_slice %select_n3A_2148 {offsets = [0, 0], sizes = [8, 1023], strides = [1, 1]} : vector<8x1024xf32> to vector<8x1023xf32>
    %concatenate3A_2159 = tpu.concatenate %slice3A_2157, %slice3A_2158 in 1 : vector<8x1xf32>, vector<8x1023xf32> -> vector<8x1024xf32>
    %slice3A_2160 = vector.extract_strided_slice %select_n3A_2148 {offsets = [0, 1], sizes = [8, 1023], strides = [1, 1]} : vector<8x1024xf32> to vector<8x1023xf32>
    %slice3A_2161 = vector.extract_strided_slice %select_n3A_2148 {offsets = [0, 0], sizes = [8, 1], strides = [1, 1]} : vector<8x1024xf32> to vector<8x1xf32>
    %concatenate3A_2162 = tpu.concatenate %slice3A_2160, %slice3A_2161 in 1 : vector<8x1023xf32>, vector<8x1xf32> -> vector<8x1024xf32>
    %select_n3A_2163 = arith.select %ne3A_2156, %concatenate3A_2159, %concatenate3A_2162 : vector<8x1024xi1>, vector<8x1024xf32>
    %slice3A_2164 = vector.extract_strided_slice %select_n3A_2149 {offsets = [0, 1023], sizes = [8, 1], strides = [1, 1]} : vector<8x1024xf32> to vector<8x1xf32>
    %slice3A_2165 = vector.extract_strided_slice %select_n3A_2149 {offsets = [0, 0], sizes = [8, 1023], strides = [1, 1]} : vector<8x1024xf32> to vector<8x1023xf32>
    %concatenate3A_2166 = tpu.concatenate %slice3A_2164, %slice3A_2165 in 1 : vector<8x1xf32>, vector<8x1023xf32> -> vector<8x1024xf32>
    %slice3A_2167 = vector.extract_strided_slice %select_n3A_2149 {offsets = [0, 1], sizes = [8, 1023], strides = [1, 1]} : vector<8x1024xf32> to vector<8x1023xf32>
    %slice3A_2168 = vector.extract_strided_slice %select_n3A_2149 {offsets = [0, 0], sizes = [8, 1], strides = [1, 1]} : vector<8x1024xf32> to vector<8x1xf32>
    %concatenate3A_2169 = tpu.concatenate %slice3A_2167, %slice3A_2168 in 1 : vector<8x1023xf32>, vector<8x1xf32> -> vector<8x1024xf32>
    %select_n3A_2170 = arith.select %ne3A_2156, %concatenate3A_2166, %concatenate3A_2169 : vector<8x1024xi1>, vector<8x1024xf32>
    %slice3A_2171 = vector.extract_strided_slice %select_n3A_2150 {offsets = [0, 1023], sizes = [8, 1], strides = [1, 1]} : vector<8x1024xi32> to vector<8x1xi32>
    %slice3A_2172 = vector.extract_strided_slice %select_n3A_2150 {offsets = [0, 0], sizes = [8, 1023], strides = [1, 1]} : vector<8x1024xi32> to vector<8x1023xi32>
    %concatenate3A_2173 = tpu.concatenate %slice3A_2171, %slice3A_2172 in 1 : vector<8x1xi32>, vector<8x1023xi32> -> vector<8x1024xi32>
    %slice3A_2174 = vector.extract_strided_slice %select_n3A_2150 {offsets = [0, 1], sizes = [8, 1023], strides = [1, 1]} : vector<8x1024xi32> to vector<8x1023xi32>
    %slice3A_2175 = vector.extract_strided_slice %select_n3A_2150 {offsets = [0, 0], sizes = [8, 1], strides = [1, 1]} : vector<8x1024xi32> to vector<8x1xi32>
    %concatenate3A_2176 = tpu.concatenate %slice3A_2174, %slice3A_2175 in 1 : vector<8x1023xi32>, vector<8x1xi32> -> vector<8x1024xi32>
    %select_n3A_2177 = arith.select %ne3A_2156, %concatenate3A_2173, %concatenate3A_2176 : vector<8x1024xi1>, vector<8x1024xi32>
    %gt3A_2178 = arith.cmpf ogt, %select_n3A_2163, %select_n3A_2148 : vector<8x1024xf32>
    %eq3A_2179 = arith.cmpf oeq, %select_n3A_2163, %select_n3A_2148 : vector<8x1024xf32>
    %lt3A_2180 = arith.cmpi slt, %select_n3A_2177, %select_n3A_2150 : vector<8x1024xi32>
    %and3A_2181 = arith.andi %eq3A_2179, %lt3A_2180 : vector<8x1024xi1>
    %or3A_2182 = arith.ori %gt3A_2178, %and3A_2181 : vector<8x1024xi1>
    %and3A_2183 = arith.constant 512 : i32
    %and3A_2184 = vector.broadcast %and3A_2183 : i32 to vector<8x1024xi32>
    %and3A_2185 = arith.andi %iota3A, %and3A_2184 : vector<8x1024xi32>
    %eq3A_2186 = arith.constant 0 : i32
    %eq3A_2187 = vector.broadcast %eq3A_2186 : i32 to vector<8x1024xi32>
    %eq3A_2188 = arith.cmpi eq, %and3A_2185, %eq3A_2187 : vector<8x1024xi32>
    %not3A_2189 = arith.constant dense<true> : vector<8x1024xi1>
    %not3A_2190 = arith.xori %ne3A_2156, %not3A_2189 : vector<8x1024xi1>
    %eq3A_2191 = arith.xori %not3A_2190, %eq3A_2188 : vector<8x1024xi1>
    %eq3A_2192 = arith.constant dense<true> : vector<8x1024xi1>
    %eq3A_2193 = arith.xori %eq3A_2191, %eq3A_2192 : vector<8x1024xi1>
    %eq3A_2194 = arith.xori %eq3A_2193, %or3A_2182 : vector<8x1024xi1>
    %eq3A_2195 = arith.constant dense<true> : vector<8x1024xi1>
    %eq3A_2196 = arith.xori %eq3A_2194, %eq3A_2195 : vector<8x1024xi1>
    %select_n3A_2197 = arith.select %eq3A_2196, %select_n3A_2163, %select_n3A_2148 : vector<8x1024xi1>, vector<8x1024xf32>
    %select_n3A_2198 = arith.select %eq3A_2196, %select_n3A_2170, %select_n3A_2149 : vector<8x1024xi1>, vector<8x1024xf32>
    %select_n3A_2199 = arith.select %eq3A_2196, %select_n3A_2177, %select_n3A_2150 : vector<8x1024xi1>, vector<8x1024xi32>
    %and3A_2200 = arith.constant 512 : i32
    %and3A_2201 = vector.broadcast %and3A_2200 : i32 to vector<8x1024xi32>
    %and3A_2202 = arith.andi %iota3A, %and3A_2201 : vector<8x1024xi32>
    %ne3A_2203 = arith.constant 0 : i32
    %ne3A_2204 = vector.broadcast %ne3A_2203 : i32 to vector<8x1024xi32>
    %ne3A_2205 = arith.cmpi ne, %and3A_2202, %ne3A_2204 : vector<8x1024xi32>
    %slice3A_2206 = vector.extract_strided_slice %select_n3A_2197 {offsets = [0, 512], sizes = [8, 512], strides = [1, 1]} : vector<8x1024xf32> to vector<8x512xf32>
    %slice3A_2207 = vector.extract_strided_slice %select_n3A_2197 {offsets = [0, 0], sizes = [8, 512], strides = [1, 1]} : vector<8x1024xf32> to vector<8x512xf32>
    %concatenate3A_2208 = tpu.concatenate %slice3A_2206, %slice3A_2207 in 1 : vector<8x512xf32>, vector<8x512xf32> -> vector<8x1024xf32>
    %slice3A_2209 = vector.extract_strided_slice %select_n3A_2197 {offsets = [0, 512], sizes = [8, 512], strides = [1, 1]} : vector<8x1024xf32> to vector<8x512xf32>
    %slice3A_2210 = vector.extract_strided_slice %select_n3A_2197 {offsets = [0, 0], sizes = [8, 512], strides = [1, 1]} : vector<8x1024xf32> to vector<8x512xf32>
    %concatenate3A_2211 = tpu.concatenate %slice3A_2209, %slice3A_2210 in 1 : vector<8x512xf32>, vector<8x512xf32> -> vector<8x1024xf32>
    %select_n3A_2212 = arith.select %ne3A_2205, %concatenate3A_2208, %concatenate3A_2211 : vector<8x1024xi1>, vector<8x1024xf32>
    %slice3A_2213 = vector.extract_strided_slice %select_n3A_2198 {offsets = [0, 512], sizes = [8, 512], strides = [1, 1]} : vector<8x1024xf32> to vector<8x512xf32>
    %slice3A_2214 = vector.extract_strided_slice %select_n3A_2198 {offsets = [0, 0], sizes = [8, 512], strides = [1, 1]} : vector<8x1024xf32> to vector<8x512xf32>
    %concatenate3A_2215 = tpu.concatenate %slice3A_2213, %slice3A_2214 in 1 : vector<8x512xf32>, vector<8x512xf32> -> vector<8x1024xf32>
    %slice3A_2216 = vector.extract_strided_slice %select_n3A_2198 {offsets = [0, 512], sizes = [8, 512], strides = [1, 1]} : vector<8x1024xf32> to vector<8x512xf32>
    %slice3A_2217 = vector.extract_strided_slice %select_n3A_2198 {offsets = [0, 0], sizes = [8, 512], strides = [1, 1]} : vector<8x1024xf32> to vector<8x512xf32>
    %concatenate3A_2218 = tpu.concatenate %slice3A_2216, %slice3A_2217 in 1 : vector<8x512xf32>, vector<8x512xf32> -> vector<8x1024xf32>
    %select_n3A_2219 = arith.select %ne3A_2205, %concatenate3A_2215, %concatenate3A_2218 : vector<8x1024xi1>, vector<8x1024xf32>
    %slice3A_2220 = vector.extract_strided_slice %select_n3A_2199 {offsets = [0, 512], sizes = [8, 512], strides = [1, 1]} : vector<8x1024xi32> to vector<8x512xi32>
    %slice3A_2221 = vector.extract_strided_slice %select_n3A_2199 {offsets = [0, 0], sizes = [8, 512], strides = [1, 1]} : vector<8x1024xi32> to vector<8x512xi32>
    %concatenate3A_2222 = tpu.concatenate %slice3A_2220, %slice3A_2221 in 1 : vector<8x512xi32>, vector<8x512xi32> -> vector<8x1024xi32>
    %slice3A_2223 = vector.extract_strided_slice %select_n3A_2199 {offsets = [0, 512], sizes = [8, 512], strides = [1, 1]} : vector<8x1024xi32> to vector<8x512xi32>
    %slice3A_2224 = vector.extract_strided_slice %select_n3A_2199 {offsets = [0, 0], sizes = [8, 512], strides = [1, 1]} : vector<8x1024xi32> to vector<8x512xi32>
    %concatenate3A_2225 = tpu.concatenate %slice3A_2223, %slice3A_2224 in 1 : vector<8x512xi32>, vector<8x512xi32> -> vector<8x1024xi32>
    %select_n3A_2226 = arith.select %ne3A_2205, %concatenate3A_2222, %concatenate3A_2225 : vector<8x1024xi1>, vector<8x1024xi32>
    %gt3A_2227 = arith.cmpf ogt, %select_n3A_2212, %select_n3A_2197 : vector<8x1024xf32>
    %eq3A_2228 = arith.cmpf oeq, %select_n3A_2212, %select_n3A_2197 : vector<8x1024xf32>
    %lt3A_2229 = arith.cmpi slt, %select_n3A_2226, %select_n3A_2199 : vector<8x1024xi32>
    %and3A_2230 = arith.andi %eq3A_2228, %lt3A_2229 : vector<8x1024xi1>
    %or3A_2231 = arith.ori %gt3A_2227, %and3A_2230 : vector<8x1024xi1>
    %and3A_2232 = arith.constant 1024 : i32
    %and3A_2233 = vector.broadcast %and3A_2232 : i32 to vector<8x1024xi32>
    %and3A_2234 = arith.andi %iota3A, %and3A_2233 : vector<8x1024xi32>
    %eq3A_2235 = arith.constant 0 : i32
    %eq3A_2236 = vector.broadcast %eq3A_2235 : i32 to vector<8x1024xi32>
    %eq3A_2237 = arith.cmpi eq, %and3A_2234, %eq3A_2236 : vector<8x1024xi32>
    %not3A_2238 = arith.constant dense<true> : vector<8x1024xi1>
    %not3A_2239 = arith.xori %ne3A_2205, %not3A_2238 : vector<8x1024xi1>
    %eq3A_2240 = arith.xori %not3A_2239, %eq3A_2237 : vector<8x1024xi1>
    %eq3A_2241 = arith.constant dense<true> : vector<8x1024xi1>
    %eq3A_2242 = arith.xori %eq3A_2240, %eq3A_2241 : vector<8x1024xi1>
    %eq3A_2243 = arith.xori %eq3A_2242, %or3A_2231 : vector<8x1024xi1>
    %eq3A_2244 = arith.constant dense<true> : vector<8x1024xi1>
    %eq3A_2245 = arith.xori %eq3A_2243, %eq3A_2244 : vector<8x1024xi1>
    %select_n3A_2246 = arith.select %eq3A_2245, %select_n3A_2212, %select_n3A_2197 : vector<8x1024xi1>, vector<8x1024xf32>
    %select_n3A_2247 = arith.select %eq3A_2245, %select_n3A_2219, %select_n3A_2198 : vector<8x1024xi1>, vector<8x1024xf32>
    %select_n3A_2248 = arith.select %eq3A_2245, %select_n3A_2226, %select_n3A_2199 : vector<8x1024xi1>, vector<8x1024xi32>
    %and3A_2249 = arith.constant 256 : i32
    %and3A_2250 = vector.broadcast %and3A_2249 : i32 to vector<8x1024xi32>
    %and3A_2251 = arith.andi %iota3A, %and3A_2250 : vector<8x1024xi32>
    %ne3A_2252 = arith.constant 0 : i32
    %ne3A_2253 = vector.broadcast %ne3A_2252 : i32 to vector<8x1024xi32>
    %ne3A_2254 = arith.cmpi ne, %and3A_2251, %ne3A_2253 : vector<8x1024xi32>
    %slice3A_2255 = vector.extract_strided_slice %select_n3A_2246 {offsets = [0, 768], sizes = [8, 256], strides = [1, 1]} : vector<8x1024xf32> to vector<8x256xf32>
    %slice3A_2256 = vector.extract_strided_slice %select_n3A_2246 {offsets = [0, 0], sizes = [8, 768], strides = [1, 1]} : vector<8x1024xf32> to vector<8x768xf32>
    %concatenate3A_2257 = tpu.concatenate %slice3A_2255, %slice3A_2256 in 1 : vector<8x256xf32>, vector<8x768xf32> -> vector<8x1024xf32>
    %slice3A_2258 = vector.extract_strided_slice %select_n3A_2246 {offsets = [0, 256], sizes = [8, 768], strides = [1, 1]} : vector<8x1024xf32> to vector<8x768xf32>
    %slice3A_2259 = vector.extract_strided_slice %select_n3A_2246 {offsets = [0, 0], sizes = [8, 256], strides = [1, 1]} : vector<8x1024xf32> to vector<8x256xf32>
    %concatenate3A_2260 = tpu.concatenate %slice3A_2258, %slice3A_2259 in 1 : vector<8x768xf32>, vector<8x256xf32> -> vector<8x1024xf32>
    %select_n3A_2261 = arith.select %ne3A_2254, %concatenate3A_2257, %concatenate3A_2260 : vector<8x1024xi1>, vector<8x1024xf32>
    %slice3A_2262 = vector.extract_strided_slice %select_n3A_2247 {offsets = [0, 768], sizes = [8, 256], strides = [1, 1]} : vector<8x1024xf32> to vector<8x256xf32>
    %slice3A_2263 = vector.extract_strided_slice %select_n3A_2247 {offsets = [0, 0], sizes = [8, 768], strides = [1, 1]} : vector<8x1024xf32> to vector<8x768xf32>
    %concatenate3A_2264 = tpu.concatenate %slice3A_2262, %slice3A_2263 in 1 : vector<8x256xf32>, vector<8x768xf32> -> vector<8x1024xf32>
    %slice3A_2265 = vector.extract_strided_slice %select_n3A_2247 {offsets = [0, 256], sizes = [8, 768], strides = [1, 1]} : vector<8x1024xf32> to vector<8x768xf32>
    %slice3A_2266 = vector.extract_strided_slice %select_n3A_2247 {offsets = [0, 0], sizes = [8, 256], strides = [1, 1]} : vector<8x1024xf32> to vector<8x256xf32>
    %concatenate3A_2267 = tpu.concatenate %slice3A_2265, %slice3A_2266 in 1 : vector<8x768xf32>, vector<8x256xf32> -> vector<8x1024xf32>
    %select_n3A_2268 = arith.select %ne3A_2254, %concatenate3A_2264, %concatenate3A_2267 : vector<8x1024xi1>, vector<8x1024xf32>
    %slice3A_2269 = vector.extract_strided_slice %select_n3A_2248 {offsets = [0, 768], sizes = [8, 256], strides = [1, 1]} : vector<8x1024xi32> to vector<8x256xi32>
    %slice3A_2270 = vector.extract_strided_slice %select_n3A_2248 {offsets = [0, 0], sizes = [8, 768], strides = [1, 1]} : vector<8x1024xi32> to vector<8x768xi32>
    %concatenate3A_2271 = tpu.concatenate %slice3A_2269, %slice3A_2270 in 1 : vector<8x256xi32>, vector<8x768xi32> -> vector<8x1024xi32>
    %slice3A_2272 = vector.extract_strided_slice %select_n3A_2248 {offsets = [0, 256], sizes = [8, 768], strides = [1, 1]} : vector<8x1024xi32> to vector<8x768xi32>
    %slice3A_2273 = vector.extract_strided_slice %select_n3A_2248 {offsets = [0, 0], sizes = [8, 256], strides = [1, 1]} : vector<8x1024xi32> to vector<8x256xi32>
    %concatenate3A_2274 = tpu.concatenate %slice3A_2272, %slice3A_2273 in 1 : vector<8x768xi32>, vector<8x256xi32> -> vector<8x1024xi32>
    %select_n3A_2275 = arith.select %ne3A_2254, %concatenate3A_2271, %concatenate3A_2274 : vector<8x1024xi1>, vector<8x1024xi32>
    %gt3A_2276 = arith.cmpf ogt, %select_n3A_2261, %select_n3A_2246 : vector<8x1024xf32>
    %eq3A_2277 = arith.cmpf oeq, %select_n3A_2261, %select_n3A_2246 : vector<8x1024xf32>
    %lt3A_2278 = arith.cmpi slt, %select_n3A_2275, %select_n3A_2248 : vector<8x1024xi32>
    %and3A_2279 = arith.andi %eq3A_2277, %lt3A_2278 : vector<8x1024xi1>
    %or3A_2280 = arith.ori %gt3A_2276, %and3A_2279 : vector<8x1024xi1>
    %and3A_2281 = arith.constant 1024 : i32
    %and3A_2282 = vector.broadcast %and3A_2281 : i32 to vector<8x1024xi32>
    %and3A_2283 = arith.andi %iota3A, %and3A_2282 : vector<8x1024xi32>
    %eq3A_2284 = arith.constant 0 : i32
    %eq3A_2285 = vector.broadcast %eq3A_2284 : i32 to vector<8x1024xi32>
    %eq3A_2286 = arith.cmpi eq, %and3A_2283, %eq3A_2285 : vector<8x1024xi32>
    %not3A_2287 = arith.constant dense<true> : vector<8x1024xi1>
    %not3A_2288 = arith.xori %ne3A_2254, %not3A_2287 : vector<8x1024xi1>
    %eq3A_2289 = arith.xori %not3A_2288, %eq3A_2286 : vector<8x1024xi1>
    %eq3A_2290 = arith.constant dense<true> : vector<8x1024xi1>
    %eq3A_2291 = arith.xori %eq3A_2289, %eq3A_2290 : vector<8x1024xi1>
    %eq3A_2292 = arith.xori %eq3A_2291, %or3A_2280 : vector<8x1024xi1>
    %eq3A_2293 = arith.constant dense<true> : vector<8x1024xi1>
    %eq3A_2294 = arith.xori %eq3A_2292, %eq3A_2293 : vector<8x1024xi1>
    %select_n3A_2295 = arith.select %eq3A_2294, %select_n3A_2261, %select_n3A_2246 : vector<8x1024xi1>, vector<8x1024xf32>
    %select_n3A_2296 = arith.select %eq3A_2294, %select_n3A_2268, %select_n3A_2247 : vector<8x1024xi1>, vector<8x1024xf32>
    %select_n3A_2297 = arith.select %eq3A_2294, %select_n3A_2275, %select_n3A_2248 : vector<8x1024xi1>, vector<8x1024xi32>
    %and3A_2298 = arith.constant 128 : i32
    %and3A_2299 = vector.broadcast %and3A_2298 : i32 to vector<8x1024xi32>
    %and3A_2300 = arith.andi %iota3A, %and3A_2299 : vector<8x1024xi32>
    %ne3A_2301 = arith.constant 0 : i32
    %ne3A_2302 = vector.broadcast %ne3A_2301 : i32 to vector<8x1024xi32>
    %ne3A_2303 = arith.cmpi ne, %and3A_2300, %ne3A_2302 : vector<8x1024xi32>
    %slice3A_2304 = vector.extract_strided_slice %select_n3A_2295 {offsets = [0, 896], sizes = [8, 128], strides = [1, 1]} : vector<8x1024xf32> to vector<8x128xf32>
    %slice3A_2305 = vector.extract_strided_slice %select_n3A_2295 {offsets = [0, 0], sizes = [8, 896], strides = [1, 1]} : vector<8x1024xf32> to vector<8x896xf32>
    %concatenate3A_2306 = tpu.concatenate %slice3A_2304, %slice3A_2305 in 1 : vector<8x128xf32>, vector<8x896xf32> -> vector<8x1024xf32>
    %slice3A_2307 = vector.extract_strided_slice %select_n3A_2295 {offsets = [0, 128], sizes = [8, 896], strides = [1, 1]} : vector<8x1024xf32> to vector<8x896xf32>
    %slice3A_2308 = vector.extract_strided_slice %select_n3A_2295 {offsets = [0, 0], sizes = [8, 128], strides = [1, 1]} : vector<8x1024xf32> to vector<8x128xf32>
    %concatenate3A_2309 = tpu.concatenate %slice3A_2307, %slice3A_2308 in 1 : vector<8x896xf32>, vector<8x128xf32> -> vector<8x1024xf32>
    %select_n3A_2310 = arith.select %ne3A_2303, %concatenate3A_2306, %concatenate3A_2309 : vector<8x1024xi1>, vector<8x1024xf32>
    %slice3A_2311 = vector.extract_strided_slice %select_n3A_2296 {offsets = [0, 896], sizes = [8, 128], strides = [1, 1]} : vector<8x1024xf32> to vector<8x128xf32>
    %slice3A_2312 = vector.extract_strided_slice %select_n3A_2296 {offsets = [0, 0], sizes = [8, 896], strides = [1, 1]} : vector<8x1024xf32> to vector<8x896xf32>
    %concatenate3A_2313 = tpu.concatenate %slice3A_2311, %slice3A_2312 in 1 : vector<8x128xf32>, vector<8x896xf32> -> vector<8x1024xf32>
    %slice3A_2314 = vector.extract_strided_slice %select_n3A_2296 {offsets = [0, 128], sizes = [8, 896], strides = [1, 1]} : vector<8x1024xf32> to vector<8x896xf32>
    %slice3A_2315 = vector.extract_strided_slice %select_n3A_2296 {offsets = [0, 0], sizes = [8, 128], strides = [1, 1]} : vector<8x1024xf32> to vector<8x128xf32>
    %concatenate3A_2316 = tpu.concatenate %slice3A_2314, %slice3A_2315 in 1 : vector<8x896xf32>, vector<8x128xf32> -> vector<8x1024xf32>
    %select_n3A_2317 = arith.select %ne3A_2303, %concatenate3A_2313, %concatenate3A_2316 : vector<8x1024xi1>, vector<8x1024xf32>
    %slice3A_2318 = vector.extract_strided_slice %select_n3A_2297 {offsets = [0, 896], sizes = [8, 128], strides = [1, 1]} : vector<8x1024xi32> to vector<8x128xi32>
    %slice3A_2319 = vector.extract_strided_slice %select_n3A_2297 {offsets = [0, 0], sizes = [8, 896], strides = [1, 1]} : vector<8x1024xi32> to vector<8x896xi32>
    %concatenate3A_2320 = tpu.concatenate %slice3A_2318, %slice3A_2319 in 1 : vector<8x128xi32>, vector<8x896xi32> -> vector<8x1024xi32>
    %slice3A_2321 = vector.extract_strided_slice %select_n3A_2297 {offsets = [0, 128], sizes = [8, 896], strides = [1, 1]} : vector<8x1024xi32> to vector<8x896xi32>
    %slice3A_2322 = vector.extract_strided_slice %select_n3A_2297 {offsets = [0, 0], sizes = [8, 128], strides = [1, 1]} : vector<8x1024xi32> to vector<8x128xi32>
    %concatenate3A_2323 = tpu.concatenate %slice3A_2321, %slice3A_2322 in 1 : vector<8x896xi32>, vector<8x128xi32> -> vector<8x1024xi32>
    %select_n3A_2324 = arith.select %ne3A_2303, %concatenate3A_2320, %concatenate3A_2323 : vector<8x1024xi1>, vector<8x1024xi32>
    %gt3A_2325 = arith.cmpf ogt, %select_n3A_2310, %select_n3A_2295 : vector<8x1024xf32>
    %eq3A_2326 = arith.cmpf oeq, %select_n3A_2310, %select_n3A_2295 : vector<8x1024xf32>
    %lt3A_2327 = arith.cmpi slt, %select_n3A_2324, %select_n3A_2297 : vector<8x1024xi32>
    %and3A_2328 = arith.andi %eq3A_2326, %lt3A_2327 : vector<8x1024xi1>
    %or3A_2329 = arith.ori %gt3A_2325, %and3A_2328 : vector<8x1024xi1>
    %and3A_2330 = arith.constant 1024 : i32
    %and3A_2331 = vector.broadcast %and3A_2330 : i32 to vector<8x1024xi32>
    %and3A_2332 = arith.andi %iota3A, %and3A_2331 : vector<8x1024xi32>
    %eq3A_2333 = arith.constant 0 : i32
    %eq3A_2334 = vector.broadcast %eq3A_2333 : i32 to vector<8x1024xi32>
    %eq3A_2335 = arith.cmpi eq, %and3A_2332, %eq3A_2334 : vector<8x1024xi32>
    %not3A_2336 = arith.constant dense<true> : vector<8x1024xi1>
    %not3A_2337 = arith.xori %ne3A_2303, %not3A_2336 : vector<8x1024xi1>
    %eq3A_2338 = arith.xori %not3A_2337, %eq3A_2335 : vector<8x1024xi1>
    %eq3A_2339 = arith.constant dense<true> : vector<8x1024xi1>
    %eq3A_2340 = arith.xori %eq3A_2338, %eq3A_2339 : vector<8x1024xi1>
    %eq3A_2341 = arith.xori %eq3A_2340, %or3A_2329 : vector<8x1024xi1>
    %eq3A_2342 = arith.constant dense<true> : vector<8x1024xi1>
    %eq3A_2343 = arith.xori %eq3A_2341, %eq3A_2342 : vector<8x1024xi1>
    %select_n3A_2344 = arith.select %eq3A_2343, %select_n3A_2310, %select_n3A_2295 : vector<8x1024xi1>, vector<8x1024xf32>
    %select_n3A_2345 = arith.select %eq3A_2343, %select_n3A_2317, %select_n3A_2296 : vector<8x1024xi1>, vector<8x1024xf32>
    %select_n3A_2346 = arith.select %eq3A_2343, %select_n3A_2324, %select_n3A_2297 : vector<8x1024xi1>, vector<8x1024xi32>
    %and3A_2347 = arith.constant 64 : i32
    %and3A_2348 = vector.broadcast %and3A_2347 : i32 to vector<8x1024xi32>
    %and3A_2349 = arith.andi %iota3A, %and3A_2348 : vector<8x1024xi32>
    %ne3A_2350 = arith.constant 0 : i32
    %ne3A_2351 = vector.broadcast %ne3A_2350 : i32 to vector<8x1024xi32>
    %ne3A_2352 = arith.cmpi ne, %and3A_2349, %ne3A_2351 : vector<8x1024xi32>
    %slice3A_2353 = vector.extract_strided_slice %select_n3A_2344 {offsets = [0, 960], sizes = [8, 64], strides = [1, 1]} : vector<8x1024xf32> to vector<8x64xf32>
    %slice3A_2354 = vector.extract_strided_slice %select_n3A_2344 {offsets = [0, 0], sizes = [8, 960], strides = [1, 1]} : vector<8x1024xf32> to vector<8x960xf32>
    %concatenate3A_2355 = tpu.concatenate %slice3A_2353, %slice3A_2354 in 1 : vector<8x64xf32>, vector<8x960xf32> -> vector<8x1024xf32>
    %slice3A_2356 = vector.extract_strided_slice %select_n3A_2344 {offsets = [0, 64], sizes = [8, 960], strides = [1, 1]} : vector<8x1024xf32> to vector<8x960xf32>
    %slice3A_2357 = vector.extract_strided_slice %select_n3A_2344 {offsets = [0, 0], sizes = [8, 64], strides = [1, 1]} : vector<8x1024xf32> to vector<8x64xf32>
    %concatenate3A_2358 = tpu.concatenate %slice3A_2356, %slice3A_2357 in 1 : vector<8x960xf32>, vector<8x64xf32> -> vector<8x1024xf32>
    %select_n3A_2359 = arith.select %ne3A_2352, %concatenate3A_2355, %concatenate3A_2358 : vector<8x1024xi1>, vector<8x1024xf32>
    %slice3A_2360 = vector.extract_strided_slice %select_n3A_2345 {offsets = [0, 960], sizes = [8, 64], strides = [1, 1]} : vector<8x1024xf32> to vector<8x64xf32>
    %slice3A_2361 = vector.extract_strided_slice %select_n3A_2345 {offsets = [0, 0], sizes = [8, 960], strides = [1, 1]} : vector<8x1024xf32> to vector<8x960xf32>
    %concatenate3A_2362 = tpu.concatenate %slice3A_2360, %slice3A_2361 in 1 : vector<8x64xf32>, vector<8x960xf32> -> vector<8x1024xf32>
    %slice3A_2363 = vector.extract_strided_slice %select_n3A_2345 {offsets = [0, 64], sizes = [8, 960], strides = [1, 1]} : vector<8x1024xf32> to vector<8x960xf32>
    %slice3A_2364 = vector.extract_strided_slice %select_n3A_2345 {offsets = [0, 0], sizes = [8, 64], strides = [1, 1]} : vector<8x1024xf32> to vector<8x64xf32>
    %concatenate3A_2365 = tpu.concatenate %slice3A_2363, %slice3A_2364 in 1 : vector<8x960xf32>, vector<8x64xf32> -> vector<8x1024xf32>
    %select_n3A_2366 = arith.select %ne3A_2352, %concatenate3A_2362, %concatenate3A_2365 : vector<8x1024xi1>, vector<8x1024xf32>
    %slice3A_2367 = vector.extract_strided_slice %select_n3A_2346 {offsets = [0, 960], sizes = [8, 64], strides = [1, 1]} : vector<8x1024xi32> to vector<8x64xi32>
    %slice3A_2368 = vector.extract_strided_slice %select_n3A_2346 {offsets = [0, 0], sizes = [8, 960], strides = [1, 1]} : vector<8x1024xi32> to vector<8x960xi32>
    %concatenate3A_2369 = tpu.concatenate %slice3A_2367, %slice3A_2368 in 1 : vector<8x64xi32>, vector<8x960xi32> -> vector<8x1024xi32>
    %slice3A_2370 = vector.extract_strided_slice %select_n3A_2346 {offsets = [0, 64], sizes = [8, 960], strides = [1, 1]} : vector<8x1024xi32> to vector<8x960xi32>
    %slice3A_2371 = vector.extract_strided_slice %select_n3A_2346 {offsets = [0, 0], sizes = [8, 64], strides = [1, 1]} : vector<8x1024xi32> to vector<8x64xi32>
    %concatenate3A_2372 = tpu.concatenate %slice3A_2370, %slice3A_2371 in 1 : vector<8x960xi32>, vector<8x64xi32> -> vector<8x1024xi32>
    %select_n3A_2373 = arith.select %ne3A_2352, %concatenate3A_2369, %concatenate3A_2372 : vector<8x1024xi1>, vector<8x1024xi32>
    %gt3A_2374 = arith.cmpf ogt, %select_n3A_2359, %select_n3A_2344 : vector<8x1024xf32>
    %eq3A_2375 = arith.cmpf oeq, %select_n3A_2359, %select_n3A_2344 : vector<8x1024xf32>
    %lt3A_2376 = arith.cmpi slt, %select_n3A_2373, %select_n3A_2346 : vector<8x1024xi32>
    %and3A_2377 = arith.andi %eq3A_2375, %lt3A_2376 : vector<8x1024xi1>
    %or3A_2378 = arith.ori %gt3A_2374, %and3A_2377 : vector<8x1024xi1>
    %and3A_2379 = arith.constant 1024 : i32
    %and3A_2380 = vector.broadcast %and3A_2379 : i32 to vector<8x1024xi32>
    %and3A_2381 = arith.andi %iota3A, %and3A_2380 : vector<8x1024xi32>
    %eq3A_2382 = arith.constant 0 : i32
    %eq3A_2383 = vector.broadcast %eq3A_2382 : i32 to vector<8x1024xi32>
    %eq3A_2384 = arith.cmpi eq, %and3A_2381, %eq3A_2383 : vector<8x1024xi32>
    %not3A_2385 = arith.constant dense<true> : vector<8x1024xi1>
    %not3A_2386 = arith.xori %ne3A_2352, %not3A_2385 : vector<8x1024xi1>
    %eq3A_2387 = arith.xori %not3A_2386, %eq3A_2384 : vector<8x1024xi1>
    %eq3A_2388 = arith.constant dense<true> : vector<8x1024xi1>
    %eq3A_2389 = arith.xori %eq3A_2387, %eq3A_2388 : vector<8x1024xi1>
    %eq3A_2390 = arith.xori %eq3A_2389, %or3A_2378 : vector<8x1024xi1>
    %eq3A_2391 = arith.constant dense<true> : vector<8x1024xi1>
    %eq3A_2392 = arith.xori %eq3A_2390, %eq3A_2391 : vector<8x1024xi1>
    %select_n3A_2393 = arith.select %eq3A_2392, %select_n3A_2359, %select_n3A_2344 : vector<8x1024xi1>, vector<8x1024xf32>
    %select_n3A_2394 = arith.select %eq3A_2392, %select_n3A_2366, %select_n3A_2345 : vector<8x1024xi1>, vector<8x1024xf32>
    %select_n3A_2395 = arith.select %eq3A_2392, %select_n3A_2373, %select_n3A_2346 : vector<8x1024xi1>, vector<8x1024xi32>
    %and3A_2396 = arith.constant 32 : i32
    %and3A_2397 = vector.broadcast %and3A_2396 : i32 to vector<8x1024xi32>
    %and3A_2398 = arith.andi %iota3A, %and3A_2397 : vector<8x1024xi32>
    %ne3A_2399 = arith.constant 0 : i32
    %ne3A_2400 = vector.broadcast %ne3A_2399 : i32 to vector<8x1024xi32>
    %ne3A_2401 = arith.cmpi ne, %and3A_2398, %ne3A_2400 : vector<8x1024xi32>
    %slice3A_2402 = vector.extract_strided_slice %select_n3A_2393 {offsets = [0, 992], sizes = [8, 32], strides = [1, 1]} : vector<8x1024xf32> to vector<8x32xf32>
    %slice3A_2403 = vector.extract_strided_slice %select_n3A_2393 {offsets = [0, 0], sizes = [8, 992], strides = [1, 1]} : vector<8x1024xf32> to vector<8x992xf32>
    %concatenate3A_2404 = tpu.concatenate %slice3A_2402, %slice3A_2403 in 1 : vector<8x32xf32>, vector<8x992xf32> -> vector<8x1024xf32>
    %slice3A_2405 = vector.extract_strided_slice %select_n3A_2393 {offsets = [0, 32], sizes = [8, 992], strides = [1, 1]} : vector<8x1024xf32> to vector<8x992xf32>
    %slice3A_2406 = vector.extract_strided_slice %select_n3A_2393 {offsets = [0, 0], sizes = [8, 32], strides = [1, 1]} : vector<8x1024xf32> to vector<8x32xf32>
    %concatenate3A_2407 = tpu.concatenate %slice3A_2405, %slice3A_2406 in 1 : vector<8x992xf32>, vector<8x32xf32> -> vector<8x1024xf32>
    %select_n3A_2408 = arith.select %ne3A_2401, %concatenate3A_2404, %concatenate3A_2407 : vector<8x1024xi1>, vector<8x1024xf32>
    %slice3A_2409 = vector.extract_strided_slice %select_n3A_2394 {offsets = [0, 992], sizes = [8, 32], strides = [1, 1]} : vector<8x1024xf32> to vector<8x32xf32>
    %slice3A_2410 = vector.extract_strided_slice %select_n3A_2394 {offsets = [0, 0], sizes = [8, 992], strides = [1, 1]} : vector<8x1024xf32> to vector<8x992xf32>
    %concatenate3A_2411 = tpu.concatenate %slice3A_2409, %slice3A_2410 in 1 : vector<8x32xf32>, vector<8x992xf32> -> vector<8x1024xf32>
    %slice3A_2412 = vector.extract_strided_slice %select_n3A_2394 {offsets = [0, 32], sizes = [8, 992], strides = [1, 1]} : vector<8x1024xf32> to vector<8x992xf32>
    %slice3A_2413 = vector.extract_strided_slice %select_n3A_2394 {offsets = [0, 0], sizes = [8, 32], strides = [1, 1]} : vector<8x1024xf32> to vector<8x32xf32>
    %concatenate3A_2414 = tpu.concatenate %slice3A_2412, %slice3A_2413 in 1 : vector<8x992xf32>, vector<8x32xf32> -> vector<8x1024xf32>
    %select_n3A_2415 = arith.select %ne3A_2401, %concatenate3A_2411, %concatenate3A_2414 : vector<8x1024xi1>, vector<8x1024xf32>
    %slice3A_2416 = vector.extract_strided_slice %select_n3A_2395 {offsets = [0, 992], sizes = [8, 32], strides = [1, 1]} : vector<8x1024xi32> to vector<8x32xi32>
    %slice3A_2417 = vector.extract_strided_slice %select_n3A_2395 {offsets = [0, 0], sizes = [8, 992], strides = [1, 1]} : vector<8x1024xi32> to vector<8x992xi32>
    %concatenate3A_2418 = tpu.concatenate %slice3A_2416, %slice3A_2417 in 1 : vector<8x32xi32>, vector<8x992xi32> -> vector<8x1024xi32>
    %slice3A_2419 = vector.extract_strided_slice %select_n3A_2395 {offsets = [0, 32], sizes = [8, 992], strides = [1, 1]} : vector<8x1024xi32> to vector<8x992xi32>
    %slice3A_2420 = vector.extract_strided_slice %select_n3A_2395 {offsets = [0, 0], sizes = [8, 32], strides = [1, 1]} : vector<8x1024xi32> to vector<8x32xi32>
    %concatenate3A_2421 = tpu.concatenate %slice3A_2419, %slice3A_2420 in 1 : vector<8x992xi32>, vector<8x32xi32> -> vector<8x1024xi32>
    %select_n3A_2422 = arith.select %ne3A_2401, %concatenate3A_2418, %concatenate3A_2421 : vector<8x1024xi1>, vector<8x1024xi32>
    %gt3A_2423 = arith.cmpf ogt, %select_n3A_2408, %select_n3A_2393 : vector<8x1024xf32>
    %eq3A_2424 = arith.cmpf oeq, %select_n3A_2408, %select_n3A_2393 : vector<8x1024xf32>
    %lt3A_2425 = arith.cmpi slt, %select_n3A_2422, %select_n3A_2395 : vector<8x1024xi32>
    %and3A_2426 = arith.andi %eq3A_2424, %lt3A_2425 : vector<8x1024xi1>
    %or3A_2427 = arith.ori %gt3A_2423, %and3A_2426 : vector<8x1024xi1>
    %and3A_2428 = arith.constant 1024 : i32
    %and3A_2429 = vector.broadcast %and3A_2428 : i32 to vector<8x1024xi32>
    %and3A_2430 = arith.andi %iota3A, %and3A_2429 : vector<8x1024xi32>
    %eq3A_2431 = arith.constant 0 : i32
    %eq3A_2432 = vector.broadcast %eq3A_2431 : i32 to vector<8x1024xi32>
    %eq3A_2433 = arith.cmpi eq, %and3A_2430, %eq3A_2432 : vector<8x1024xi32>
    %not3A_2434 = arith.constant dense<true> : vector<8x1024xi1>
    %not3A_2435 = arith.xori %ne3A_2401, %not3A_2434 : vector<8x1024xi1>
    %eq3A_2436 = arith.xori %not3A_2435, %eq3A_2433 : vector<8x1024xi1>
    %eq3A_2437 = arith.constant dense<true> : vector<8x1024xi1>
    %eq3A_2438 = arith.xori %eq3A_2436, %eq3A_2437 : vector<8x1024xi1>
    %eq3A_2439 = arith.xori %eq3A_2438, %or3A_2427 : vector<8x1024xi1>
    %eq3A_2440 = arith.constant dense<true> : vector<8x1024xi1>
    %eq3A_2441 = arith.xori %eq3A_2439, %eq3A_2440 : vector<8x1024xi1>
    %select_n3A_2442 = arith.select %eq3A_2441, %select_n3A_2408, %select_n3A_2393 : vector<8x1024xi1>, vector<8x1024xf32>
    %select_n3A_2443 = arith.select %eq3A_2441, %select_n3A_2415, %select_n3A_2394 : vector<8x1024xi1>, vector<8x1024xf32>
    %select_n3A_2444 = arith.select %eq3A_2441, %select_n3A_2422, %select_n3A_2395 : vector<8x1024xi1>, vector<8x1024xi32>
    %and3A_2445 = arith.constant 16 : i32
    %and3A_2446 = vector.broadcast %and3A_2445 : i32 to vector<8x1024xi32>
    %and3A_2447 = arith.andi %iota3A, %and3A_2446 : vector<8x1024xi32>
    %ne3A_2448 = arith.constant 0 : i32
    %ne3A_2449 = vector.broadcast %ne3A_2448 : i32 to vector<8x1024xi32>
    %ne3A_2450 = arith.cmpi ne, %and3A_2447, %ne3A_2449 : vector<8x1024xi32>
    %slice3A_2451 = vector.extract_strided_slice %select_n3A_2442 {offsets = [0, 1008], sizes = [8, 16], strides = [1, 1]} : vector<8x1024xf32> to vector<8x16xf32>
    %slice3A_2452 = vector.extract_strided_slice %select_n3A_2442 {offsets = [0, 0], sizes = [8, 1008], strides = [1, 1]} : vector<8x1024xf32> to vector<8x1008xf32>
    %concatenate3A_2453 = tpu.concatenate %slice3A_2451, %slice3A_2452 in 1 : vector<8x16xf32>, vector<8x1008xf32> -> vector<8x1024xf32>
    %slice3A_2454 = vector.extract_strided_slice %select_n3A_2442 {offsets = [0, 16], sizes = [8, 1008], strides = [1, 1]} : vector<8x1024xf32> to vector<8x1008xf32>
    %slice3A_2455 = vector.extract_strided_slice %select_n3A_2442 {offsets = [0, 0], sizes = [8, 16], strides = [1, 1]} : vector<8x1024xf32> to vector<8x16xf32>
    %concatenate3A_2456 = tpu.concatenate %slice3A_2454, %slice3A_2455 in 1 : vector<8x1008xf32>, vector<8x16xf32> -> vector<8x1024xf32>
    %select_n3A_2457 = arith.select %ne3A_2450, %concatenate3A_2453, %concatenate3A_2456 : vector<8x1024xi1>, vector<8x1024xf32>
    %slice3A_2458 = vector.extract_strided_slice %select_n3A_2443 {offsets = [0, 1008], sizes = [8, 16], strides = [1, 1]} : vector<8x1024xf32> to vector<8x16xf32>
    %slice3A_2459 = vector.extract_strided_slice %select_n3A_2443 {offsets = [0, 0], sizes = [8, 1008], strides = [1, 1]} : vector<8x1024xf32> to vector<8x1008xf32>
    %concatenate3A_2460 = tpu.concatenate %slice3A_2458, %slice3A_2459 in 1 : vector<8x16xf32>, vector<8x1008xf32> -> vector<8x1024xf32>
    %slice3A_2461 = vector.extract_strided_slice %select_n3A_2443 {offsets = [0, 16], sizes = [8, 1008], strides = [1, 1]} : vector<8x1024xf32> to vector<8x1008xf32>
    %slice3A_2462 = vector.extract_strided_slice %select_n3A_2443 {offsets = [0, 0], sizes = [8, 16], strides = [1, 1]} : vector<8x1024xf32> to vector<8x16xf32>
    %concatenate3A_2463 = tpu.concatenate %slice3A_2461, %slice3A_2462 in 1 : vector<8x1008xf32>, vector<8x16xf32> -> vector<8x1024xf32>
    %select_n3A_2464 = arith.select %ne3A_2450, %concatenate3A_2460, %concatenate3A_2463 : vector<8x1024xi1>, vector<8x1024xf32>
    %slice3A_2465 = vector.extract_strided_slice %select_n3A_2444 {offsets = [0, 1008], sizes = [8, 16], strides = [1, 1]} : vector<8x1024xi32> to vector<8x16xi32>
    %slice3A_2466 = vector.extract_strided_slice %select_n3A_2444 {offsets = [0, 0], sizes = [8, 1008], strides = [1, 1]} : vector<8x1024xi32> to vector<8x1008xi32>
    %concatenate3A_2467 = tpu.concatenate %slice3A_2465, %slice3A_2466 in 1 : vector<8x16xi32>, vector<8x1008xi32> -> vector<8x1024xi32>
    %slice3A_2468 = vector.extract_strided_slice %select_n3A_2444 {offsets = [0, 16], sizes = [8, 1008], strides = [1, 1]} : vector<8x1024xi32> to vector<8x1008xi32>
    %slice3A_2469 = vector.extract_strided_slice %select_n3A_2444 {offsets = [0, 0], sizes = [8, 16], strides = [1, 1]} : vector<8x1024xi32> to vector<8x16xi32>
    %concatenate3A_2470 = tpu.concatenate %slice3A_2468, %slice3A_2469 in 1 : vector<8x1008xi32>, vector<8x16xi32> -> vector<8x1024xi32>
    %select_n3A_2471 = arith.select %ne3A_2450, %concatenate3A_2467, %concatenate3A_2470 : vector<8x1024xi1>, vector<8x1024xi32>
    %gt3A_2472 = arith.cmpf ogt, %select_n3A_2457, %select_n3A_2442 : vector<8x1024xf32>
    %eq3A_2473 = arith.cmpf oeq, %select_n3A_2457, %select_n3A_2442 : vector<8x1024xf32>
    %lt3A_2474 = arith.cmpi slt, %select_n3A_2471, %select_n3A_2444 : vector<8x1024xi32>
    %and3A_2475 = arith.andi %eq3A_2473, %lt3A_2474 : vector<8x1024xi1>
    %or3A_2476 = arith.ori %gt3A_2472, %and3A_2475 : vector<8x1024xi1>
    %and3A_2477 = arith.constant 1024 : i32
    %and3A_2478 = vector.broadcast %and3A_2477 : i32 to vector<8x1024xi32>
    %and3A_2479 = arith.andi %iota3A, %and3A_2478 : vector<8x1024xi32>
    %eq3A_2480 = arith.constant 0 : i32
    %eq3A_2481 = vector.broadcast %eq3A_2480 : i32 to vector<8x1024xi32>
    %eq3A_2482 = arith.cmpi eq, %and3A_2479, %eq3A_2481 : vector<8x1024xi32>
    %not3A_2483 = arith.constant dense<true> : vector<8x1024xi1>
    %not3A_2484 = arith.xori %ne3A_2450, %not3A_2483 : vector<8x1024xi1>
    %eq3A_2485 = arith.xori %not3A_2484, %eq3A_2482 : vector<8x1024xi1>
    %eq3A_2486 = arith.constant dense<true> : vector<8x1024xi1>
    %eq3A_2487 = arith.xori %eq3A_2485, %eq3A_2486 : vector<8x1024xi1>
    %eq3A_2488 = arith.xori %eq3A_2487, %or3A_2476 : vector<8x1024xi1>
    %eq3A_2489 = arith.constant dense<true> : vector<8x1024xi1>
    %eq3A_2490 = arith.xori %eq3A_2488, %eq3A_2489 : vector<8x1024xi1>
    %select_n3A_2491 = arith.select %eq3A_2490, %select_n3A_2457, %select_n3A_2442 : vector<8x1024xi1>, vector<8x1024xf32>
    %select_n3A_2492 = arith.select %eq3A_2490, %select_n3A_2464, %select_n3A_2443 : vector<8x1024xi1>, vector<8x1024xf32>
    %select_n3A_2493 = arith.select %eq3A_2490, %select_n3A_2471, %select_n3A_2444 : vector<8x1024xi1>, vector<8x1024xi32>
    %and3A_2494 = arith.constant 8 : i32
    %and3A_2495 = vector.broadcast %and3A_2494 : i32 to vector<8x1024xi32>
    %and3A_2496 = arith.andi %iota3A, %and3A_2495 : vector<8x1024xi32>
    %ne3A_2497 = arith.constant 0 : i32
    %ne3A_2498 = vector.broadcast %ne3A_2497 : i32 to vector<8x1024xi32>
    %ne3A_2499 = arith.cmpi ne, %and3A_2496, %ne3A_2498 : vector<8x1024xi32>
    %slice3A_2500 = vector.extract_strided_slice %select_n3A_2491 {offsets = [0, 1016], sizes = [8, 8], strides = [1, 1]} : vector<8x1024xf32> to vector<8x8xf32>
    %slice3A_2501 = vector.extract_strided_slice %select_n3A_2491 {offsets = [0, 0], sizes = [8, 1016], strides = [1, 1]} : vector<8x1024xf32> to vector<8x1016xf32>
    %concatenate3A_2502 = tpu.concatenate %slice3A_2500, %slice3A_2501 in 1 : vector<8x8xf32>, vector<8x1016xf32> -> vector<8x1024xf32>
    %slice3A_2503 = vector.extract_strided_slice %select_n3A_2491 {offsets = [0, 8], sizes = [8, 1016], strides = [1, 1]} : vector<8x1024xf32> to vector<8x1016xf32>
    %slice3A_2504 = vector.extract_strided_slice %select_n3A_2491 {offsets = [0, 0], sizes = [8, 8], strides = [1, 1]} : vector<8x1024xf32> to vector<8x8xf32>
    %concatenate3A_2505 = tpu.concatenate %slice3A_2503, %slice3A_2504 in 1 : vector<8x1016xf32>, vector<8x8xf32> -> vector<8x1024xf32>
    %select_n3A_2506 = arith.select %ne3A_2499, %concatenate3A_2502, %concatenate3A_2505 : vector<8x1024xi1>, vector<8x1024xf32>
    %slice3A_2507 = vector.extract_strided_slice %select_n3A_2492 {offsets = [0, 1016], sizes = [8, 8], strides = [1, 1]} : vector<8x1024xf32> to vector<8x8xf32>
    %slice3A_2508 = vector.extract_strided_slice %select_n3A_2492 {offsets = [0, 0], sizes = [8, 1016], strides = [1, 1]} : vector<8x1024xf32> to vector<8x1016xf32>
    %concatenate3A_2509 = tpu.concatenate %slice3A_2507, %slice3A_2508 in 1 : vector<8x8xf32>, vector<8x1016xf32> -> vector<8x1024xf32>
    %slice3A_2510 = vector.extract_strided_slice %select_n3A_2492 {offsets = [0, 8], sizes = [8, 1016], strides = [1, 1]} : vector<8x1024xf32> to vector<8x1016xf32>
    %slice3A_2511 = vector.extract_strided_slice %select_n3A_2492 {offsets = [0, 0], sizes = [8, 8], strides = [1, 1]} : vector<8x1024xf32> to vector<8x8xf32>
    %concatenate3A_2512 = tpu.concatenate %slice3A_2510, %slice3A_2511 in 1 : vector<8x1016xf32>, vector<8x8xf32> -> vector<8x1024xf32>
    %select_n3A_2513 = arith.select %ne3A_2499, %concatenate3A_2509, %concatenate3A_2512 : vector<8x1024xi1>, vector<8x1024xf32>
    %slice3A_2514 = vector.extract_strided_slice %select_n3A_2493 {offsets = [0, 1016], sizes = [8, 8], strides = [1, 1]} : vector<8x1024xi32> to vector<8x8xi32>
    %slice3A_2515 = vector.extract_strided_slice %select_n3A_2493 {offsets = [0, 0], sizes = [8, 1016], strides = [1, 1]} : vector<8x1024xi32> to vector<8x1016xi32>
    %concatenate3A_2516 = tpu.concatenate %slice3A_2514, %slice3A_2515 in 1 : vector<8x8xi32>, vector<8x1016xi32> -> vector<8x1024xi32>
    %slice3A_2517 = vector.extract_strided_slice %select_n3A_2493 {offsets = [0, 8], sizes = [8, 1016], strides = [1, 1]} : vector<8x1024xi32> to vector<8x1016xi32>
    %slice3A_2518 = vector.extract_strided_slice %select_n3A_2493 {offsets = [0, 0], sizes = [8, 8], strides = [1, 1]} : vector<8x1024xi32> to vector<8x8xi32>
    %concatenate3A_2519 = tpu.concatenate %slice3A_2517, %slice3A_2518 in 1 : vector<8x1016xi32>, vector<8x8xi32> -> vector<8x1024xi32>
    %select_n3A_2520 = arith.select %ne3A_2499, %concatenate3A_2516, %concatenate3A_2519 : vector<8x1024xi1>, vector<8x1024xi32>
    %gt3A_2521 = arith.cmpf ogt, %select_n3A_2506, %select_n3A_2491 : vector<8x1024xf32>
    %eq3A_2522 = arith.cmpf oeq, %select_n3A_2506, %select_n3A_2491 : vector<8x1024xf32>
    %lt3A_2523 = arith.cmpi slt, %select_n3A_2520, %select_n3A_2493 : vector<8x1024xi32>
    %and3A_2524 = arith.andi %eq3A_2522, %lt3A_2523 : vector<8x1024xi1>
    %or3A_2525 = arith.ori %gt3A_2521, %and3A_2524 : vector<8x1024xi1>
    %and3A_2526 = arith.constant 1024 : i32
    %and3A_2527 = vector.broadcast %and3A_2526 : i32 to vector<8x1024xi32>
    %and3A_2528 = arith.andi %iota3A, %and3A_2527 : vector<8x1024xi32>
    %eq3A_2529 = arith.constant 0 : i32
    %eq3A_2530 = vector.broadcast %eq3A_2529 : i32 to vector<8x1024xi32>
    %eq3A_2531 = arith.cmpi eq, %and3A_2528, %eq3A_2530 : vector<8x1024xi32>
    %not3A_2532 = arith.constant dense<true> : vector<8x1024xi1>
    %not3A_2533 = arith.xori %ne3A_2499, %not3A_2532 : vector<8x1024xi1>
    %eq3A_2534 = arith.xori %not3A_2533, %eq3A_2531 : vector<8x1024xi1>
    %eq3A_2535 = arith.constant dense<true> : vector<8x1024xi1>
    %eq3A_2536 = arith.xori %eq3A_2534, %eq3A_2535 : vector<8x1024xi1>
    %eq3A_2537 = arith.xori %eq3A_2536, %or3A_2525 : vector<8x1024xi1>
    %eq3A_2538 = arith.constant dense<true> : vector<8x1024xi1>
    %eq3A_2539 = arith.xori %eq3A_2537, %eq3A_2538 : vector<8x1024xi1>
    %select_n3A_2540 = arith.select %eq3A_2539, %select_n3A_2506, %select_n3A_2491 : vector<8x1024xi1>, vector<8x1024xf32>
    %select_n3A_2541 = arith.select %eq3A_2539, %select_n3A_2513, %select_n3A_2492 : vector<8x1024xi1>, vector<8x1024xf32>
    %select_n3A_2542 = arith.select %eq3A_2539, %select_n3A_2520, %select_n3A_2493 : vector<8x1024xi1>, vector<8x1024xi32>
    %and3A_2543 = arith.constant 4 : i32
    %and3A_2544 = vector.broadcast %and3A_2543 : i32 to vector<8x1024xi32>
    %and3A_2545 = arith.andi %iota3A, %and3A_2544 : vector<8x1024xi32>
    %ne3A_2546 = arith.constant 0 : i32
    %ne3A_2547 = vector.broadcast %ne3A_2546 : i32 to vector<8x1024xi32>
    %ne3A_2548 = arith.cmpi ne, %and3A_2545, %ne3A_2547 : vector<8x1024xi32>
    %slice3A_2549 = vector.extract_strided_slice %select_n3A_2540 {offsets = [0, 1020], sizes = [8, 4], strides = [1, 1]} : vector<8x1024xf32> to vector<8x4xf32>
    %slice3A_2550 = vector.extract_strided_slice %select_n3A_2540 {offsets = [0, 0], sizes = [8, 1020], strides = [1, 1]} : vector<8x1024xf32> to vector<8x1020xf32>
    %concatenate3A_2551 = tpu.concatenate %slice3A_2549, %slice3A_2550 in 1 : vector<8x4xf32>, vector<8x1020xf32> -> vector<8x1024xf32>
    %slice3A_2552 = vector.extract_strided_slice %select_n3A_2540 {offsets = [0, 4], sizes = [8, 1020], strides = [1, 1]} : vector<8x1024xf32> to vector<8x1020xf32>
    %slice3A_2553 = vector.extract_strided_slice %select_n3A_2540 {offsets = [0, 0], sizes = [8, 4], strides = [1, 1]} : vector<8x1024xf32> to vector<8x4xf32>
    %concatenate3A_2554 = tpu.concatenate %slice3A_2552, %slice3A_2553 in 1 : vector<8x1020xf32>, vector<8x4xf32> -> vector<8x1024xf32>
    %select_n3A_2555 = arith.select %ne3A_2548, %concatenate3A_2551, %concatenate3A_2554 : vector<8x1024xi1>, vector<8x1024xf32>
    %slice3A_2556 = vector.extract_strided_slice %select_n3A_2541 {offsets = [0, 1020], sizes = [8, 4], strides = [1, 1]} : vector<8x1024xf32> to vector<8x4xf32>
    %slice3A_2557 = vector.extract_strided_slice %select_n3A_2541 {offsets = [0, 0], sizes = [8, 1020], strides = [1, 1]} : vector<8x1024xf32> to vector<8x1020xf32>
    %concatenate3A_2558 = tpu.concatenate %slice3A_2556, %slice3A_2557 in 1 : vector<8x4xf32>, vector<8x1020xf32> -> vector<8x1024xf32>
    %slice3A_2559 = vector.extract_strided_slice %select_n3A_2541 {offsets = [0, 4], sizes = [8, 1020], strides = [1, 1]} : vector<8x1024xf32> to vector<8x1020xf32>
    %slice3A_2560 = vector.extract_strided_slice %select_n3A_2541 {offsets = [0, 0], sizes = [8, 4], strides = [1, 1]} : vector<8x1024xf32> to vector<8x4xf32>
    %concatenate3A_2561 = tpu.concatenate %slice3A_2559, %slice3A_2560 in 1 : vector<8x1020xf32>, vector<8x4xf32> -> vector<8x1024xf32>
    %select_n3A_2562 = arith.select %ne3A_2548, %concatenate3A_2558, %concatenate3A_2561 : vector<8x1024xi1>, vector<8x1024xf32>
    %slice3A_2563 = vector.extract_strided_slice %select_n3A_2542 {offsets = [0, 1020], sizes = [8, 4], strides = [1, 1]} : vector<8x1024xi32> to vector<8x4xi32>
    %slice3A_2564 = vector.extract_strided_slice %select_n3A_2542 {offsets = [0, 0], sizes = [8, 1020], strides = [1, 1]} : vector<8x1024xi32> to vector<8x1020xi32>
    %concatenate3A_2565 = tpu.concatenate %slice3A_2563, %slice3A_2564 in 1 : vector<8x4xi32>, vector<8x1020xi32> -> vector<8x1024xi32>
    %slice3A_2566 = vector.extract_strided_slice %select_n3A_2542 {offsets = [0, 4], sizes = [8, 1020], strides = [1, 1]} : vector<8x1024xi32> to vector<8x1020xi32>
    %slice3A_2567 = vector.extract_strided_slice %select_n3A_2542 {offsets = [0, 0], sizes = [8, 4], strides = [1, 1]} : vector<8x1024xi32> to vector<8x4xi32>
    %concatenate3A_2568 = tpu.concatenate %slice3A_2566, %slice3A_2567 in 1 : vector<8x1020xi32>, vector<8x4xi32> -> vector<8x1024xi32>
    %select_n3A_2569 = arith.select %ne3A_2548, %concatenate3A_2565, %concatenate3A_2568 : vector<8x1024xi1>, vector<8x1024xi32>
    %gt3A_2570 = arith.cmpf ogt, %select_n3A_2555, %select_n3A_2540 : vector<8x1024xf32>
    %eq3A_2571 = arith.cmpf oeq, %select_n3A_2555, %select_n3A_2540 : vector<8x1024xf32>
    %lt3A_2572 = arith.cmpi slt, %select_n3A_2569, %select_n3A_2542 : vector<8x1024xi32>
    %and3A_2573 = arith.andi %eq3A_2571, %lt3A_2572 : vector<8x1024xi1>
    %or3A_2574 = arith.ori %gt3A_2570, %and3A_2573 : vector<8x1024xi1>
    %and3A_2575 = arith.constant 1024 : i32
    %and3A_2576 = vector.broadcast %and3A_2575 : i32 to vector<8x1024xi32>
    %and3A_2577 = arith.andi %iota3A, %and3A_2576 : vector<8x1024xi32>
    %eq3A_2578 = arith.constant 0 : i32
    %eq3A_2579 = vector.broadcast %eq3A_2578 : i32 to vector<8x1024xi32>
    %eq3A_2580 = arith.cmpi eq, %and3A_2577, %eq3A_2579 : vector<8x1024xi32>
    %not3A_2581 = arith.constant dense<true> : vector<8x1024xi1>
    %not3A_2582 = arith.xori %ne3A_2548, %not3A_2581 : vector<8x1024xi1>
    %eq3A_2583 = arith.xori %not3A_2582, %eq3A_2580 : vector<8x1024xi1>
    %eq3A_2584 = arith.constant dense<true> : vector<8x1024xi1>
    %eq3A_2585 = arith.xori %eq3A_2583, %eq3A_2584 : vector<8x1024xi1>
    %eq3A_2586 = arith.xori %eq3A_2585, %or3A_2574 : vector<8x1024xi1>
    %eq3A_2587 = arith.constant dense<true> : vector<8x1024xi1>
    %eq3A_2588 = arith.xori %eq3A_2586, %eq3A_2587 : vector<8x1024xi1>
    %select_n3A_2589 = arith.select %eq3A_2588, %select_n3A_2555, %select_n3A_2540 : vector<8x1024xi1>, vector<8x1024xf32>
    %select_n3A_2590 = arith.select %eq3A_2588, %select_n3A_2562, %select_n3A_2541 : vector<8x1024xi1>, vector<8x1024xf32>
    %select_n3A_2591 = arith.select %eq3A_2588, %select_n3A_2569, %select_n3A_2542 : vector<8x1024xi1>, vector<8x1024xi32>
    %and3A_2592 = arith.constant 2 : i32
    %and3A_2593 = vector.broadcast %and3A_2592 : i32 to vector<8x1024xi32>
    %and3A_2594 = arith.andi %iota3A, %and3A_2593 : vector<8x1024xi32>
    %ne3A_2595 = arith.constant 0 : i32
    %ne3A_2596 = vector.broadcast %ne3A_2595 : i32 to vector<8x1024xi32>
    %ne3A_2597 = arith.cmpi ne, %and3A_2594, %ne3A_2596 : vector<8x1024xi32>
    %slice3A_2598 = vector.extract_strided_slice %select_n3A_2589 {offsets = [0, 1022], sizes = [8, 2], strides = [1, 1]} : vector<8x1024xf32> to vector<8x2xf32>
    %slice3A_2599 = vector.extract_strided_slice %select_n3A_2589 {offsets = [0, 0], sizes = [8, 1022], strides = [1, 1]} : vector<8x1024xf32> to vector<8x1022xf32>
    %concatenate3A_2600 = tpu.concatenate %slice3A_2598, %slice3A_2599 in 1 : vector<8x2xf32>, vector<8x1022xf32> -> vector<8x1024xf32>
    %slice3A_2601 = vector.extract_strided_slice %select_n3A_2589 {offsets = [0, 2], sizes = [8, 1022], strides = [1, 1]} : vector<8x1024xf32> to vector<8x1022xf32>
    %slice3A_2602 = vector.extract_strided_slice %select_n3A_2589 {offsets = [0, 0], sizes = [8, 2], strides = [1, 1]} : vector<8x1024xf32> to vector<8x2xf32>
    %concatenate3A_2603 = tpu.concatenate %slice3A_2601, %slice3A_2602 in 1 : vector<8x1022xf32>, vector<8x2xf32> -> vector<8x1024xf32>
    %select_n3A_2604 = arith.select %ne3A_2597, %concatenate3A_2600, %concatenate3A_2603 : vector<8x1024xi1>, vector<8x1024xf32>
    %slice3A_2605 = vector.extract_strided_slice %select_n3A_2590 {offsets = [0, 1022], sizes = [8, 2], strides = [1, 1]} : vector<8x1024xf32> to vector<8x2xf32>
    %slice3A_2606 = vector.extract_strided_slice %select_n3A_2590 {offsets = [0, 0], sizes = [8, 1022], strides = [1, 1]} : vector<8x1024xf32> to vector<8x1022xf32>
    %concatenate3A_2607 = tpu.concatenate %slice3A_2605, %slice3A_2606 in 1 : vector<8x2xf32>, vector<8x1022xf32> -> vector<8x1024xf32>
    %slice3A_2608 = vector.extract_strided_slice %select_n3A_2590 {offsets = [0, 2], sizes = [8, 1022], strides = [1, 1]} : vector<8x1024xf32> to vector<8x1022xf32>
    %slice3A_2609 = vector.extract_strided_slice %select_n3A_2590 {offsets = [0, 0], sizes = [8, 2], strides = [1, 1]} : vector<8x1024xf32> to vector<8x2xf32>
    %concatenate3A_2610 = tpu.concatenate %slice3A_2608, %slice3A_2609 in 1 : vector<8x1022xf32>, vector<8x2xf32> -> vector<8x1024xf32>
    %select_n3A_2611 = arith.select %ne3A_2597, %concatenate3A_2607, %concatenate3A_2610 : vector<8x1024xi1>, vector<8x1024xf32>
    %slice3A_2612 = vector.extract_strided_slice %select_n3A_2591 {offsets = [0, 1022], sizes = [8, 2], strides = [1, 1]} : vector<8x1024xi32> to vector<8x2xi32>
    %slice3A_2613 = vector.extract_strided_slice %select_n3A_2591 {offsets = [0, 0], sizes = [8, 1022], strides = [1, 1]} : vector<8x1024xi32> to vector<8x1022xi32>
    %concatenate3A_2614 = tpu.concatenate %slice3A_2612, %slice3A_2613 in 1 : vector<8x2xi32>, vector<8x1022xi32> -> vector<8x1024xi32>
    %slice3A_2615 = vector.extract_strided_slice %select_n3A_2591 {offsets = [0, 2], sizes = [8, 1022], strides = [1, 1]} : vector<8x1024xi32> to vector<8x1022xi32>
    %slice3A_2616 = vector.extract_strided_slice %select_n3A_2591 {offsets = [0, 0], sizes = [8, 2], strides = [1, 1]} : vector<8x1024xi32> to vector<8x2xi32>
    %concatenate3A_2617 = tpu.concatenate %slice3A_2615, %slice3A_2616 in 1 : vector<8x1022xi32>, vector<8x2xi32> -> vector<8x1024xi32>
    %select_n3A_2618 = arith.select %ne3A_2597, %concatenate3A_2614, %concatenate3A_2617 : vector<8x1024xi1>, vector<8x1024xi32>
    %gt3A_2619 = arith.cmpf ogt, %select_n3A_2604, %select_n3A_2589 : vector<8x1024xf32>
    %eq3A_2620 = arith.cmpf oeq, %select_n3A_2604, %select_n3A_2589 : vector<8x1024xf32>
    %lt3A_2621 = arith.cmpi slt, %select_n3A_2618, %select_n3A_2591 : vector<8x1024xi32>
    %and3A_2622 = arith.andi %eq3A_2620, %lt3A_2621 : vector<8x1024xi1>
    %or3A_2623 = arith.ori %gt3A_2619, %and3A_2622 : vector<8x1024xi1>
    %and3A_2624 = arith.constant 1024 : i32
    %and3A_2625 = vector.broadcast %and3A_2624 : i32 to vector<8x1024xi32>
    %and3A_2626 = arith.andi %iota3A, %and3A_2625 : vector<8x1024xi32>
    %eq3A_2627 = arith.constant 0 : i32
    %eq3A_2628 = vector.broadcast %eq3A_2627 : i32 to vector<8x1024xi32>
    %eq3A_2629 = arith.cmpi eq, %and3A_2626, %eq3A_2628 : vector<8x1024xi32>
    %not3A_2630 = arith.constant dense<true> : vector<8x1024xi1>
    %not3A_2631 = arith.xori %ne3A_2597, %not3A_2630 : vector<8x1024xi1>
    %eq3A_2632 = arith.xori %not3A_2631, %eq3A_2629 : vector<8x1024xi1>
    %eq3A_2633 = arith.constant dense<true> : vector<8x1024xi1>
    %eq3A_2634 = arith.xori %eq3A_2632, %eq3A_2633 : vector<8x1024xi1>
    %eq3A_2635 = arith.xori %eq3A_2634, %or3A_2623 : vector<8x1024xi1>
    %eq3A_2636 = arith.constant dense<true> : vector<8x1024xi1>
    %eq3A_2637 = arith.xori %eq3A_2635, %eq3A_2636 : vector<8x1024xi1>
    %select_n3A_2638 = arith.select %eq3A_2637, %select_n3A_2604, %select_n3A_2589 : vector<8x1024xi1>, vector<8x1024xf32>
    %select_n3A_2639 = arith.select %eq3A_2637, %select_n3A_2611, %select_n3A_2590 : vector<8x1024xi1>, vector<8x1024xf32>
    %select_n3A_2640 = arith.select %eq3A_2637, %select_n3A_2618, %select_n3A_2591 : vector<8x1024xi1>, vector<8x1024xi32>
    %and3A_2641 = arith.constant 1 : i32
    %and3A_2642 = vector.broadcast %and3A_2641 : i32 to vector<8x1024xi32>
    %and3A_2643 = arith.andi %iota3A, %and3A_2642 : vector<8x1024xi32>
    %ne3A_2644 = arith.constant 0 : i32
    %ne3A_2645 = vector.broadcast %ne3A_2644 : i32 to vector<8x1024xi32>
    %ne3A_2646 = arith.cmpi ne, %and3A_2643, %ne3A_2645 : vector<8x1024xi32>
    %slice3A_2647 = vector.extract_strided_slice %select_n3A_2638 {offsets = [0, 1023], sizes = [8, 1], strides = [1, 1]} : vector<8x1024xf32> to vector<8x1xf32>
    %slice3A_2648 = vector.extract_strided_slice %select_n3A_2638 {offsets = [0, 0], sizes = [8, 1023], strides = [1, 1]} : vector<8x1024xf32> to vector<8x1023xf32>
    %concatenate3A_2649 = tpu.concatenate %slice3A_2647, %slice3A_2648 in 1 : vector<8x1xf32>, vector<8x1023xf32> -> vector<8x1024xf32>
    %slice3A_2650 = vector.extract_strided_slice %select_n3A_2638 {offsets = [0, 1], sizes = [8, 1023], strides = [1, 1]} : vector<8x1024xf32> to vector<8x1023xf32>
    %slice3A_2651 = vector.extract_strided_slice %select_n3A_2638 {offsets = [0, 0], sizes = [8, 1], strides = [1, 1]} : vector<8x1024xf32> to vector<8x1xf32>
    %concatenate3A_2652 = tpu.concatenate %slice3A_2650, %slice3A_2651 in 1 : vector<8x1023xf32>, vector<8x1xf32> -> vector<8x1024xf32>
    %select_n3A_2653 = arith.select %ne3A_2646, %concatenate3A_2649, %concatenate3A_2652 : vector<8x1024xi1>, vector<8x1024xf32>
    %slice3A_2654 = vector.extract_strided_slice %select_n3A_2639 {offsets = [0, 1023], sizes = [8, 1], strides = [1, 1]} : vector<8x1024xf32> to vector<8x1xf32>
    %slice3A_2655 = vector.extract_strided_slice %select_n3A_2639 {offsets = [0, 0], sizes = [8, 1023], strides = [1, 1]} : vector<8x1024xf32> to vector<8x1023xf32>
    %concatenate3A_2656 = tpu.concatenate %slice3A_2654, %slice3A_2655 in 1 : vector<8x1xf32>, vector<8x1023xf32> -> vector<8x1024xf32>
    %slice3A_2657 = vector.extract_strided_slice %select_n3A_2639 {offsets = [0, 1], sizes = [8, 1023], strides = [1, 1]} : vector<8x1024xf32> to vector<8x1023xf32>
    %slice3A_2658 = vector.extract_strided_slice %select_n3A_2639 {offsets = [0, 0], sizes = [8, 1], strides = [1, 1]} : vector<8x1024xf32> to vector<8x1xf32>
    %concatenate3A_2659 = tpu.concatenate %slice3A_2657, %slice3A_2658 in 1 : vector<8x1023xf32>, vector<8x1xf32> -> vector<8x1024xf32>
    %select_n3A_2660 = arith.select %ne3A_2646, %concatenate3A_2656, %concatenate3A_2659 : vector<8x1024xi1>, vector<8x1024xf32>
    %slice3A_2661 = vector.extract_strided_slice %select_n3A_2640 {offsets = [0, 1023], sizes = [8, 1], strides = [1, 1]} : vector<8x1024xi32> to vector<8x1xi32>
    %slice3A_2662 = vector.extract_strided_slice %select_n3A_2640 {offsets = [0, 0], sizes = [8, 1023], strides = [1, 1]} : vector<8x1024xi32> to vector<8x1023xi32>
    %concatenate3A_2663 = tpu.concatenate %slice3A_2661, %slice3A_2662 in 1 : vector<8x1xi32>, vector<8x1023xi32> -> vector<8x1024xi32>
    %slice3A_2664 = vector.extract_strided_slice %select_n3A_2640 {offsets = [0, 1], sizes = [8, 1023], strides = [1, 1]} : vector<8x1024xi32> to vector<8x1023xi32>
    %slice3A_2665 = vector.extract_strided_slice %select_n3A_2640 {offsets = [0, 0], sizes = [8, 1], strides = [1, 1]} : vector<8x1024xi32> to vector<8x1xi32>
    %concatenate3A_2666 = tpu.concatenate %slice3A_2664, %slice3A_2665 in 1 : vector<8x1023xi32>, vector<8x1xi32> -> vector<8x1024xi32>
    %select_n3A_2667 = arith.select %ne3A_2646, %concatenate3A_2663, %concatenate3A_2666 : vector<8x1024xi1>, vector<8x1024xi32>
    %gt3A_2668 = arith.cmpf ogt, %select_n3A_2653, %select_n3A_2638 : vector<8x1024xf32>
    %eq3A_2669 = arith.cmpf oeq, %select_n3A_2653, %select_n3A_2638 : vector<8x1024xf32>
    %lt3A_2670 = arith.cmpi slt, %select_n3A_2667, %select_n3A_2640 : vector<8x1024xi32>
    %and3A_2671 = arith.andi %eq3A_2669, %lt3A_2670 : vector<8x1024xi1>
    %or3A_2672 = arith.ori %gt3A_2668, %and3A_2671 : vector<8x1024xi1>
    %and3A_2673 = arith.constant 1024 : i32
    %and3A_2674 = vector.broadcast %and3A_2673 : i32 to vector<8x1024xi32>
    %and3A_2675 = arith.andi %iota3A, %and3A_2674 : vector<8x1024xi32>
    %eq3A_2676 = arith.constant 0 : i32
    %eq3A_2677 = vector.broadcast %eq3A_2676 : i32 to vector<8x1024xi32>
    %eq3A_2678 = arith.cmpi eq, %and3A_2675, %eq3A_2677 : vector<8x1024xi32>
    %not3A_2679 = arith.constant dense<true> : vector<8x1024xi1>
    %not3A_2680 = arith.xori %ne3A_2646, %not3A_2679 : vector<8x1024xi1>
    %eq3A_2681 = arith.xori %not3A_2680, %eq3A_2678 : vector<8x1024xi1>
    %eq3A_2682 = arith.constant dense<true> : vector<8x1024xi1>
    %eq3A_2683 = arith.xori %eq3A_2681, %eq3A_2682 : vector<8x1024xi1>
    %eq3A_2684 = arith.xori %eq3A_2683, %or3A_2672 : vector<8x1024xi1>
    %eq3A_2685 = arith.constant dense<true> : vector<8x1024xi1>
    %eq3A_2686 = arith.xori %eq3A_2684, %eq3A_2685 : vector<8x1024xi1>
    %select_n3A_2687 = arith.select %eq3A_2686, %select_n3A_2660, %select_n3A_2639 : vector<8x1024xi1>, vector<8x1024xf32>
    %swap3A = arith.constant 0 : index
    %swap3A_2688 = arith.constant 0 : index
    %swap3A_2689 = vector.load %arg2[%swap3A, %swap3A_2688] : memref<8x1024xf32, #tpu.memory_space<vmem>>, vector<8x1024xf32>
    tpu.vector_store %arg2[%swap3A, %swap3A_2688], %select_n3A_2687 {strides = array<i32>} : memref<8x1024xf32, #tpu.memory_space<vmem>>, vector<8x1024xf32>,
    return
  }
}

</mosaic_0001>

<sc_bundles>
// kernel: kernel.5.cloned.1.call-start
scs
__scs_entry_jumppad:
0x0: {  	(pc) =	sbr.rel $0x88, $3  }
0x1: {  	(tag) =	ssettag $0x0;
	lr =	simm.s32 $0x1  }
0x2: {  	[smem:$0x3F9E] =	sst lr;
	_ =	strace $0xD0000000  }
0x3: {  	_ = 	snop  }
0x4: {  	_ = 	snop  }
0x5: {  	_ = 	snop  }
0x6: {  	_ = 	snop  }
0x7: {  	_ = 	snop  }
__scs_overlays_trampoline_lowered:
0x8: {  	[smem:$0x3FAD] =	sst s0  }
0x9: {  	[smem:$0x3FAE] =	sst s1  }
0xa: {  	[smem:$0x3FAF] =	sst s2  }
0xb: {  	[smem:$0x3FB0] =	sst s3  }
0xc: {  	[smem:$0x3FB1] =	sst s4  }
0xd: {  	[smem:$0x3FB2] =	sst s5  }
0xe: {  	[smem:$0x3FB3] =	sst s6  }
0xf: {  	[smem:$0x3FB4] =	sst s7  }
0x10: {  	[smem:$0x3FB5] =	sst s8  }
0x11: {  	[smem:$0x3FB6] =	sst s9;
	s0 =	simm.s32 @!p0 $0x0  }
0x12: {  	s1 =	sld [smem:$0x3F9C];
	s0 =	simm.s32 @p0 $0x1  }
0x13: {  	[smem:$0x3FB7] =	sst s0;
	s0 =	simm.s32 @!p1 $0x0  }
0x14: {  	s2 =	sld [smem:$0x3F9B];
	s0 =	simm.s32 @p1 $0x1  }
0x15: {  	[smem:$0x3FB8] =	sst s0;
	s0 =	simm.s32 @!p2 $0x0  }
0x16: {  	s3 =	sld [smem:$0x3FDB];
	s0 =	simm.s32 @p2 $0x1  }
0x17: {  	s4 =	simm.s32 $0x1BF5;
	[smem:$0x3FBA] =	sst s0  }
0x18: {  	s0 =	sld [smem:$0x3F9D];
	_ =	swait.ge [sflag:s4], $0x0  }
0x19: {  	s7 =	sld [smem:$0x3F9E]  }
0x1a: {  	s8 =	sadd.s32 $0xFFFFE003, lr  }
0x1b: {  	s9 =	sadd.s32 $0xFFFFFEF7, lr;
	s5 =	simm.s32 $0xFFFFFFFF;
	p2 =	slt.u32 s8, $0xFFFFF086  }
0x1c: {  	p1 =	slt.u32 s9, $0xF7A;
	s5 =	simm.s32 @!p2 $0x0  }
0x1d: {  	s5 =	simm.s32 @p1 $0x1;
	p0 =	seq.s32 s7, s2  }
0x1e: {  	s7 =	smul.u32 @!p0 $0xF7A, s2;
	p2 =	seq.s32 @!p0 s5, $0x0  }
0x1f: {  	s9 =	smul.u32 $0xF7A, s1;
	s8 =	simm.s32 @!p0 $0x1BF5;
	p2 =	por !p2, p0  }
0x20: {  	[sflag:s8] =	ssyncset.s32 @!p0 $0xFFFFF086;
	s6 =	sadd.s32 @!p0 s3, s7;
	s7 =	simm.s32 @!p0 $0x108  }
0x21: {  	s3 =	sadd.s32 s3, s9;
	s6 =	sadd.s32 @!p0 $0x88, s6;
	s7 =	simm.s32 @p2 $0x1082  }
0x22: {  	[simem:s7], [sflag:s8] =	dma.local @!p0 [hbm:s6], $0xF7A  }
0x23: {  	s9 =	sor.u32 $0xD0000000, s2;
	s6 =	simm.s32 $0x108;
	_ =	swait.ge @!p0 [sflag:s8], $0x0  }
0x24: {  	s3 =	sadd.s32 $0x88, s3;
	s6 =	simm.s32 @!p1 $0x1082;
	[sflag:s4] =	ssyncset.s32 $0xFFFFF086  }
0x25: {  	[simem:s6], [sflag:s4] =	dma.local [hbm:s3], $0xF7A  }
0x26: {  	[smem:$0x3F9E] =	sst s1;
	(tag) =	ssettag s2;
	_ =	strace s9  }
0x27: {  	s1 =	sld [smem:$0x3FAE]  }
0x28: {  	s2 =	sld [smem:$0x3FAF]  }
0x29: {  	s4 =	sld [smem:$0x3FB1]  }
0x2a: {  	p0 =	seq.s32 s5, $0x0;
	s5 =	sld [smem:$0x3FB2]  }
0x2b: {  	s6 =	sld [smem:$0x3FB3]  }
0x2c: {  	s7 =	sld [smem:$0x3FB4]  }
0x2d: {  	s3 =	simm.s32 $0x108;
	s8 =	sld [smem:$0x3FB5]  }
0x2e: {  	s3 =	simm.s32 @!p0 $0x1082;
	s9 =	sld [smem:$0x3FB6]  }
0x2f: {  	lr =	sadd.s32 s0, s3;
	s0 =	sld [smem:$0x3FAD]  }
0x30: {  	s3 =	sld [smem:$0x3FB0]  }
0x31: {  	[smem:$0x3FB9] =	sst s10  }
0x32: {  	s10 =	sld [smem:$0x3FB7];
	_ =	sdelay $0x3  }
0x33: {  	p0 =	seq.s32 s10, $0x1;
	s10 =	sld [smem:$0x3FB9];
	_ =	sdelay $0x3  }
0x34: {  	[smem:$0x3FB9] =	sst s10  }
0x35: {  	s10 =	sld [smem:$0x3FB8];
	_ =	sdelay $0x3  }
0x36: {  	p1 =	seq.s32 s10, $0x1;
	s10 =	sld [smem:$0x3FB9];
	_ =	sdelay $0x3  }
0x37: {  	[smem:$0x3FB9] =	sst s10  }
0x38: {  	s10 =	sld [smem:$0x3FBA]  }
0x39: {  	_ = 	snop;
	(pc) =	sbr.ind lr, $3  }
0x3a: {  	_ = 	snop  }
0x3b: {  	_ = 	snop  }
0x3c: {  	p2 =	seq.s32 s10, $0x1;
	s10 =	sld [smem:$0x3FB9]  }
0x3d: {  	_ =	shalt  }
0x3e: {  	_ =	shalt  }
0x3f: {  	_ =	shalt  }
0x40: {  	_ =	shalt  }
0x41: {  	_ =	shalt  }
0x42: {  	_ =	shalt  }
0x43: {  	_ =	shalt  }
0x44: {  	_ =	shalt  }
0x45: {  	_ =	shalt  }
0x46: {  	_ =	shalt  }
0x47: {  	_ =	shalt  }
0x48: {  	_ =	shalt  }
0x49: {  	_ =	shalt  }
0x4a: {  	_ =	shalt  }
0x4b: {  	_ =	shalt  }
0x4c: {  	_ =	shalt  }
0x4d: {  	_ =	shalt  }
0x4e: {  	_ =	shalt  }
0x4f: {  	_ =	shalt  }
0x50: {  	_ =	shalt  }
0x51: {  	_ =	shalt  }
0x52: {  	_ =	shalt  }
0x53: {  	_ =	shalt  }
0x54: {  	_ =	shalt  }
0x55: {  	_ =	shalt  }
0x56: {  	_ =	shalt  }
0x57: {  	_ =	shalt  }
0x58: {  	_ =	shalt  }
0x59: {  	_ =	shalt  }
0x5a: {  	_ =	shalt  }
0x5b: {  	_ =	shalt  }
0x5c: {  	_ =	shalt  }
0x5d: {  	_ =	shalt  }
0x5e: {  	_ =	shalt  }
0x5f: {  	_ =	shalt  }
0x60: {  	_ =	shalt  }
0x61: {  	_ =	shalt  }
0x62: {  	_ =	shalt  }
0x63: {  	_ =	shalt  }
0x64: {  	_ =	shalt  }
0x65: {  	_ =	shalt  }
0x66: {  	_ =	shalt  }
0x67: {  	_ =	shalt  }
0x68: {  	_ =	shalt  }
0x69: {  	_ =	shalt  }
0x6a: {  	_ =	shalt  }
0x6b: {  	_ =	shalt  }
0x6c: {  	_ =	shalt  }
0x6d: {  	_ =	shalt  }
0x6e: {  	_ =	shalt  }
0x6f: {  	_ =	shalt  }
0x70: {  	_ =	shalt  }
0x71: {  	_ =	shalt  }
0x72: {  	_ =	shalt  }
0x73: {  	_ =	shalt  }
0x74: {  	_ =	shalt  }
0x75: {  	_ =	shalt  }
0x76: {  	_ =	shalt  }
0x77: {  	_ =	shalt  }
0x78: {  	_ =	shalt  }
0x79: {  	_ =	shalt  }
0x7a: {  	_ =	shalt  }
0x7b: {  	_ =	shalt  }
0x7c: {  	_ =	shalt  }
0x7d: {  	_ =	shalt  }
0x7e: {  	_ =	shalt  }
0x7f: {  	_ =	shalt  }
0x80: {  	_ =	shalt  }
0x81: {  	_ =	shalt  }
0x82: {  	_ =	shalt  }
0x83: {  	_ =	shalt  }
0x84: {  	_ =	shalt  }
0x85: {  	_ =	shalt  }
0x86: {  	_ =	shalt  }
0x87: {  	_ =	shalt  }
.Lfunc_end0:
.L_simem_size_0:
called_computation_lowered:
.L_overlay_start_0:
0x88: {  	s2 =	sld [smem:$0x3FD9]  }
0x89: {  	s3 =	sld [smem:$0x3FFE];
	_ =	sdelay $0x1  }
0x8a: {  	s1 =	srdreg.scid  }
0x8b: {  	s0 =	sand.u32 $0x1, s1  }
0x8c: {  	s17 =	sshll.u32 s0, $0xA;
	s2 =	sadd.s32 s3, s2  }
0x8d: {  	s2 =	sadd.s32 s2, s17  }
0x8e: {  	[smem:$0x3FC5] =	sst s2  }
0x8f: {  	_ = 	snop  }
0x90: {  	s2 =	sld [smem:$0x3FC9]  }
0x91: {  	s18 =	sld [smem:$0x3FD0];
	(tm) =	ssettm $0x1  }
0x92: {  	s4 =	sld [smem:$0x3FFB];
	_ =	sdelay $0x3  }
0x93: {  	_ =	strace s4  }
0x94: {  	s4 =	sld [smem:$0x3FFC];
	_ =	sdelay $0x3  }
0x95: {  	_ =	strace s4  }
0x96: {  	s4 =	sld [smem:$0x3FFD];
	_ =	sdelay $0x3  }
0x97: {  	_ =	strace s4  }
0x98: {  	_ =	strace $0x8FFFFFFF  }
0x99: {  	s19 =	sld [smem:$0x3FDB];
	_ =	sdelay $0x1  }
0x9a: {  	s5 =	simm.s32 $_scs_section_size  }
0x9b: {  	s6 =	simm.s32 $_size__tile_overlayer_lowered;
	s7 =	simm.s32 $_tile_overlayer_lowered  }
0x9c: {  	s22 =	simm.s32 $0x1BFF;
	s21 =	sshll.u32 s7, $0x1;
	s4 =	sadd.s32 s5, s19  }
0x9d: {  	s8 =	simm.s32 $0x0;
	s20 =	sshll.u32 s6, $0x1;
	s6 =	sadd.s32 s21, s4  }
0x9e: {  	[timem:s8], [sflag:s22] =	dma.local [hbm:s6], s20  }
0x9f: {  	_ =	swait.ge [sflag:s22], s20  }
0xa0: {  	s5 =	ssub.s32 $0x0, s20;
	[sflag:s22] =	ssyncset.done $0x0  }
0xa1: {  	[sflag:s22] =	ssyncadd.s32 s5;
	_ =	sdelay $0x1  }
0xa2: {  	s23 =	simm.s32 $0x1B8B  }
0xa3: {  	_ =	swait.ge [sflag:s23], $0x1  }
0xa4: {  	[sflag:s23] =	ssyncset.done $0x0  }
0xa5: {  	s25 =	simm.s32 $0x1B8E;
	s24 =	sld [smem:$0x3FFE];
	[sflag:s23] =	ssyncadd.s32 $0xFFFFFFFF  }
0xa6: {  	s26 =	simm.s32 $execute0_lowered;
	[smem:$0x3FD2] =	sst s25  }
0xa7: {  	s6 =	sshll.u32 s26, $0x1;
	_ =	strace $0x80000046;
	[dreg:$0x1] =	wrdreg $0xFFFFFFFF  }
0xa8: {  	s28 =	simm.s32 $_size_execute0_lowered;
	s4 =	sadd.s32 s4, s6;
	[dreg:$0x0] =	wrdreg $0x0  }
0xa9: {  	s6 =	sshll.u32 s28, $0x1;
	[dreg:$0x2] =	wrdreg s4  }
0xaa: {  	[dreg:$0x3] =	wrdreg s6  }
0xab: {  	[dreg:$0x4] =	wrdreg $0xC0  }
0xac: {  	_ =	task [dreg:s8], $0x5FFFF  }
0xad: {  	[dreg:$0x1] =	wrdreg $0xFFFFFFFF  }
0xae: {  	[dreg:$0x0] =	wrdreg $0x60  }
0xaf: {  	[dreg:$0x2] =	wrdreg s24  }
0xb0: {  	[dreg:$0x3] =	wrdreg s2  }
0xb1: {  	[dreg:$0x4] =	wrdreg s18  }
0xb2: {  	[dreg:$0x5] =	wrdreg $0x9  }
0xb3: {  	_ =	task.clear_ibuf [dreg:s8], $0x6FFFF;
	_ =	strace $0x90000046  }
0xb4: {  	s29 =	simm.s32 $0x9;
	_ =	strace $0x80000048  }
0xb5: {  	_ =	swait.ge [sflag:s29], $0x1  }
0xb6: {  	[sflag:s29] =	ssyncadd.s32 $0xFFFFFFFF  }
0xb7: {  	_ =	strace $0x90000048  }
0xb8: {  	_ =	sfence  }
0xb9: {  	s30 =	sld [smem:$0x0];
	_ =	sdelay $0x2  }
0xba: {  	s31 =	sshll.u32 s1, $0xD;
	s1 =	sshrl.u32 s1, $0x2  }
0xbb: {  	s3 =	sand.u32 $0x4000, s31;
	s1 =	sadd.s32 s1, s30  }
0xbc: {  	s0 =	sor.u32 s3, s0;
	s1 =	sshll.u32 s1, $0x11  }
0xbd: {  	s0 =	sor.u32 s1, s0  }
0xbe: {  	s0 =	sadd.s32 $0x8F2B, s0  }
0xbf: {  	[sflag:s0] =	ssyncadd.remote.s32 $0x1  }
0xc0: {  	_ =	sfence.sel $0xFFFF  }
0xc1: {  	[dreg:$0x0] =	wrdreg $0xFFFFFFFF;
	(pc) =	sbr.abs _section_cstart, $3  }
0xc2: {  	[dreg:$0x1] =	wrdreg $0xFFFFFFFF  }
0xc3: {  	_ =	task.clear_ibuf [dreg:s8], $0x2FFFF;
	_ =	strace $0x9FFFFFFF  }
0xc4: {  	(tm) =	ssettm $0x7FFFFFFF  }
0xc5: {  	_ =	shalt  }
tec
execute0_lowered:
.L_overlay_start_1:
0x0: {  	(tag) =	ssettag $0x1  }
0x1: {  	s0 =	stileid.u32  }
0x2: {  	p0 =	sgt.u32 s0, $0x3  }
.Ltmp0:
0x3: {  	_ = 	snop;
	(pc) =	sbr.rel @p0 .LBB2_62-.Ltmp0, $4  }
0x4: {  	s5 =	rddreg [dreg:$0x0]  }
0x5: {  	s3 =	rddreg [dreg:$0x1];
	s2 =	simm.s32 $0x0  }
0x6: {  	[smem:$0x7FF] =	sst s2  }
0x7: {  	s4 =	rddreg [dreg:$0x2];
	_ =	strace $0x80000047  }
0x8: {  	s6 =	srdreg.scid  }
0x9: {  	s0 =	stileid.u32;
	s30 =	sadd.s32 $0x1200, s5;
	s10 =	simm.s32 $0x1  }
0xa: {  	s11 =	simm.s32 $0x2000;
	s12 =	simm.s32 $0x4000;
	s13 =	simm.s32 $0x10200  }
0xb: {  	s14 =	simm.s32 $0x10680;
	s6 =	sand.u32 $0x1, s6;
	s7 =	sshll.u32 s0, $0x5  }
.Ltmp1:
0xc: {  	s8 =	sshll.u32 s6, $0x4;
	s6 =	ssub.s32 $0x2, s6;
	(pc) =	sbr.rel .LBB2_2-.Ltmp1, $4  }
0xd: {  	s15 =	simm.s32 $0x0;
	s7 =	sor.u32 s8, s7;
	s9 =	sshrl.u32 s6, $0x1  }
0xe: {  	s8 =	simm.s32 $0x80;
	s31 =	sadd.s32 s7, s5;
	s3 =	sadd.s32 s3, s7  }
0xf: {  	s4 =	sadd.s32 s4, s7;
	s9 =	ssub.s32 s6, s9;
	s6 =	sadd.s32 s30, s7  }
0x10: {  	v0 =	vimm.s32 $0x0;
	v1 =	vlaneseq.u32;
	s5 =	sadd.s32 $0x3200, s31;
	s7 =	smax.u32 s9, $0x1;
	s9 =	simm.s32 $0x400  }
.LBB2_47:
0x11: {  	s22 =	simm.s32 $0x0  }
0x12: {  	s21 =	simm.s32 $0x0;
	s18 =	simm.s32 $0xE180;
	s20 =	smov.u32 s16  }
.LBB2_60:
0x13: {  	s0 =	sadd.s32 @p0 $0x10, s22;
	s1 =	simm.s32 $0x0  }
0x14: {  	s1 =	smov.u32 @p0 s0  }
0x15: {  	v6 =	vand.u32 $0x3FF, v5;
	v7 =	vor.u32 s1, v1  }
0x16: {  	vm1 =	veq.s32 v6, v3;
	vm0 =	vlt.s32 v7, v2  }
0x17: {  	vm1 =	vmand vm0, vm1  }
0x18: {  	v2 =	vsel vm1, $0x1, v0  }
0x19: {  	(xrf0) =	vadd.scan.msk.s32 $0xffff, v2;
	_ =	sdelay $0x3  }
0x1a: {  	s0 =	spop @p0 (v2sf)  }
0x1b: {  	s0 =	sadd.s32 @p0 s21, s0  }
0x1c: {  	s19 =	smov.u32 @p0 s0;
	v2, _, _ =	vpop (xrf0)  }
0x1d: {  	v63 =	vadd.s32 s19, v2  }
0x1e: {  	vm2 =	vgt.s32 v6, v3;
	vm3 =	vle.s32 v63, v4  }
0x1f: {  	vm0 =	vmand vm0, vm2;
	vm1 =	vmand vm1, vm3  }
0x20: {  	vm0 =	vmor vm0, vm1  }
0x21: {  	v3 =	vmpcnt.ones.xlane vm0  }
0x22: {  	(v2sf) =	vpush v2, $0xF  }
0x23: {  	(v2sf) =	vpush v3, $0x0;
	_ =	sdelay $0x7  }
0x24: {  	s0 =	sadd.s32 @p0 $0x10, s18  }
0x25: {  	s17 =	smov.u32 @p0 s0  }
0x26: {  	v2 =	vld [tilespmem:s17+$0x0]  }
0x27: {  	s0 =	spop @p0 (v2sf)  }
0x28: {  	s0 =	sadd.s32 @p0 s20, s0  }
0x29: {  	s16 =	smov.u32 @p0 s0  }
0x2a: {  	[tilespmem:s16+$0x10200] =	vst.msk vm0, v5;
	s30 =	spop (v2sf)  }
0x2b: {  	[tilespmem:s16+$0x10680] =	vst.msk vm0, v2;
	s31 =	spop (v2sf)  }
.LBB2_61:
0x2c: {  	[hbm4b:s4+s8] =	stream.strided.scatter [tilespmem:s13], [sflag:$0x1], $0x400, s9, s8, $0x38;
	[tilespmem:$0x10B00] =	vst v63  }
0x2d: {  	s15 =	sadd.s32 $0x1, s15;
	_ =	swait.ge [sflag:s10], $0x400  }
0x2e: {  	p0 =	sne.s32 s15, s7;
	[sflag:s10] =	ssyncset.done $0x0  }
.Ltmp2:
0x2f: {  	[sflag:s10] =	ssyncadd.s32 $0xFFFFFC00;
	(pc) =	sbr.rel @!p0 .LBB2_62-.Ltmp2, $4  }
0x30: {  	[hbm4b:s5+s8] =	stream.strided.scatter [tilespmem:s14], [sflag:$0x1], $0x400, s9, s8, $0x38;
	[tilespmem:$0x10B00] =	vst v63  }
0x31: {  	_ =	swait.ge [sflag:s10], $0x400  }
0x32: {  	[sflag:s10] =	ssyncset.done $0x0  }
0x33: {  	[sflag:s10] =	ssyncadd.s32 $0xFFFFFC00  }
.LBB2_2:
0x34: {  	[tilespmem:s2], [sflag:$0x1] =	stream.strided.gather [hbm4b:s6+s8], $0x2000, s9, s8, $0x38;
	[tilespmem:$0x10B00] =	vst v63  }
0x35: {  	_ =	swait.ge [sflag:s10], $0x2000  }
0x36: {  	[sflag:s10] =	ssyncset.done $0x0  }
0x37: {  	[sflag:s10] =	ssyncadd.s32 $0xFFFFE000  }
0x38: {  	[tilespmem:s11], [sflag:$0x1] =	stream.strided.gather [hbm4b:s3+s8], $0x2000, s9, s8, $0x38;
	[tilespmem:$0x10B00] =	vst v63  }
0x39: {  	_ =	swait.ge [sflag:s10], $0x2000  }
0x3a: {  	[sflag:s10] =	ssyncset.done $0x0  }
0x3b: {  	s16 =	simm.s32 $0x4100;
	[sflag:s10] =	ssyncadd.s32 $0xFFFFE000  }
0x3c: {  	[tilespmem:s16+$0xFFFFFF00] =	vst v0  }
0x3d: {  	[tilespmem:s16+$0xF0] =	vst v0  }
0x3e: {  	[tilespmem:s16+$0xE0] =	vst v0  }
0x3f: {  	[tilespmem:s16+$0xD0] =	vst v0  }
0x40: {  	[tilespmem:s16+$0xC0] =	vst v0  }
0x41: {  	[tilespmem:s16+$0xB0] =	vst v0  }
0x42: {  	[tilespmem:s16+$0xA0] =	vst v0  }
0x43: {  	[tilespmem:s16+$0x90] =	vst v0  }
0x44: {  	[tilespmem:s16+$0x80] =	vst v0  }
0x45: {  	[tilespmem:s16+$0x70] =	vst v0  }
0x46: {  	[tilespmem:s16+$0x60] =	vst v0  }
0x47: {  	[tilespmem:s16+$0x50] =	vst v0  }
0x48: {  	[tilespmem:s16+$0x40] =	vst v0  }
0x49: {  	[tilespmem:s16+$0x30] =	vst v0  }
0x4a: {  	[tilespmem:s16+$0x20] =	vst v0  }
0x4b: {  	[tilespmem:s16+$0x10] =	vst v0  }
0x4c: {  	[tilespmem:s16+$0x0] =	vst v0  }
0x4d: {  	[tilespmem:s16+$0xFFFFFFF0] =	vst v0  }
0x4e: {  	[tilespmem:s16+$0xFFFFFFE0] =	vst v0  }
0x4f: {  	[tilespmem:s16+$0xFFFFFFD0] =	vst v0  }
0x50: {  	[tilespmem:s16+$0xFFFFFFC0] =	vst v0  }
0x51: {  	[tilespmem:s16+$0xFFFFFFB0] =	vst v0  }
0x52: {  	[tilespmem:s16+$0xFFFFFFA0] =	vst v0  }
0x53: {  	[tilespmem:s16+$0xFFFFFF90] =	vst v0  }
0x54: {  	[tilespmem:s16+$0xFFFFFF80] =	vst v0  }
0x55: {  	[tilespmem:s16+$0xFFFFFF70] =	vst v0  }
0x56: {  	[tilespmem:s16+$0xFFFFFF60] =	vst v0  }
0x57: {  	[tilespmem:s16+$0xFFFFFF50] =	vst v0  }
0x58: {  	[tilespmem:s16+$0xFFFFFF40] =	vst v0  }
0x59: {  	[tilespmem:s16+$0xFFFFFF30] =	vst v0  }
0x5a: {  	s18 =	simm.s32 $0x0;
	[tilespmem:s16+$0xFFFFFF20] =	vst v0  }
.LBB2_3:
0x5b: {  	s18 =	sadd.s32 $0x4, s18;
	[tilespmem:s16+$0xFFFFFF10] =	vst v0;
	s16 =	sadd.s32 $0x200, s16;
	s17 =	simm.s32 $0x20  }
0x5c: {  	[tilespmem:s16+$0xFFFFFF00] =	vst v0;
	p0 =	slt.u32 s18, $0xC  }
0x5d: {  	[tilespmem:s16+$0xF0] =	vst v0  }
0x5e: {  	[tilespmem:s16+$0xE0] =	vst v0  }
0x5f: {  	[tilespmem:s16+$0xD0] =	vst v0  }
0x60: {  	[tilespmem:s16+$0xC0] =	vst v0  }
0x61: {  	[tilespmem:s16+$0xB0] =	vst v0  }
0x62: {  	[tilespmem:s16+$0xA0] =	vst v0  }
0x63: {  	[tilespmem:s16+$0x90] =	vst v0  }
0x64: {  	[tilespmem:s16+$0x80] =	vst v0  }
0x65: {  	[tilespmem:s16+$0x70] =	vst v0  }
0x66: {  	[tilespmem:s16+$0x60] =	vst v0  }
0x67: {  	[tilespmem:s16+$0x50] =	vst v0  }
0x68: {  	[tilespmem:s16+$0x40] =	vst v0  }
0x69: {  	[tilespmem:s16+$0x30] =	vst v0  }
0x6a: {  	[tilespmem:s16+$0x20] =	vst v0  }
0x6b: {  	[tilespmem:s16+$0x10] =	vst v0  }
0x6c: {  	[tilespmem:s16+$0x0] =	vst v0  }
0x6d: {  	[tilespmem:s16+$0xFFFFFFF0] =	vst v0  }
0x6e: {  	[tilespmem:s16+$0xFFFFFFE0] =	vst v0  }
0x6f: {  	[tilespmem:s16+$0xFFFFFFD0] =	vst v0  }
0x70: {  	[tilespmem:s16+$0xFFFFFFC0] =	vst v0  }
0x71: {  	[tilespmem:s16+$0xFFFFFFB0] =	vst v0  }
0x72: {  	[tilespmem:s16+$0xFFFFFFA0] =	vst v0  }
0x73: {  	[tilespmem:s16+$0xFFFFFF90] =	vst v0  }
0x74: {  	[tilespmem:s16+$0xFFFFFF80] =	vst v0  }
0x75: {  	[tilespmem:s16+$0xFFFFFF70] =	vst v0  }
.Ltmp3:
0x76: {  	[tilespmem:s16+$0xFFFFFF60] =	vst v0;
	(pc) =	sbr.rel @p0 .LBB2_3-.Ltmp3, $4  }
0x77: {  	[tilespmem:s16+$0xFFFFFF50] =	vst v0  }
0x78: {  	[tilespmem:s16+$0xFFFFFF40] =	vst v0  }
0x79: {  	[tilespmem:s16+$0xFFFFFF30] =	vst v0  }
0x7a: {  	[tilespmem:s16+$0xFFFFFF20] =	vst v0  }
0x7b: {  	[tilespmem:s16+$0xFFFFFF10] =	vst v0  }
0x7c: {  	v2 =	vld [tilespmem:s17+$0x10]  }
0x7d: {  	v3 =	vld [tilespmem:s17+$0xFFFFFFF0];
	_ =	sdelay $0x1  }
0x7e: {  	v5 =	vld [tilespmem:s17+$0x0];
	_ =	sdelay $0x1  }
0x7f: {  	v4 =	vshrl.u32 v2, $0x14  }
0x80: {  	v3 =	vshrl.u32 v3, $0x14;
	(xrf1) =	vunique.msk.u32 $0xffff, v4  }
0x81: {  	(xrf1) =	vunique.msk.u32 $0xffff, v3  }
0x82: {  	v2 =	vshrl.u32 v5, $0x14;
	v5 =	vld [tilespmem:s17+$0xFFFFFFE0]  }
0x83: {  	s30 =	simm.s32 $0x60  }
0x84: {  	v6 =	vld [tilespmem:s30+$0x10]  }
0x85: {  	v8 =	vld [tilespmem:s30+$0xFFFFFFF0]  }
0x86: {  	v9 =	vld [tilespmem:s30+$0x0]  }
0x87: {  	s31 =	simm.s32 $0xA0;
	v10 =	vld [tilespmem:s30+$0xFFFFFFE0];
	(xrf1) =	vunique.msk.u32 $0xffff, v2;
	v7 =	vshrl.u32 v5, $0x14  }
0x88: {  	v11 =	vld [tilespmem:s31+$0x10];
	(xrf1) =	vunique.msk.u32 $0xffff, v7  }
0x89: {  	v13 =	vld [tilespmem:s31+$0xFFFFFFF0];
	v5 =	vshrl.u32 v6, $0x14  }
0x8a: {  	v6 =	vshrl.u32 v8, $0x14;
	(xrf1) =	vunique.msk.u32 $0xffff, v5  }
0x8b: {  	v8 =	vshrl.u32 v9, $0x14;
	(xrf1) =	vunique.msk.u32 $0xffff, v6  }
0x8c: {  	v9 =	vshrl.u32 v10, $0x14;
	(xrf1) =	vunique.msk.u32 $0xffff, v8  }
0x8d: {  	v11 =	vshrl.u32 v11, $0x14;
	(xrf1) =	vunique.msk.u32 $0xffff, v9  }
0x8e: {  	v10 =	vshrl.u32 v13, $0x14;
	_, v14, vm2 =	vpop (xrf1);
	(xrf1) =	vunique.msk.u32 $0xffff, v11  }
0x8f: {  	_, v12, vm0 =	vpop (xrf1);
	(xrf1) =	vunique.msk.u32 $0xffff, v10;
	_ =	sdelay $0x1  }
0x90: {  	v15 =	vld [tilespmem:s31+$0x0]  }
0x91: {  	v16 =	vld [tilespmem:s31+$0xFFFFFFE0];
	_ =	sdelay $0x2  }
0x92: {  	s19 =	simm.s32 $0xE0;
	s17 =	simm.s32 $0x8;
	_, v13, vm1 =	vpop (xrf1)  }
.LBB2_5:
0x93: {  	v17 =	vld [tilespmem:s19+$0x10];
	s17 =	sadd.s32 $0x4, s17;
	v18 =	vshrl.u32 v15, $0x14;
	_, v19, vm3 =	vpop (xrf1)  }
0x94: {  	v20 =	vld [tilespmem:s19+$0xFFFFFFF0];
	p0 =	slt.u32 s17, $0x1FC;
	v21 =	vshrl.u32 v16, $0x14;
	(xrf1) =	vunique.msk.u32 $0xffff, v18  }
0x95: {  	s16 =	simm.s32 $0x7F0;
	s18 =	simm.s32 $0x47F0;
	(xrf1) =	vunique.msk.u32 $0xffff, v21;
	[tilespmem:v4+s12+$0x0] =	vst.idx.add.s32.msk vm2, v14;
	v4 =	vmov v5;
	v5 =	vmov v11  }
.Ltmp4:
0x96: {  	v15 =	vld [tilespmem:s19+$0x0];
	(pc) =	sbr.rel @p0 .LBB2_5-.Ltmp4, $4  }
0x97: {  	v16 =	vld [tilespmem:s19+$0xFFFFFFE0];
	_, v14, vm2 =	vpop (xrf1)  }
0x98: {  	v11 =	vshrl.u32 v17, $0x14;
	[tilespmem:v3+s12+$0x0] =	vst.idx.add.s32.msk vm0, v12;
	_, v12, vm0 =	vpop (xrf1);
	v3 =	vmov v6;
	v6 =	vmov v10  }
0x99: {  	v10 =	vshrl.u32 v20, $0x14;
	(xrf1) =	vunique.msk.u32 $0xffff, v11;
	[tilespmem:v7+s12+$0x0] =	vst.idx.add.s32.msk vm3, v19;
	v7 =	vmovc v9;
	v9 =	vmov v21  }
0x9a: {  	s19 =	sadd.s32 $0x40, s19;
	(xrf1) =	vunique.msk.u32 $0xffff, v10;
	[tilespmem:v2+s12+$0x0] =	vst.idx.add.s32.msk vm1, v13;
	_, v13, vm1 =	vpop (xrf1);
	v2 =	vmov v8;
	v8 =	vmov v18  }
0x9b: {  	v15 =	vshrl.u32 v15, $0x14  }
0x9c: {  	v16 =	vshrl.u32 v16, $0x14;
	(xrf1) =	vunique.msk.u32 $0xffff, v15  }
0x9d: {  	(xrf1) =	vunique.msk.u32 $0xffff, v16;
	_ =	sdelay $0x5  }
0x9e: {  	_, v17, vm3 =	vpop (xrf1)  }
0x9f: {  	_, v18, vm4 =	vpop (xrf1)  }
0xa0: {  	_, v19, vm5 =	vpop (xrf1)  }
0xa1: {  	[tilespmem:v4+s12+$0x0] =	vst.idx.add.s32.msk vm2, v14;
	_, v20, vm6 =	vpop (xrf1)  }
0xa2: {  	[tilespmem:v3+s12+$0x0] =	vst.idx.add.s32.msk vm0, v12;
	_, v4, vm2 =	vpop (xrf1)  }
0xa3: {  	[tilespmem:v2+s12+$0x0] =	vst.idx.add.s32.msk vm1, v13;
	_, v3, vm0 =	vpop (xrf1)  }
0xa4: {  	[tilespmem:v7+s12+$0x0] =	vst.idx.add.s32.msk vm3, v17;
	_, v7, vm3 =	vpop (xrf1)  }
0xa5: {  	[tilespmem:v5+s12+$0x0] =	vst.idx.add.s32.msk vm4, v18;
	_, v2, vm1 =	vpop (xrf1)  }
0xa6: {  	[tilespmem:v6+s12+$0x0] =	vst.idx.add.s32.msk vm5, v19;
	_, v5, vm4 =	vpop (xrf1)  }
0xa7: {  	[tilespmem:v8+s12+$0x0] =	vst.idx.add.s32.msk vm6, v20  }
0xa8: {  	[tilespmem:v9+s12+$0x0] =	vst.idx.add.s32.msk vm2, v4  }
0xa9: {  	[tilespmem:v11+s12+$0x0] =	vst.idx.add.s32.msk vm0, v3  }
0xaa: {  	[tilespmem:v10+s12+$0x0] =	vst.idx.add.s32.msk vm3, v7  }
0xab: {  	[tilespmem:v15+s12+$0x0] =	vst.idx.add.s32.msk vm1, v2  }
0xac: {  	[tilespmem:v16+s12+$0x0] =	vst.idx.add.s32.msk vm4, v5  }
0xad: {  	v2 =	vld [tilespmem:s18+$0x0];
	_ =	sdelay $0x2  }
0xae: {  	s17 =	simm.s32 $0x47E0  }
0xaf: {  	v4 =	vld [tilespmem:s17+$0x0]  }
0xb0: {  	(xrf0) =	vadd.scan.msk.s32 $0xffff, v2  }
0xb1: {  	s1 =	simm.s32 $0x47D0  }
0xb2: {  	v6 =	vld [tilespmem:s1+$0x0];
	_ =	sdelay $0x1  }
0xb3: {  	(xrf0) =	vadd.scan.msk.s32 $0xffff, v4;
	_ =	sdelay $0x1  }
0xb4: {  	s18 =	simm.s32 $0x47C0;
	v5, _, _ =	vpop (xrf0)  }
0xb5: {  	v8 =	vld [tilespmem:s18+$0x0];
	(xrf0) =	vadd.scan.msk.s32 $0xffff, v6;
	(v2sf) =	vpush v5, $0xF;
	_ =	sdelay $0x2  }
0xb6: {  	v7, _, _ =	vpop (xrf0)  }
0xb7: {  	(v2sf) =	vpush v7, $0xF  }
0xb8: {  	(xrf0) =	vadd.scan.msk.s32 $0xffff, v8  }
0xb9: {  	v9, _, _ =	vpop (xrf0)  }
0xba: {  	s19 =	simm.s32 $0x47B0;
	(v2sf) =	vpush v9, $0xF  }
0xbb: {  	v3 =	vld [tilespmem:s19+$0x0];
	_ =	sdelay $0x2  }
0xbc: {  	v10, _, _ =	vpop (xrf0)  }
0xbd: {  	(v2sf) =	vpush v10, $0xF  }
0xbe: {  	(xrf0) =	vadd.scan.msk.s32 $0xffff, v3;
	_ =	sdelay $0x1  }
0xbf: {  	s20 =	spop (v2sf)  }
0xc0: {  	s17 =	sadd.s32 $0x0, s20  }
0xc1: {  	s21 =	simm.s32 $0x47A0;
	v11 =	vsub.s32 s17, v5  }
0xc2: {  	v5 =	vld [tilespmem:s21+$0x0];
	v2 =	vadd.s32 v2, v11  }
0xc3: {  	v62, _, _ =	vpop (xrf0);
	s22 =	spop (v2sf);
	vm6 =	vlt.s32 v11, $0x400;
	vm7 =	vgt.s32 v2, $0x3FF  }
0xc4: {  	(v2sf) =	vpush v62, $0xF;
	s17 =	sadd.s32 s17, s22;
	vm0 =	vmand vm6, vm7  }
0xc5: {  	s23 =	simm.s32 $0x4790;
	v7 =	vsub.s32 s17, v7;
	v2 =	vnsel vm0, $0x0, v11  }
0xc6: {  	s24 =	spop (v2sf);
	v4 =	vadd.s32 v4, v7;
	(xrf0) =	vadd.scan.msk.s32 $0xffff, v2;
	v2 =	vld [tilespmem:s23+$0x0]  }
0xc7: {  	vm8 =	vlt.s32 v7, $0x400;
	vm9 =	vgt.s32 v4, $0x3FF;
	v11 =	vor.u32 s16, v1;
	s16 =	sadd.s32 s17, s24;
	(xrf0) =	vadd.scan.msk.s32 $0xffff, v5  }
0xc8: {  	s26 =	simm.s32 $0x7E0;
	v11 =	vnsel vm0, $0x0, v11;
	vm0 =	vmand vm8, vm9;
	v9 =	vsub.s32 s16, v9  }
0xc9: {  	v7 =	vnsel vm0, $0x0, v7;
	v6 =	vadd.s32 v6, v9;
	(xrf0) =	vadd.scan.msk.s32 $0xffff, v11;
	v11 =	vor.u32 s26, v1  }
0xca: {  	vm10 =	vlt.s32 v9, $0x400;
	vm11 =	vgt.s32 v6, $0x3FF;
	(xrf0) =	vadd.scan.msk.s32 $0xffff, v7  }
0xcb: {  	s28 =	spop (v2sf);
	v6 =	vnsel vm0, $0x0, v11;
	vm12 =	vmand vm10, vm11;
	(xrf0) =	vadd.scan.msk.s32 $0xffff, v2  }
0xcc: {  	s17 =	sadd.s32 s16, s28;
	v11, _, _ =	vpop (xrf0);
	(xrf0) =	vadd.scan.msk.s32 $0xffff, v6;
	v6 =	vnsel vm12, $0x0, v9  }
0xcd: {  	v9 =	vsub.s32 s17, v10;
	v7, _, _ =	vpop (xrf0);
	(xrf0) =	vadd.scan.msk.s32 $0xffff, v6  }
0xce: {  	(v2sf) =	vpush v11, $0xF;
	v8 =	vadd.s32 v8, v9  }
0xcf: {  	(v2sf) =	vpush v7, $0xF;
	v6, _, _ =	vpop (xrf0)  }
0xd0: {  	(v2sf) =	vpush v6, $0xF;
	v10, _, _ =	vpop (xrf0)  }
0xd1: {  	s25 =	simm.s32 $0x4780;
	vm14 =	vgt.s32 v8, $0x3FF;
	v8, _, _ =	vpop (xrf0);
	(v2sf) =	vpush v10, $0xF  }
0xd2: {  	v4 =	vld [tilespmem:s25+$0x0];
	(v2sf) =	vpush v8, $0xF;
	v10, _, _ =	vpop (xrf0)  }
0xd3: {  	s19 =	spop (v2sf);
	(v2sf) =	vpush v10, $0xF;
	v63, _, _ =	vpop (xrf0)  }
0xd4: {  	(v2sf) =	vpush v63, $0xF  }
0xd5: {  	s30 =	simm.s32 $0x7D0  }
0xd6: {  	v11 =	vor.u32 s30, v1  }
0xd7: {  	s29 =	simm.s32 $0x4770;
	(xrf0) =	vadd.scan.msk.s32 $0xffff, v4;
	v11 =	vnsel vm12, $0x0, v11  }
0xd8: {  	vm13 =	vlt.s32 v9, $0x400;
	(xrf0) =	vadd.scan.msk.s32 $0xffff, v11;
	v6 =	vld [tilespmem:s29+$0x0]  }
0xd9: {  	vm15 =	vmand vm13, vm14  }
0xda: {  	s31 =	simm.s32 $0x7C0;
	s18 =	simm.s32 $0x760;
	v9 =	vnsel vm15, $0x0, v9  }
0xdb: {  	s20 =	simm.s32 $0x770;
	s21 =	simm.s32 $0x7B0;
	s22 =	simm.s32 $0x780  }
0xdc: {  	s25 =	simm.s32 $0x4760;
	s24 =	simm.s32 $0x790;
	s19 =	sadd.s32 s17, s19;
	(xrf0) =	vadd.scan.msk.s32 $0xffff, v9;
	v10 =	vor.u32 s31, v1  }
0xdd: {  	s16 =	simm.s32 $0x0;
	s23 =	simm.s32 $0x7A0;
	s17 =	simm.s32 $0x0;
	v11 =	vnsel vm15, $0x0, v10;
	v9, _, _ =	vpop (xrf0);
	v10 =	vsub.s32 s19, v62;
	(xrf0) =	vadd.scan.msk.s32 $0xffff, v6  }
.LBB2_7:
0xde: {  	v12 =	vld [tilespmem:s25+$0x0];
	p0 =	sne.s32 s18, $0x0;
	(v2sf) =	vpush v9, $0xF;
	v13 =	vadd.s32 v3, v10;
	(xrf0) =	vadd.scan.msk.s32 $0xffff, v11;
	v11, _, _ =	vpop (xrf0);
	v3 =	vmov v5;
	s26 =	smov.u32 s18;
	s18 =	sadd.s32 $0xFFFFFFF0, s18  }
.Ltmp5:
0xdf: {  	vm0 =	vlt.s32 v10, $0x400;
	v5 =	vmovc v2;
	v2 =	vmovc v4;
	vm1 =	vgt.s32 v13, $0x3FF;
	(v2sf) =	vpush v11, $0xF;
	(pc) =	sbr.rel @p0 .LBB2_7-.Ltmp5, $4  }
0xe0: {  	v4 =	vmovc v6;
	v6 =	vmovc v7;
	v7 =	vmov v8;
	v11 =	vor.u32 s21, v1;
	s21 =	smov.u32 s23;
	s23 =	smov.u32 s24;
	vm0 =	vmand vm0, vm1;
	s28 =	spop (v2sf)  }
0xe1: {  	v8 =	vmov v9;
	s24 =	smov.u32 s22;
	s29 =	spop (v2sf);
	v11 =	vnsel vm0, $0x0, v11;
	v10 =	vnsel vm0, $0x0, v10;
	s16 =	sadd.s32 s16, s28  }
0xe2: {  	s22 =	smov.u32 s20;
	s19 =	sadd.s32 s19, s29;
	(xrf0) =	vadd.scan.msk.s32 $0xffff, v10;
	v13, _, _ =	vpop (xrf0);
	s28 =	spop (v2sf)  }
0xe3: {  	s25 =	sadd.s32 $0xFFFFFFF0, s25;
	s20 =	smov.u32 s26;
	(xrf0) =	vadd.scan.msk.s32 $0xffff, v12;
	v9, _, _ =	vpop (xrf0);
	v10 =	vsub.s32 s19, v6;
	(v2sf) =	vpush v13, $0xF;
	s17 =	sadd.s32 s17, s28;
	v6 =	vmov v12  }
0xe4: {  	_ =	sdelay $0x2  }
0xe5: {  	(v2sf) =	vpush v9, $0xF;
	v12, _, _ =	vpop (xrf0)  }
0xe6: {  	(v2sf) =	vpush v12, $0xF;
	v12, _, _ =	vpop (xrf0)  }
0xe7: {  	v13, _, _ =	vpop (xrf0);
	(v2sf) =	vpush v12, $0xF  }
0xe8: {  	(v2sf) =	vpush v13, $0xF;
	_ =	sdelay $0x4  }
0xe9: {  	s18 =	spop (v2sf)  }
0xea: {  	s26 =	spop (v2sf)  }
0xeb: {  	s25 =	spop (v2sf)  }
0xec: {  	v3 =	vadd.s32 v3, v10;
	s28 =	sadd.s32 s19, s26;
	s19 =	spop (v2sf)  }
0xed: {  	vm0 =	vlt.s32 v10, $0x400;
	vm1 =	vgt.s32 v3, $0x3FF;
	v3 =	vsub.s32 s28, v7;
	s29 =	spop (v2sf)  }
0xee: {  	vm0 =	vmand vm0, vm1;
	v7 =	vor.u32 s21, v1;
	v5 =	vadd.s32 v5, v3;
	s26 =	spop (v2sf)  }
0xef: {  	v10 =	vnsel vm0, $0x0, v10;
	vm1 =	vlt.s32 v3, $0x400;
	vm2 =	vgt.s32 v5, $0x3FF;
	s28 =	sadd.s32 s28, s29;
	s21 =	spop (v2sf)  }
0xf0: {  	v5 =	vor.u32 s23, v1;
	vm1 =	vmand vm1, vm2;
	v8 =	vsub.s32 s28, v8;
	s1 =	spop (v2sf)  }
0xf1: {  	(xrf0) =	vadd.scan.msk.s32 $0xffff, v11;
	v7 =	vnsel vm0, $0x0, v7;
	v5 =	vnsel vm1, $0x0, v5;
	v2 =	vadd.s32 v2, v8;
	s29 =	spop (v2sf)  }
0xf2: {  	(xrf0) =	vadd.scan.msk.s32 $0xffff, v10;
	v3 =	vnsel vm1, $0x0, v3;
	vm0 =	vlt.s32 v8, $0x400;
	vm1 =	vgt.s32 v2, $0x3FF;
	s28 =	sadd.s32 s28, s1;
	s23 =	spop (v2sf)  }
0xf3: {  	(xrf0) =	vadd.scan.msk.s32 $0xffff, v7;
	v2 =	vor.u32 s24, v1;
	vm0 =	vmand vm0, vm1;
	v7 =	vsub.s32 s28, v9;
	s31 =	spop (v2sf)  }
0xf4: {  	(xrf0) =	vadd.scan.msk.s32 $0xffff, v3;
	v2 =	vnsel vm0, $0x0, v2;
	v3 =	vnsel vm0, $0x0, v8;
	v4 =	vadd.s32 v4, v7;
	s24 =	sadd.s32 s28, s31  }
0xf5: {  	(xrf0) =	vadd.scan.msk.s32 $0xffff, v5;
	vm0 =	vlt.s32 v7, $0x400;
	vm1 =	vgt.s32 v4, $0x3FF;
	v4 =	vsub.s32 s24, v13  }
0xf6: {  	(xrf0) =	vadd.scan.msk.s32 $0xffff, v3;
	vm0 =	vmand vm0, vm1;
	v5 =	vadd.s32 v6, v4  }
0xf7: {  	v6, _, _ =	vpop (xrf0);
	(xrf0) =	vadd.scan.msk.s32 $0xffff, v2;
	v2 =	vnsel vm0, $0x0, v7  }
0xf8: {  	v3 =	vor.u32 s22, v1  }
0xf9: {  	v3 =	vnsel vm0, $0x0, v3;
	vm1 =	vlt.s32 v4, $0x400;
	vm2 =	vgt.s32 v5, $0x3FF;
	v5, _, _ =	vpop (xrf0);
	(xrf0) =	vadd.scan.msk.s32 $0xffff, v2  }
0xfa: {  	(v2sf) =	vpush v6, $0xF;
	vm0 =	vmand vm1, vm2;
	v2, _, _ =	vpop (xrf0);
	(xrf0) =	vadd.scan.msk.s32 $0xffff, v3;
	v3 =	vor.u32 s20, v1  }
0xfb: {  	v4 =	vnsel vm0, $0x0, v4;
	(v2sf) =	vpush v5, $0xF;
	v3 =	vnsel vm0, $0x0, v3  }
0xfc: {  	(v2sf) =	vpush v2, $0xF;
	v2, _, _ =	vpop (xrf0);
	(xrf0) =	vadd.scan.msk.s32 $0xffff, v4  }
0xfd: {  	(v2sf) =	vpush v2, $0xF;
	v2, _, _ =	vpop (xrf0);
	(xrf0) =	vadd.scan.msk.s32 $0xffff, v3  }
0xfe: {  	(v2sf) =	vpush v2, $0xF;
	v3, _, _ =	vpop (xrf0)  }
0xff: {  	v2, _, _ =	vpop (xrf0);
	(v2sf) =	vpush v3, $0xF  }
0x100: {  	(v2sf) =	vpush v2, $0xF;
	v2, _, _ =	vpop (xrf0)  }
0x101: {  	(v2sf) =	vpush v2, $0xF;
	v2, _, _ =	vpop (xrf0)  }
0x102: {  	(v2sf) =	vpush v2, $0xF;
	v2, _, _ =	vpop (xrf0)  }
0x103: {  	(v2sf) =	vpush v2, $0xF;
	v2, _, _ =	vpop (xrf0)  }
0x104: {  	(v2sf) =	vpush v2, $0xF;
	_ =	sdelay $0x4  }
0x105: {  	s0 =	spop (v2sf)  }
0x106: {  	s28 =	spop (v2sf)  }
0x107: {  	s1 =	spop (v2sf)  }
0x108: {  	s17 =	sadd.s32 s17, s25;
	s24 =	spop (v2sf)  }
0x109: {  	s17 =	sadd.s32 s17, s26;
	s31 =	spop (v2sf)  }
0x10a: {  	s26 =	sadd.s32 s17, s29;
	s17 =	spop (v2sf)  }
0x10b: {  	s29 =	simm.s32 $0x20;
	s20 =	sadd.s32 s26, s0;
	s0 =	spop (v2sf)  }
0x10c: {  	v4 =	vld [tilespmem:s29+$0x10];
	s20 =	sadd.s32 s20, s1;
	s22 =	spop (v2sf)  }
0x10d: {  	v6 =	vld [tilespmem:s29+$0x0];
	s20 =	sadd.s32 s20, s31;
	s1 =	spop (v2sf)  }
0x10e: {  	v3 =	vld [tilespmem:s29+$0xFFFFFFF0];
	s26 =	sadd.s32 s20, s0;
	s31 =	spop (v2sf)  }
0x10f: {  	v10 =	vld [tilespmem:s29+$0xFFFFFFE0];
	s25 =	sadd.s32 s26, s1;
	s0 =	spop (v2sf)  }
0x110: {  	s25 =	sadd.s32 s25, s0  }
0x111: {  	v2 =	vshrl.u32 v4, $0x14;
	v8 =	vmov s25  }
0x112: {  	v5 =	vshrl.u32 v6, $0x14;
	vm2 =	vgt.s32 v2, v8  }
0x113: {  	v7 =	vshrl.u32 v3, $0x14;
	vm1 =	vgt.s32 v5, v8;
	v9 =	vmpcnt.ones.xlane vm2  }
0x114: {  	v11 =	vshrl.u32 v10, $0x14;
	vm0 =	vgt.s32 v7, v8;
	v12 =	vmpcnt.ones.xlane vm1  }
0x115: {  	vm3 =	vgt.s32 v11, v8;
	v13 =	vmpcnt.ones.xlane vm0;
	(v2sf) =	vpush v9, $0x0  }
0x116: {  	vm4 =	veq.s32 v11, v8;
	v9 =	vmpcnt.ones.xlane vm3;
	(v2sf) =	vpush v12, $0x0  }
0x117: {  	vm5 =	veq.s32 v7, v8;
	v11 =	vmpcnt.ones.xlane vm4;
	(v2sf) =	vpush v13, $0x0  }
0x118: {  	vm6 =	veq.s32 v5, v8;
	v7 =	vmpcnt.ones.xlane vm5;
	(v2sf) =	vpush v9, $0x0  }
0x119: {  	vm9 =	veq.s32 v2, v8;
	v5 =	vmpcnt.ones.xlane vm6;
	(v2sf) =	vpush v11, $0x0  }
0x11a: {  	v2 =	vmpcnt.ones.xlane vm9;
	(v2sf) =	vpush v7, $0x0  }
0x11b: {  	s1 =	simm.s32 $0x60;
	(v2sf) =	vpush v5, $0x0  }
0x11c: {  	v7 =	vld [tilespmem:s1+$0x10];
	(v2sf) =	vpush v2, $0x0  }
0x11d: {  	v5 =	vld [tilespmem:s1+$0x0]  }
0x11e: {  	v2 =	vld [tilespmem:s1+$0xFFFFFFF0]  }
0x11f: {  	s16 =	sadd.s32 s16, s18;
	vm7 =	vmmov vm0;
	vm8 =	vmmov vm3;
	v9 =	vld [tilespmem:s1+$0xFFFFFFE0]  }
0x120: {  	s16 =	sadd.s32 s16, s19;
	vm0 =	vmmov vm4;
	vm2 =	vmmov vm2;
	vm15 =	vmmov vm5  }
0x121: {  	s26 =	sadd.s32 s16, s21;
	s16 =	simm.s32 $0x2020;
	vm4 =	vmmov vm1;
	vm6 =	vmmov vm6;
	v11 =	vshrl.u32 v7, $0x14  }
0x122: {  	s18 =	sadd.s32 s26, s23;
	vm3 =	vmmov vm9;
	v13 =	vld [tilespmem:s16+$0xFFFFFFE0];
	v12 =	vshrl.u32 v5, $0x14;
	vm1 =	vgt.s32 v11, v8  }
0x123: {  	s18 =	sadd.s32 s18, s28;
	v14 =	vshrl.u32 v2, $0x14;
	vm5 =	vgt.s32 v12, v8;
	v15 =	vmpcnt.ones.xlane vm1  }
0x124: {  	s18 =	sadd.s32 s18, s24;
	v16 =	vshrl.u32 v9, $0x14;
	vm12 =	vgt.s32 v14, v8;
	v17 =	vmpcnt.ones.xlane vm5;
	s21 =	spop (v2sf)  }
0x125: {  	s18 =	sadd.s32 s18, s17;
	s17 =	simm.s32 $0x0;
	vm14 =	vgt.s32 v16, v8;
	v18 =	vmpcnt.ones.xlane vm12;
	(v2sf) =	vpush v15, $0x0;
	s24 =	spop (v2sf)  }
0x126: {  	s18 =	sadd.s32 s18, s22;
	[tilespmem:s17+$0x10200] =	vst.msk vm8, v10;
	vm10 =	veq.s32 v16, v8;
	v15 =	vmpcnt.ones.xlane vm14;
	(v2sf) =	vpush v17, $0x0;
	s25 =	spop (v2sf)  }
0x127: {  	s18 =	sadd.s32 s18, s31;
	[tilespmem:s17+$0x10680] =	vst.msk vm8, v13;
	v16 =	vmpcnt.ones.xlane vm10;
	vm9 =	veq.s32 v14, v8;
	(v2sf) =	vpush v18, $0x0;
	s31 =	spop (v2sf)  }
0x128: {  	s19 =	simm.s32 $0x4;
	s20 =	simm.s32 $0xA0;
	[tilespmem:s17+$0x8000] =	vst.msk vm0, v10;
	vm8 =	veq.s32 v12, v8;
	v14 =	vmpcnt.ones.xlane vm9;
	(v2sf) =	vpush v15, $0x0;
	s0 =	spop (v2sf)  }
0x129: {  	v10 =	vld [tilespmem:s16+$0xFFFFFFF0];
	[tilespmem:s17+$0xA080] =	vst.msk vm0, v13;
	vm11 =	veq.s32 v11, v8;
	v15 =	vmpcnt.ones.xlane vm8;
	(v2sf) =	vpush v16, $0x0;
	s23 =	sadd.s32 $0x0, s31;
	s22 =	sadd.s32 $0x0, s0;
	s1 =	spop (v2sf)  }
0x12a: {  	vm13 =	vmmov vm7;
	v13 =	vmpcnt.ones.xlane vm11;
	v12 =	vld [tilespmem:s16+$0x10];
	(v2sf) =	vpush v14, $0x0;
	[tilespmem:s23+$0x10200] =	vst.msk vm7, v3;
	s28 =	sadd.s32 s23, s25;
	s26 =	sadd.s32 s22, s1;
	s31 =	spop (v2sf)  }
0x12b: {  	v11 =	vld [tilespmem:s16+$0x0];
	vm7 =	vmmov vm12;
	vm12 =	vmmov vm14;
	(v2sf) =	vpush v15, $0x0;
	[tilespmem:s28+$0x10200] =	vst.msk vm4, v6;
	s30 =	sadd.s32 s28, s24;
	s29 =	sadd.s32 s26, s31;
	s25 =	spop (v2sf)  }
.LBB2_9:
0x12c: {  	vm0 =	vmmov vm9;
	v15 =	vimm.s32 $0x0  }
0x12d: {  	v14 =	vld [tilespmem:s20+$0x10];
	[tilespmem:s30+$0x10200] =	vst.msk vm2, v4;
	v15 =	vsel vm0, $0xFFFFFFFF, v15  }
0x12e: {  	[tilespmem:$0x1FFF0] =	vst v15  }
0x12f: {  	v16 =	vld [tilespmem:s20+$0xFFFFFFE0];
	[tilespmem:s30+$0x10680] =	vst.msk vm2, v12  }
0x130: {  	(v2sf) =	vpush v13, $0x0;
	v13 =	vld [tilespmem:s20+$0x0];
	[tilespmem:s28+$0x10680] =	vst.msk vm4, v11  }
0x131: {  	v15 =	vld [tilespmem:s20+$0xFFFFFFF0];
	[tilespmem:s23+$0x10680] =	vst.msk vm13, v10  }
0x132: {  	[tilespmem:s29+$0x8000] =	vst.msk vm3, v4  }
0x133: {  	vm14 =	vmmov vm10;
	vm10 =	vmmov vm15;
	s16 =	sadd.s32 $0x40, s16;
	[tilespmem:s26+$0x8000] =	vst.msk vm6, v6  }
0x134: {  	s24 =	sadd.s32 s30, s21;
	v4 =	vmov v7;
	v17 =	vshrl.u32 v14, $0x14;
	v7 =	vmov v14;
	v14 =	vld [tilespmem:s16+$0xFFFFFFE0];
	[tilespmem:s22+$0x8000] =	vst.msk vm10, v3  }
0x135: {  	vm2 =	vmmov vm1;
	[tilespmem:s24+$0x10200] =	vst.msk vm12, v9  }
0x136: {  	vm4 =	vmmov vm5;
	vm13 =	vmmov vm7;
	v18 =	vshrl.u32 v16, $0x14;
	[tilespmem:s29+$0xA080] =	vst.msk vm3, v12  }
0x137: {  	vm3 =	vmmov vm11;
	v12 =	vshrl.u32 v13, $0x14;
	vm1 =	vgt.s32 v17, v8;
	[tilespmem:s26+$0xA080] =	vst.msk vm6, v11  }
0x138: {  	v6 =	vmovc v5;
	v5 =	vmovc v13;
	[tilespmem:s22+$0xA080] =	vst.msk vm10, v10;
	v11 =	vshrl.u32 v15, $0x14;
	vm5 =	vgt.s32 v12, v8;
	v13 =	vmpcnt.ones.xlane vm1  }
0x139: {  	s25 =	sadd.s32 s29, s25;
	vm6 =	vmmov vm8;
	vm15 =	vgt.s32 v11, v8;
	v19 =	vmpcnt.ones.xlane vm5;
	s21 =	spop (v2sf);
	[tilespmem:s24+$0x10680] =	vst.msk vm12, v14  }
0x13a: {  	s19 =	sadd.s32 $0x4, s19;
	v3 =	vmovc v2;
	vm0 =	vgt.s32 v18, v8;
	v2 =	vmovc v15;
	v15 =	vmpcnt.ones.xlane vm15;
	(v2sf) =	vpush v13, $0x0;
	s29 =	spop (v2sf);
	[tilespmem:s25+$0x8000] =	vst.msk vm14, v9  }
0x13b: {  	p1 =	slt.u32 s19, $0x1FC;
	vm10 =	veq.s32 v18, v8;
	v10 =	vmpcnt.ones.xlane vm0;
	(v2sf) =	vpush v19, $0x0;
	s1 =	spop (v2sf);
	[tilespmem:s25+$0xA080] =	vst.msk vm14, v14;
	v14 =	vld [tilespmem:$0x1FFF0]  }
.Ltmp6:
0x13c: {  	vm9 =	veq.s32 v11, v8;
	v13 =	vmpcnt.ones.xlane vm10;
	(v2sf) =	vpush v15, $0x0;
	s23 =	spop (v2sf);
	(pc) =	sbr.rel @p1 .LBB2_9-.Ltmp6, $4  }
0x13d: {  	p0 =	por $0x1, $0x1;
	s20 =	sadd.s32 $0x40, s20;
	vm8 =	veq.s32 v12, v8;
	v11 =	vmpcnt.ones.xlane vm9;
	(v2sf) =	vpush v10, $0x0;
	s28 =	spop (v2sf)  }
0x13e: {  	vm11 =	veq.s32 v17, v8;
	v12 =	vld [tilespmem:s16+$0x10];
	v15 =	vmpcnt.ones.xlane vm8;
	s23 =	sadd.s32 s24, s23;
	(v2sf) =	vpush v13, $0x0;
	s22 =	sadd.s32 s25, s28;
	s25 =	spop (v2sf)  }
0x13f: {  	vm12 =	vmmov vm0;
	v10 =	vld [tilespmem:s16+$0xFFFFFFF0];
	v13 =	vmpcnt.ones.xlane vm11;
	[tilespmem:s23+$0x10200] =	vst.msk vm7, v3;
	s28 =	sadd.s32 s23, s1;
	(v2sf) =	vpush v11, $0x0;
	s26 =	sadd.s32 s22, s25;
	s31 =	spop (v2sf)  }
0x140: {  	v9 =	vmovc v16;
	vm7 =	vmmov vm15;
	v11 =	vld [tilespmem:s16+$0x0];
	[tilespmem:s28+$0x10200] =	vst.msk vm4, v6;
	s30 =	sadd.s32 s28, s29;
	(v2sf) =	vpush v15, $0x0;
	s29 =	sadd.s32 s26, s31;
	s25 =	spop (v2sf);
	vm15 =	vnez.u8 v14  }
0x141: {  	[tilespmem:s30+$0x10200] =	vst.msk vm2, v4;
	s16 =	sadd.s32 $0x40, s16;
	s19 =	sadd.s32 s30, s21  }
0x142: {  	v61 =	vld [tilespmem:s16+$0xFFFFFFE0];
	[tilespmem:s19+$0x10200] =	vst.msk vm12, v9  }
0x143: {  	[tilespmem:s30+$0x10680] =	vst.msk vm2, v12  }
0x144: {  	[tilespmem:s29+$0x8000] =	vst.msk vm3, v4  }
0x145: {  	[tilespmem:s23+$0x10680] =	vst.msk vm13, v10  }
0x146: {  	[tilespmem:s29+$0xA080] =	vst.msk vm3, v12  }
0x147: {  	vm0 =	vmmov vm15;
	[tilespmem:s28+$0x10680] =	vst.msk vm4, v11  }
0x148: {  	[tilespmem:s22+$0x8000] =	vst.msk vm0, v3  }
0x149: {  	[tilespmem:s26+$0x8000] =	vst.msk vm6, v6  }
0x14a: {  	(v2sf) =	vpush v13, $0x0;
	[tilespmem:s22+$0xA080] =	vst.msk vm0, v10;
	s20 =	spop (v2sf)  }
0x14b: {  	[tilespmem:s26+$0xA080] =	vst.msk vm6, v11;
	s1 =	spop (v2sf)  }
0x14c: {  	s25 =	sadd.s32 s29, s25;
	v62 =	vld [tilespmem:s16+$0xFFFFFFF0];
	vm6 =	vmmov vm10;
	[tilespmem:s19+$0x10680] =	vst.msk vm12, v61;
	s26 =	spop (v2sf)  }
0x14d: {  	[tilespmem:s25+$0x8000] =	vst.msk vm6, v9;
	s24 =	spop (v2sf)  }
0x14e: {  	v63 =	vld [tilespmem:s16+$0x0];
	[tilespmem:s25+$0xA080] =	vst.msk vm6, v61;
	s19 =	sadd.s32 s19, s24  }
0x14f: {  	vm10 =	vmmov vm5;
	[tilespmem:s19+$0x10200] =	vst.msk vm7, v2;
	s23 =	sadd.s32 s19, s26  }
0x150: {  	vm15 =	vmmov vm7;
	v3 =	vld [tilespmem:s16+$0x10];
	[tilespmem:s23+$0x10200] =	vst.msk vm10, v5  }
0x151: {  	vm1 =	vmmov vm1;
	s21 =	sadd.s32 s23, s1;
	[tilespmem:s19+$0x10680] =	vst.msk vm15, v62  }
0x152: {  	vm14 =	vmmov vm9;
	s28 =	spop (v2sf);
	[tilespmem:s21+$0x10200] =	vst.msk vm1, v7  }
0x153: {  	vm0 =	vmmov vm14;
	s22 =	sadd.s32 s25, s28;
	[tilespmem:s23+$0x10680] =	vst.msk vm10, v63  }
0x154: {  	s29 =	spop (v2sf);
	[tilespmem:s22+$0x8000] =	vst.msk vm0, v2  }
0x155: {  	vm13 =	vmmov vm8;
	s16 =	sadd.s32 s22, s29;
	[tilespmem:s21+$0x10680] =	vst.msk vm1, v3  }
0x156: {  	s30 =	spop (v2sf);
	[tilespmem:s16+$0x8000] =	vst.msk vm13, v5  }
0x157: {  	vm12 =	vmmov vm11;
	s24 =	sadd.s32 s16, s30;
	[tilespmem:s22+$0xA080] =	vst.msk vm0, v62  }
0x158: {  	[tilespmem:s24+$0x8000] =	vst.msk vm12, v7  }
0x159: {  	s31 =	spop (v2sf);
	[tilespmem:s16+$0xA080] =	vst.msk vm13, v63  }
0x15a: {  	s16 =	sadd.s32 s21, s20;
	s20 =	sadd.s32 s24, s31;
	[tilespmem:s24+$0xA080] =	vst.msk vm12, v3  }
.LBB2_11:
0x15b: {  	s17 =	sshra.s32 s17, $0x2  }
0x15c: {  	[tilespmem:s17+$0x4000] =	vst v0  }
0x15d: {  	[tilespmem:s17+$0x4010] =	vst v0  }
0x15e: {  	[tilespmem:s17+$0x4020] =	vst v0  }
0x15f: {  	[tilespmem:s17+$0x4030] =	vst v0  }
0x160: {  	[tilespmem:s17+$0x4040] =	vst v0  }
0x161: {  	[tilespmem:s17+$0x4050] =	vst v0  }
0x162: {  	[tilespmem:s17+$0x4060] =	vst v0  }
0x163: {  	[tilespmem:s17+$0x4070] =	vst v0  }
0x164: {  	[tilespmem:s17+$0x4080] =	vst v0  }
0x165: {  	[tilespmem:s17+$0x4090] =	vst v0  }
0x166: {  	[tilespmem:s17+$0x40A0] =	vst v0  }
0x167: {  	[tilespmem:s17+$0x40B0] =	vst v0  }
0x168: {  	[tilespmem:s17+$0x40C0] =	vst v0  }
0x169: {  	[tilespmem:s17+$0x40D0] =	vst v0  }
0x16a: {  	[tilespmem:s17+$0x40E0] =	vst v0  }
0x16b: {  	[tilespmem:s17+$0x40F0] =	vst v0  }
0x16c: {  	[tilespmem:s17+$0x4100] =	vst v0  }
0x16d: {  	[tilespmem:s17+$0x4110] =	vst v0  }
0x16e: {  	[tilespmem:s17+$0x4120] =	vst v0  }
0x16f: {  	[tilespmem:s17+$0x4130] =	vst v0  }
0x170: {  	[tilespmem:s17+$0x4140] =	vst v0  }
0x171: {  	[tilespmem:s17+$0x4150] =	vst v0  }
0x172: {  	[tilespmem:s17+$0x4160] =	vst v0  }
0x173: {  	[tilespmem:s17+$0x4170] =	vst v0  }
0x174: {  	[tilespmem:s17+$0x4180] =	vst v0  }
0x175: {  	[tilespmem:s17+$0x4190] =	vst v0  }
0x176: {  	p1 =	por p0, p0;
	[tilespmem:s17+$0x41A0] =	vst v0  }
.Ltmp7:
0x177: {  	[tilespmem:s17+$0x41B0] =	vst v0;
	(pc) =	sbr.rel @p1 .LBB2_11-.Ltmp7, $4  }
0x178: {  	[tilespmem:s17+$0x41C0] =	vst v0  }
0x179: {  	[tilespmem:s17+$0x41D0] =	vst v0  }
0x17a: {  	[tilespmem:s17+$0x41E0] =	vst v0  }
0x17b: {  	p0 =	por $0x0, $0x0;
	[tilespmem:s17+$0x41F0] =	vst v0;
	s17 =	simm.s32 $0x800  }
0x17c: {  	s17 =	sadd.s32 $0xF, s20  }
0x17d: {  	s19 =	sand.u32 $0xF, s17  }
0x17e: {  	s31 =	sshra.s32 s17, $0x1F;
	p1 =	slt.s32 s17, $0x1;
	p0 =	sne.s32 s19, $0x0  }
0x17f: {  	s19 =	sshrl.u32 s31, $0x1C;
	p0 =	por !p1, !p0  }
0x180: {  	s17 =	sadd.s32 s19, s17;
	s19 =	simm.s32 $0x1;
	p0 =	por !p0, !p0  }
0x181: {  	s17 =	sshra.s32 s17, $0x4;
	s19 =	simm.s32 @!p0 $0x0  }
0x182: {  	s17 =	ssub.s32 s17, s19  }
0x183: {  	s19 =	sshrl.u32 s17, $0x1E  }
0x184: {  	s19 =	sadd.s32 s19, s17  }
0x185: {  	s19 =	sand.u32 $0xFFFFFFFC, s19  }
0x186: {  	p0 =	slt.s32 s19, $0x1  }
.Ltmp8:
0x187: {  	_ = 	snop;
	(pc) =	sbr.rel @p0 .LBB2_15-.Ltmp8, $2  }
0x188: {  	_ =	sdelay $0x2  }
0x189: {  	v2 =	vmov s20  }
0x18a: {  	s20 =	simm.s32 $0x8020  }
0x18b: {  	v3 =	vld [tilespmem:s20+$0x10];
	_ =	sdelay $0x2  }
0x18c: {  	v4 =	vld [tilespmem:s20+$0xFFFFFFF0]  }
0x18d: {  	p2 =	sgt.s32 s19, $0x4;
	v5 =	vld [tilespmem:s20+$0x0]  }
.Ltmp9:
0x18e: {  	v3 =	vshrl.u32 v3, $0xA;
	(pc) =	sbr.rel @!p2 .LBB2_14-.Ltmp9, $4  }
0x18f: {  	s21 =	simm.s32 $0x0;
	s22 =	simm.s32 $0x30;
	v3 =	vand.u32 $0x3FF, v3  }
0x190: {  	s30 =	simm.s32 $0x10;
	v6 =	vor.u32 s21, v1;
	v7 =	vor.u32 s22, v1  }
0x191: {  	s31 =	simm.s32 $0x20;
	v9 =	vor.u32 s30, v1;
	vm0 =	vlt.s32 v7, v2;
	v4 =	vshrl.u32 v4, $0xA  }
0x192: {  	p0 =	por $0x0, $0x0;
	p1 =	por $0x0, $0x0;
	v11 =	vld [tilespmem:s20+$0xFFFFFFE0];
	v13 =	vor.u32 s31, v1;
	s20 =	simm.s32 $0x8060;
	v16 =	vshrl.u32 v5, $0xA;
	v4 =	vand.u32 $0x3FF, v4;
	(xrf1) =	vunique.msk.u32 vm0, v3  }
0x193: {  	_ =	sdelay $0x3  }
0x194: {  	v5 =	vshrl.u32 v11, $0xA  }
0x195: {  	v8 =	vld [tilespmem:s20+$0x10];
	vm1 =	vlt.s32 v6, v2;
	v7 =	vand.u32 $0x3FF, v5  }
0x196: {  	vm0 =	vlt.s32 v9, v2;
	(xrf1) =	vunique.msk.u32 vm1, v7  }
0x197: {  	vm2 =	vlt.s32 v13, v2;
	v5 =	vand.u32 $0x3FF, v16;
	(xrf1) =	vunique.msk.u32 vm0, v4  }
0x198: {  	(xrf1) =	vunique.msk.u32 vm2, v5  }
0x199: {  	s22 =	simm.s32 $0x70  }
0x19a: {  	v11 =	vor.u32 s22, v1;
	v8 =	vshrl.u32 v8, $0xA  }
0x19b: {  	vm15 =	vlt.s32 v11, v2;
	v15 =	vand.u32 $0x3FF, v8  }
0x19c: {  	(xrf1) =	vunique.msk.u32 vm15, v15;
	_ =	sdelay $0x2  }
0x19d: {  	v10 =	vld [tilespmem:s20+$0xFFFFFFF0]  }
0x19e: {  	v14 =	vld [tilespmem:s20+$0x0];
	p2 =	sgt.s32 s19, $0x8  }
.Ltmp10:
0x19f: {  	_ = 	snop;
	(pc) =	sbr.rel @!p2 .LBB2_28-.Ltmp10, $4  }
0x1a0: {  	_ = 	snop  }
0x1a1: {  	s21 =	simm.s32 $0x40;
	s30 =	simm.s32 $0x50  }
0x1a2: {  	s31 =	simm.s32 $0x60;
	v6 =	vor.u32 s21, v1;
	v9 =	vor.u32 s30, v1;
	v10 =	vshrl.u32 v10, $0xA  }
0x1a3: {  	p0 =	por $0x1, $0x1;
	v13 =	vor.u32 s31, v1;
	s22 =	simm.s32 $0x80A0;
	v11 =	vld [tilespmem:s20+$0xFFFFFFE0];
	v16 =	vshrl.u32 v14, $0xA;
	v12 =	vand.u32 $0x3FF, v10  }
0x1a4: {  	_ =	sdelay $0x1  }
0x1a5: {  	v8 =	vld [tilespmem:s22+$0x10];
	_ =	sdelay $0x1  }
0x1a6: {  	v10 =	vshrl.u32 v11, $0xA  }
0x1a7: {  	vm1 =	vlt.s32 v6, v2;
	v18 =	vand.u32 $0x3FF, v10  }
0x1a8: {  	vm0 =	vlt.s32 v9, v2;
	v19 =	vand.u32 $0x3FF, v16;
	s23 =	simm.s32 $0xB0;
	(xrf1) =	vunique.msk.u32 vm1, v18  }
0x1a9: {  	vm2 =	vlt.s32 v13, v2;
	v11 =	vor.u32 s23, v1;
	v8 =	vshrl.u32 v8, $0xA;
	(xrf1) =	vunique.msk.u32 vm0, v12  }
0x1aa: {  	v14 =	vld [tilespmem:s22+$0xFFFFFFF0];
	v21 =	vand.u32 $0x3FF, v8;
	(xrf1) =	vunique.msk.u32 vm2, v19;
	vm2 =	vlt.s32 v11, v2  }
0x1ab: {  	v17 =	vld [tilespmem:s22+$0x0];
	p2 =	sgt.s32 s19, $0xC;
	(xrf1) =	vunique.msk.u32 vm2, v21  }
.Ltmp11:
0x1ac: {  	_, v10, vm0 =	vpop (xrf1);
	v11 =	vld [tilespmem:s22+$0xFFFFFFE0];
	(pc) =	sbr.rel @!p2 .LBB2_30-.Ltmp11, $4  }
0x1ad: {  	_ = 	snop  }
0x1ae: {  	s20 =	simm.s32 $0x80;
	s21 =	simm.s32 $0x90  }
0x1af: {  	s31 =	simm.s32 $0xA0;
	v6 =	vor.u32 s20, v1;
	v9 =	vor.u32 s21, v1;
	v13 =	vshrl.u32 v14, $0xA;
	_, v14, vm1 =	vpop (xrf1)  }
0x1b0: {  	p1 =	por $0x1, $0x1;
	s21 =	simm.s32 $0xC;
	v16 =	vshrl.u32 v17, $0xA;
	v8 =	vand.u32 $0x3FF, v13;
	v13 =	vor.u32 s31, v1;
	s22 =	simm.s32 $0x80E0;
	_, v17, vm2 =	vpop (xrf1)  }
.LBB2_31:
0x1b1: {  	v20 =	vld [tilespmem:s22+$0x10];
	v11 =	vshrl.u32 v11, $0xA;
	vm4 =	vlt.s32 v9, v2;
	v9 =	vand.u32 $0x3FF, v16;
	_, v16, vm3 =	vpop (xrf1)  }
0x1b2: {  	s21 =	sadd.s32 $0x4, s21;
	vm5 =	vlt.s32 v6, v2;
	vm6 =	vlt.s32 v13, v2;
	v22 =	vand.u32 $0x3FF, v11;
	[tilespmem:v3+s12+$0x0] =	vst.idx.add.s32.msk vm0, v10  }
0x1b3: {  	v23 =	vmovc v5;
	v5 =	vmov v19;
	p2 =	slt.s32 s21, s19;
	v19 =	vmov v9;
	v3 =	vmov v15;
	v13 =	vld [tilespmem:s22+$0xFFFFFFF0];
	(xrf1) =	vunique.msk.u32 vm5, v22  }
0x1b4: {  	v15 =	vmov v21;
	v24 =	vld [tilespmem:s22+$0x0];
	(xrf1) =	vunique.msk.u32 vm4, v8  }
.Ltmp12:
0x1b5: {  	s20 =	sadd.s32 $0x40, s20;
	v11 =	vld [tilespmem:s22+$0xFFFFFFE0];
	(xrf1) =	vunique.msk.u32 vm6, v19;
	_, v10, vm0 =	vpop (xrf1);
	(pc) =	sbr.rel @p2 .LBB2_31-.Ltmp12, $4  }
0x1b6: {  	v6 =	vor.u32 s20, v1;
	s23 =	sadd.s32 $0x10, s20;
	s24 =	sadd.s32 $0x20, s20;
	s25 =	sadd.s32 $0x30, s20;
	[tilespmem:v7+s12+$0x0] =	vst.idx.add.s32.msk vm1, v14;
	v7 =	vmov v18;
	v18 =	vmov v22  }
0x1b7: {  	v9 =	vor.u32 s23, v1;
	v22 =	vshrl.u32 v20, $0xA;
	v20 =	vor.u32 s25, v1;
	[tilespmem:v4+s12+$0x0] =	vst.idx.add.s32.msk vm2, v17;
	v4 =	vmovc v12;
	v12 =	vmovc v8  }
0x1b8: {  	v21 =	vand.u32 $0x3FF, v22;
	vm2 =	vlt.s32 v20, v2;
	v8 =	vshrl.u32 v13, $0xA;
	_, v14, vm1 =	vpop (xrf1);
	[tilespmem:v23+s12+$0x0] =	vst.idx.add.s32.msk vm3, v16  }
0x1b9: {  	s22 =	sadd.s32 $0x40, s22;
	v13 =	vor.u32 s24, v1;
	v8 =	vand.u32 $0x3FF, v8;
	v16 =	vshrl.u32 v24, $0xA;
	(xrf1) =	vunique.msk.u32 vm2, v21;
	_, v17, vm2 =	vpop (xrf1)  }
0x1ba: {  	v20 =	vmovc v3;
	v22 =	vmov v5;
	v23 =	vmov v7;
	v24 =	vmov v4  }
0x1bb: {  	v5 =	vmovc v19;
	v19 =	vmovc v15;
	v3 =	vmov v21;
	v7 =	vmov v18;
	v4 =	vmov v12  }
.LBB2_33:
0x1bc: {  	v11 =	vshrl.u32 v11, $0xA  }
0x1bd: {  	vm3 =	vlt.s32 v6, v2;
	v11 =	vand.u32 $0x3FF, v11  }
0x1be: {  	vm4 =	vlt.s32 v9, v2;
	(xrf1) =	vunique.msk.u32 vm3, v11  }
0x1bf: {  	v61 =	vand.u32 $0x3FF, v16;
	vm13 =	vlt.s32 v13, v2;
	(xrf1) =	vunique.msk.u32 vm4, v8  }
0x1c0: {  	(xrf1) =	vunique.msk.u32 vm13, v61;
	_ =	sdelay $0x2  }
0x1c1: {  	_, v9, vm3 =	vpop @p1 (xrf1)  }
0x1c2: {  	v13 =	vmov @p1 v22;
	_ =	sdelay $0x1  }
0x1c3: {  	_, v12, vm4 =	vpop @p0 (xrf1)  }
0x1c4: {  	v15 =	vmov @p0 v19;
	_, v16, vm5 =	vpop @p0 (xrf1);
	vm4 =	vmmov @p0 vm4  }
0x1c5: {  	[tilespmem:v20+s12+$0x0] =	vst.idx.add.s32.msk @p1 vm0, v10;
	v15 =	vpsel p0, v15, v0;
	_, v18, vm6 =	vpop @p0 (xrf1);
	vm5 =	vmmov @p0 vm5  }
0x1c6: {  	v7 =	vpsel p0, v7, v0;
	vm0 =	vmmov @p0 vm6;
	[tilespmem:v13+s12+$0x0] =	vst.idx.add.s32.msk @p1 vm3, v9;
	v9 =	vpsel p0, v12, v0  }
0x1c7: {  	[tilespmem:v23+s12+$0x0] =	vst.idx.add.s32.msk @p1 vm1, v14;
	v4 =	vpsel p0, v4, v0;
	_, v10, vm1 =	vpop @p0 (xrf1)  }
0x1c8: {  	v5 =	vpsel p0, v5, v0;
	_, v62, vm14 =	vpop (xrf1)  }
0x1c9: {  	[tilespmem:v24+s12+$0x0] =	vst.idx.add.s32.msk @p1 vm2, v17;
	_, v63, vm15 =	vpop (xrf1)  }
0x1ca: {  	v13 =	vpsel p0, v16, v0;
	[tilespmem:v15+s12+$0x0] =	vst.idx.add.s32.msk @p0 vm4, v9;
	_, v9, vm4 =	vpop (xrf1)  }
0x1cb: {  	v15 =	vpsel p0, v18, v0;
	[tilespmem:v7+s12+$0x0] =	vst.idx.add.s32.msk @p0 vm5, v13;
	_, v7, vm5 =	vpop (xrf1)  }
0x1cc: {  	[tilespmem:v4+s12+$0x0] =	vst.idx.add.s32.msk @p0 vm0, v15  }
0x1cd: {  	[tilespmem:v5+s12+$0x0] =	vst.idx.add.s32.msk @p0 vm1, v10  }
0x1ce: {  	[tilespmem:v3+s12+$0x0] =	vst.idx.add.s32.msk vm14, v62  }
0x1cf: {  	[tilespmem:v11+s12+$0x0] =	vst.idx.add.s32.msk vm15, v63  }
0x1d0: {  	[tilespmem:v8+s12+$0x0] =	vst.idx.add.s32.msk vm4, v9  }
0x1d1: {  	[tilespmem:v61+s12+$0x0] =	vst.idx.add.s32.msk vm5, v7  }
.LBB2_15:
0x1d2: {  	s20 =	ssub.s32 s17, s19  }
0x1d3: {  	p0 =	slt.s32 s20, $0x1  }
.Ltmp13:
0x1d4: {  	_ = 	snop;
	(pc) =	sbr.rel @p0 .LBB2_18-.Ltmp13, $1  }
0x1d5: {  	_ =	sdelay $0x3  }
0x1d6: {  	s20 =	sshll.u32 s19, $0x6  }
0x1d7: {  	s20 =	sshra.s32 s20, $0x2  }
0x1d8: {  	s21 =	sshll.u32 s19, $0x4;
	s20 =	sadd.s32 $0x8000, s20  }
.LBB2_17:
0x1d9: {  	v3 =	vld [tilespmem:s20+$0x0];
	_ =	sdelay $0x4  }
0x1da: {  	v4 =	vor.u32 s21, v1;
	v3 =	vshrl.u32 v3, $0xA  }
0x1db: {  	vm0 =	vlt.s32 v4, v2;
	v3 =	vand.u32 $0x3FF, v3  }
0x1dc: {  	(xrf1) =	vunique.msk.u32 vm0, v3;
	_ =	sdelay $0xd  }
0x1dd: {  	s19 =	sadd.s32 $0x1, s19;
	_, v4, vm0 =	vpop (xrf1)  }
0x1de: {  	p0 =	slt.s32 s19, s17  }
.Ltmp14:
0x1df: {  	_ = 	snop;
	(pc) =	sbr.rel @p0 .LBB2_17-.Ltmp14, $2  }
0x1e0: {  	_ =	sdelay $0x2  }
0x1e1: {  	s20 =	sadd.s32 $0x10, s20;
	s21 =	sadd.s32 $0x10, s21;
	[tilespmem:v3+s12+$0x0] =	vst.idx.add.s32.msk vm0, v4  }
.LBB2_18:
0x1e2: {  	s21 =	simm.s32 $0x43F0  }
0x1e3: {  	v4 =	vld [tilespmem:s21+$0x0];
	_ =	sdelay $0x2  }
0x1e4: {  	s24 =	simm.s32 $0x43E0  }
0x1e5: {  	v6 =	vld [tilespmem:s24+$0x0]  }
0x1e6: {  	(xrf0) =	vadd.scan.msk.s32 $0xffff, v4  }
0x1e7: {  	s25 =	simm.s32 $0x43D0  }
0x1e8: {  	v8 =	vld [tilespmem:s25+$0x0];
	_ =	sdelay $0x1  }
0x1e9: {  	(xrf0) =	vadd.scan.msk.s32 $0xffff, v6;
	_ =	sdelay $0x1  }
0x1ea: {  	s26 =	simm.s32 $0x43C0;
	v7, _, _ =	vpop (xrf0)  }
0x1eb: {  	v10 =	vld [tilespmem:s26+$0x0];
	(xrf0) =	vadd.scan.msk.s32 $0xffff, v8;
	(v2sf) =	vpush v7, $0xF;
	_ =	sdelay $0x2  }
0x1ec: {  	v9, _, _ =	vpop (xrf0)  }
0x1ed: {  	(v2sf) =	vpush v9, $0xF  }
0x1ee: {  	(xrf0) =	vadd.scan.msk.s32 $0xffff, v10  }
0x1ef: {  	v11, _, _ =	vpop (xrf0)  }
0x1f0: {  	s29 =	simm.s32 $0x43B0;
	(v2sf) =	vpush v11, $0xF  }
0x1f1: {  	v5 =	vld [tilespmem:s29+$0x0];
	_ =	sdelay $0x2  }
0x1f2: {  	v12, _, _ =	vpop (xrf0)  }
0x1f3: {  	(v2sf) =	vpush v12, $0xF  }
0x1f4: {  	(xrf0) =	vadd.scan.msk.s32 $0xffff, v5;
	_ =	sdelay $0x1  }
0x1f5: {  	s31 =	spop (v2sf)  }
0x1f6: {  	s21 =	sadd.s32 $0x0, s31  }
0x1f7: {  	s18 =	ssub.s32 $0x400, s18;
	v13 =	vsub.s32 s21, v7  }
0x1f8: {  	s22 =	simm.s32 $0x43A0;
	v3 =	vmov s18;
	v4 =	vadd.s32 v4, v13  }
0x1f9: {  	v14, _, _ =	vpop (xrf0);
	s0 =	spop (v2sf);
	v7 =	vld [tilespmem:s22+$0x0];
	vm0 =	vlt.s32 v13, v3;
	vm1 =	vge.s32 v4, v3  }
0x1fa: {  	(v2sf) =	vpush v14, $0xF;
	s21 =	sadd.s32 s21, s0;
	vm0 =	vmand vm0, vm1  }
0x1fb: {  	s1 =	simm.s32 $0x4390;
	v9 =	vsub.s32 s21, v9;
	v4 =	vnsel vm0, $0x0, v13  }
0x1fc: {  	s20 =	simm.s32 $0x3F0;
	s23 =	spop (v2sf);
	v6 =	vadd.s32 v6, v9;
	(xrf0) =	vadd.scan.msk.s32 $0xffff, v4;
	v4 =	vld [tilespmem:s1+$0x0]  }
0x1fd: {  	vm9 =	vlt.s32 v9, v3;
	vm10 =	vge.s32 v6, v3;
	v13 =	vor.u32 s20, v1;
	s20 =	sadd.s32 s21, s23  }
0x1fe: {  	s25 =	simm.s32 $0x3E0;
	v13 =	vnsel vm0, $0x0, v13;
	vm0 =	vmand vm9, vm10;
	v11 =	vsub.s32 s20, v11;
	(xrf0) =	vadd.scan.msk.s32 $0xffff, v7  }
0x1ff: {  	v9 =	vnsel vm0, $0x0, v9;
	v8 =	vadd.s32 v8, v11;
	(xrf0) =	vadd.scan.msk.s32 $0xffff, v13;
	v13 =	vor.u32 s25, v1  }
0x200: {  	vm11 =	vlt.s32 v11, v3;
	vm2 =	vge.s32 v8, v3;
	(xrf0) =	vadd.scan.msk.s32 $0xffff, v9  }
0x201: {  	s26 =	spop (v2sf);
	v8 =	vnsel vm0, $0x0, v13;
	vm12 =	vmand vm11, vm2;
	(xrf0) =	vadd.scan.msk.s32 $0xffff, v4  }
0x202: {  	s20 =	sadd.s32 s20, s26;
	v13, _, _ =	vpop (xrf0);
	(xrf0) =	vadd.scan.msk.s32 $0xffff, v8;
	v8 =	vnsel vm12, $0x0, v11  }
0x203: {  	v11 =	vsub.s32 s20, v12;
	(xrf0) =	vadd.scan.msk.s32 $0xffff, v8  }
0x204: {  	v9, _, _ =	vpop (xrf0);
	(v2sf) =	vpush v13, $0xF;
	v10 =	vadd.s32 v10, v11  }
0x205: {  	(v2sf) =	vpush v9, $0xF;
	v8, _, _ =	vpop (xrf0)  }
0x206: {  	(v2sf) =	vpush v8, $0xF;
	v12, _, _ =	vpop (xrf0)  }
0x207: {  	s24 =	simm.s32 $0x4380;
	vm14 =	vge.s32 v10, v3;
	(v2sf) =	vpush v12, $0xF;
	v10, _, _ =	vpop (xrf0)  }
0x208: {  	v6 =	vld [tilespmem:s24+$0x0];
	(v2sf) =	vpush v10, $0xF;
	v12, _, _ =	vpop (xrf0)  }
0x209: {  	s28 =	spop (v2sf);
	(v2sf) =	vpush v12, $0xF;
	v15, _, _ =	vpop (xrf0)  }
0x20a: {  	(v2sf) =	vpush v15, $0xF  }
0x20b: {  	s31 =	simm.s32 $0x3D0  }
0x20c: {  	v13 =	vor.u32 s31, v1  }
0x20d: {  	s29 =	simm.s32 $0x4370;
	(xrf0) =	vadd.scan.msk.s32 $0xffff, v6;
	v13 =	vnsel vm12, $0x0, v13  }
0x20e: {  	vm13 =	vlt.s32 v11, v3;
	(xrf0) =	vadd.scan.msk.s32 $0xffff, v13;
	v8 =	vld [tilespmem:s29+$0x0]  }
0x20f: {  	vm15 =	vmand vm13, vm14  }
0x210: {  	s19 =	simm.s32 $0x0;
	s22 =	simm.s32 $0x380;
	v11 =	vnsel vm15, $0x0, v11  }
0x211: {  	s24 =	simm.s32 $0x3A0;
	s23 =	simm.s32 $0x390;
	s26 =	simm.s32 $0x3C0  }
0x212: {  	s21 =	simm.s32 $0x370;
	s30 =	sadd.s32 s20, s28;
	s28 =	simm.s32 $0x4360;
	(xrf0) =	vadd.scan.msk.s32 $0xffff, v11;
	v12 =	vor.u32 s26, v1  }
0x213: {  	s25 =	simm.s32 $0x3B0;
	s20 =	simm.s32 $0x0;
	v13 =	vsub.s32 s30, v14;
	s26 =	simm.s32 $0x360;
	v12 =	vnsel vm15, $0x0, v12;
	v11, _, _ =	vpop (xrf0);
	(xrf0) =	vadd.scan.msk.s32 $0xffff, v8  }
.LBB2_19:
0x214: {  	v14 =	vld [tilespmem:s28+$0x0];
	p0 =	sne.s32 s26, $0x0;
	(v2sf) =	vpush v11, $0xF;
	v15 =	vadd.s32 v5, v13;
	(xrf0) =	vadd.scan.msk.s32 $0xffff, v12;
	v12, _, _ =	vpop (xrf0);
	v5 =	vmov v7;
	s29 =	smov.u32 s26;
	s26 =	sadd.s32 $0xFFFFFFF0, s26  }
.Ltmp15:
0x215: {  	vm0 =	vlt.s32 v13, v3;
	v7 =	vmovc v4;
	v4 =	vmovc v6;
	vm1 =	vge.s32 v15, v3;
	(v2sf) =	vpush v12, $0xF;
	(pc) =	sbr.rel @p0 .LBB2_19-.Ltmp15, $4  }
0x216: {  	v6 =	vmovc v8;
	v8 =	vmovc v9;
	v9 =	vmov v10;
	v12 =	vor.u32 s25, v1;
	s25 =	smov.u32 s24;
	s24 =	smov.u32 s23;
	vm0 =	vmand vm0, vm1;
	s31 =	spop (v2sf)  }
0x217: {  	v10 =	vmov v11;
	s23 =	smov.u32 s22;
	s0 =	spop (v2sf);
	v12 =	vnsel vm0, $0x0, v12;
	v13 =	vnsel vm0, $0x0, v13;
	s19 =	sadd.s32 s19, s31  }
0x218: {  	s22 =	smov.u32 s21;
	s30 =	sadd.s32 s30, s0;
	(xrf0) =	vadd.scan.msk.s32 $0xffff, v13;
	v15, _, _ =	vpop (xrf0);
	s0 =	spop (v2sf)  }
0x219: {  	s28 =	sadd.s32 $0xFFFFFFF0, s28;
	s21 =	smov.u32 s29;
	(xrf0) =	vadd.scan.msk.s32 $0xffff, v14;
	v11, _, _ =	vpop (xrf0);
	v13 =	vsub.s32 s30, v8;
	(v2sf) =	vpush v15, $0xF;
	s20 =	sadd.s32 s20, s0;
	v8 =	vmov v14  }
0x21a: {  	_ =	sdelay $0x2  }
0x21b: {  	(v2sf) =	vpush v11, $0xF;
	v14, _, _ =	vpop (xrf0)  }
0x21c: {  	(v2sf) =	vpush v14, $0xF;
	v43, _, _ =	vpop (xrf0)  }
0x21d: {  	v15, _, _ =	vpop (xrf0);
	(v2sf) =	vpush v43, $0xF  }
0x21e: {  	(v2sf) =	vpush v15, $0xF;
	_ =	sdelay $0x4  }
0x21f: {  	s28 =	spop (v2sf)  }
0x220: {  	s0 =	spop (v2sf)  }
0x221: {  	s29 =	spop (v2sf)  }
0x222: {  	v5 =	vadd.s32 v5, v13;
	vm0 =	vlt.s32 v13, v3;
	s0 =	sadd.s32 s30, s0;
	s26 =	spop (v2sf)  }
0x223: {  	v45 =	vor.u32 s25, v1;
	vm1 =	vge.s32 v5, v3;
	v44 =	vsub.s32 s0, v9;
	s1 =	spop (v2sf)  }
0x224: {  	v46 =	vor.u32 s24, v1;
	vm0 =	vmand vm0, vm1;
	v7 =	vadd.s32 v7, v44;
	s30 =	spop (v2sf)  }
0x225: {  	v47 =	vnsel vm0, $0x0, v45;
	vm9 =	vlt.s32 v44, v3;
	vm8 =	vge.s32 v7, v3;
	s0 =	sadd.s32 s0, s1;
	s31 =	spop (v2sf)  }
0x226: {  	(xrf0) =	vadd.scan.msk.s32 $0xffff, v12;
	v48 =	vnsel vm0, $0x0, v13;
	vm0 =	vmand vm9, vm8;
	v10 =	vsub.s32 s0, v10;
	s25 =	spop (v2sf)  }
0x227: {  	v49 =	vor.u32 s23, v1;
	(xrf0) =	vadd.scan.msk.s32 $0xffff, v48;
	v5 =	vnsel vm0, $0x0, v44;
	v4 =	vadd.s32 v4, v10;
	s24 =	spop (v2sf);
	s0 =	sadd.s32 s0, s25  }
0x228: {  	(xrf0) =	vadd.scan.msk.s32 $0xffff, v47;
	vm10 =	vlt.s32 v10, v3;
	vm2 =	vge.s32 v4, v3;
	v50 =	vsub.s32 s0, v11;
	s25 =	spop (v2sf)  }
0x229: {  	v52 =	vnsel vm0, $0x0, v46;
	(xrf0) =	vadd.scan.msk.s32 $0xffff, v5;
	vm1 =	vmand vm10, vm2;
	v6 =	vadd.s32 v6, v50;
	s23 =	spop (v2sf)  }
0x22a: {  	(xrf0) =	vadd.scan.msk.s32 $0xffff, v52;
	v54 =	vnsel vm1, $0x0, v10;
	vm11 =	vlt.s32 v50, v3;
	vm12 =	vge.s32 v6, v3;
	s0 =	sadd.s32 s0, s23  }
0x22b: {  	v53 =	vnsel vm1, $0x0, v49;
	(xrf0) =	vadd.scan.msk.s32 $0xffff, v54;
	vm0 =	vmand vm11, vm12;
	v51 =	vsub.s32 s0, v15  }
0x22c: {  	v55 =	vor.u32 s22, v1;
	v57, _, _ =	vpop (xrf0);
	(xrf0) =	vadd.scan.msk.s32 $0xffff, v53;
	v58 =	vnsel vm0, $0x0, v50;
	v56 =	vadd.s32 v8, v51  }
0x22d: {  	v59, _, _ =	vpop (xrf0);
	(xrf0) =	vadd.scan.msk.s32 $0xffff, v58;
	vm13 =	vlt.s32 v51, v3;
	vm14 =	vge.s32 v56, v3;
	v3 =	vnsel vm0, $0x0, v55  }
0x22e: {  	(v2sf) =	vpush v57, $0xF;
	v60, _, _ =	vpop (xrf0);
	vm15 =	vmand vm13, vm14;
	(xrf0) =	vadd.scan.msk.s32 $0xffff, v3;
	v3 =	vor.u32 s21, v1  }
0x22f: {  	(v2sf) =	vpush v59, $0xF;
	v4 =	vnsel vm15, $0x0, v51;
	v3 =	vnsel vm15, $0x0, v3  }
0x230: {  	(v2sf) =	vpush v60, $0xF;
	v61, _, _ =	vpop (xrf0);
	(xrf0) =	vadd.scan.msk.s32 $0xffff, v4  }
0x231: {  	(v2sf) =	vpush v61, $0xF;
	v62, _, _ =	vpop (xrf0);
	(xrf0) =	vadd.scan.msk.s32 $0xffff, v3  }
0x232: {  	(v2sf) =	vpush v62, $0xF;
	v3, _, _ =	vpop (xrf0)  }
0x233: {  	v63, _, _ =	vpop (xrf0);
	(v2sf) =	vpush v3, $0xF  }
0x234: {  	(v2sf) =	vpush v63, $0xF;
	v3, _, _ =	vpop (xrf0)  }
0x235: {  	(v2sf) =	vpush v3, $0xF;
	v3, _, _ =	vpop (xrf0)  }
0x236: {  	(v2sf) =	vpush v3, $0xF;
	v3, _, _ =	vpop (xrf0)  }
0x237: {  	(v2sf) =	vpush v3, $0xF;
	v3, _, _ =	vpop (xrf0)  }
0x238: {  	(v2sf) =	vpush v3, $0xF;
	_ =	sdelay $0x4  }
0x239: {  	s22 =	spop (v2sf)  }
0x23a: {  	s23 =	spop (v2sf)  }
0x23b: {  	p0 =	slt.s32 s17, $0x1;
	s19 =	sadd.s32 s19, s28;
	s28 =	spop (v2sf)  }
0x23c: {  	s20 =	sadd.s32 s20, s29;
	s19 =	sadd.s32 s19, s26;
	s29 =	spop (v2sf)  }
0x23d: {  	s20 =	sadd.s32 s20, s30;
	s19 =	sadd.s32 s19, s31;
	s31 =	spop (v2sf)  }
0x23e: {  	s20 =	sadd.s32 s20, s24;
	s19 =	sadd.s32 s19, s25;
	s25 =	spop (v2sf)  }
0x23f: {  	s0 =	sadd.s32 s20, s22;
	s1 =	sadd.s32 s19, s23;
	s26 =	spop (v2sf)  }
.Ltmp16:
0x240: {  	s0 =	sadd.s32 s0, s28;
	s28 =	spop (v2sf);
	(pc) =	sbr.rel @p0 .LBB2_21-.Ltmp16, $4  }
0x241: {  	s1 =	sadd.s32 s1, s29;
	s0 =	sadd.s32 s0, s31;
	s29 =	spop (v2sf)  }
0x242: {  	s1 =	sadd.s32 s1, s25;
	s0 =	sadd.s32 s0, s26;
	s30 =	spop (v2sf)  }
0x243: {  	s1 =	sadd.s32 s1, s28;
	s0 =	sadd.s32 s0, s29;
	s31 =	spop (v2sf)  }
0x244: {  	s19 =	simm.s32 $0x0;
	s20 =	sadd.s32 s1, s30;
	s21 =	sadd.s32 s0, s31  }
0x245: {  	s23 =	simm.s32 $0x8000  }
0x246: {  	v3 =	vld [tilespmem:s23+$0x0];
	_ =	sdelay $0x3  }
0x247: {  	p1 =	seq.s32 s17, $0x1  }
.Ltmp17:
0x248: {  	v4 =	vmov s21;
	s21 =	simm.s32 $0x0;
	v5 =	vshrl.u32 v3, $0xA;
	(pc) =	sbr.rel @p1 .LBB2_35-.Ltmp17, $4  }
0x249: {  	v6 =	vor.u32 s21, v1;
	v5 =	vand.u32 $0x3FF, v5  }
0x24a: {  	vm0 =	vlt.s32 v6, v2;
	vm1 =	vgt.s32 v5, v4;
	vm2 =	veq.s32 v5, v4  }
0x24b: {  	s22 =	simm.s32 $0xA080;
	vm1 =	vmand vm0, vm1;
	vm0 =	vmand vm0, vm2  }
0x24c: {  	p0 =	por $0x0, $0x0;
	s23 =	sadd.s32 $0xFFFFFFFF, s17;
	v5 =	vld [tilespmem:s22+$0x0];
	v7 =	vmpcnt.ones.xlane vm1;
	v6 =	vmpcnt.ones.xlane vm0  }
0x24d: {  	_ =	sdelay $0x1  }
0x24e: {  	(v2sf) =	vpush v7, $0x0  }
0x24f: {  	[tilespmem:s16+$0x10200] =	vst.msk vm1, v3;
	(v2sf) =	vpush v6, $0x0  }
0x250: {  	[tilespmem:s16+$0x10680] =	vst.msk vm1, v5  }
0x251: {  	[tilespmem:s21+$0xC100] =	vst.msk vm0, v3  }
0x252: {  	s17 =	simm.s32 $0x8010;
	[tilespmem:s21+$0xE180] =	vst.msk vm0, v5  }
0x253: {  	v3 =	vld [tilespmem:s17+$0x0];
	_ =	sdelay $0x4  }
0x254: {  	s22 =	simm.s32 $0x10;
	p1 =	seq.s32 s23, $0x1;
	v5 =	vshrl.u32 v3, $0xA  }
.Ltmp18:
0x255: {  	v7 =	vor.u32 s22, v1;
	v5 =	vand.u32 $0x3FF, v5;
	(pc) =	sbr.rel @p1 .LBB2_37-.Ltmp18, $4  }
0x256: {  	s26 =	simm.s32 $0xA090;
	vm0 =	vlt.s32 v7, v2;
	vm1 =	vgt.s32 v5, v4  }
0x257: {  	vm2 =	veq.s32 v5, v4;
	v5 =	vld [tilespmem:s26+$0x0];
	vm1 =	vmand vm0, vm1  }
0x258: {  	s25 =	sadd.s32 $0xFFFFFFFF, s23;
	p0 =	por $0x1, $0x1;
	vm0 =	vmand vm0, vm2;
	v7 =	vmpcnt.ones.xlane vm1  }
0x259: {  	s23 =	smov.u32 s16;
	s24 =	simm.s32 $0x0;
	v6 =	vmpcnt.ones.xlane vm0;
	s28 =	spop (v2sf)  }
.LBB2_38:
0x25a: {  	p1 =	seq.s32 s25, $0x1;
	(v2sf) =	vpush v7, $0x0;
	s23 =	sadd.s32 s23, s28;
	s0 =	spop (v2sf)  }
0x25b: {  	s25 =	sadd.s32 $0xFFFFFFFF, s25;
	[tilespmem:s23+$0x10200] =	vst.msk vm1, v3;
	(v2sf) =	vpush v6, $0x0;
	s24 =	sadd.s32 s24, s0  }
0x25c: {  	[tilespmem:s23+$0x10680] =	vst.msk vm1, v5  }
0x25d: {  	[tilespmem:s24+$0xC100] =	vst.msk vm0, v3  }
0x25e: {  	s17 =	sadd.s32 $0x10, s17;
	[tilespmem:s24+$0xE180] =	vst.msk vm0, v5  }
0x25f: {  	v3 =	vld [tilespmem:s17+$0x0];
	_ =	sdelay $0x4  }
0x260: {  	s22 =	sadd.s32 $0x10, s22;
	v5 =	vshrl.u32 v3, $0xA  }
.Ltmp19:
0x261: {  	v6 =	vor.u32 s22, v1;
	v5 =	vand.u32 $0x3FF, v5;
	(pc) =	sbr.rel @!p1 .LBB2_38-.Ltmp19, $4  }
0x262: {  	s26 =	sadd.s32 $0x10, s26;
	vm0 =	vlt.s32 v6, v2;
	vm1 =	vgt.s32 v5, v4;
	vm2 =	veq.s32 v5, v4  }
0x263: {  	v5 =	vld [tilespmem:s26+$0x0];
	vm1 =	vmand vm0, vm1;
	vm0 =	vmand vm0, vm2  }
0x264: {  	v7 =	vmpcnt.ones.xlane vm1;
	v6 =	vmpcnt.ones.xlane vm0  }
0x265: {  	s28 =	spop (v2sf)  }
.LBB2_39:
0x266: {  	(v2sf) =	vpush v7, $0x0  }
0x267: {  	(v2sf) =	vpush v6, $0x0;
	_ =	sdelay $0xa  }
0x268: {  	s0 =	sadd.s32 @p0 s23, s28  }
.Ltmp20:
0x269: {  	s1 =	spop @p0 (v2sf);
	s16 =	smov.u32 @p0 s0;
	(pc) =	sbr.rel .LBB2_22-.Ltmp20, $4  }
0x26a: {  	s0 =	sadd.s32 @p0 s24, s1;
	[tilespmem:s16+$0x10200] =	vst.msk vm1, v3  }
0x26b: {  	s21 =	smov.u32 @p0 s0;
	[tilespmem:s16+$0x10680] =	vst.msk vm1, v5;
	s30 =	spop (v2sf)  }
0x26c: {  	[tilespmem:s21+$0xC100] =	vst.msk vm0, v3;
	s31 =	spop (v2sf)  }
0x26d: {  	[tilespmem:s21+$0xE180] =	vst.msk vm0, v5;
	s16 =	sadd.s32 s16, s30;
	s21 =	sadd.s32 s21, s31  }
.LBB2_21:
0x26e: {  	s21 =	simm.s32 $0x0  }
.LBB2_22:
0x26f: {  	s17 =	ssub.s32 s18, s20;
	p0 =	por $0x1, $0x1  }
.LBB2_23:
0x270: {  	s0 =	sshra.s32 s19, $0x2  }
0x271: {  	[tilespmem:s0+$0x4000] =	vst v0  }
0x272: {  	[tilespmem:s0+$0x4010] =	vst v0  }
0x273: {  	[tilespmem:s0+$0x4020] =	vst v0  }
0x274: {  	[tilespmem:s0+$0x4030] =	vst v0  }
0x275: {  	[tilespmem:s0+$0x4040] =	vst v0  }
0x276: {  	[tilespmem:s0+$0x4050] =	vst v0  }
0x277: {  	[tilespmem:s0+$0x4060] =	vst v0  }
0x278: {  	[tilespmem:s0+$0x4070] =	vst v0  }
0x279: {  	[tilespmem:s0+$0x4080] =	vst v0  }
0x27a: {  	[tilespmem:s0+$0x4090] =	vst v0  }
0x27b: {  	[tilespmem:s0+$0x40A0] =	vst v0  }
0x27c: {  	[tilespmem:s0+$0x40B0] =	vst v0  }
0x27d: {  	[tilespmem:s0+$0x40C0] =	vst v0  }
0x27e: {  	[tilespmem:s0+$0x40D0] =	vst v0  }
0x27f: {  	[tilespmem:s0+$0x40E0] =	vst v0  }
0x280: {  	[tilespmem:s0+$0x40F0] =	vst v0  }
0x281: {  	[tilespmem:s0+$0x4100] =	vst v0  }
0x282: {  	[tilespmem:s0+$0x4110] =	vst v0  }
0x283: {  	[tilespmem:s0+$0x4120] =	vst v0  }
0x284: {  	[tilespmem:s0+$0x4130] =	vst v0  }
0x285: {  	[tilespmem:s0+$0x4140] =	vst v0  }
0x286: {  	[tilespmem:s0+$0x4150] =	vst v0  }
0x287: {  	[tilespmem:s0+$0x4160] =	vst v0  }
0x288: {  	[tilespmem:s0+$0x4170] =	vst v0  }
0x289: {  	[tilespmem:s0+$0x4180] =	vst v0  }
0x28a: {  	[tilespmem:s0+$0x4190] =	vst v0  }
0x28b: {  	p1 =	por p0, p0;
	[tilespmem:s0+$0x41A0] =	vst v0  }
.Ltmp21:
0x28c: {  	[tilespmem:s0+$0x41B0] =	vst v0;
	(pc) =	sbr.rel @p1 .LBB2_23-.Ltmp21, $4  }
0x28d: {  	[tilespmem:s0+$0x41C0] =	vst v0  }
0x28e: {  	[tilespmem:s0+$0x41D0] =	vst v0  }
0x28f: {  	[tilespmem:s0+$0x41E0] =	vst v0  }
0x290: {  	s19 =	simm.s32 $0x800;
	p0 =	por $0x0, $0x0;
	[tilespmem:s0+$0x41F0] =	vst v0  }
0x291: {  	s0 =	sadd.s32 $0xF, s21  }
0x292: {  	s1 =	sand.u32 $0xF, s0  }
0x293: {  	s31 =	sshra.s32 s0, $0x1F;
	p1 =	slt.s32 s0, $0x1;
	p0 =	sne.s32 s1, $0x0  }
0x294: {  	s1 =	sshrl.u32 s31, $0x1C;
	p0 =	por !p1, !p0  }
0x295: {  	s0 =	sadd.s32 s1, s0;
	s1 =	simm.s32 $0x1;
	p0 =	por !p0, !p0  }
0x296: {  	s0 =	sshra.s32 s0, $0x4;
	s1 =	simm.s32 @!p0 $0x0  }
0x297: {  	s18 =	ssub.s32 s0, s1  }
0x298: {  	s0 =	sshrl.u32 s18, $0x1E  }
0x299: {  	s0 =	sadd.s32 s0, s18  }
0x29a: {  	s19 =	sand.u32 $0xFFFFFFFC, s0  }
0x29b: {  	p0 =	slt.s32 s19, $0x1  }
.Ltmp22:
0x29c: {  	_ = 	snop;
	(pc) =	sbr.rel @p0 .LBB2_40-.Ltmp22, $2  }
0x29d: {  	_ =	sdelay $0x2  }
0x29e: {  	v2 =	vmov s21  }
0x29f: {  	p3 =	sgt.s32 s19, $0x4  }
.Ltmp23:
0x2a0: {  	s22 =	simm.s32 $0xC120;
	(pc) =	sbr.rel @!p3 .LBB2_26-.Ltmp23, $4  }
0x2a1: {  	v15 =	vld [tilespmem:s22+$0xFFFFFFF0]  }
0x2a2: {  	v19 =	vld [tilespmem:s22+$0x0]  }
0x2a3: {  	s20 =	simm.s32 $0x0;
	s21 =	simm.s32 $0x30;
	v12 =	vld [tilespmem:s22+$0xFFFFFFE0]  }
0x2a4: {  	p0 =	por $0x0, $0x0;
	p1 =	por $0x0, $0x0;
	p2 =	por $0x0, $0x0;
	v7 =	vld [tilespmem:s22+$0x10];
	v16 =	vor.u32 s20, v1  }
0x2a5: {  	_ =	sdelay $0x1  }
0x2a6: {  	p3 =	sgt.s32 s19, $0x8  }
.Ltmp24:
0x2a7: {  	vm0 =	vlt.s32 v16, v2;
	s0 =	simm.s32 $0x20;
	v5 =	vor.u32 s21, v1;
	s1 =	simm.s32 $0xC160;
	v3 =	vand.u32 $0x3FF, v12;
	(pc) =	sbr.rel @!p3 .LBB2_49-.Ltmp24, $4  }
0x2a8: {  	s20 =	simm.s32 $0x10;
	v11 =	vld [tilespmem:s1+$0xFFFFFFF0];
	v6 =	vor.u32 s0, v1;
	vm1 =	vlt.s32 v5, v2;
	v4 =	vand.u32 $0x3FF, v7;
	(xrf1) =	vunique.msk.u32 vm0, v3  }
0x2a9: {  	v17 =	vld [tilespmem:s1+$0x0];
	v5 =	vand.u32 $0x3FF, v19;
	vm14 =	vlt.s32 v6, v2;
	v7 =	vor.u32 s20, v1;
	(xrf1) =	vunique.msk.u32 vm1, v4  }
0x2aa: {  	v6 =	vand.u32 $0x3FF, v15;
	v12 =	vld [tilespmem:s1+$0xFFFFFFE0];
	s20 =	simm.s32 $0x40;
	vm15 =	vlt.s32 v7, v2;
	(xrf1) =	vunique.msk.u32 vm14, v5  }
0x2ab: {  	s21 =	simm.s32 $0x70;
	p0 =	por $0x1, $0x1;
	v7 =	vld [tilespmem:s1+$0x10];
	v16 =	vor.u32 s20, v1;
	(xrf1) =	vunique.msk.u32 vm15, v6  }
0x2ac: {  	_ =	sdelay $0x2  }
0x2ad: {  	vm0 =	vlt.s32 v16, v2;
	s0 =	simm.s32 $0x60;
	v10 =	vor.u32 s21, v1;
	v8 =	vand.u32 $0x3FF, v12  }
0x2ae: {  	s20 =	simm.s32 $0x50;
	vm1 =	vlt.s32 v10, v2;
	v12 =	vor.u32 s0, v1;
	v9 =	vand.u32 $0x3FF, v7;
	(xrf1) =	vunique.msk.u32 vm0, v8  }
0x2af: {  	v13 =	vand.u32 $0x3FF, v17;
	v7 =	vor.u32 s20, v1;
	vm0 =	vlt.s32 v12, v2;
	(xrf1) =	vunique.msk.u32 vm1, v9  }
0x2b0: {  	v10 =	vand.u32 $0x3FF, v11;
	vm1 =	vlt.s32 v7, v2;
	(xrf1) =	vunique.msk.u32 vm0, v13  }
0x2b1: {  	(xrf1) =	vunique.msk.u32 vm1, v10;
	_ =	sdelay $0x5  }
0x2b2: {  	p3 =	sgt.s32 s19, $0xC  }
.Ltmp25:
0x2b3: {  	s1 =	simm.s32 $0xC1A0;
	(pc) =	sbr.rel @!p3 .LBB2_51-.Ltmp25, $4  }
0x2b4: {  	v15 =	vld [tilespmem:s1+$0xFFFFFFF0]  }
0x2b5: {  	v19 =	vld [tilespmem:s1+$0x0]  }
0x2b6: {  	v12 =	vld [tilespmem:s1+$0xFFFFFFE0];
	s20 =	simm.s32 $0x80  }
0x2b7: {  	s21 =	simm.s32 $0xB0;
	p1 =	por $0x1, $0x1;
	v7 =	vld [tilespmem:s1+$0x10];
	v16 =	vor.u32 s20, v1;
	_, v11, vm0 =	vpop (xrf1)  }
0x2b8: {  	_ =	sdelay $0x1  }
0x2b9: {  	_, v17, vm2 =	vpop (xrf1)  }
0x2ba: {  	vm1 =	vlt.s32 v16, v2;
	s0 =	simm.s32 $0xA0;
	v14 =	vor.u32 s21, v1;
	_, v18, vm3 =	vpop (xrf1);
	v20 =	vand.u32 $0x3FF, v12  }
0x2bb: {  	s1 =	simm.s32 $0x90;
	v16 =	vor.u32 s0, v1;
	vm4 =	vlt.s32 v14, v2;
	v21 =	vand.u32 $0x3FF, v7;
	(xrf1) =	vunique.msk.u32 vm1, v20  }
0x2bc: {  	v26 =	vor.u32 s1, v1;
	v22 =	vand.u32 $0x3FF, v19;
	vm1 =	vlt.s32 v16, v2;
	(xrf1) =	vunique.msk.u32 vm4, v21  }
0x2bd: {  	v25 =	vand.u32 $0x3FF, v15;
	vm15 =	vlt.s32 v26, v2;
	(xrf1) =	vunique.msk.u32 vm1, v22  }
0x2be: {  	s22 =	simm.s32 $0xC1E0;
	[tilespmem:v3+s12+$0x0] =	vst.idx.add.s32.msk vm0, v11;
	(xrf1) =	vunique.msk.u32 vm15, v25  }
0x2bf: {  	p3 =	sgt.s32 s19, $0x10;
	v12 =	vld [tilespmem:s22+$0xFFFFFFE0];
	_, v14, vm1 =	vpop (xrf1)  }
.Ltmp26:
0x2c0: {  	[tilespmem:v5+s12+$0x0] =	vst.idx.add.s32.msk vm3, v18;
	v18 =	vmov v6;
	(pc) =	sbr.rel @!p3 .LBB2_53-.Ltmp26, $4  }
0x2c1: {  	v7 =	vld [tilespmem:s22+$0x10]  }
0x2c2: {  	v23 =	vld [tilespmem:s22+$0x0]  }
0x2c3: {  	s20 =	simm.s32 $0xC0;
	v24 =	vld [tilespmem:s22+$0xFFFFFFF0]  }
0x2c4: {  	s23 =	simm.s32 $0x10;
	s21 =	simm.s32 $0xF0;
	p2 =	por $0x1, $0x1;
	v16 =	vor.u32 s20, v1;
	[tilespmem:v4+s12+$0x0] =	vst.idx.add.s32.msk vm2, v17;
	_, v17, vm2 =	vpop (xrf1)  }
.LBB2_54:
0x2c5: {  	s23 =	sadd.s32 $0x4, s23;
	v15 =	vand.u32 $0x3FF, v12;
	vm4 =	vlt.s32 v16, v2;
	s0 =	sadd.s32 $0x20, s20;
	v12 =	vor.u32 s21, v1;
	s22 =	sadd.s32 $0x40, s22;
	_, v16, vm3 =	vpop (xrf1);
	[tilespmem:v18+s12+$0x0] =	vst.idx.add.s32.msk vm1, v14  }
0x2c6: {  	s1 =	sadd.s32 $0x10, s20;
	v19 =	vld [tilespmem:s22+$0xFFFFFFF0];
	p3 =	slt.s32 s23, s19;
	v29 =	vor.u32 s0, v1;
	v26 =	vand.u32 $0x3FF, v7;
	vm1 =	vlt.s32 v12, v2;
	(xrf1) =	vunique.msk.u32 vm4, v15;
	_, v27, vm4 =	vpop (xrf1)  }
0x2c7: {  	v28 =	vand.u32 $0x3FF, v23;
	v7 =	vor.u32 s1, v1;
	v23 =	vld [tilespmem:s22+$0x0];
	vm5 =	vlt.s32 v29, v2;
	(xrf1) =	vunique.msk.u32 vm1, v26;
	_, v14, vm1 =	vpop (xrf1)  }
.Ltmp27:
0x2c8: {  	v18 =	vmovc v10;
	v10 =	vmov v25;
	v25 =	vand.u32 $0x3FF, v24;
	vm6 =	vlt.s32 v7, v2;
	v12 =	vld [tilespmem:s22+$0xFFFFFFE0];
	(xrf1) =	vunique.msk.u32 vm5, v28;
	(pc) =	sbr.rel @p3 .LBB2_54-.Ltmp27, $4  }
0x2c9: {  	v7 =	vld [tilespmem:s22+$0x10];
	(xrf1) =	vunique.msk.u32 vm6, v25  }
0x2ca: {  	[tilespmem:v8+s12+$0x0] =	vst.idx.add.s32.msk vm2, v17;
	v8 =	vmov v20;
	v20 =	vmov v15  }
0x2cb: {  	s20 =	sadd.s32 $0x40, s20;
	[tilespmem:v9+s12+$0x0] =	vst.idx.add.s32.msk vm3, v16;
	v24 =	vmov v19;
	v9 =	vmov v21;
	v21 =	vmov v26  }
0x2cc: {  	s21 =	sadd.s32 $0x30, s20;
	v16 =	vor.u32 s20, v1;
	_, v17, vm2 =	vpop (xrf1);
	[tilespmem:v13+s12+$0x0] =	vst.idx.add.s32.msk vm4, v27;
	v13 =	vmov v22;
	v22 =	vmov v28  }
0x2cd: {  	v26 =	vmovc v10;
	v27 =	vmovc v8;
	v28 =	vmov v9;
	v29 =	vmov v13;
	v19 =	vmov v23  }
0x2ce: {  	v15 =	vmovc v24;
	v10 =	vmovc v25;
	v8 =	vmov v20;
	v9 =	vmov v21;
	v13 =	vmov v22  }
.LBB2_56:
0x2cf: {  	v12 =	vand.u32 $0x3FF, v12;
	vm3 =	vlt.s32 v16, v2;
	s0 =	sadd.s32 $0x20, s20;
	v59 =	vor.u32 s21, v1  }
0x2d0: {  	s1 =	sadd.s32 $0x10, s20;
	v7 =	vand.u32 $0x3FF, v7;
	v20 =	vor.u32 s0, v1;
	vm4 =	vlt.s32 v59, v2;
	(xrf1) =	vunique.msk.u32 vm3, v12  }
0x2d1: {  	v19 =	vand.u32 $0x3FF, v19;
	v60 =	vor.u32 s1, v1;
	vm11 =	vlt.s32 v20, v2;
	(xrf1) =	vunique.msk.u32 vm4, v7  }
0x2d2: {  	v15 =	vand.u32 $0x3FF, v15;
	vm12 =	vlt.s32 v60, v2;
	(xrf1) =	vunique.msk.u32 vm11, v19  }
0x2d3: {  	(xrf1) =	vunique.msk.u32 vm12, v15;
	_ =	sdelay $0x2  }
0x2d4: {  	_, v16, vm3 =	vpop @p1 (xrf1)  }
0x2d5: {  	_, v20, vm4 =	vpop @p1 (xrf1)  }
0x2d6: {  	_, v21, vm5 =	vpop @p1 (xrf1)  }
0x2d7: {  	v22 =	vmov @p1 v26;
	_, v23, vm6 =	vpop @p0 (xrf1);
	vm5 =	vmmov @p1 vm5  }
0x2d8: {  	v22 =	vpsel p1, v22, v0;
	vm0 =	vmmov @p0 vm6;
	_, v24, vm6 =	vpop @p0 (xrf1)  }
0x2d9: {  	[tilespmem:v18+s12+$0x0] =	vst.idx.add.s32.msk @p2 vm1, v14;
	v3 =	vpsel p0, v8, v3;
	_, v8, vm1 =	vpop @p0 (xrf1)  }
0x2da: {  	[tilespmem:v27+s12+$0x0] =	vst.idx.add.s32.msk @p1 vm2, v17;
	v4 =	vpsel p0, v9, v4;
	_, v9, vm2 =	vpop @p0 (xrf1)  }
0x2db: {  	v6 =	vpsel p0, v10, v6;
	v5 =	vpsel p0, v13, v5;
	[tilespmem:v28+s12+$0x0] =	vst.idx.add.s32.msk @p1 vm3, v16;
	vm2 =	vmmov @p0 vm2  }
0x2dc: {  	v6 =	vpsel p0, v6, v0;
	v10 =	vpsel p1, v21, v0;
	[tilespmem:v29+s12+$0x0] =	vst.idx.add.s32.msk @p1 vm4, v20;
	_, v61, vm13 =	vpop (xrf1)  }
0x2dd: {  	v11 =	vpsel p0, v23, v11;
	[tilespmem:v22+s12+$0x0] =	vst.idx.add.s32.msk @p1 vm5, v10;
	_, v62, vm14 =	vpop (xrf1)  }
0x2de: {  	[tilespmem:v3+s12+$0x0] =	vst.idx.add.s32.msk @p0 vm0, v11;
	_, v3, vm0 =	vpop (xrf1)  }
0x2df: {  	[tilespmem:v4+s12+$0x0] =	vst.idx.add.s32.msk @p0 vm6, v24;
	_, v63, vm15 =	vpop (xrf1)  }
0x2e0: {  	[tilespmem:v5+s12+$0x0] =	vst.idx.add.s32.msk @p0 vm1, v8;
	v5 =	vpsel p0, v9, v0  }
0x2e1: {  	[tilespmem:v6+s12+$0x0] =	vst.idx.add.s32.msk @p0 vm2, v5  }
0x2e2: {  	[tilespmem:v12+s12+$0x0] =	vst.idx.add.s32.msk vm13, v61  }
0x2e3: {  	[tilespmem:v7+s12+$0x0] =	vst.idx.add.s32.msk vm14, v62  }
0x2e4: {  	[tilespmem:v19+s12+$0x0] =	vst.idx.add.s32.msk vm0, v3  }
0x2e5: {  	[tilespmem:v15+s12+$0x0] =	vst.idx.add.s32.msk vm15, v63  }
.LBB2_40:
0x2e6: {  	s0 =	ssub.s32 s18, s19  }
0x2e7: {  	p0 =	slt.s32 s0, $0x1  }
.Ltmp28:
0x2e8: {  	_ = 	snop;
	(pc) =	sbr.rel @p0 .LBB2_43-.Ltmp28, $1  }
0x2e9: {  	_ =	sdelay $0x3  }
0x2ea: {  	s0 =	sshll.u32 s19, $0x6  }
0x2eb: {  	s0 =	sshra.s32 s0, $0x2  }
0x2ec: {  	s21 =	sshll.u32 s19, $0x4;
	s20 =	sadd.s32 $0xC100, s0  }
.LBB2_42:
0x2ed: {  	v3 =	vld [tilespmem:s20+$0x0];
	_ =	sdelay $0x3  }
0x2ee: {  	v4 =	vor.u32 s21, v1  }
0x2ef: {  	vm0 =	vlt.s32 v4, v2;
	v3 =	vand.u32 $0x3FF, v3  }
0x2f0: {  	(xrf1) =	vunique.msk.u32 vm0, v3;
	_ =	sdelay $0xd  }
0x2f1: {  	s19 =	sadd.s32 $0x1, s19;
	_, v4, vm0 =	vpop (xrf1)  }
0x2f2: {  	p0 =	slt.s32 s19, s18  }
.Ltmp29:
0x2f3: {  	_ = 	snop;
	(pc) =	sbr.rel @p0 .LBB2_42-.Ltmp29, $2  }
0x2f4: {  	_ =	sdelay $0x2  }
0x2f5: {  	s20 =	sadd.s32 $0x10, s20;
	s21 =	sadd.s32 $0x10, s21;
	[tilespmem:v3+s12+$0x0] =	vst.idx.add.s32.msk vm0, v4  }
.LBB2_43:
0x2f6: {  	s21 =	simm.s32 $0x43F0  }
0x2f7: {  	v4 =	vld [tilespmem:s21+$0x0];
	_ =	sdelay $0x2  }
0x2f8: {  	s0 =	simm.s32 $0x43E0  }
0x2f9: {  	v6 =	vld [tilespmem:s0+$0x0]  }
0x2fa: {  	(xrf0) =	vadd.scan.msk.s32 $0xffff, v4  }
0x2fb: {  	s23 =	simm.s32 $0x43D0  }
0x2fc: {  	v8 =	vld [tilespmem:s23+$0x0];
	_ =	sdelay $0x1  }
0x2fd: {  	(xrf0) =	vadd.scan.msk.s32 $0xffff, v6;
	_ =	sdelay $0x1  }
0x2fe: {  	s24 =	simm.s32 $0x43C0;
	v7, _, _ =	vpop (xrf0)  }
0x2ff: {  	v10 =	vld [tilespmem:s24+$0x0];
	(xrf0) =	vadd.scan.msk.s32 $0xffff, v8;
	(v2sf) =	vpush v7, $0xF;
	_ =	sdelay $0x2  }
0x300: {  	v9, _, _ =	vpop (xrf0)  }
0x301: {  	(v2sf) =	vpush v9, $0xF  }
0x302: {  	(xrf0) =	vadd.scan.msk.s32 $0xffff, v10  }
0x303: {  	v11, _, _ =	vpop (xrf0)  }
0x304: {  	s25 =	simm.s32 $0x43B0;
	(v2sf) =	vpush v11, $0xF  }
0x305: {  	v5 =	vld [tilespmem:s25+$0x0];
	_ =	sdelay $0x2  }
0x306: {  	v12, _, _ =	vpop (xrf0)  }
0x307: {  	(v2sf) =	vpush v12, $0xF  }
0x308: {  	(xrf0) =	vadd.scan.msk.s32 $0xffff, v5;
	_ =	sdelay $0x1  }
0x309: {  	s26 =	spop (v2sf)  }
0x30a: {  	s0 =	sadd.s32 $0x0, s26  }
0x30b: {  	v13 =	vsub.s32 s0, v7  }
0x30c: {  	v3 =	vmov s17;
	s1 =	simm.s32 $0x43A0;
	v4 =	vadd.s32 v4, v13  }
0x30d: {  	v14, _, _ =	vpop (xrf0);
	s29 =	spop (v2sf);
	v7 =	vld [tilespmem:s1+$0x0];
	vm0 =	vlt.s32 v13, v3;
	vm1 =	vge.s32 v4, v3  }
0x30e: {  	(v2sf) =	vpush v14, $0xF;
	s0 =	sadd.s32 s0, s29;
	vm0 =	vmand vm0, vm1  }
0x30f: {  	s31 =	simm.s32 $0x4390;
	v9 =	vsub.s32 s0, v9;
	v4 =	vnsel vm0, $0x0, v13  }
0x310: {  	s20 =	simm.s32 $0x3F0;
	s21 =	spop (v2sf);
	v6 =	vadd.s32 v6, v9;
	(xrf0) =	vadd.scan.msk.s32 $0xffff, v4;
	v4 =	vld [tilespmem:s31+$0x0]  }
0x311: {  	s0 =	sadd.s32 s0, s21;
	vm9 =	vlt.s32 v9, v3;
	vm10 =	vge.s32 v6, v3;
	v13 =	vor.u32 s20, v1  }
0x312: {  	s23 =	simm.s32 $0x3E0;
	v11 =	vsub.s32 s0, v11;
	v13 =	vnsel vm0, $0x0, v13;
	vm0 =	vmand vm9, vm10;
	(xrf0) =	vadd.scan.msk.s32 $0xffff, v7  }
0x313: {  	v8 =	vadd.s32 v8, v11;
	v9 =	vnsel vm0, $0x0, v9;
	(xrf0) =	vadd.scan.msk.s32 $0xffff, v13;
	v13 =	vor.u32 s23, v1  }
0x314: {  	vm11 =	vlt.s32 v11, v3;
	vm2 =	vge.s32 v8, v3;
	(xrf0) =	vadd.scan.msk.s32 $0xffff, v9  }
0x315: {  	s24 =	spop (v2sf);
	vm12 =	vmand vm11, vm2;
	v8 =	vnsel vm0, $0x0, v13;
	(xrf0) =	vadd.scan.msk.s32 $0xffff, v4  }
0x316: {  	s0 =	sadd.s32 s0, s24;
	v13, _, _ =	vpop (xrf0);
	(xrf0) =	vadd.scan.msk.s32 $0xffff, v8;
	v8 =	vnsel vm12, $0x0, v11  }
0x317: {  	v11 =	vsub.s32 s0, v12;
	(xrf0) =	vadd.scan.msk.s32 $0xffff, v8  }
0x318: {  	v9, _, _ =	vpop (xrf0);
	(v2sf) =	vpush v13, $0xF;
	v10 =	vadd.s32 v10, v11  }
0x319: {  	(v2sf) =	vpush v9, $0xF;
	v8, _, _ =	vpop (xrf0)  }
0x31a: {  	(v2sf) =	vpush v8, $0xF;
	v12, _, _ =	vpop (xrf0)  }
0x31b: {  	s22 =	simm.s32 $0x4380;
	vm14 =	vge.s32 v10, v3;
	(v2sf) =	vpush v12, $0xF;
	v10, _, _ =	vpop (xrf0)  }
0x31c: {  	v6 =	vld [tilespmem:s22+$0x0];
	(v2sf) =	vpush v10, $0xF;
	v12, _, _ =	vpop (xrf0)  }
0x31d: {  	s31 =	spop (v2sf);
	(v2sf) =	vpush v12, $0xF;
	v15, _, _ =	vpop (xrf0)  }
0x31e: {  	(v2sf) =	vpush v15, $0xF  }
0x31f: {  	s26 =	simm.s32 $0x3D0  }
0x320: {  	v13 =	vor.u32 s26, v1  }
0x321: {  	s25 =	simm.s32 $0x4370;
	(xrf0) =	vadd.scan.msk.s32 $0xffff, v6;
	v13 =	vnsel vm12, $0x0, v13  }
0x322: {  	vm13 =	vlt.s32 v11, v3;
	(xrf0) =	vadd.scan.msk.s32 $0xffff, v13;
	v8 =	vld [tilespmem:s25+$0x0]  }
0x323: {  	vm15 =	vmand vm13, vm14  }
0x324: {  	s19 =	simm.s32 $0x0;
	s28 =	simm.s32 $0x4360;
	v11 =	vnsel vm15, $0x0, v11  }
0x325: {  	s29 =	simm.s32 $0x3C0;
	s21 =	simm.s32 $0x370;
	s24 =	simm.s32 $0x3A0  }
0x326: {  	s22 =	simm.s32 $0x380;
	s20 =	simm.s32 $0x0;
	s30 =	sadd.s32 s0, s31;
	(xrf0) =	vadd.scan.msk.s32 $0xffff, v11;
	v12 =	vor.u32 s29, v1  }
0x327: {  	s23 =	simm.s32 $0x390;
	s26 =	simm.s32 $0x360;
	v13 =	vsub.s32 s30, v14;
	s25 =	simm.s32 $0x3B0;
	v12 =	vnsel vm15, $0x0, v12;
	v11, _, _ =	vpop (xrf0);
	(xrf0) =	vadd.scan.msk.s32 $0xffff, v8  }
.LBB2_44:
0x328: {  	v14 =	vld [tilespmem:s28+$0x0];
	p0 =	sne.s32 s26, $0x0;
	(v2sf) =	vpush v11, $0xF;
	v15 =	vadd.s32 v5, v13;
	(xrf0) =	vadd.scan.msk.s32 $0xffff, v12;
	v12, _, _ =	vpop (xrf0);
	v5 =	vmov v7;
	s0 =	smov.u32 s26;
	s26 =	sadd.s32 $0xFFFFFFF0, s26  }
.Ltmp30:
0x329: {  	vm0 =	vlt.s32 v13, v3;
	v7 =	vmovc v4;
	v4 =	vmovc v6;
	vm1 =	vge.s32 v15, v3;
	(v2sf) =	vpush v12, $0xF;
	(pc) =	sbr.rel @p0 .LBB2_44-.Ltmp30, $4  }
0x32a: {  	v6 =	vmovc v8;
	v8 =	vmovc v9;
	v9 =	vmov v10;
	v12 =	vor.u32 s25, v1;
	s25 =	smov.u32 s24;
	s24 =	smov.u32 s23;
	vm0 =	vmand vm0, vm1;
	s1 =	spop (v2sf)  }
0x32b: {  	v10 =	vmov v11;
	s23 =	smov.u32 s22;
	s29 =	spop (v2sf);
	v12 =	vnsel vm0, $0x0, v12;
	v13 =	vnsel vm0, $0x0, v13;
	s19 =	sadd.s32 s19, s1  }
0x32c: {  	s22 =	smov.u32 s21;
	s30 =	sadd.s32 s30, s29;
	(xrf0) =	vadd.scan.msk.s32 $0xffff, v13;
	v15, _, _ =	vpop (xrf0);
	s1 =	spop (v2sf)  }
0x32d: {  	s28 =	sadd.s32 $0xFFFFFFF0, s28;
	s21 =	smov.u32 s0;
	(xrf0) =	vadd.scan.msk.s32 $0xffff, v14;
	v11, _, _ =	vpop (xrf0);
	v13 =	vsub.s32 s30, v8;
	(v2sf) =	vpush v15, $0xF;
	s20 =	sadd.s32 s20, s1;
	v8 =	vmov v14  }
0x32e: {  	_ =	sdelay $0x2  }
0x32f: {  	(v2sf) =	vpush v11, $0xF;
	v14, _, _ =	vpop (xrf0)  }
0x330: {  	(v2sf) =	vpush v14, $0xF;
	v43, _, _ =	vpop (xrf0)  }
0x331: {  	v15, _, _ =	vpop (xrf0);
	(v2sf) =	vpush v43, $0xF  }
0x332: {  	(v2sf) =	vpush v15, $0xF;
	_ =	sdelay $0x4  }
0x333: {  	s28 =	spop (v2sf)  }
0x334: {  	s0 =	spop (v2sf)  }
0x335: {  	s29 =	spop (v2sf)  }
0x336: {  	v5 =	vadd.s32 v5, v13;
	vm0 =	vlt.s32 v13, v3;
	s0 =	sadd.s32 s30, s0;
	s26 =	spop (v2sf)  }
0x337: {  	v45 =	vor.u32 s25, v1;
	vm1 =	vge.s32 v5, v3;
	v44 =	vsub.s32 s0, v9;
	s1 =	spop (v2sf)  }
0x338: {  	v46 =	vor.u32 s24, v1;
	vm0 =	vmand vm0, vm1;
	v7 =	vadd.s32 v7, v44;
	s30 =	spop (v2sf)  }
0x339: {  	v47 =	vnsel vm0, $0x0, v45;
	vm9 =	vlt.s32 v44, v3;
	vm8 =	vge.s32 v7, v3;
	s0 =	sadd.s32 s0, s1;
	s31 =	spop (v2sf)  }
0x33a: {  	(xrf0) =	vadd.scan.msk.s32 $0xffff, v12;
	v48 =	vnsel vm0, $0x0, v13;
	vm0 =	vmand vm9, vm8;
	v10 =	vsub.s32 s0, v10;
	s25 =	spop (v2sf)  }
0x33b: {  	v49 =	vor.u32 s23, v1;
	(xrf0) =	vadd.scan.msk.s32 $0xffff, v48;
	v5 =	vnsel vm0, $0x0, v44;
	v4 =	vadd.s32 v4, v10;
	s24 =	spop (v2sf);
	s0 =	sadd.s32 s0, s25  }
0x33c: {  	(xrf0) =	vadd.scan.msk.s32 $0xffff, v47;
	vm10 =	vlt.s32 v10, v3;
	vm2 =	vge.s32 v4, v3;
	v50 =	vsub.s32 s0, v11;
	s25 =	spop (v2sf)  }
0x33d: {  	v52 =	vnsel vm0, $0x0, v46;
	(xrf0) =	vadd.scan.msk.s32 $0xffff, v5;
	vm1 =	vmand vm10, vm2;
	v6 =	vadd.s32 v6, v50;
	s23 =	spop (v2sf)  }
0x33e: {  	(xrf0) =	vadd.scan.msk.s32 $0xffff, v52;
	v54 =	vnsel vm1, $0x0, v10;
	vm11 =	vlt.s32 v50, v3;
	vm12 =	vge.s32 v6, v3;
	s0 =	sadd.s32 s0, s23  }
0x33f: {  	v53 =	vnsel vm1, $0x0, v49;
	(xrf0) =	vadd.scan.msk.s32 $0xffff, v54;
	vm0 =	vmand vm11, vm12;
	v51 =	vsub.s32 s0, v15  }
0x340: {  	v55 =	vor.u32 s22, v1;
	v57, _, _ =	vpop (xrf0);
	(xrf0) =	vadd.scan.msk.s32 $0xffff, v53;
	v58 =	vnsel vm0, $0x0, v50;
	v56 =	vadd.s32 v8, v51  }
0x341: {  	v59, _, _ =	vpop (xrf0);
	(xrf0) =	vadd.scan.msk.s32 $0xffff, v58;
	vm13 =	vlt.s32 v51, v3;
	vm14 =	vge.s32 v56, v3;
	v3 =	vnsel vm0, $0x0, v55  }
0x342: {  	(v2sf) =	vpush v57, $0xF;
	v60, _, _ =	vpop (xrf0);
	vm15 =	vmand vm13, vm14;
	(xrf0) =	vadd.scan.msk.s32 $0xffff, v3;
	v3 =	vor.u32 s21, v1  }
0x343: {  	(v2sf) =	vpush v59, $0xF;
	v4 =	vnsel vm15, $0x0, v51;
	v3 =	vnsel vm15, $0x0, v3  }
0x344: {  	(v2sf) =	vpush v60, $0xF;
	v61, _, _ =	vpop (xrf0);
	(xrf0) =	vadd.scan.msk.s32 $0xffff, v4  }
0x345: {  	(v2sf) =	vpush v61, $0xF;
	v62, _, _ =	vpop (xrf0);
	(xrf0) =	vadd.scan.msk.s32 $0xffff, v3  }
0x346: {  	(v2sf) =	vpush v62, $0xF;
	v3, _, _ =	vpop (xrf0)  }
0x347: {  	v63, _, _ =	vpop (xrf0);
	(v2sf) =	vpush v3, $0xF  }
0x348: {  	(v2sf) =	vpush v63, $0xF;
	v3, _, _ =	vpop (xrf0)  }
0x349: {  	(v2sf) =	vpush v3, $0xF;
	v3, _, _ =	vpop (xrf0)  }
0x34a: {  	(v2sf) =	vpush v3, $0xF;
	v3, _, _ =	vpop (xrf0)  }
0x34b: {  	(v2sf) =	vpush v3, $0xF;
	v3, _, _ =	vpop (xrf0)  }
0x34c: {  	(v2sf) =	vpush v3, $0xF;
	_ =	sdelay $0x4  }
0x34d: {  	s22 =	spop (v2sf)  }
0x34e: {  	s23 =	spop (v2sf)  }
0x34f: {  	p0 =	slt.s32 s18, $0x1;
	s19 =	sadd.s32 s19, s28;
	s28 =	spop (v2sf)  }
0x350: {  	s20 =	sadd.s32 s20, s29;
	s19 =	sadd.s32 s19, s26;
	s29 =	spop (v2sf)  }
0x351: {  	s20 =	sadd.s32 s20, s30;
	s19 =	sadd.s32 s19, s31;
	s31 =	spop (v2sf)  }
0x352: {  	s20 =	sadd.s32 s20, s24;
	s19 =	sadd.s32 s19, s25;
	s25 =	spop (v2sf)  }
0x353: {  	s0 =	sadd.s32 s20, s22;
	s1 =	sadd.s32 s19, s23;
	s26 =	spop (v2sf)  }
.Ltmp31:
0x354: {  	s0 =	sadd.s32 s0, s28;
	s28 =	spop (v2sf);
	(pc) =	sbr.rel @p0 .LBB2_61-.Ltmp31, $4  }
0x355: {  	s1 =	sadd.s32 s1, s29;
	s0 =	sadd.s32 s0, s31;
	s29 =	spop (v2sf)  }
0x356: {  	s1 =	sadd.s32 s1, s25;
	s0 =	sadd.s32 s0, s26;
	s30 =	spop (v2sf)  }
0x357: {  	s1 =	sadd.s32 s1, s28;
	s0 =	sadd.s32 s0, s29;
	s31 =	spop (v2sf)  }
0x358: {  	s20 =	sadd.s32 s1, s30;
	s19 =	sadd.s32 s0, s31  }
0x359: {  	p1 =	sne.s32 s18, $0x1  }
.Ltmp32:
0x35a: {  	_ = 	snop;
	(pc) =	sbr.rel @!p1 .LBB2_47-.Ltmp32, $4  }
0x35b: {  	s1 =	simm.s32 $0xC100  }
0x35c: {  	v5 =	vld [tilespmem:s1+$0x0]  }
0x35d: {  	s0 =	ssub.s32 s17, s20;
	s17 =	simm.s32 $0xE180  }
0x35e: {  	v3 =	vmov s19;
	s19 =	simm.s32 $0x0;
	s18 =	sadd.s32 $0xFFFFFFFF, s18;
	p0 =	por $0x0, $0x0;
	v4 =	vmov s0  }
0x35f: {  	_ =	sdelay $0x1  }
0x360: {  	v7 =	vor.u32 s19, v1;
	v6 =	vand.u32 $0x3FF, v5  }
0x361: {  	vm0 =	vlt.s32 v7, v2;
	vm1 =	veq.s32 v6, v3  }
0x362: {  	vm1 =	vmand vm0, vm1  }
0x363: {  	v7 =	vsel vm1, $0x1, v0  }
0x364: {  	(xrf0) =	vadd.scan.msk.s32 $0xffff, v7;
	_ =	sdelay $0x5  }
0x365: {  	v7, _, _ =	vpop (xrf0)  }
0x366: {  	v8 =	vld [tilespmem:s17+$0x0];
	v9 =	vadd.s32 s19, v7  }
0x367: {  	vm2 =	vgt.s32 v6, v3;
	vm3 =	vle.s32 v9, v4  }
0x368: {  	vm0 =	vmand vm0, vm2;
	(v2sf) =	vpush v7, $0xF;
	vm1 =	vmand vm1, vm3  }
0x369: {  	p1 =	sne.s32 s18, $0x1;
	vm0 =	vmor vm0, vm1  }
.Ltmp33:
0x36a: {  	[tilespmem:s16+$0x10200] =	vst.msk vm0, v5;
	(pc) =	sbr.rel @!p1 .LBB2_58-.Ltmp33, $4  }
0x36b: {  	s23 =	simm.s32 $0xC110;
	[tilespmem:s16+$0x10680] =	vst.msk vm0, v8  }
0x36c: {  	v6 =	vmpcnt.ones.xlane vm0;
	v5 =	vld [tilespmem:s23+$0x0]  }
0x36d: {  	s24 =	sadd.s32 $0xFFFFFFFF, s18;
	p0 =	por $0x1, $0x1;
	s22 =	simm.s32 $0x0  }
0x36e: {  	s21 =	simm.s32 $0x0;
	s18 =	simm.s32 $0xE180;
	s20 =	smov.u32 s16;
	(v2sf) =	vpush v6, $0x0  }
.LBB2_59:
0x36f: {  	p1 =	sne.s32 s24, $0x1;
	_ =	sdelay $0x2  }
0x370: {  	s22 =	sadd.s32 $0x10, s22  }
0x371: {  	v6 =	vand.u32 $0x3FF, v5;
	v7 =	vor.u32 s22, v1  }
0x372: {  	vm1 =	veq.s32 v6, v3;
	vm2 =	vgt.s32 v6, v3;
	vm0 =	vlt.s32 v7, v2  }
0x373: {  	vm1 =	vmand vm0, vm1  }
0x374: {  	v6 =	vsel vm1, $0x1, v0  }
0x375: {  	(xrf0) =	vadd.scan.msk.s32 $0xffff, v6;
	s0 =	spop (v2sf)  }
0x376: {  	s21 =	sadd.s32 s21, s0;
	_ =	sdelay $0x4  }
0x377: {  	s18 =	sadd.s32 $0x10, s18;
	v6, _, _ =	vpop (xrf0);
	s0 =	spop (v2sf)  }
0x378: {  	v7 =	vld [tilespmem:s18+$0x0];
	v8 =	vadd.s32 s21, v6;
	(v2sf) =	vpush v6, $0xF;
	s20 =	sadd.s32 s20, s0  }
0x379: {  	vm3 =	vle.s32 v8, v4  }
.Ltmp34:
0x37a: {  	vm0 =	vmand vm0, vm2;
	vm1 =	vmand vm1, vm3;
	(pc) =	sbr.rel @p1 .LBB2_59-.Ltmp34, $4  }
0x37b: {  	vm0 =	vmor vm0, vm1  }
0x37c: {  	[tilespmem:s20+$0x10200] =	vst.msk vm0, v5;
	v6 =	vmpcnt.ones.xlane vm0  }
0x37d: {  	s23 =	sadd.s32 $0x10, s23;
	[tilespmem:s20+$0x10680] =	vst.msk vm0, v7  }
0x37e: {  	s24 =	sadd.s32 $0xFFFFFFFF, s24;
	v5 =	vld [tilespmem:s23+$0x0];
	(v2sf) =	vpush v6, $0x0  }
.Ltmp35:
0x37f: {  	_ = 	snop;
	(pc) =	sbr.rel .LBB2_60-.Ltmp35, $1  }
0x380: {  	_ =	sdelay $0x3  }
.LBB2_14:
.Ltmp36:
0x381: {  	(pc) =	sbr.rel .LBB2_33-.Ltmp36, $2  }
0x382: {  	_ =	sdelay $0x2  }
0x383: {  	v8 =	vmov v4  }
.LBB2_35:
.Ltmp37:
0x384: {  	(pc) =	sbr.rel .LBB2_39-.Ltmp37, $2  }
0x385: {  	_ =	sdelay $0x2  }
0x386: {  	s23 =	smov.u32 s16;
	s24 =	simm.s32 $0x0  }
.LBB2_26:
.Ltmp38:
0x387: {  	(pc) =	sbr.rel .LBB2_56-.Ltmp38, $2  }
0x388: {  	_ =	sdelay $0x2  }
0x389: {  	_ = 	snop  }
.LBB2_28:
.Ltmp39:
0x38a: {  	(pc) =	sbr.rel .LBB2_33-.Ltmp39, $2  }
0x38b: {  	_ =	sdelay $0x2  }
0x38c: {  	v19 =	vmov v3;
	v8 =	vmov v12;
	v3 =	vmov v15  }
.LBB2_37:
.Ltmp40:
0x38d: {  	(pc) =	sbr.rel .LBB2_39-.Ltmp40, $2  }
0x38e: {  	_ =	sdelay $0x2  }
0x38f: {  	s23 =	smov.u32 s16;
	s24 =	simm.s32 $0x0  }
.LBB2_49:
.Ltmp41:
0x390: {  	(pc) =	sbr.rel .LBB2_56-.Ltmp41, $3  }
0x391: {  	_ =	sdelay $0x1  }
0x392: {  	v10 =	vmov v6  }
0x393: {  	v8 =	vmovc v3;
	v9 =	vmovc v4;
	v13 =	vmov v5;
	v15 =	vmov v11;
	v19 =	vmov v17  }
.LBB2_58:
.Ltmp42:
0x394: {  	(pc) =	sbr.rel .LBB2_60-.Ltmp42, $3  }
0x395: {  	_ =	sdelay $0x1  }
0x396: {  	s22 =	simm.s32 $0x0  }
0x397: {  	s21 =	simm.s32 $0x0;
	s18 =	simm.s32 $0xE180;
	s20 =	smov.u32 s16  }
.LBB2_30:
.Ltmp43:
0x398: {  	(pc) =	sbr.rel .LBB2_33-.Ltmp43, $3  }
0x399: {  	_ =	sdelay $0x1  }
0x39a: {  	v20 =	vmovc v3;
	v22 =	vmov v5;
	v23 =	vmov v7;
	v24 =	vmov v4  }
0x39b: {  	v5 =	vmovc v19;
	v19 =	vmovc v15;
	v3 =	vmov v21;
	v7 =	vmov v18;
	v4 =	vmov v12  }
.LBB2_51:
.Ltmp44:
0x39c: {  	(pc) =	sbr.rel .LBB2_56-.Ltmp44, $3  }
0x39d: {  	_ =	sdelay $0x1  }
0x39e: {  	v26 =	vmov v6  }
0x39f: {  	v17 =	vmovc v11;
	vm2 =	vmmov vm0;
	v27 =	vmovc v3;
	v28 =	vmov v4;
	v29 =	vmov v5  }
.LBB2_53:
.Ltmp45:
0x3a0: {  	(pc) =	sbr.rel .LBB2_56-.Ltmp45, $4  }
0x3a1: {  	_ = 	snop  }
0x3a2: {  	v26 =	vmov v10  }
0x3a3: {  	v27 =	vmovc v8;
	v28 =	vmovc v9;
	v29 =	vmov v13;
	v18 =	vmov v6;
	v10 =	vmov v25  }
0x3a4: {  	v8 =	vmovc v20;
	v9 =	vmovc v21;
	v13 =	vmov v22;
	v19 =	vmov v23;
	v15 =	vmov v24  }
.LBB2_62:
0x3a5: {  	_ =	sfence.sel $0x180000  }
0x3a6: {  	[bflag:$0x0] =	sbarrier.arrive $0xFFFF  }
0x3a7: {  	_ =	strace $0x90000047  }
0x3a8: {  	s0 =	stileid.u32;
	[bflag:$0x2] =	sbarrier.arrive $0xFFFF  }
0x3a9: {  	p0 =	sne.s32 s0, $0x0;
	s0 =	rddreg [dreg:$0x3]  }
0x3aa: {  	s0 =	sadd.s32 @!p0 $0x100000, s0  }
0x3ab: {  	[sflag:s0] =	ssyncadd.tile.s32 @!p0 $0x1;
	_ =	shalt  }
.Lfunc_end2:
_tile_overlayer_lowered:
.L_overlay_start_2:
0x3ac: {  	(tag) =	ssettag $0x2  }
0x3ad: {  	s0 =	rddreg [dreg:$0x0];
	s2 =	stileid.u32  }
0x3ae: {  	s1 =	rddreg [dreg:$0x1];
	p0 =	sne.s32 s2, $0x0  }
0x3af: {  	s3 =	rddreg [dreg:$0x2];
	[bflag:$0x3] =	sbarrier.arrive $0xFFFF;
	s2 =	simm.s32 @!p0 $0x1C01  }
0x3b0: {  	[timem:s3], [sflag:s2] =	dma.local @!p0 [hbm:s0], s1  }
0x3b1: {  	s0 =	simm.s32 @!p0 $0x1  }
0x3b2: {  	_ =	swait.ge @!p0 [sflag:s0], s1  }
0x3b3: {  	s1 =	ssub.s32 @!p0 $0x0, s1;
	[sflag:s0] =	ssyncset.done @!p0 $0x0  }
0x3b4: {  	[sflag:s0] =	ssyncadd.s32 @!p0 s1  }
0x3b5: {  	[bflag:$0x3] =	sbarrier.arrive $0xFFFF  }
0x3b6: {  	_ =	shalt  }

</sc_bundles>
